<compile_context>
chip_gen: v7x
topology: tpu7x:2x2x1
jax: 0.10.2.dev20260603
libtpu: 0.0.44.dev20260713+nightly
codegen_flags: <defaults>
</compile_context>

<pallas_src>
import functools

import jax
import jax.numpy as jnp
from jax import lax
from jax.experimental import pallas as pl
from jax.experimental.pallas import tpu as pltpu
from jax.experimental.pallas import tpu_sc as plsc

N = 10000
H = 256
HH = 128
E = 160000
CHUNK = 128
E_PAD = 163840
N_CHUNKS = E_PAD // CHUNK
NPAD = 10112
STRIPE = NPAD // 16
DEG_W = 16
DEG_CHUNKS = N_CHUNKS // 32
PER_TILE = N_CHUNKS // 16
Q = 32
QUARTERS = PER_TILE * 4

_sc_mesh = plsc.VectorSubcoreMesh(core_axis_name="c", subcore_axis_name="s")



@functools.partial(
    pl.kernel,
    out_type=jax.ShapeDtypeStruct((2, NPAD, DEG_W), jnp.float32),
    mesh=_sc_mesh,
    scratch_types=[
        pltpu.VMEM((8, CHUNK), jnp.int32),
        pltpu.VMEM((CHUNK, DEG_W), jnp.float32),
        pltpu.VMEM_SHARED((NPAD, DEG_W), jnp.float32),
        [pltpu.SemaphoreType.DMA] * 8,
        [pltpu.SemaphoreType.DMA] * 4,
    ],
)
def _deg_kernel(dst_hbm, zer_hbm, out_hbm, idx8, ones_v, acc_sh, isem, asem):
    c = lax.axis_index("c")
    s = lax.axis_index("s")
    wid = s * 2 + c

    def fill_ones(i, _):
        ones_v[i, :] = jnp.ones((16,), jnp.float32)
        return 0

    lax.fori_loop(0, CHUNK, fill_ones, 0)
    base = s * STRIPE
    pltpu.sync_copy(zer_hbm, acc_sh.at[pl.ds(base, STRIPE)])
    plsc.subcore_barrier()

    for j in range(4):
        pltpu.async_copy(dst_hbm.at[wid, j], idx8.at[j], isem[j])

    def outer(i, _):
        for b in range(8):
            k = i * 8 + b

            @pl.when(k >= 4)
            def _wait_add():
                pltpu.make_async_copy(
                    ones_v, acc_sh.at[idx8.at[(b + 4) % 8]], asem[b % 4]).wait()

            @pl.when(k + 4 < DEG_CHUNKS)
            def _load_idx():
                pltpu.async_copy(dst_hbm.at[wid, k + 4],
                                 idx8.at[(b + 4) % 8], isem[(b + 4) % 8])

            pltpu.make_async_copy(dst_hbm.at[wid, 0], idx8.at[b], isem[b]).wait()
            pltpu.async_copy(ones_v, acc_sh.at[idx8.at[b]], asem[b % 4], add=True)
        return 0

    lax.fori_loop(0, DEG_CHUNKS // 8, outer, 0)
    for b in range(4):
        pltpu.make_async_copy(
            ones_v, acc_sh.at[idx8.at[4 + b]], asem[b]).wait()
    plsc.subcore_barrier()
    pltpu.sync_copy(acc_sh.at[pl.ds(base, STRIPE)],
                    out_hbm.at[c, pl.ds(base, STRIPE)])



@functools.partial(
    pl.kernel,
    out_type=jax.ShapeDtypeStruct((2, NPAD, HH), jnp.float32),
    mesh=_sc_mesh,
    scratch_types=[
        pltpu.VMEM((8, 3, CHUNK), jnp.int32),
        [pltpu.VMEM((Q, HH), jnp.float32)] * 8,
        pltpu.VMEM_SHARED((NPAD, HH), jnp.float32),
        [pltpu.SemaphoreType.DMA] * 8,
        [pltpu.SemaphoreType.DMA] * 8,
        [pltpu.SemaphoreType.DMA] * 8,
    ],
)
def _edges_kernel(h_hbm, pk_hbm, zer_hbm, out_hbm,
                  idx8, rows, acc, isem, gsem, ssem):
    c = lax.axis_index("c")
    s = lax.axis_index("s")
    base = s * STRIPE
    pltpu.sync_copy(zer_hbm, acc.at[pl.ds(base, STRIPE)])
    plsc.subcore_barrier()

    def q_src(bf, par):
        return idx8.at[bf, c, pl.ds(par * Q, Q)]

    def q_dst(bf, par):
        return acc.at[idx8.at[bf, 2, pl.ds(par * Q, Q)]]

    for j in range(4):
        pltpu.async_copy(pk_hbm.at[s, j], idx8.at[j], isem[j])
    for j in range(6):
        if j % 4 == 0:
            pltpu.make_async_copy(
                pk_hbm.at[s, 0], idx8.at[j // 4], isem[j // 4]).wait()
        pltpu.async_copy(h_hbm.at[q_src(j // 4, j % 4)], rows[j], gsem[j])

    def outer(i, _):
        for b in range(32):
            m = i * 32 + b

            @pl.when(m >= 2)
            def _retire_scatter():
                p = (b + 30) % 32
                pltpu.make_async_copy(
                    rows[(b + 6) % 8], q_dst(p // 4, p % 4),
                    ssem[(b + 6) % 8]).wait()

            @pl.when(m + 6 < QUARTERS)
            def _next_gather():
                q = (b + 6) % 32
                if q % 4 == 0:
                    pltpu.make_async_copy(
                        pk_hbm.at[s, 0], idx8.at[q // 4], isem[q // 4]).wait()
                pltpu.async_copy(h_hbm.at[q_src(q // 4, q % 4)],
                                 rows[(b + 6) % 8], gsem[(b + 6) % 8])

            if b % 4 == 0:
                bf = b // 4

                @pl.when(m // 4 + 4 < PER_TILE)
                def _load_idx():
                    pltpu.async_copy(pk_hbm.at[s, m // 4 + 4],
                                     idx8.at[(bf + 4) % 8],
                                     isem[(bf + 4) % 8])

            pltpu.make_async_copy(h_hbm.at[q_src(b // 4, b % 4)],
                                  rows[b % 8], gsem[b % 8]).wait()
            pltpu.async_copy(rows[b % 8], q_dst(b // 4, b % 4),
                             ssem[b % 8], add=True)
        return 0

    lax.fori_loop(0, QUARTERS // 32, outer, 0)
    for m in (QUARTERS - 2, QUARTERS - 1):
        b = m % 32
        pltpu.make_async_copy(rows[b % 8], q_dst(b // 4, b % 4),
                              ssem[b % 8]).wait()
    plsc.subcore_barrier()
    pltpu.sync_copy(acc.at[pl.ds(base, STRIPE)],
                    out_hbm.at[c, pl.ds(base, STRIPE)])



_R = 1000


def _dense1_body(x_ref, w_ref, lnw_ref, lnb_ref, h2_ref):
    xb = x_ref[...]
    mu = jnp.mean(xb, axis=-1, keepdims=True)
    var = jnp.mean((xb - mu) ** 2, axis=-1, keepdims=True)
    gate = (xb - mu) * lax.rsqrt(var + 1e-5) * lnw_ref[...] + lnb_ref[...]
    h = lax.dot_general(gate, w_ref[...], (((1,), (1,)), ((), ())),
                        preferred_element_type=jnp.float32)
    h2_ref[...] = jnp.stack([h[:, :HH], h[:, HH:]], axis=0)


def _dense1(x, W, lnw, lnb):
    return pl.pallas_call(
        _dense1_body,
        grid=(N // _R,),
        in_specs=[
            pl.BlockSpec((_R, H), lambda i: (i, 0)),
            pl.BlockSpec((H, H), lambda i: (0, 0)),
            pl.BlockSpec((1, H), lambda i: (0, 0)),
            pl.BlockSpec((1, H), lambda i: (0, 0)),
        ],
        out_specs=pl.BlockSpec((2, _R, HH), lambda i: (0, i, 0)),
        out_shape=jax.ShapeDtypeStruct((2, N, HH), jnp.float32),
    )(x, W, lnw, lnb)


def _scale_body(h2_ref, deg_ref, o_ref):
    o_ref[...] = h2_ref[...] * lax.rsqrt(deg_ref[...])


def _scale(h2, deg):
    return pl.pallas_call(
        _scale_body,
        grid=(N // _R,),
        in_specs=[
            pl.BlockSpec((2, _R, HH), lambda i: (0, i, 0)),
            pl.BlockSpec((_R, 1), lambda i: (i, 0)),
        ],
        out_specs=pl.BlockSpec((2, _R, HH), lambda i: (0, i, 0)),
        out_shape=jax.ShapeDtypeStruct((2, N, HH), jnp.float32),
    )(h2, deg)


def _dense2_body(s2_ref, h2_ref, deg_ref, x_ref, b_ref, o_ref):
    tot = s2_ref[...] + h2_ref[...]
    t = jnp.concatenate([tot[0], tot[1]], axis=-1)
    out = t * lax.rsqrt(deg_ref[...]) + b_ref[...]
    o_ref[...] = jnp.tanh(out) * x_ref[...]


def _dense2(s2, h2, deg, x, bias):
    return pl.pallas_call(
        _dense2_body,
        grid=(N // _R,),
        in_specs=[
            pl.BlockSpec((2, _R, HH), lambda i: (0, i, 0)),
            pl.BlockSpec((2, _R, HH), lambda i: (0, i, 0)),
            pl.BlockSpec((_R, 1), lambda i: (i, 0)),
            pl.BlockSpec((_R, H), lambda i: (i, 0)),
            pl.BlockSpec((1, H), lambda i: (0, 0)),
        ],
        out_specs=pl.BlockSpec((_R, H), lambda i: (i, 0)),
        out_shape=jax.ShapeDtypeStruct((N, H), jnp.float32),
    )(s2, h2, deg, x, bias)



def kernel(x, edge_index, ln_weight, ln_bias, W, gcn_bias):
    src = edge_index[0].astype(jnp.int32)
    dst = edge_index[1].astype(jnp.int32)
    pad = E_PAD - E
    srcp = jnp.concatenate([src, jnp.zeros((pad,), jnp.int32)])
    dstp = jnp.concatenate([dst, jnp.full((pad,), N, jnp.int32)])
    pk = jnp.stack([srcp.reshape(16, PER_TILE, CHUNK),
                    srcp.reshape(16, PER_TILE, CHUNK) + N,
                    dstp.reshape(16, PER_TILE, CHUNK)], axis=2)
    dst_deg = dstp.reshape(32, DEG_CHUNKS, CHUNK)
    zer_deg = jnp.zeros((STRIPE, DEG_W), jnp.float32)
    zer_row = jnp.zeros((STRIPE, HH), jnp.float32)

    deg_parts = _deg_kernel(dst_deg, zer_deg)
    deg = (1.0 + deg_parts[0, :N, 0] + deg_parts[1, :N, 0]).reshape(N, 1)

    h2_raw = _dense1(x, W, ln_weight.reshape(1, H), ln_bias.reshape(1, H))
    h2 = _scale(h2_raw, deg)
    h_flat = h2.reshape(2 * N, HH)

    s2 = _edges_kernel(h_flat, pk, zer_row)

    return _dense2(s2, h2, deg, x, gcn_bias.reshape(1, H))

# --- scband reference (transcript-rebuilt; emitter-appended) ---
"""Pipeline reference for scband-ggunit-11699490914444 (READ-ONLY COPY).

The authoritative reference and input builder live on the scoring server;
editing this copy changes nothing except your own understanding.
"""

import jax, jax.numpy as jnp
import numpy as np

N_NODES = 10000
H_DIM = 256
N_EDGES = 160000

def layer_norm(x, w, b, eps=1e-5):
    mu = jnp.mean(x, axis=-1, keepdims=True)
    var = jnp.mean((x - mu) ** 2, axis=-1, keepdims=True)
    return (x - mu) / jnp.sqrt(var + eps) * w + b

def setup_inputs(seed: int = 0) -> dict:
    key = jax.random.key(seed)
    k1, k2, k3 = jax.random.split(key, 3)
    x = jax.random.normal(k1, (N_NODES, H_DIM), dtype=jnp.float32)
    edge_index = jax.random.randint(k2, (2, N_EDGES), 0, N_NODES, dtype=jnp.int64)
    init_eps = 0.001 / H_DIM
    W = jax.random.uniform(k3, (H_DIM, H_DIM), dtype=jnp.float32, minval=-init_eps, maxval=init_eps)
    gcn_bias = jnp.ones((H_DIM,), dtype=jnp.float32)
    ln_weight = jnp.ones((H_DIM,), dtype=jnp.float32)
    ln_bias = jnp.zeros((H_DIM,), dtype=jnp.float32)
    return {"x": x, "edge_index": edge_index, "ln_weight": ln_weight, "ln_bias": ln_bias, "W": W, "gcn_bias": gcn_bias}

def reference(x, edge_index, ln_weight, ln_bias, W, gcn_bias):
    N = x.shape[0]
    # gate = LayerNorm(x)
    gate = layer_norm(x, ln_weight, ln_bias)
    # GCNConv with add_self_loops=True, normalize=True (PyG defaults)
    src = edge_index[0]
    dst = edge_index[1]
    loop = jnp.arange(N, dtype=edge_index.dtype)
    src_all = jnp.concatenate([src, loop])
    dst_all = jnp.concatenate([dst, loop])
    ones = jnp.ones(src_all.shape[0], dtype=jnp.float32)
    deg = jax.ops.segment_sum(ones, dst_all, num_segments=N)
    deg_inv_sqrt = jnp.where(deg > 0, jax.lax.rsqrt(jnp.where(deg > 0, deg, 1.0)), 0.0)
    norm = deg_inv_sqrt[src_all] * deg_inv_sqrt[dst_all]
    h = gate @ W.T  # lin (no bias)
    msg = h[src_all] * norm[:, None]
    out = jax.ops.segment_sum(msg, dst_all, num_segments=N) + gcn_bias
    gate_out = jnp.tanh(out)
    return gate_out * x

if __name__ == "__main__":
    import jax
    _d = setup_inputs()
    print(jax.jit(kernel)(*tuple(_d.values())))

</pallas_src>

<mosaic_0001>
#map = affine_map<(d0, d1) -> (0, 0, 0)>
#map1 = affine_map<(d0, d1) -> (0, 0)>
module attributes {stable_mosaic.version = 14 : i64} {
  func.func @_deg_kernel(%arg0: i32, %arg1: i32, %arg2: memref<32x40x128xi32, #tpu.memory_space<hbm>>, %arg3: memref<632x16xf32, #tpu.memory_space<hbm>>, %arg4: memref<2x10112x16xf32, #tpu.memory_space<hbm>>, %arg5: memref<8x128xi32, #tpu.memory_space<vmem>>, %arg6: memref<128x16xf32, #tpu.memory_space<vmem>>, %arg7: memref<10112x16xf32, #tpu.memory_space<vmem_shared>>, %arg8: memref<!tpu.dma_semaphore, #tpu.memory_space<semaphore_mem>>, %arg9: memref<!tpu.dma_semaphore, #tpu.memory_space<semaphore_mem>>, %arg10: memref<!tpu.dma_semaphore, #tpu.memory_space<semaphore_mem>>, %arg11: memref<!tpu.dma_semaphore, #tpu.memory_space<semaphore_mem>>, %arg12: memref<!tpu.dma_semaphore, #tpu.memory_space<semaphore_mem>>, %arg13: memref<!tpu.dma_semaphore, #tpu.memory_space<semaphore_mem>>, %arg14: memref<!tpu.dma_semaphore, #tpu.memory_space<semaphore_mem>>, %arg15: memref<!tpu.dma_semaphore, #tpu.memory_space<semaphore_mem>>, %arg16: memref<!tpu.dma_semaphore, #tpu.memory_space<semaphore_mem>>, %arg17: memref<!tpu.dma_semaphore, #tpu.memory_space<semaphore_mem>>, %arg18: memref<!tpu.dma_semaphore, #tpu.memory_space<semaphore_mem>>, %arg19: memref<!tpu.dma_semaphore, #tpu.memory_space<semaphore_mem>>) attributes {dimension_semantics = [#tpu.dimension_semantics<core_parallel>, #tpu.dimension_semantics<subcore_parallel>], iteration_bounds = array<i64: 2, 16>, scalar_prefetch = 0 : i64, scratch_operands = 15 : i64, tpu.core_type = #tpu.core_type<sc_vector_subcore>, window_params = [{transform_indices = #map}, {transform_indices = #map1}, {transform_indices = #map}]} {
    %mul3A = arith.constant 2 : i32
    %mul3A_0 = arith.muli %arg1, %mul3A : i32
    %add3A = arith.addi %mul3A_0, %arg0 : i32
    %scan3A = arith.constant 0 : i32
    %scan3A_1 = arith.constant 0 : i32
    %scan3A_2 = arith.constant 128 : i32
    %scan3A_3 = arith.addi %scan3A_1, %scan3A_2 : i32
    %scan3A_4 = arith.constant 1 : i32
    %scan3A_5 = scf.for %scan3A_99 = %scan3A_1 to %scan3A_3 step %scan3A_4 iter_args(%scan3A_100 = %scan3A) -> (i32)  : i32 {
      %broadcast_in_dim3A = arith.constant 1.000000e+00 : f32
      %broadcast_in_dim3A_101 = vector.broadcast %broadcast_in_dim3A : f32 to vector<16xf32>
      %swap3A = arith.index_cast %scan3A_99 : i32 to index
      %swap3A_102 = arith.constant 0 : index
      %swap3A_103 = tpu.vector_load %arg6[%swap3A, %swap3A_102] {strides = array<i32>} : memref<128x16xf32, #tpu.memory_space<vmem>>, vector<1x16xf32>,
      %swap3A_104 = vector.shape_cast %swap3A_103 : vector<1x16xf32> to vector<16xf32>
      %swap3A_105 = vector.shape_cast %broadcast_in_dim3A_101 : vector<16xf32> to vector<1x16xf32>
      tpu.vector_store %arg6[%swap3A, %swap3A_102], %swap3A_105 {strides = array<i32>} : memref<128x16xf32, #tpu.memory_space<vmem>>, vector<1x16xf32>,
      %scan3A_106 = arith.constant 0 : i32
      scf.yield %scan3A_106 : i32
    }
    %scan3A_6 = arith.constant 128 : i32
    %mul3A_7 = arith.constant 632 : i32
    %mul3A_8 = arith.muli %arg1, %mul3A_7 : i32
    "tpu.region"() ({
      %run_scoped3A = tpu.sem_alloc : memref<!tpu.dma_semaphore, #tpu.memory_space<semaphore_mem>>
      %dma_start3A_99 = arith.constant 0 : i32
      %dma_start3A_100 = tpu.memref_slice %arg7[%mul3A_8, %dma_start3A_99] : memref<10112x16xf32, #tpu.memory_space<vmem_shared>> -> memref<632x16xf32, #tpu.memory_space<vmem_shared>>
      tpu.enqueue_dma source(%arg3 : memref<632x16xf32, #tpu.memory_space<hbm>>) target(%dma_start3A_100 : memref<632x16xf32, #tpu.memory_space<vmem_shared>>) target_semaphore(%run_scoped3A : memref<!tpu.dma_semaphore, #tpu.memory_space<semaphore_mem>>)
      %dma_wait3A_101 = arith.constant 0 : i32
      %dma_wait3A_102 = tpu.memref_slice %arg7[%mul3A_8, %dma_wait3A_101] : memref<10112x16xf32, #tpu.memory_space<vmem_shared>> -> memref<632x16xf32, #tpu.memory_space<vmem_shared>>
      tpu.wait_dma2 semaphore(%run_scoped3A : memref<!tpu.dma_semaphore, #tpu.memory_space<semaphore_mem>>) src(%arg3 : memref<632x16xf32, #tpu.memory_space<hbm>>) dst(%dma_wait3A_102 : memref<632x16xf32, #tpu.memory_space<vmem_shared>>)
      tpu.yield
    }) : () -> ()
    %barrier3A = arith.constant 0 : index
    tpu.barrier barrier_id(%barrier3A)
    %dma_start3A = arith.constant 0 : i32
    %dma_start3A_9 = arith.constant 0 : i32
    %dma_start3A_10 = arith.constant 0 : i32
    %dma_start3A_11 = tpu.memref_slice %arg5[%dma_start3A_9, %dma_start3A_10] : memref<8x128xi32, #tpu.memory_space<vmem>> -> memref<1x128xi32, #tpu.memory_space<vmem>>
    %dma_start3A_12 = tpu.memref_squeeze %dma_start3A_11 : memref<1x128xi32, #tpu.memory_space<vmem>> -> memref<128xi32, #tpu.memory_space<vmem>>
    %dma_start3A_13 = arith.constant 0 : i32
    %dma_start3A_14 = tpu.memref_slice %arg2[%add3A, %dma_start3A, %dma_start3A_13] : memref<32x40x128xi32, #tpu.memory_space<hbm>> -> memref<1x1x128xi32, #tpu.memory_space<hbm>>
    %dma_start3A_15 = tpu.memref_squeeze %dma_start3A_14 : memref<1x1x128xi32, #tpu.memory_space<hbm>> -> memref<128xi32, #tpu.memory_space<hbm>>
    %dma_start3A_16 = arith.constant 0 : i32
    %dma_start3A_17 = tpu.memref_slice %arg5[%dma_start3A_9, %dma_start3A_16] : memref<8x128xi32, #tpu.memory_space<vmem>> -> memref<1x128xi32, #tpu.memory_space<vmem>>
    %dma_start3A_18 = tpu.memref_squeeze %dma_start3A_17 : memref<1x128xi32, #tpu.memory_space<vmem>> -> memref<128xi32, #tpu.memory_space<vmem>>
    %dma_start3A_19 = arith.constant 0 : i32
    %dma_start3A_20 = tpu.memref_slice %arg2[%add3A, %dma_start3A, %dma_start3A_19] : memref<32x40x128xi32, #tpu.memory_space<hbm>> -> memref<1x1x128xi32, #tpu.memory_space<hbm>>
    %dma_start3A_21 = tpu.memref_squeeze %dma_start3A_20 : memref<1x1x128xi32, #tpu.memory_space<hbm>> -> memref<128xi32, #tpu.memory_space<hbm>>
    tpu.enqueue_dma source(%dma_start3A_21 : memref<128xi32, #tpu.memory_space<hbm>>) target(%dma_start3A_18 : memref<128xi32, #tpu.memory_space<vmem>>) target_semaphore(%arg8 : memref<!tpu.dma_semaphore, #tpu.memory_space<semaphore_mem>>)
    %dma_start3A_22 = arith.constant 1 : i32
    %dma_start3A_23 = arith.constant 1 : i32
    %dma_start3A_24 = arith.constant 0 : i32
    %dma_start3A_25 = tpu.memref_slice %arg5[%dma_start3A_23, %dma_start3A_24] : memref<8x128xi32, #tpu.memory_space<vmem>> -> memref<1x128xi32, #tpu.memory_space<vmem>>
    %dma_start3A_26 = tpu.memref_squeeze %dma_start3A_25 : memref<1x128xi32, #tpu.memory_space<vmem>> -> memref<128xi32, #tpu.memory_space<vmem>>
    %dma_start3A_27 = arith.constant 0 : i32
    %dma_start3A_28 = tpu.memref_slice %arg2[%add3A, %dma_start3A_22, %dma_start3A_27] : memref<32x40x128xi32, #tpu.memory_space<hbm>> -> memref<1x1x128xi32, #tpu.memory_space<hbm>>
    %dma_start3A_29 = tpu.memref_squeeze %dma_start3A_28 : memref<1x1x128xi32, #tpu.memory_space<hbm>> -> memref<128xi32, #tpu.memory_space<hbm>>
    %dma_start3A_30 = arith.constant 0 : i32
    %dma_start3A_31 = tpu.memref_slice %arg5[%dma_start3A_23, %dma_start3A_30] : memref<8x128xi32, #tpu.memory_space<vmem>> -> memref<1x128xi32, #tpu.memory_space<vmem>>
    %dma_start3A_32 = tpu.memref_squeeze %dma_start3A_31 : memref<1x128xi32, #tpu.memory_space<vmem>> -> memref<128xi32, #tpu.memory_space<vmem>>
    %dma_start3A_33 = arith.constant 0 : i32
    %dma_start3A_34 = tpu.memref_slice %arg2[%add3A, %dma_start3A_22, %dma_start3A_33] : memref<32x40x128xi32, #tpu.memory_space<hbm>> -> memref<1x1x128xi32, #tpu.memory_space<hbm>>
    %dma_start3A_35 = tpu.memref_squeeze %dma_start3A_34 : memref<1x1x128xi32, #tpu.memory_space<hbm>> -> memref<128xi32, #tpu.memory_space<hbm>>
    tpu.enqueue_dma source(%dma_start3A_35 : memref<128xi32, #tpu.memory_space<hbm>>) target(%dma_start3A_32 : memref<128xi32, #tpu.memory_space<vmem>>) target_semaphore(%arg9 : memref<!tpu.dma_semaphore, #tpu.memory_space<semaphore_mem>>)
    %dma_start3A_36 = arith.constant 2 : i32
    %dma_start3A_37 = arith.constant 2 : i32
    %dma_start3A_38 = arith.constant 0 : i32
    %dma_start3A_39 = tpu.memref_slice %arg5[%dma_start3A_37, %dma_start3A_38] : memref<8x128xi32, #tpu.memory_space<vmem>> -> memref<1x128xi32, #tpu.memory_space<vmem>>
    %dma_start3A_40 = tpu.memref_squeeze %dma_start3A_39 : memref<1x128xi32, #tpu.memory_space<vmem>> -> memref<128xi32, #tpu.memory_space<vmem>>
    %dma_start3A_41 = arith.constant 0 : i32
    %dma_start3A_42 = tpu.memref_slice %arg2[%add3A, %dma_start3A_36, %dma_start3A_41] : memref<32x40x128xi32, #tpu.memory_space<hbm>> -> memref<1x1x128xi32, #tpu.memory_space<hbm>>
    %dma_start3A_43 = tpu.memref_squeeze %dma_start3A_42 : memref<1x1x128xi32, #tpu.memory_space<hbm>> -> memref<128xi32, #tpu.memory_space<hbm>>
    %dma_start3A_44 = arith.constant 0 : i32
    %dma_start3A_45 = tpu.memref_slice %arg5[%dma_start3A_37, %dma_start3A_44] : memref<8x128xi32, #tpu.memory_space<vmem>> -> memref<1x128xi32, #tpu.memory_space<vmem>>
    %dma_start3A_46 = tpu.memref_squeeze %dma_start3A_45 : memref<1x128xi32, #tpu.memory_space<vmem>> -> memref<128xi32, #tpu.memory_space<vmem>>
    %dma_start3A_47 = arith.constant 0 : i32
    %dma_start3A_48 = tpu.memref_slice %arg2[%add3A, %dma_start3A_36, %dma_start3A_47] : memref<32x40x128xi32, #tpu.memory_space<hbm>> -> memref<1x1x128xi32, #tpu.memory_space<hbm>>
    %dma_start3A_49 = tpu.memref_squeeze %dma_start3A_48 : memref<1x1x128xi32, #tpu.memory_space<hbm>> -> memref<128xi32, #tpu.memory_space<hbm>>
    tpu.enqueue_dma source(%dma_start3A_49 : memref<128xi32, #tpu.memory_space<hbm>>) target(%dma_start3A_46 : memref<128xi32, #tpu.memory_space<vmem>>) target_semaphore(%arg10 : memref<!tpu.dma_semaphore, #tpu.memory_space<semaphore_mem>>)
    %dma_start3A_50 = arith.constant 3 : i32
    %dma_start3A_51 = arith.constant 3 : i32
    %dma_start3A_52 = arith.constant 0 : i32
    %dma_start3A_53 = tpu.memref_slice %arg5[%dma_start3A_51, %dma_start3A_52] : memref<8x128xi32, #tpu.memory_space<vmem>> -> memref<1x128xi32, #tpu.memory_space<vmem>>
    %dma_start3A_54 = tpu.memref_squeeze %dma_start3A_53 : memref<1x128xi32, #tpu.memory_space<vmem>> -> memref<128xi32, #tpu.memory_space<vmem>>
    %dma_start3A_55 = arith.constant 0 : i32
    %dma_start3A_56 = tpu.memref_slice %arg2[%add3A, %dma_start3A_50, %dma_start3A_55] : memref<32x40x128xi32, #tpu.memory_space<hbm>> -> memref<1x1x128xi32, #tpu.memory_space<hbm>>
    %dma_start3A_57 = tpu.memref_squeeze %dma_start3A_56 : memref<1x1x128xi32, #tpu.memory_space<hbm>> -> memref<128xi32, #tpu.memory_space<hbm>>
    %dma_start3A_58 = arith.constant 0 : i32
    %dma_start3A_59 = tpu.memref_slice %arg5[%dma_start3A_51, %dma_start3A_58] : memref<8x128xi32, #tpu.memory_space<vmem>> -> memref<1x128xi32, #tpu.memory_space<vmem>>
    %dma_start3A_60 = tpu.memref_squeeze %dma_start3A_59 : memref<1x128xi32, #tpu.memory_space<vmem>> -> memref<128xi32, #tpu.memory_space<vmem>>
    %dma_start3A_61 = arith.constant 0 : i32
    %dma_start3A_62 = tpu.memref_slice %arg2[%add3A, %dma_start3A_50, %dma_start3A_61] : memref<32x40x128xi32, #tpu.memory_space<hbm>> -> memref<1x1x128xi32, #tpu.memory_space<hbm>>
    %dma_start3A_63 = tpu.memref_squeeze %dma_start3A_62 : memref<1x1x128xi32, #tpu.memory_space<hbm>> -> memref<128xi32, #tpu.memory_space<hbm>>
    tpu.enqueue_dma source(%dma_start3A_63 : memref<128xi32, #tpu.memory_space<hbm>>) target(%dma_start3A_60 : memref<128xi32, #tpu.memory_space<vmem>>) target_semaphore(%arg11 : memref<!tpu.dma_semaphore, #tpu.memory_space<semaphore_mem>>)
    %scan3A_64 = arith.constant 0 : i32
    %scan3A_65 = arith.constant 0 : i32
    %scan3A_66 = arith.constant 5 : i32
    %scan3A_67 = arith.addi %scan3A_65, %scan3A_66 : i32
    %scan3A_68 = arith.constant 1 : i32
    %scan3A_69 = scf.for %scan3A_99 = %scan3A_65 to %scan3A_67 step %scan3A_68 iter_args(%scan3A_100 = %scan3A_64) -> (i32)  : i32 {
      %mul3A_101 = arith.constant 8 : i32
      %mul3A_102 = arith.muli %scan3A_99, %mul3A_101 : i32
      %add3A_103 = arith.constant 0 : i32
      %add3A_104 = arith.addi %mul3A_102, %add3A_103 : i32
      %ge3A = arith.constant 4 : i32
      %ge3A_105 = arith.cmpi sge, %add3A_104, %ge3A : i32
      %convert_element_type3A = arith.extui %ge3A_105 : i1 to i32
      %cond3A = arith.constant 0 : i32
      %cond3A_106 = arith.cmpi ne, %convert_element_type3A, %cond3A : i32
      scf.if %cond3A_106 {
        %dma_wait3A_394 = arith.constant 4 : i32
        %dma_wait3A_395 = arith.constant 0 : i32
        %dma_wait3A_396 = tpu.memref_slice %arg5[%dma_wait3A_394, %dma_wait3A_395] : memref<8x128xi32, #tpu.memory_space<vmem>> -> memref<1x128xi32, #tpu.memory_space<vmem>>
        %dma_wait3A_397 = tpu.memref_squeeze %dma_wait3A_396 : memref<1x128xi32, #tpu.memory_space<vmem>> -> memref<128xi32, #tpu.memory_space<vmem>>
        %dma_wait3A_398 = arith.constant 0 : i32
        %dma_wait3A_399 = arith.constant 0 : i32
        %dma_wait3A_400 = tpu.memref_slice %arg7[%dma_wait3A_398, %dma_wait3A_399] : memref<10112x16xf32, #tpu.memory_space<vmem_shared>> -> memref<10112x16xf32, #tpu.memory_space<vmem_shared>>
        tpu.wait_indirect_dma semaphore(%arg16 : memref<!tpu.dma_semaphore, #tpu.memory_space<semaphore_mem>>) src(%arg6 : memref<128x16xf32, #tpu.memory_space<vmem>>) dst(%dma_wait3A_400 : memref<10112x16xf32, #tpu.memory_space<vmem_shared>>)
      } else {
      }
      %add3A_107 = arith.constant 4 : i32
      %add3A_108 = arith.addi %add3A_104, %add3A_107 : i32
      %lt3A = arith.constant 40 : i32
      %lt3A_109 = arith.cmpi slt, %add3A_108, %lt3A : i32
      %convert_element_type3A_110 = arith.extui %lt3A_109 : i1 to i32
      %cond3A_111 = arith.constant 0 : i32
      %cond3A_112 = arith.cmpi ne, %convert_element_type3A_110, %cond3A_111 : i32
      scf.if %cond3A_112 {
        %add3A_394 = arith.constant 4 : i32
        %add3A_395 = arith.addi %add3A_104, %add3A_394 : i32
        %dma_start3A_396 = arith.constant 4 : i32
        %dma_start3A_397 = arith.constant 0 : i32
        %dma_start3A_398 = tpu.memref_slice %arg5[%dma_start3A_396, %dma_start3A_397] : memref<8x128xi32, #tpu.memory_space<vmem>> -> memref<1x128xi32, #tpu.memory_space<vmem>>
        %dma_start3A_399 = tpu.memref_squeeze %dma_start3A_398 : memref<1x128xi32, #tpu.memory_space<vmem>> -> memref<128xi32, #tpu.memory_space<vmem>>
        %dma_start3A_400 = arith.constant 0 : i32
        %dma_start3A_401 = tpu.memref_slice %arg2[%add3A, %add3A_395, %dma_start3A_400] : memref<32x40x128xi32, #tpu.memory_space<hbm>> -> memref<1x1x128xi32, #tpu.memory_space<hbm>>
        %dma_start3A_402 = tpu.memref_squeeze %dma_start3A_401 : memref<1x1x128xi32, #tpu.memory_space<hbm>> -> memref<128xi32, #tpu.memory_space<hbm>>
        %dma_start3A_403 = arith.constant 0 : i32
        %dma_start3A_404 = tpu.memref_slice %arg5[%dma_start3A_396, %dma_start3A_403] : memref<8x128xi32, #tpu.memory_space<vmem>> -> memref<1x128xi32, #tpu.memory_space<vmem>>
        %dma_start3A_405 = tpu.memref_squeeze %dma_start3A_404 : memref<1x128xi32, #tpu.memory_space<vmem>> -> memref<128xi32, #tpu.memory_space<vmem>>
        %dma_start3A_406 = arith.constant 0 : i32
        %dma_start3A_407 = tpu.memref_slice %arg2[%add3A, %add3A_395, %dma_start3A_406] : memref<32x40x128xi32, #tpu.memory_space<hbm>> -> memref<1x1x128xi32, #tpu.memory_space<hbm>>
        %dma_start3A_408 = tpu.memref_squeeze %dma_start3A_407 : memref<1x1x128xi32, #tpu.memory_space<hbm>> -> memref<128xi32, #tpu.memory_space<hbm>>
        tpu.enqueue_dma source(%dma_start3A_408 : memref<128xi32, #tpu.memory_space<hbm>>) target(%dma_start3A_405 : memref<128xi32, #tpu.memory_space<vmem>>) target_semaphore(%arg12 : memref<!tpu.dma_semaphore, #tpu.memory_space<semaphore_mem>>)
      } else {
      }
      %dma_wait3A_113 = arith.constant 0 : i32
      %dma_wait3A_114 = arith.constant 0 : i32
      %dma_wait3A_115 = arith.constant 0 : i32
      %dma_wait3A_116 = tpu.memref_slice %arg5[%dma_wait3A_114, %dma_wait3A_115] : memref<8x128xi32, #tpu.memory_space<vmem>> -> memref<1x128xi32, #tpu.memory_space<vmem>>
      %dma_wait3A_117 = tpu.memref_squeeze %dma_wait3A_116 : memref<1x128xi32, #tpu.memory_space<vmem>> -> memref<128xi32, #tpu.memory_space<vmem>>
      %dma_wait3A_118 = arith.constant 0 : i32
      %dma_wait3A_119 = tpu.memref_slice %arg2[%add3A, %dma_wait3A_113, %dma_wait3A_118] : memref<32x40x128xi32, #tpu.memory_space<hbm>> -> memref<1x1x128xi32, #tpu.memory_space<hbm>>
      %dma_wait3A_120 = tpu.memref_squeeze %dma_wait3A_119 : memref<1x1x128xi32, #tpu.memory_space<hbm>> -> memref<128xi32, #tpu.memory_space<hbm>>
      %dma_wait3A_121 = arith.constant 0 : i32
      %dma_wait3A_122 = tpu.memref_slice %arg5[%dma_wait3A_114, %dma_wait3A_121] : memref<8x128xi32, #tpu.memory_space<vmem>> -> memref<1x128xi32, #tpu.memory_space<vmem>>
      %dma_wait3A_123 = tpu.memref_squeeze %dma_wait3A_122 : memref<1x128xi32, #tpu.memory_space<vmem>> -> memref<128xi32, #tpu.memory_space<vmem>>
      %dma_wait3A_124 = arith.constant 0 : i32
      %dma_wait3A_125 = tpu.memref_slice %arg2[%add3A, %dma_wait3A_113, %dma_wait3A_124] : memref<32x40x128xi32, #tpu.memory_space<hbm>> -> memref<1x1x128xi32, #tpu.memory_space<hbm>>
      %dma_wait3A_126 = tpu.memref_squeeze %dma_wait3A_125 : memref<1x1x128xi32, #tpu.memory_space<hbm>> -> memref<128xi32, #tpu.memory_space<hbm>>
      tpu.wait_dma2 semaphore(%arg8 : memref<!tpu.dma_semaphore, #tpu.memory_space<semaphore_mem>>) src(%dma_wait3A_126 : memref<128xi32, #tpu.memory_space<hbm>>) dst(%dma_wait3A_123 : memref<128xi32, #tpu.memory_space<vmem>>)
      %dma_start3A_127 = arith.constant 0 : i32
      %dma_start3A_128 = arith.constant 0 : i32
      %dma_start3A_129 = tpu.memref_slice %arg5[%dma_start3A_127, %dma_start3A_128] : memref<8x128xi32, #tpu.memory_space<vmem>> -> memref<1x128xi32, #tpu.memory_space<vmem>>
      %dma_start3A_130 = tpu.memref_squeeze %dma_start3A_129 : memref<1x128xi32, #tpu.memory_space<vmem>> -> memref<128xi32, #tpu.memory_space<vmem>>
      %dma_start3A_131 = arith.constant 0 : i32
      %dma_start3A_132 = arith.constant 0 : i32
      %dma_start3A_133 = tpu.memref_slice %arg7[%dma_start3A_131, %dma_start3A_132] : memref<10112x16xf32, #tpu.memory_space<vmem_shared>> -> memref<10112x16xf32, #tpu.memory_space<vmem_shared>>
      tpu.enqueue_indirect_dma source(%arg6 : memref<128x16xf32, #tpu.memory_space<vmem>>) target(%dma_start3A_133 : memref<10112x16xf32, #tpu.memory_space<vmem_shared>>) offsets(%dma_start3A_130 : memref<128xi32, #tpu.memory_space<vmem>>) semaphore(%arg16 : memref<!tpu.dma_semaphore, #tpu.memory_space<semaphore_mem>>) {add = true}
      %mul3A_134 = arith.constant 8 : i32
      %mul3A_135 = arith.muli %scan3A_99, %mul3A_134 : i32
      %add3A_136 = arith.constant 1 : i32
      %add3A_137 = arith.addi %mul3A_135, %add3A_136 : i32
      %ge3A_138 = arith.constant 4 : i32
      %ge3A_139 = arith.cmpi sge, %add3A_137, %ge3A_138 : i32
      %convert_element_type3A_140 = arith.extui %ge3A_139 : i1 to i32
      %cond3A_141 = arith.constant 0 : i32
      %cond3A_142 = arith.cmpi ne, %convert_element_type3A_140, %cond3A_141 : i32
      scf.if %cond3A_142 {
        %dma_wait3A_394 = arith.constant 5 : i32
        %dma_wait3A_395 = arith.constant 0 : i32
        %dma_wait3A_396 = tpu.memref_slice %arg5[%dma_wait3A_394, %dma_wait3A_395] : memref<8x128xi32, #tpu.memory_space<vmem>> -> memref<1x128xi32, #tpu.memory_space<vmem>>
        %dma_wait3A_397 = tpu.memref_squeeze %dma_wait3A_396 : memref<1x128xi32, #tpu.memory_space<vmem>> -> memref<128xi32, #tpu.memory_space<vmem>>
        %dma_wait3A_398 = arith.constant 0 : i32
        %dma_wait3A_399 = arith.constant 0 : i32
        %dma_wait3A_400 = tpu.memref_slice %arg7[%dma_wait3A_398, %dma_wait3A_399] : memref<10112x16xf32, #tpu.memory_space<vmem_shared>> -> memref<10112x16xf32, #tpu.memory_space<vmem_shared>>
        tpu.wait_indirect_dma semaphore(%arg17 : memref<!tpu.dma_semaphore, #tpu.memory_space<semaphore_mem>>) src(%arg6 : memref<128x16xf32, #tpu.memory_space<vmem>>) dst(%dma_wait3A_400 : memref<10112x16xf32, #tpu.memory_space<vmem_shared>>)
      } else {
      }
      %add3A_143 = arith.constant 4 : i32
      %add3A_144 = arith.addi %add3A_137, %add3A_143 : i32
      %lt3A_145 = arith.constant 40 : i32
      %lt3A_146 = arith.cmpi slt, %add3A_144, %lt3A_145 : i32
      %convert_element_type3A_147 = arith.extui %lt3A_146 : i1 to i32
      %cond3A_148 = arith.constant 0 : i32
      %cond3A_149 = arith.cmpi ne, %convert_element_type3A_147, %cond3A_148 : i32
      scf.if %cond3A_149 {
        %add3A_394 = arith.constant 4 : i32
        %add3A_395 = arith.addi %add3A_137, %add3A_394 : i32
        %dma_start3A_396 = arith.constant 5 : i32
        %dma_start3A_397 = arith.constant 0 : i32
        %dma_start3A_398 = tpu.memref_slice %arg5[%dma_start3A_396, %dma_start3A_397] : memref<8x128xi32, #tpu.memory_space<vmem>> -> memref<1x128xi32, #tpu.memory_space<vmem>>
        %dma_start3A_399 = tpu.memref_squeeze %dma_start3A_398 : memref<1x128xi32, #tpu.memory_space<vmem>> -> memref<128xi32, #tpu.memory_space<vmem>>
        %dma_start3A_400 = arith.constant 0 : i32
        %dma_start3A_401 = tpu.memref_slice %arg2[%add3A, %add3A_395, %dma_start3A_400] : memref<32x40x128xi32, #tpu.memory_space<hbm>> -> memref<1x1x128xi32, #tpu.memory_space<hbm>>
        %dma_start3A_402 = tpu.memref_squeeze %dma_start3A_401 : memref<1x1x128xi32, #tpu.memory_space<hbm>> -> memref<128xi32, #tpu.memory_space<hbm>>
        %dma_start3A_403 = arith.constant 0 : i32
        %dma_start3A_404 = tpu.memref_slice %arg5[%dma_start3A_396, %dma_start3A_403] : memref<8x128xi32, #tpu.memory_space<vmem>> -> memref<1x128xi32, #tpu.memory_space<vmem>>
        %dma_start3A_405 = tpu.memref_squeeze %dma_start3A_404 : memref<1x128xi32, #tpu.memory_space<vmem>> -> memref<128xi32, #tpu.memory_space<vmem>>
        %dma_start3A_406 = arith.constant 0 : i32
        %dma_start3A_407 = tpu.memref_slice %arg2[%add3A, %add3A_395, %dma_start3A_406] : memref<32x40x128xi32, #tpu.memory_space<hbm>> -> memref<1x1x128xi32, #tpu.memory_space<hbm>>
        %dma_start3A_408 = tpu.memref_squeeze %dma_start3A_407 : memref<1x1x128xi32, #tpu.memory_space<hbm>> -> memref<128xi32, #tpu.memory_space<hbm>>
        tpu.enqueue_dma source(%dma_start3A_408 : memref<128xi32, #tpu.memory_space<hbm>>) target(%dma_start3A_405 : memref<128xi32, #tpu.memory_space<vmem>>) target_semaphore(%arg13 : memref<!tpu.dma_semaphore, #tpu.memory_space<semaphore_mem>>)
      } else {
      }
      %dma_wait3A_150 = arith.constant 0 : i32
      %dma_wait3A_151 = arith.constant 1 : i32
      %dma_wait3A_152 = arith.constant 0 : i32
      %dma_wait3A_153 = tpu.memref_slice %arg5[%dma_wait3A_151, %dma_wait3A_152] : memref<8x128xi32, #tpu.memory_space<vmem>> -> memref<1x128xi32, #tpu.memory_space<vmem>>
      %dma_wait3A_154 = tpu.memref_squeeze %dma_wait3A_153 : memref<1x128xi32, #tpu.memory_space<vmem>> -> memref<128xi32, #tpu.memory_space<vmem>>
      %dma_wait3A_155 = arith.constant 0 : i32
      %dma_wait3A_156 = tpu.memref_slice %arg2[%add3A, %dma_wait3A_150, %dma_wait3A_155] : memref<32x40x128xi32, #tpu.memory_space<hbm>> -> memref<1x1x128xi32, #tpu.memory_space<hbm>>
      %dma_wait3A_157 = tpu.memref_squeeze %dma_wait3A_156 : memref<1x1x128xi32, #tpu.memory_space<hbm>> -> memref<128xi32, #tpu.memory_space<hbm>>
      %dma_wait3A_158 = arith.constant 0 : i32
      %dma_wait3A_159 = tpu.memref_slice %arg5[%dma_wait3A_151, %dma_wait3A_158] : memref<8x128xi32, #tpu.memory_space<vmem>> -> memref<1x128xi32, #tpu.memory_space<vmem>>
      %dma_wait3A_160 = tpu.memref_squeeze %dma_wait3A_159 : memref<1x128xi32, #tpu.memory_space<vmem>> -> memref<128xi32, #tpu.memory_space<vmem>>
      %dma_wait3A_161 = arith.constant 0 : i32
      %dma_wait3A_162 = tpu.memref_slice %arg2[%add3A, %dma_wait3A_150, %dma_wait3A_161] : memref<32x40x128xi32, #tpu.memory_space<hbm>> -> memref<1x1x128xi32, #tpu.memory_space<hbm>>
      %dma_wait3A_163 = tpu.memref_squeeze %dma_wait3A_162 : memref<1x1x128xi32, #tpu.memory_space<hbm>> -> memref<128xi32, #tpu.memory_space<hbm>>
      tpu.wait_dma2 semaphore(%arg9 : memref<!tpu.dma_semaphore, #tpu.memory_space<semaphore_mem>>) src(%dma_wait3A_163 : memref<128xi32, #tpu.memory_space<hbm>>) dst(%dma_wait3A_160 : memref<128xi32, #tpu.memory_space<vmem>>)
      %dma_start3A_164 = arith.constant 1 : i32
      %dma_start3A_165 = arith.constant 0 : i32
      %dma_start3A_166 = tpu.memref_slice %arg5[%dma_start3A_164, %dma_start3A_165] : memref<8x128xi32, #tpu.memory_space<vmem>> -> memref<1x128xi32, #tpu.memory_space<vmem>>
      %dma_start3A_167 = tpu.memref_squeeze %dma_start3A_166 : memref<1x128xi32, #tpu.memory_space<vmem>> -> memref<128xi32, #tpu.memory_space<vmem>>
      %dma_start3A_168 = arith.constant 0 : i32
      %dma_start3A_169 = arith.constant 0 : i32
      %dma_start3A_170 = tpu.memref_slice %arg7[%dma_start3A_168, %dma_start3A_169] : memref<10112x16xf32, #tpu.memory_space<vmem_shared>> -> memref<10112x16xf32, #tpu.memory_space<vmem_shared>>
      tpu.enqueue_indirect_dma source(%arg6 : memref<128x16xf32, #tpu.memory_space<vmem>>) target(%dma_start3A_170 : memref<10112x16xf32, #tpu.memory_space<vmem_shared>>) offsets(%dma_start3A_167 : memref<128xi32, #tpu.memory_space<vmem>>) semaphore(%arg17 : memref<!tpu.dma_semaphore, #tpu.memory_space<semaphore_mem>>) {add = true}
      %mul3A_171 = arith.constant 8 : i32
      %mul3A_172 = arith.muli %scan3A_99, %mul3A_171 : i32
      %add3A_173 = arith.constant 2 : i32
      %add3A_174 = arith.addi %mul3A_172, %add3A_173 : i32
      %ge3A_175 = arith.constant 4 : i32
      %ge3A_176 = arith.cmpi sge, %add3A_174, %ge3A_175 : i32
      %convert_element_type3A_177 = arith.extui %ge3A_176 : i1 to i32
      %cond3A_178 = arith.constant 0 : i32
      %cond3A_179 = arith.cmpi ne, %convert_element_type3A_177, %cond3A_178 : i32
      scf.if %cond3A_179 {
        %dma_wait3A_394 = arith.constant 6 : i32
        %dma_wait3A_395 = arith.constant 0 : i32
        %dma_wait3A_396 = tpu.memref_slice %arg5[%dma_wait3A_394, %dma_wait3A_395] : memref<8x128xi32, #tpu.memory_space<vmem>> -> memref<1x128xi32, #tpu.memory_space<vmem>>
        %dma_wait3A_397 = tpu.memref_squeeze %dma_wait3A_396 : memref<1x128xi32, #tpu.memory_space<vmem>> -> memref<128xi32, #tpu.memory_space<vmem>>
        %dma_wait3A_398 = arith.constant 0 : i32
        %dma_wait3A_399 = arith.constant 0 : i32
        %dma_wait3A_400 = tpu.memref_slice %arg7[%dma_wait3A_398, %dma_wait3A_399] : memref<10112x16xf32, #tpu.memory_space<vmem_shared>> -> memref<10112x16xf32, #tpu.memory_space<vmem_shared>>
        tpu.wait_indirect_dma semaphore(%arg18 : memref<!tpu.dma_semaphore, #tpu.memory_space<semaphore_mem>>) src(%arg6 : memref<128x16xf32, #tpu.memory_space<vmem>>) dst(%dma_wait3A_400 : memref<10112x16xf32, #tpu.memory_space<vmem_shared>>)
      } else {
      }
      %add3A_180 = arith.constant 4 : i32
      %add3A_181 = arith.addi %add3A_174, %add3A_180 : i32
      %lt3A_182 = arith.constant 40 : i32
      %lt3A_183 = arith.cmpi slt, %add3A_181, %lt3A_182 : i32
      %convert_element_type3A_184 = arith.extui %lt3A_183 : i1 to i32
      %cond3A_185 = arith.constant 0 : i32
      %cond3A_186 = arith.cmpi ne, %convert_element_type3A_184, %cond3A_185 : i32
      scf.if %cond3A_186 {
        %add3A_394 = arith.constant 4 : i32
        %add3A_395 = arith.addi %add3A_174, %add3A_394 : i32
        %dma_start3A_396 = arith.constant 6 : i32
        %dma_start3A_397 = arith.constant 0 : i32
        %dma_start3A_398 = tpu.memref_slice %arg5[%dma_start3A_396, %dma_start3A_397] : memref<8x128xi32, #tpu.memory_space<vmem>> -> memref<1x128xi32, #tpu.memory_space<vmem>>
        %dma_start3A_399 = tpu.memref_squeeze %dma_start3A_398 : memref<1x128xi32, #tpu.memory_space<vmem>> -> memref<128xi32, #tpu.memory_space<vmem>>
        %dma_start3A_400 = arith.constant 0 : i32
        %dma_start3A_401 = tpu.memref_slice %arg2[%add3A, %add3A_395, %dma_start3A_400] : memref<32x40x128xi32, #tpu.memory_space<hbm>> -> memref<1x1x128xi32, #tpu.memory_space<hbm>>
        %dma_start3A_402 = tpu.memref_squeeze %dma_start3A_401 : memref<1x1x128xi32, #tpu.memory_space<hbm>> -> memref<128xi32, #tpu.memory_space<hbm>>
        %dma_start3A_403 = arith.constant 0 : i32
        %dma_start3A_404 = tpu.memref_slice %arg5[%dma_start3A_396, %dma_start3A_403] : memref<8x128xi32, #tpu.memory_space<vmem>> -> memref<1x128xi32, #tpu.memory_space<vmem>>
        %dma_start3A_405 = tpu.memref_squeeze %dma_start3A_404 : memref<1x128xi32, #tpu.memory_space<vmem>> -> memref<128xi32, #tpu.memory_space<vmem>>
        %dma_start3A_406 = arith.constant 0 : i32
        %dma_start3A_407 = tpu.memref_slice %arg2[%add3A, %add3A_395, %dma_start3A_406] : memref<32x40x128xi32, #tpu.memory_space<hbm>> -> memref<1x1x128xi32, #tpu.memory_space<hbm>>
        %dma_start3A_408 = tpu.memref_squeeze %dma_start3A_407 : memref<1x1x128xi32, #tpu.memory_space<hbm>> -> memref<128xi32, #tpu.memory_space<hbm>>
        tpu.enqueue_dma source(%dma_start3A_408 : memref<128xi32, #tpu.memory_space<hbm>>) target(%dma_start3A_405 : memref<128xi32, #tpu.memory_space<vmem>>) target_semaphore(%arg14 : memref<!tpu.dma_semaphore, #tpu.memory_space<semaphore_mem>>)
      } else {
      }
      %dma_wait3A_187 = arith.constant 0 : i32
      %dma_wait3A_188 = arith.constant 2 : i32
      %dma_wait3A_189 = arith.constant 0 : i32
      %dma_wait3A_190 = tpu.memref_slice %arg5[%dma_wait3A_188, %dma_wait3A_189] : memref<8x128xi32, #tpu.memory_space<vmem>> -> memref<1x128xi32, #tpu.memory_space<vmem>>
      %dma_wait3A_191 = tpu.memref_squeeze %dma_wait3A_190 : memref<1x128xi32, #tpu.memory_space<vmem>> -> memref<128xi32, #tpu.memory_space<vmem>>
      %dma_wait3A_192 = arith.constant 0 : i32
      %dma_wait3A_193 = tpu.memref_slice %arg2[%add3A, %dma_wait3A_187, %dma_wait3A_192] : memref<32x40x128xi32, #tpu.memory_space<hbm>> -> memref<1x1x128xi32, #tpu.memory_space<hbm>>
      %dma_wait3A_194 = tpu.memref_squeeze %dma_wait3A_193 : memref<1x1x128xi32, #tpu.memory_space<hbm>> -> memref<128xi32, #tpu.memory_space<hbm>>
      %dma_wait3A_195 = arith.constant 0 : i32
      %dma_wait3A_196 = tpu.memref_slice %arg5[%dma_wait3A_188, %dma_wait3A_195] : memref<8x128xi32, #tpu.memory_space<vmem>> -> memref<1x128xi32, #tpu.memory_space<vmem>>
      %dma_wait3A_197 = tpu.memref_squeeze %dma_wait3A_196 : memref<1x128xi32, #tpu.memory_space<vmem>> -> memref<128xi32, #tpu.memory_space<vmem>>
      %dma_wait3A_198 = arith.constant 0 : i32
      %dma_wait3A_199 = tpu.memref_slice %arg2[%add3A, %dma_wait3A_187, %dma_wait3A_198] : memref<32x40x128xi32, #tpu.memory_space<hbm>> -> memref<1x1x128xi32, #tpu.memory_space<hbm>>
      %dma_wait3A_200 = tpu.memref_squeeze %dma_wait3A_199 : memref<1x1x128xi32, #tpu.memory_space<hbm>> -> memref<128xi32, #tpu.memory_space<hbm>>
      tpu.wait_dma2 semaphore(%arg10 : memref<!tpu.dma_semaphore, #tpu.memory_space<semaphore_mem>>) src(%dma_wait3A_200 : memref<128xi32, #tpu.memory_space<hbm>>) dst(%dma_wait3A_197 : memref<128xi32, #tpu.memory_space<vmem>>)
      %dma_start3A_201 = arith.constant 2 : i32
      %dma_start3A_202 = arith.constant 0 : i32
      %dma_start3A_203 = tpu.memref_slice %arg5[%dma_start3A_201, %dma_start3A_202] : memref<8x128xi32, #tpu.memory_space<vmem>> -> memref<1x128xi32, #tpu.memory_space<vmem>>
      %dma_start3A_204 = tpu.memref_squeeze %dma_start3A_203 : memref<1x128xi32, #tpu.memory_space<vmem>> -> memref<128xi32, #tpu.memory_space<vmem>>
      %dma_start3A_205 = arith.constant 0 : i32
      %dma_start3A_206 = arith.constant 0 : i32
      %dma_start3A_207 = tpu.memref_slice %arg7[%dma_start3A_205, %dma_start3A_206] : memref<10112x16xf32, #tpu.memory_space<vmem_shared>> -> memref<10112x16xf32, #tpu.memory_space<vmem_shared>>
      tpu.enqueue_indirect_dma source(%arg6 : memref<128x16xf32, #tpu.memory_space<vmem>>) target(%dma_start3A_207 : memref<10112x16xf32, #tpu.memory_space<vmem_shared>>) offsets(%dma_start3A_204 : memref<128xi32, #tpu.memory_space<vmem>>) semaphore(%arg18 : memref<!tpu.dma_semaphore, #tpu.memory_space<semaphore_mem>>) {add = true}
      %mul3A_208 = arith.constant 8 : i32
      %mul3A_209 = arith.muli %scan3A_99, %mul3A_208 : i32
      %add3A_210 = arith.constant 3 : i32
      %add3A_211 = arith.addi %mul3A_209, %add3A_210 : i32
      %ge3A_212 = arith.constant 4 : i32
      %ge3A_213 = arith.cmpi sge, %add3A_211, %ge3A_212 : i32
      %convert_element_type3A_214 = arith.extui %ge3A_213 : i1 to i32
      %cond3A_215 = arith.constant 0 : i32
      %cond3A_216 = arith.cmpi ne, %convert_element_type3A_214, %cond3A_215 : i32
      scf.if %cond3A_216 {
        %dma_wait3A_394 = arith.constant 7 : i32
        %dma_wait3A_395 = arith.constant 0 : i32
        %dma_wait3A_396 = tpu.memref_slice %arg5[%dma_wait3A_394, %dma_wait3A_395] : memref<8x128xi32, #tpu.memory_space<vmem>> -> memref<1x128xi32, #tpu.memory_space<vmem>>
        %dma_wait3A_397 = tpu.memref_squeeze %dma_wait3A_396 : memref<1x128xi32, #tpu.memory_space<vmem>> -> memref<128xi32, #tpu.memory_space<vmem>>
        %dma_wait3A_398 = arith.constant 0 : i32
        %dma_wait3A_399 = arith.constant 0 : i32
        %dma_wait3A_400 = tpu.memref_slice %arg7[%dma_wait3A_398, %dma_wait3A_399] : memref<10112x16xf32, #tpu.memory_space<vmem_shared>> -> memref<10112x16xf32, #tpu.memory_space<vmem_shared>>
        tpu.wait_indirect_dma semaphore(%arg19 : memref<!tpu.dma_semaphore, #tpu.memory_space<semaphore_mem>>) src(%arg6 : memref<128x16xf32, #tpu.memory_space<vmem>>) dst(%dma_wait3A_400 : memref<10112x16xf32, #tpu.memory_space<vmem_shared>>)
      } else {
      }
      %add3A_217 = arith.constant 4 : i32
      %add3A_218 = arith.addi %add3A_211, %add3A_217 : i32
      %lt3A_219 = arith.constant 40 : i32
      %lt3A_220 = arith.cmpi slt, %add3A_218, %lt3A_219 : i32
      %convert_element_type3A_221 = arith.extui %lt3A_220 : i1 to i32
      %cond3A_222 = arith.constant 0 : i32
      %cond3A_223 = arith.cmpi ne, %convert_element_type3A_221, %cond3A_222 : i32
      scf.if %cond3A_223 {
        %add3A_394 = arith.constant 4 : i32
        %add3A_395 = arith.addi %add3A_211, %add3A_394 : i32
        %dma_start3A_396 = arith.constant 7 : i32
        %dma_start3A_397 = arith.constant 0 : i32
        %dma_start3A_398 = tpu.memref_slice %arg5[%dma_start3A_396, %dma_start3A_397] : memref<8x128xi32, #tpu.memory_space<vmem>> -> memref<1x128xi32, #tpu.memory_space<vmem>>
        %dma_start3A_399 = tpu.memref_squeeze %dma_start3A_398 : memref<1x128xi32, #tpu.memory_space<vmem>> -> memref<128xi32, #tpu.memory_space<vmem>>
        %dma_start3A_400 = arith.constant 0 : i32
        %dma_start3A_401 = tpu.memref_slice %arg2[%add3A, %add3A_395, %dma_start3A_400] : memref<32x40x128xi32, #tpu.memory_space<hbm>> -> memref<1x1x128xi32, #tpu.memory_space<hbm>>
        %dma_start3A_402 = tpu.memref_squeeze %dma_start3A_401 : memref<1x1x128xi32, #tpu.memory_space<hbm>> -> memref<128xi32, #tpu.memory_space<hbm>>
        %dma_start3A_403 = arith.constant 0 : i32
        %dma_start3A_404 = tpu.memref_slice %arg5[%dma_start3A_396, %dma_start3A_403] : memref<8x128xi32, #tpu.memory_space<vmem>> -> memref<1x128xi32, #tpu.memory_space<vmem>>
        %dma_start3A_405 = tpu.memref_squeeze %dma_start3A_404 : memref<1x128xi32, #tpu.memory_space<vmem>> -> memref<128xi32, #tpu.memory_space<vmem>>
        %dma_start3A_406 = arith.constant 0 : i32
        %dma_start3A_407 = tpu.memref_slice %arg2[%add3A, %add3A_395, %dma_start3A_406] : memref<32x40x128xi32, #tpu.memory_space<hbm>> -> memref<1x1x128xi32, #tpu.memory_space<hbm>>
        %dma_start3A_408 = tpu.memref_squeeze %dma_start3A_407 : memref<1x1x128xi32, #tpu.memory_space<hbm>> -> memref<128xi32, #tpu.memory_space<hbm>>
        tpu.enqueue_dma source(%dma_start3A_408 : memref<128xi32, #tpu.memory_space<hbm>>) target(%dma_start3A_405 : memref<128xi32, #tpu.memory_space<vmem>>) target_semaphore(%arg15 : memref<!tpu.dma_semaphore, #tpu.memory_space<semaphore_mem>>)
      } else {
      }
      %dma_wait3A_224 = arith.constant 0 : i32
      %dma_wait3A_225 = arith.constant 3 : i32
      %dma_wait3A_226 = arith.constant 0 : i32
      %dma_wait3A_227 = tpu.memref_slice %arg5[%dma_wait3A_225, %dma_wait3A_226] : memref<8x128xi32, #tpu.memory_space<vmem>> -> memref<1x128xi32, #tpu.memory_space<vmem>>
      %dma_wait3A_228 = tpu.memref_squeeze %dma_wait3A_227 : memref<1x128xi32, #tpu.memory_space<vmem>> -> memref<128xi32, #tpu.memory_space<vmem>>
      %dma_wait3A_229 = arith.constant 0 : i32
      %dma_wait3A_230 = tpu.memref_slice %arg2[%add3A, %dma_wait3A_224, %dma_wait3A_229] : memref<32x40x128xi32, #tpu.memory_space<hbm>> -> memref<1x1x128xi32, #tpu.memory_space<hbm>>
      %dma_wait3A_231 = tpu.memref_squeeze %dma_wait3A_230 : memref<1x1x128xi32, #tpu.memory_space<hbm>> -> memref<128xi32, #tpu.memory_space<hbm>>
      %dma_wait3A_232 = arith.constant 0 : i32
      %dma_wait3A_233 = tpu.memref_slice %arg5[%dma_wait3A_225, %dma_wait3A_232] : memref<8x128xi32, #tpu.memory_space<vmem>> -> memref<1x128xi32, #tpu.memory_space<vmem>>
      %dma_wait3A_234 = tpu.memref_squeeze %dma_wait3A_233 : memref<1x128xi32, #tpu.memory_space<vmem>> -> memref<128xi32, #tpu.memory_space<vmem>>
      %dma_wait3A_235 = arith.constant 0 : i32
      %dma_wait3A_236 = tpu.memref_slice %arg2[%add3A, %dma_wait3A_224, %dma_wait3A_235] : memref<32x40x128xi32, #tpu.memory_space<hbm>> -> memref<1x1x128xi32, #tpu.memory_space<hbm>>
      %dma_wait3A_237 = tpu.memref_squeeze %dma_wait3A_236 : memref<1x1x128xi32, #tpu.memory_space<hbm>> -> memref<128xi32, #tpu.memory_space<hbm>>
      tpu.wait_dma2 semaphore(%arg11 : memref<!tpu.dma_semaphore, #tpu.memory_space<semaphore_mem>>) src(%dma_wait3A_237 : memref<128xi32, #tpu.memory_space<hbm>>) dst(%dma_wait3A_234 : memref<128xi32, #tpu.memory_space<vmem>>)
      %dma_start3A_238 = arith.constant 3 : i32
      %dma_start3A_239 = arith.constant 0 : i32
      %dma_start3A_240 = tpu.memref_slice %arg5[%dma_start3A_238, %dma_start3A_239] : memref<8x128xi32, #tpu.memory_space<vmem>> -> memref<1x128xi32, #tpu.memory_space<vmem>>
      %dma_start3A_241 = tpu.memref_squeeze %dma_start3A_240 : memref<1x128xi32, #tpu.memory_space<vmem>> -> memref<128xi32, #tpu.memory_space<vmem>>
      %dma_start3A_242 = arith.constant 0 : i32
      %dma_start3A_243 = arith.constant 0 : i32
      %dma_start3A_244 = tpu.memref_slice %arg7[%dma_start3A_242, %dma_start3A_243] : memref<10112x16xf32, #tpu.memory_space<vmem_shared>> -> memref<10112x16xf32, #tpu.memory_space<vmem_shared>>
      tpu.enqueue_indirect_dma source(%arg6 : memref<128x16xf32, #tpu.memory_space<vmem>>) target(%dma_start3A_244 : memref<10112x16xf32, #tpu.memory_space<vmem_shared>>) offsets(%dma_start3A_241 : memref<128xi32, #tpu.memory_space<vmem>>) semaphore(%arg19 : memref<!tpu.dma_semaphore, #tpu.memory_space<semaphore_mem>>) {add = true}
      %mul3A_245 = arith.constant 8 : i32
      %mul3A_246 = arith.muli %scan3A_99, %mul3A_245 : i32
      %add3A_247 = arith.constant 4 : i32
      %add3A_248 = arith.addi %mul3A_246, %add3A_247 : i32
      %ge3A_249 = arith.constant 4 : i32
      %ge3A_250 = arith.cmpi sge, %add3A_248, %ge3A_249 : i32
      %convert_element_type3A_251 = arith.extui %ge3A_250 : i1 to i32
      %cond3A_252 = arith.constant 0 : i32
      %cond3A_253 = arith.cmpi ne, %convert_element_type3A_251, %cond3A_252 : i32
      scf.if %cond3A_253 {
        %dma_wait3A_394 = arith.constant 0 : i32
        %dma_wait3A_395 = arith.constant 0 : i32
        %dma_wait3A_396 = tpu.memref_slice %arg5[%dma_wait3A_394, %dma_wait3A_395] : memref<8x128xi32, #tpu.memory_space<vmem>> -> memref<1x128xi32, #tpu.memory_space<vmem>>
        %dma_wait3A_397 = tpu.memref_squeeze %dma_wait3A_396 : memref<1x128xi32, #tpu.memory_space<vmem>> -> memref<128xi32, #tpu.memory_space<vmem>>
        %dma_wait3A_398 = arith.constant 0 : i32
        %dma_wait3A_399 = arith.constant 0 : i32
        %dma_wait3A_400 = tpu.memref_slice %arg7[%dma_wait3A_398, %dma_wait3A_399] : memref<10112x16xf32, #tpu.memory_space<vmem_shared>> -> memref<10112x16xf32, #tpu.memory_space<vmem_shared>>
        tpu.wait_indirect_dma semaphore(%arg16 : memref<!tpu.dma_semaphore, #tpu.memory_space<semaphore_mem>>) src(%arg6 : memref<128x16xf32, #tpu.memory_space<vmem>>) dst(%dma_wait3A_400 : memref<10112x16xf32, #tpu.memory_space<vmem_shared>>)
      } else {
      }
      %add3A_254 = arith.constant 4 : i32
      %add3A_255 = arith.addi %add3A_248, %add3A_254 : i32
      %lt3A_256 = arith.constant 40 : i32
      %lt3A_257 = arith.cmpi slt, %add3A_255, %lt3A_256 : i32
      %convert_element_type3A_258 = arith.extui %lt3A_257 : i1 to i32
      %cond3A_259 = arith.constant 0 : i32
      %cond3A_260 = arith.cmpi ne, %convert_element_type3A_258, %cond3A_259 : i32
      scf.if %cond3A_260 {
        %add3A_394 = arith.constant 4 : i32
        %add3A_395 = arith.addi %add3A_248, %add3A_394 : i32
        %dma_start3A_396 = arith.constant 0 : i32
        %dma_start3A_397 = arith.constant 0 : i32
        %dma_start3A_398 = tpu.memref_slice %arg5[%dma_start3A_396, %dma_start3A_397] : memref<8x128xi32, #tpu.memory_space<vmem>> -> memref<1x128xi32, #tpu.memory_space<vmem>>
        %dma_start3A_399 = tpu.memref_squeeze %dma_start3A_398 : memref<1x128xi32, #tpu.memory_space<vmem>> -> memref<128xi32, #tpu.memory_space<vmem>>
        %dma_start3A_400 = arith.constant 0 : i32
        %dma_start3A_401 = tpu.memref_slice %arg2[%add3A, %add3A_395, %dma_start3A_400] : memref<32x40x128xi32, #tpu.memory_space<hbm>> -> memref<1x1x128xi32, #tpu.memory_space<hbm>>
        %dma_start3A_402 = tpu.memref_squeeze %dma_start3A_401 : memref<1x1x128xi32, #tpu.memory_space<hbm>> -> memref<128xi32, #tpu.memory_space<hbm>>
        %dma_start3A_403 = arith.constant 0 : i32
        %dma_start3A_404 = tpu.memref_slice %arg5[%dma_start3A_396, %dma_start3A_403] : memref<8x128xi32, #tpu.memory_space<vmem>> -> memref<1x128xi32, #tpu.memory_space<vmem>>
        %dma_start3A_405 = tpu.memref_squeeze %dma_start3A_404 : memref<1x128xi32, #tpu.memory_space<vmem>> -> memref<128xi32, #tpu.memory_space<vmem>>
        %dma_start3A_406 = arith.constant 0 : i32
        %dma_start3A_407 = tpu.memref_slice %arg2[%add3A, %add3A_395, %dma_start3A_406] : memref<32x40x128xi32, #tpu.memory_space<hbm>> -> memref<1x1x128xi32, #tpu.memory_space<hbm>>
        %dma_start3A_408 = tpu.memref_squeeze %dma_start3A_407 : memref<1x1x128xi32, #tpu.memory_space<hbm>> -> memref<128xi32, #tpu.memory_space<hbm>>
        tpu.enqueue_dma source(%dma_start3A_408 : memref<128xi32, #tpu.memory_space<hbm>>) target(%dma_start3A_405 : memref<128xi32, #tpu.memory_space<vmem>>) target_semaphore(%arg8 : memref<!tpu.dma_semaphore, #tpu.memory_space<semaphore_mem>>)
      } else {
      }
      %dma_wait3A_261 = arith.constant 0 : i32
      %dma_wait3A_262 = arith.constant 4 : i32
      %dma_wait3A_263 = arith.constant 0 : i32
      %dma_wait3A_264 = tpu.memref_slice %arg5[%dma_wait3A_262, %dma_wait3A_263] : memref<8x128xi32, #tpu.memory_space<vmem>> -> memref<1x128xi32, #tpu.memory_space<vmem>>
      %dma_wait3A_265 = tpu.memref_squeeze %dma_wait3A_264 : memref<1x128xi32, #tpu.memory_space<vmem>> -> memref<128xi32, #tpu.memory_space<vmem>>
      %dma_wait3A_266 = arith.constant 0 : i32
      %dma_wait3A_267 = tpu.memref_slice %arg2[%add3A, %dma_wait3A_261, %dma_wait3A_266] : memref<32x40x128xi32, #tpu.memory_space<hbm>> -> memref<1x1x128xi32, #tpu.memory_space<hbm>>
      %dma_wait3A_268 = tpu.memref_squeeze %dma_wait3A_267 : memref<1x1x128xi32, #tpu.memory_space<hbm>> -> memref<128xi32, #tpu.memory_space<hbm>>
      %dma_wait3A_269 = arith.constant 0 : i32
      %dma_wait3A_270 = tpu.memref_slice %arg5[%dma_wait3A_262, %dma_wait3A_269] : memref<8x128xi32, #tpu.memory_space<vmem>> -> memref<1x128xi32, #tpu.memory_space<vmem>>
      %dma_wait3A_271 = tpu.memref_squeeze %dma_wait3A_270 : memref<1x128xi32, #tpu.memory_space<vmem>> -> memref<128xi32, #tpu.memory_space<vmem>>
      %dma_wait3A_272 = arith.constant 0 : i32
      %dma_wait3A_273 = tpu.memref_slice %arg2[%add3A, %dma_wait3A_261, %dma_wait3A_272] : memref<32x40x128xi32, #tpu.memory_space<hbm>> -> memref<1x1x128xi32, #tpu.memory_space<hbm>>
      %dma_wait3A_274 = tpu.memref_squeeze %dma_wait3A_273 : memref<1x1x128xi32, #tpu.memory_space<hbm>> -> memref<128xi32, #tpu.memory_space<hbm>>
      tpu.wait_dma2 semaphore(%arg12 : memref<!tpu.dma_semaphore, #tpu.memory_space<semaphore_mem>>) src(%dma_wait3A_274 : memref<128xi32, #tpu.memory_space<hbm>>) dst(%dma_wait3A_271 : memref<128xi32, #tpu.memory_space<vmem>>)
      %dma_start3A_275 = arith.constant 4 : i32
      %dma_start3A_276 = arith.constant 0 : i32
      %dma_start3A_277 = tpu.memref_slice %arg5[%dma_start3A_275, %dma_start3A_276] : memref<8x128xi32, #tpu.memory_space<vmem>> -> memref<1x128xi32, #tpu.memory_space<vmem>>
      %dma_start3A_278 = tpu.memref_squeeze %dma_start3A_277 : memref<1x128xi32, #tpu.memory_space<vmem>> -> memref<128xi32, #tpu.memory_space<vmem>>
      %dma_start3A_279 = arith.constant 0 : i32
      %dma_start3A_280 = arith.constant 0 : i32
      %dma_start3A_281 = tpu.memref_slice %arg7[%dma_start3A_279, %dma_start3A_280] : memref<10112x16xf32, #tpu.memory_space<vmem_shared>> -> memref<10112x16xf32, #tpu.memory_space<vmem_shared>>
      tpu.enqueue_indirect_dma source(%arg6 : memref<128x16xf32, #tpu.memory_space<vmem>>) target(%dma_start3A_281 : memref<10112x16xf32, #tpu.memory_space<vmem_shared>>) offsets(%dma_start3A_278 : memref<128xi32, #tpu.memory_space<vmem>>) semaphore(%arg16 : memref<!tpu.dma_semaphore, #tpu.memory_space<semaphore_mem>>) {add = true}
      %mul3A_282 = arith.constant 8 : i32
      %mul3A_283 = arith.muli %scan3A_99, %mul3A_282 : i32
      %add3A_284 = arith.constant 5 : i32
      %add3A_285 = arith.addi %mul3A_283, %add3A_284 : i32
      %ge3A_286 = arith.constant 4 : i32
      %ge3A_287 = arith.cmpi sge, %add3A_285, %ge3A_286 : i32
      %convert_element_type3A_288 = arith.extui %ge3A_287 : i1 to i32
      %cond3A_289 = arith.constant 0 : i32
      %cond3A_290 = arith.cmpi ne, %convert_element_type3A_288, %cond3A_289 : i32
      scf.if %cond3A_290 {
        %dma_wait3A_394 = arith.constant 1 : i32
        %dma_wait3A_395 = arith.constant 0 : i32
        %dma_wait3A_396 = tpu.memref_slice %arg5[%dma_wait3A_394, %dma_wait3A_395] : memref<8x128xi32, #tpu.memory_space<vmem>> -> memref<1x128xi32, #tpu.memory_space<vmem>>
        %dma_wait3A_397 = tpu.memref_squeeze %dma_wait3A_396 : memref<1x128xi32, #tpu.memory_space<vmem>> -> memref<128xi32, #tpu.memory_space<vmem>>
        %dma_wait3A_398 = arith.constant 0 : i32
        %dma_wait3A_399 = arith.constant 0 : i32
        %dma_wait3A_400 = tpu.memref_slice %arg7[%dma_wait3A_398, %dma_wait3A_399] : memref<10112x16xf32, #tpu.memory_space<vmem_shared>> -> memref<10112x16xf32, #tpu.memory_space<vmem_shared>>
        tpu.wait_indirect_dma semaphore(%arg17 : memref<!tpu.dma_semaphore, #tpu.memory_space<semaphore_mem>>) src(%arg6 : memref<128x16xf32, #tpu.memory_space<vmem>>) dst(%dma_wait3A_400 : memref<10112x16xf32, #tpu.memory_space<vmem_shared>>)
      } else {
      }
      %add3A_291 = arith.constant 4 : i32
      %add3A_292 = arith.addi %add3A_285, %add3A_291 : i32
      %lt3A_293 = arith.constant 40 : i32
      %lt3A_294 = arith.cmpi slt, %add3A_292, %lt3A_293 : i32
      %convert_element_type3A_295 = arith.extui %lt3A_294 : i1 to i32
      %cond3A_296 = arith.constant 0 : i32
      %cond3A_297 = arith.cmpi ne, %convert_element_type3A_295, %cond3A_296 : i32
      scf.if %cond3A_297 {
        %add3A_394 = arith.constant 4 : i32
        %add3A_395 = arith.addi %add3A_285, %add3A_394 : i32
        %dma_start3A_396 = arith.constant 1 : i32
        %dma_start3A_397 = arith.constant 0 : i32
        %dma_start3A_398 = tpu.memref_slice %arg5[%dma_start3A_396, %dma_start3A_397] : memref<8x128xi32, #tpu.memory_space<vmem>> -> memref<1x128xi32, #tpu.memory_space<vmem>>
        %dma_start3A_399 = tpu.memref_squeeze %dma_start3A_398 : memref<1x128xi32, #tpu.memory_space<vmem>> -> memref<128xi32, #tpu.memory_space<vmem>>
        %dma_start3A_400 = arith.constant 0 : i32
        %dma_start3A_401 = tpu.memref_slice %arg2[%add3A, %add3A_395, %dma_start3A_400] : memref<32x40x128xi32, #tpu.memory_space<hbm>> -> memref<1x1x128xi32, #tpu.memory_space<hbm>>
        %dma_start3A_402 = tpu.memref_squeeze %dma_start3A_401 : memref<1x1x128xi32, #tpu.memory_space<hbm>> -> memref<128xi32, #tpu.memory_space<hbm>>
        %dma_start3A_403 = arith.constant 0 : i32
        %dma_start3A_404 = tpu.memref_slice %arg5[%dma_start3A_396, %dma_start3A_403] : memref<8x128xi32, #tpu.memory_space<vmem>> -> memref<1x128xi32, #tpu.memory_space<vmem>>
        %dma_start3A_405 = tpu.memref_squeeze %dma_start3A_404 : memref<1x128xi32, #tpu.memory_space<vmem>> -> memref<128xi32, #tpu.memory_space<vmem>>
        %dma_start3A_406 = arith.constant 0 : i32
        %dma_start3A_407 = tpu.memref_slice %arg2[%add3A, %add3A_395, %dma_start3A_406] : memref<32x40x128xi32, #tpu.memory_space<hbm>> -> memref<1x1x128xi32, #tpu.memory_space<hbm>>
        %dma_start3A_408 = tpu.memref_squeeze %dma_start3A_407 : memref<1x1x128xi32, #tpu.memory_space<hbm>> -> memref<128xi32, #tpu.memory_space<hbm>>
        tpu.enqueue_dma source(%dma_start3A_408 : memref<128xi32, #tpu.memory_space<hbm>>) target(%dma_start3A_405 : memref<128xi32, #tpu.memory_space<vmem>>) target_semaphore(%arg9 : memref<!tpu.dma_semaphore, #tpu.memory_space<semaphore_mem>>)
      } else {
      }
      %dma_wait3A_298 = arith.constant 0 : i32
      %dma_wait3A_299 = arith.constant 5 : i32
      %dma_wait3A_300 = arith.constant 0 : i32
      %dma_wait3A_301 = tpu.memref_slice %arg5[%dma_wait3A_299, %dma_wait3A_300] : memref<8x128xi32, #tpu.memory_space<vmem>> -> memref<1x128xi32, #tpu.memory_space<vmem>>
      %dma_wait3A_302 = tpu.memref_squeeze %dma_wait3A_301 : memref<1x128xi32, #tpu.memory_space<vmem>> -> memref<128xi32, #tpu.memory_space<vmem>>
      %dma_wait3A_303 = arith.constant 0 : i32
      %dma_wait3A_304 = tpu.memref_slice %arg2[%add3A, %dma_wait3A_298, %dma_wait3A_303] : memref<32x40x128xi32, #tpu.memory_space<hbm>> -> memref<1x1x128xi32, #tpu.memory_space<hbm>>
      %dma_wait3A_305 = tpu.memref_squeeze %dma_wait3A_304 : memref<1x1x128xi32, #tpu.memory_space<hbm>> -> memref<128xi32, #tpu.memory_space<hbm>>
      %dma_wait3A_306 = arith.constant 0 : i32
      %dma_wait3A_307 = tpu.memref_slice %arg5[%dma_wait3A_299, %dma_wait3A_306] : memref<8x128xi32, #tpu.memory_space<vmem>> -> memref<1x128xi32, #tpu.memory_space<vmem>>
      %dma_wait3A_308 = tpu.memref_squeeze %dma_wait3A_307 : memref<1x128xi32, #tpu.memory_space<vmem>> -> memref<128xi32, #tpu.memory_space<vmem>>
      %dma_wait3A_309 = arith.constant 0 : i32
      %dma_wait3A_310 = tpu.memref_slice %arg2[%add3A, %dma_wait3A_298, %dma_wait3A_309] : memref<32x40x128xi32, #tpu.memory_space<hbm>> -> memref<1x1x128xi32, #tpu.memory_space<hbm>>
      %dma_wait3A_311 = tpu.memref_squeeze %dma_wait3A_310 : memref<1x1x128xi32, #tpu.memory_space<hbm>> -> memref<128xi32, #tpu.memory_space<hbm>>
      tpu.wait_dma2 semaphore(%arg13 : memref<!tpu.dma_semaphore, #tpu.memory_space<semaphore_mem>>) src(%dma_wait3A_311 : memref<128xi32, #tpu.memory_space<hbm>>) dst(%dma_wait3A_308 : memref<128xi32, #tpu.memory_space<vmem>>)
      %dma_start3A_312 = arith.constant 5 : i32
      %dma_start3A_313 = arith.constant 0 : i32
      %dma_start3A_314 = tpu.memref_slice %arg5[%dma_start3A_312, %dma_start3A_313] : memref<8x128xi32, #tpu.memory_space<vmem>> -> memref<1x128xi32, #tpu.memory_space<vmem>>
      %dma_start3A_315 = tpu.memref_squeeze %dma_start3A_314 : memref<1x128xi32, #tpu.memory_space<vmem>> -> memref<128xi32, #tpu.memory_space<vmem>>
      %dma_start3A_316 = arith.constant 0 : i32
      %dma_start3A_317 = arith.constant 0 : i32
      %dma_start3A_318 = tpu.memref_slice %arg7[%dma_start3A_316, %dma_start3A_317] : memref<10112x16xf32, #tpu.memory_space<vmem_shared>> -> memref<10112x16xf32, #tpu.memory_space<vmem_shared>>
      tpu.enqueue_indirect_dma source(%arg6 : memref<128x16xf32, #tpu.memory_space<vmem>>) target(%dma_start3A_318 : memref<10112x16xf32, #tpu.memory_space<vmem_shared>>) offsets(%dma_start3A_315 : memref<128xi32, #tpu.memory_space<vmem>>) semaphore(%arg17 : memref<!tpu.dma_semaphore, #tpu.memory_space<semaphore_mem>>) {add = true}
      %mul3A_319 = arith.constant 8 : i32
      %mul3A_320 = arith.muli %scan3A_99, %mul3A_319 : i32
      %add3A_321 = arith.constant 6 : i32
      %add3A_322 = arith.addi %mul3A_320, %add3A_321 : i32
      %ge3A_323 = arith.constant 4 : i32
      %ge3A_324 = arith.cmpi sge, %add3A_322, %ge3A_323 : i32
      %convert_element_type3A_325 = arith.extui %ge3A_324 : i1 to i32
      %cond3A_326 = arith.constant 0 : i32
      %cond3A_327 = arith.cmpi ne, %convert_element_type3A_325, %cond3A_326 : i32
      scf.if %cond3A_327 {
        %dma_wait3A_394 = arith.constant 2 : i32
        %dma_wait3A_395 = arith.constant 0 : i32
        %dma_wait3A_396 = tpu.memref_slice %arg5[%dma_wait3A_394, %dma_wait3A_395] : memref<8x128xi32, #tpu.memory_space<vmem>> -> memref<1x128xi32, #tpu.memory_space<vmem>>
        %dma_wait3A_397 = tpu.memref_squeeze %dma_wait3A_396 : memref<1x128xi32, #tpu.memory_space<vmem>> -> memref<128xi32, #tpu.memory_space<vmem>>
        %dma_wait3A_398 = arith.constant 0 : i32
        %dma_wait3A_399 = arith.constant 0 : i32
        %dma_wait3A_400 = tpu.memref_slice %arg7[%dma_wait3A_398, %dma_wait3A_399] : memref<10112x16xf32, #tpu.memory_space<vmem_shared>> -> memref<10112x16xf32, #tpu.memory_space<vmem_shared>>
        tpu.wait_indirect_dma semaphore(%arg18 : memref<!tpu.dma_semaphore, #tpu.memory_space<semaphore_mem>>) src(%arg6 : memref<128x16xf32, #tpu.memory_space<vmem>>) dst(%dma_wait3A_400 : memref<10112x16xf32, #tpu.memory_space<vmem_shared>>)
      } else {
      }
      %add3A_328 = arith.constant 4 : i32
      %add3A_329 = arith.addi %add3A_322, %add3A_328 : i32
      %lt3A_330 = arith.constant 40 : i32
      %lt3A_331 = arith.cmpi slt, %add3A_329, %lt3A_330 : i32
      %convert_element_type3A_332 = arith.extui %lt3A_331 : i1 to i32
      %cond3A_333 = arith.constant 0 : i32
      %cond3A_334 = arith.cmpi ne, %convert_element_type3A_332, %cond3A_333 : i32
      scf.if %cond3A_334 {
        %add3A_394 = arith.constant 4 : i32
        %add3A_395 = arith.addi %add3A_322, %add3A_394 : i32
        %dma_start3A_396 = arith.constant 2 : i32
        %dma_start3A_397 = arith.constant 0 : i32
        %dma_start3A_398 = tpu.memref_slice %arg5[%dma_start3A_396, %dma_start3A_397] : memref<8x128xi32, #tpu.memory_space<vmem>> -> memref<1x128xi32, #tpu.memory_space<vmem>>
        %dma_start3A_399 = tpu.memref_squeeze %dma_start3A_398 : memref<1x128xi32, #tpu.memory_space<vmem>> -> memref<128xi32, #tpu.memory_space<vmem>>
        %dma_start3A_400 = arith.constant 0 : i32
        %dma_start3A_401 = tpu.memref_slice %arg2[%add3A, %add3A_395, %dma_start3A_400] : memref<32x40x128xi32, #tpu.memory_space<hbm>> -> memref<1x1x128xi32, #tpu.memory_space<hbm>>
        %dma_start3A_402 = tpu.memref_squeeze %dma_start3A_401 : memref<1x1x128xi32, #tpu.memory_space<hbm>> -> memref<128xi32, #tpu.memory_space<hbm>>
        %dma_start3A_403 = arith.constant 0 : i32
        %dma_start3A_404 = tpu.memref_slice %arg5[%dma_start3A_396, %dma_start3A_403] : memref<8x128xi32, #tpu.memory_space<vmem>> -> memref<1x128xi32, #tpu.memory_space<vmem>>
        %dma_start3A_405 = tpu.memref_squeeze %dma_start3A_404 : memref<1x128xi32, #tpu.memory_space<vmem>> -> memref<128xi32, #tpu.memory_space<vmem>>
        %dma_start3A_406 = arith.constant 0 : i32
        %dma_start3A_407 = tpu.memref_slice %arg2[%add3A, %add3A_395, %dma_start3A_406] : memref<32x40x128xi32, #tpu.memory_space<hbm>> -> memref<1x1x128xi32, #tpu.memory_space<hbm>>
        %dma_start3A_408 = tpu.memref_squeeze %dma_start3A_407 : memref<1x1x128xi32, #tpu.memory_space<hbm>> -> memref<128xi32, #tpu.memory_space<hbm>>
        tpu.enqueue_dma source(%dma_start3A_408 : memref<128xi32, #tpu.memory_space<hbm>>) target(%dma_start3A_405 : memref<128xi32, #tpu.memory_space<vmem>>) target_semaphore(%arg10 : memref<!tpu.dma_semaphore, #tpu.memory_space<semaphore_mem>>)
      } else {
      }
      %dma_wait3A_335 = arith.constant 0 : i32
      %dma_wait3A_336 = arith.constant 6 : i32
      %dma_wait3A_337 = arith.constant 0 : i32
      %dma_wait3A_338 = tpu.memref_slice %arg5[%dma_wait3A_336, %dma_wait3A_337] : memref<8x128xi32, #tpu.memory_space<vmem>> -> memref<1x128xi32, #tpu.memory_space<vmem>>
      %dma_wait3A_339 = tpu.memref_squeeze %dma_wait3A_338 : memref<1x128xi32, #tpu.memory_space<vmem>> -> memref<128xi32, #tpu.memory_space<vmem>>
      %dma_wait3A_340 = arith.constant 0 : i32
      %dma_wait3A_341 = tpu.memref_slice %arg2[%add3A, %dma_wait3A_335, %dma_wait3A_340] : memref<32x40x128xi32, #tpu.memory_space<hbm>> -> memref<1x1x128xi32, #tpu.memory_space<hbm>>
      %dma_wait3A_342 = tpu.memref_squeeze %dma_wait3A_341 : memref<1x1x128xi32, #tpu.memory_space<hbm>> -> memref<128xi32, #tpu.memory_space<hbm>>
      %dma_wait3A_343 = arith.constant 0 : i32
      %dma_wait3A_344 = tpu.memref_slice %arg5[%dma_wait3A_336, %dma_wait3A_343] : memref<8x128xi32, #tpu.memory_space<vmem>> -> memref<1x128xi32, #tpu.memory_space<vmem>>
      %dma_wait3A_345 = tpu.memref_squeeze %dma_wait3A_344 : memref<1x128xi32, #tpu.memory_space<vmem>> -> memref<128xi32, #tpu.memory_space<vmem>>
      %dma_wait3A_346 = arith.constant 0 : i32
      %dma_wait3A_347 = tpu.memref_slice %arg2[%add3A, %dma_wait3A_335, %dma_wait3A_346] : memref<32x40x128xi32, #tpu.memory_space<hbm>> -> memref<1x1x128xi32, #tpu.memory_space<hbm>>
      %dma_wait3A_348 = tpu.memref_squeeze %dma_wait3A_347 : memref<1x1x128xi32, #tpu.memory_space<hbm>> -> memref<128xi32, #tpu.memory_space<hbm>>
      tpu.wait_dma2 semaphore(%arg14 : memref<!tpu.dma_semaphore, #tpu.memory_space<semaphore_mem>>) src(%dma_wait3A_348 : memref<128xi32, #tpu.memory_space<hbm>>) dst(%dma_wait3A_345 : memref<128xi32, #tpu.memory_space<vmem>>)
      %dma_start3A_349 = arith.constant 6 : i32
      %dma_start3A_350 = arith.constant 0 : i32
      %dma_start3A_351 = tpu.memref_slice %arg5[%dma_start3A_349, %dma_start3A_350] : memref<8x128xi32, #tpu.memory_space<vmem>> -> memref<1x128xi32, #tpu.memory_space<vmem>>
      %dma_start3A_352 = tpu.memref_squeeze %dma_start3A_351 : memref<1x128xi32, #tpu.memory_space<vmem>> -> memref<128xi32, #tpu.memory_space<vmem>>
      %dma_start3A_353 = arith.constant 0 : i32
      %dma_start3A_354 = arith.constant 0 : i32
      %dma_start3A_355 = tpu.memref_slice %arg7[%dma_start3A_353, %dma_start3A_354] : memref<10112x16xf32, #tpu.memory_space<vmem_shared>> -> memref<10112x16xf32, #tpu.memory_space<vmem_shared>>
      tpu.enqueue_indirect_dma source(%arg6 : memref<128x16xf32, #tpu.memory_space<vmem>>) target(%dma_start3A_355 : memref<10112x16xf32, #tpu.memory_space<vmem_shared>>) offsets(%dma_start3A_352 : memref<128xi32, #tpu.memory_space<vmem>>) semaphore(%arg18 : memref<!tpu.dma_semaphore, #tpu.memory_space<semaphore_mem>>) {add = true}
      %mul3A_356 = arith.constant 8 : i32
      %mul3A_357 = arith.muli %scan3A_99, %mul3A_356 : i32
      %add3A_358 = arith.constant 7 : i32
      %add3A_359 = arith.addi %mul3A_357, %add3A_358 : i32
      %ge3A_360 = arith.constant 4 : i32
      %ge3A_361 = arith.cmpi sge, %add3A_359, %ge3A_360 : i32
      %convert_element_type3A_362 = arith.extui %ge3A_361 : i1 to i32
      %cond3A_363 = arith.constant 0 : i32
      %cond3A_364 = arith.cmpi ne, %convert_element_type3A_362, %cond3A_363 : i32
      scf.if %cond3A_364 {
        %dma_wait3A_394 = arith.constant 3 : i32
        %dma_wait3A_395 = arith.constant 0 : i32
        %dma_wait3A_396 = tpu.memref_slice %arg5[%dma_wait3A_394, %dma_wait3A_395] : memref<8x128xi32, #tpu.memory_space<vmem>> -> memref<1x128xi32, #tpu.memory_space<vmem>>
        %dma_wait3A_397 = tpu.memref_squeeze %dma_wait3A_396 : memref<1x128xi32, #tpu.memory_space<vmem>> -> memref<128xi32, #tpu.memory_space<vmem>>
        %dma_wait3A_398 = arith.constant 0 : i32
        %dma_wait3A_399 = arith.constant 0 : i32
        %dma_wait3A_400 = tpu.memref_slice %arg7[%dma_wait3A_398, %dma_wait3A_399] : memref<10112x16xf32, #tpu.memory_space<vmem_shared>> -> memref<10112x16xf32, #tpu.memory_space<vmem_shared>>
        tpu.wait_indirect_dma semaphore(%arg19 : memref<!tpu.dma_semaphore, #tpu.memory_space<semaphore_mem>>) src(%arg6 : memref<128x16xf32, #tpu.memory_space<vmem>>) dst(%dma_wait3A_400 : memref<10112x16xf32, #tpu.memory_space<vmem_shared>>)
      } else {
      }
      %add3A_365 = arith.constant 4 : i32
      %add3A_366 = arith.addi %add3A_359, %add3A_365 : i32
      %lt3A_367 = arith.constant 40 : i32
      %lt3A_368 = arith.cmpi slt, %add3A_366, %lt3A_367 : i32
      %convert_element_type3A_369 = arith.extui %lt3A_368 : i1 to i32
      %cond3A_370 = arith.constant 0 : i32
      %cond3A_371 = arith.cmpi ne, %convert_element_type3A_369, %cond3A_370 : i32
      scf.if %cond3A_371 {
        %add3A_394 = arith.constant 4 : i32
        %add3A_395 = arith.addi %add3A_359, %add3A_394 : i32
        %dma_start3A_396 = arith.constant 3 : i32
        %dma_start3A_397 = arith.constant 0 : i32
        %dma_start3A_398 = tpu.memref_slice %arg5[%dma_start3A_396, %dma_start3A_397] : memref<8x128xi32, #tpu.memory_space<vmem>> -> memref<1x128xi32, #tpu.memory_space<vmem>>
        %dma_start3A_399 = tpu.memref_squeeze %dma_start3A_398 : memref<1x128xi32, #tpu.memory_space<vmem>> -> memref<128xi32, #tpu.memory_space<vmem>>
        %dma_start3A_400 = arith.constant 0 : i32
        %dma_start3A_401 = tpu.memref_slice %arg2[%add3A, %add3A_395, %dma_start3A_400] : memref<32x40x128xi32, #tpu.memory_space<hbm>> -> memref<1x1x128xi32, #tpu.memory_space<hbm>>
        %dma_start3A_402 = tpu.memref_squeeze %dma_start3A_401 : memref<1x1x128xi32, #tpu.memory_space<hbm>> -> memref<128xi32, #tpu.memory_space<hbm>>
        %dma_start3A_403 = arith.constant 0 : i32
        %dma_start3A_404 = tpu.memref_slice %arg5[%dma_start3A_396, %dma_start3A_403] : memref<8x128xi32, #tpu.memory_space<vmem>> -> memref<1x128xi32, #tpu.memory_space<vmem>>
        %dma_start3A_405 = tpu.memref_squeeze %dma_start3A_404 : memref<1x128xi32, #tpu.memory_space<vmem>> -> memref<128xi32, #tpu.memory_space<vmem>>
        %dma_start3A_406 = arith.constant 0 : i32
        %dma_start3A_407 = tpu.memref_slice %arg2[%add3A, %add3A_395, %dma_start3A_406] : memref<32x40x128xi32, #tpu.memory_space<hbm>> -> memref<1x1x128xi32, #tpu.memory_space<hbm>>
        %dma_start3A_408 = tpu.memref_squeeze %dma_start3A_407 : memref<1x1x128xi32, #tpu.memory_space<hbm>> -> memref<128xi32, #tpu.memory_space<hbm>>
        tpu.enqueue_dma source(%dma_start3A_408 : memref<128xi32, #tpu.memory_space<hbm>>) target(%dma_start3A_405 : memref<128xi32, #tpu.memory_space<vmem>>) target_semaphore(%arg11 : memref<!tpu.dma_semaphore, #tpu.memory_space<semaphore_mem>>)
      } else {
      }
      %dma_wait3A_372 = arith.constant 0 : i32
      %dma_wait3A_373 = arith.constant 7 : i32
      %dma_wait3A_374 = arith.constant 0 : i32
      %dma_wait3A_375 = tpu.memref_slice %arg5[%dma_wait3A_373, %dma_wait3A_374] : memref<8x128xi32, #tpu.memory_space<vmem>> -> memref<1x128xi32, #tpu.memory_space<vmem>>
      %dma_wait3A_376 = tpu.memref_squeeze %dma_wait3A_375 : memref<1x128xi32, #tpu.memory_space<vmem>> -> memref<128xi32, #tpu.memory_space<vmem>>
      %dma_wait3A_377 = arith.constant 0 : i32
      %dma_wait3A_378 = tpu.memref_slice %arg2[%add3A, %dma_wait3A_372, %dma_wait3A_377] : memref<32x40x128xi32, #tpu.memory_space<hbm>> -> memref<1x1x128xi32, #tpu.memory_space<hbm>>
      %dma_wait3A_379 = tpu.memref_squeeze %dma_wait3A_378 : memref<1x1x128xi32, #tpu.memory_space<hbm>> -> memref<128xi32, #tpu.memory_space<hbm>>
      %dma_wait3A_380 = arith.constant 0 : i32
      %dma_wait3A_381 = tpu.memref_slice %arg5[%dma_wait3A_373, %dma_wait3A_380] : memref<8x128xi32, #tpu.memory_space<vmem>> -> memref<1x128xi32, #tpu.memory_space<vmem>>
      %dma_wait3A_382 = tpu.memref_squeeze %dma_wait3A_381 : memref<1x128xi32, #tpu.memory_space<vmem>> -> memref<128xi32, #tpu.memory_space<vmem>>
      %dma_wait3A_383 = arith.constant 0 : i32
      %dma_wait3A_384 = tpu.memref_slice %arg2[%add3A, %dma_wait3A_372, %dma_wait3A_383] : memref<32x40x128xi32, #tpu.memory_space<hbm>> -> memref<1x1x128xi32, #tpu.memory_space<hbm>>
      %dma_wait3A_385 = tpu.memref_squeeze %dma_wait3A_384 : memref<1x1x128xi32, #tpu.memory_space<hbm>> -> memref<128xi32, #tpu.memory_space<hbm>>
      tpu.wait_dma2 semaphore(%arg15 : memref<!tpu.dma_semaphore, #tpu.memory_space<semaphore_mem>>) src(%dma_wait3A_385 : memref<128xi32, #tpu.memory_space<hbm>>) dst(%dma_wait3A_382 : memref<128xi32, #tpu.memory_space<vmem>>)
      %dma_start3A_386 = arith.constant 7 : i32
      %dma_start3A_387 = arith.constant 0 : i32
      %dma_start3A_388 = tpu.memref_slice %arg5[%dma_start3A_386, %dma_start3A_387] : memref<8x128xi32, #tpu.memory_space<vmem>> -> memref<1x128xi32, #tpu.memory_space<vmem>>
      %dma_start3A_389 = tpu.memref_squeeze %dma_start3A_388 : memref<1x128xi32, #tpu.memory_space<vmem>> -> memref<128xi32, #tpu.memory_space<vmem>>
      %dma_start3A_390 = arith.constant 0 : i32
      %dma_start3A_391 = arith.constant 0 : i32
      %dma_start3A_392 = tpu.memref_slice %arg7[%dma_start3A_390, %dma_start3A_391] : memref<10112x16xf32, #tpu.memory_space<vmem_shared>> -> memref<10112x16xf32, #tpu.memory_space<vmem_shared>>
      tpu.enqueue_indirect_dma source(%arg6 : memref<128x16xf32, #tpu.memory_space<vmem>>) target(%dma_start3A_392 : memref<10112x16xf32, #tpu.memory_space<vmem_shared>>) offsets(%dma_start3A_389 : memref<128xi32, #tpu.memory_space<vmem>>) semaphore(%arg19 : memref<!tpu.dma_semaphore, #tpu.memory_space<semaphore_mem>>) {add = true}
      %scan3A_393 = arith.constant 0 : i32
      scf.yield %scan3A_393 : i32
    }
    %scan3A_70 = arith.constant 5 : i32
    %dma_wait3A = arith.constant 4 : i32
    %dma_wait3A_71 = arith.constant 0 : i32
    %dma_wait3A_72 = tpu.memref_slice %arg5[%dma_wait3A, %dma_wait3A_71] : memref<8x128xi32, #tpu.memory_space<vmem>> -> memref<1x128xi32, #tpu.memory_space<vmem>>
    %dma_wait3A_73 = tpu.memref_squeeze %dma_wait3A_72 : memref<1x128xi32, #tpu.memory_space<vmem>> -> memref<128xi32, #tpu.memory_space<vmem>>
    %dma_wait3A_74 = arith.constant 0 : i32
    %dma_wait3A_75 = arith.constant 0 : i32
    %dma_wait3A_76 = tpu.memref_slice %arg7[%dma_wait3A_74, %dma_wait3A_75] : memref<10112x16xf32, #tpu.memory_space<vmem_shared>> -> memref<10112x16xf32, #tpu.memory_space<vmem_shared>>
    tpu.wait_indirect_dma semaphore(%arg16 : memref<!tpu.dma_semaphore, #tpu.memory_space<semaphore_mem>>) src(%arg6 : memref<128x16xf32, #tpu.memory_space<vmem>>) dst(%dma_wait3A_76 : memref<10112x16xf32, #tpu.memory_space<vmem_shared>>)
    %dma_wait3A_77 = arith.constant 5 : i32
    %dma_wait3A_78 = arith.constant 0 : i32
    %dma_wait3A_79 = tpu.memref_slice %arg5[%dma_wait3A_77, %dma_wait3A_78] : memref<8x128xi32, #tpu.memory_space<vmem>> -> memref<1x128xi32, #tpu.memory_space<vmem>>
    %dma_wait3A_80 = tpu.memref_squeeze %dma_wait3A_79 : memref<1x128xi32, #tpu.memory_space<vmem>> -> memref<128xi32, #tpu.memory_space<vmem>>
    %dma_wait3A_81 = arith.constant 0 : i32
    %dma_wait3A_82 = arith.constant 0 : i32
    %dma_wait3A_83 = tpu.memref_slice %arg7[%dma_wait3A_81, %dma_wait3A_82] : memref<10112x16xf32, #tpu.memory_space<vmem_shared>> -> memref<10112x16xf32, #tpu.memory_space<vmem_shared>>
    tpu.wait_indirect_dma semaphore(%arg17 : memref<!tpu.dma_semaphore, #tpu.memory_space<semaphore_mem>>) src(%arg6 : memref<128x16xf32, #tpu.memory_space<vmem>>) dst(%dma_wait3A_83 : memref<10112x16xf32, #tpu.memory_space<vmem_shared>>)
    %dma_wait3A_84 = arith.constant 6 : i32
    %dma_wait3A_85 = arith.constant 0 : i32
    %dma_wait3A_86 = tpu.memref_slice %arg5[%dma_wait3A_84, %dma_wait3A_85] : memref<8x128xi32, #tpu.memory_space<vmem>> -> memref<1x128xi32, #tpu.memory_space<vmem>>
    %dma_wait3A_87 = tpu.memref_squeeze %dma_wait3A_86 : memref<1x128xi32, #tpu.memory_space<vmem>> -> memref<128xi32, #tpu.memory_space<vmem>>
    %dma_wait3A_88 = arith.constant 0 : i32
    %dma_wait3A_89 = arith.constant 0 : i32
    %dma_wait3A_90 = tpu.memref_slice %arg7[%dma_wait3A_88, %dma_wait3A_89] : memref<10112x16xf32, #tpu.memory_space<vmem_shared>> -> memref<10112x16xf32, #tpu.memory_space<vmem_shared>>
    tpu.wait_indirect_dma semaphore(%arg18 : memref<!tpu.dma_semaphore, #tpu.memory_space<semaphore_mem>>) src(%arg6 : memref<128x16xf32, #tpu.memory_space<vmem>>) dst(%dma_wait3A_90 : memref<10112x16xf32, #tpu.memory_space<vmem_shared>>)
    %dma_wait3A_91 = arith.constant 7 : i32
    %dma_wait3A_92 = arith.constant 0 : i32
    %dma_wait3A_93 = tpu.memref_slice %arg5[%dma_wait3A_91, %dma_wait3A_92] : memref<8x128xi32, #tpu.memory_space<vmem>> -> memref<1x128xi32, #tpu.memory_space<vmem>>
    %dma_wait3A_94 = tpu.memref_squeeze %dma_wait3A_93 : memref<1x128xi32, #tpu.memory_space<vmem>> -> memref<128xi32, #tpu.memory_space<vmem>>
    %dma_wait3A_95 = arith.constant 0 : i32
    %dma_wait3A_96 = arith.constant 0 : i32
    %dma_wait3A_97 = tpu.memref_slice %arg7[%dma_wait3A_95, %dma_wait3A_96] : memref<10112x16xf32, #tpu.memory_space<vmem_shared>> -> memref<10112x16xf32, #tpu.memory_space<vmem_shared>>
    tpu.wait_indirect_dma semaphore(%arg19 : memref<!tpu.dma_semaphore, #tpu.memory_space<semaphore_mem>>) src(%arg6 : memref<128x16xf32, #tpu.memory_space<vmem>>) dst(%dma_wait3A_97 : memref<10112x16xf32, #tpu.memory_space<vmem_shared>>)
    %barrier3A_98 = arith.constant 0 : index
    tpu.barrier barrier_id(%barrier3A_98)
    "tpu.region"() ({
      %run_scoped3A = tpu.sem_alloc : memref<!tpu.dma_semaphore, #tpu.memory_space<semaphore_mem>>
      %dma_start3A_99 = arith.constant 0 : i32
      %dma_start3A_100 = tpu.memref_slice %arg4[%arg0, %mul3A_8, %dma_start3A_99] : memref<2x10112x16xf32, #tpu.memory_space<hbm>> -> memref<1x632x16xf32, #tpu.memory_space<hbm>>
      %dma_start3A_101 = tpu.memref_squeeze %dma_start3A_100 : memref<1x632x16xf32, #tpu.memory_space<hbm>> -> memref<632x16xf32, #tpu.memory_space<hbm>>
      %dma_start3A_102 = arith.constant 0 : i32
      %dma_start3A_103 = tpu.memref_slice %arg7[%mul3A_8, %dma_start3A_102] : memref<10112x16xf32, #tpu.memory_space<vmem_shared>> -> memref<632x16xf32, #tpu.memory_space<vmem_shared>>
      tpu.enqueue_dma source(%dma_start3A_103 : memref<632x16xf32, #tpu.memory_space<vmem_shared>>) target(%dma_start3A_101 : memref<632x16xf32, #tpu.memory_space<hbm>>) target_semaphore(%run_scoped3A : memref<!tpu.dma_semaphore, #tpu.memory_space<semaphore_mem>>)
      %dma_wait3A_104 = arith.constant 0 : i32
      %dma_wait3A_105 = tpu.memref_slice %arg4[%arg0, %mul3A_8, %dma_wait3A_104] : memref<2x10112x16xf32, #tpu.memory_space<hbm>> -> memref<1x632x16xf32, #tpu.memory_space<hbm>>
      %dma_wait3A_106 = tpu.memref_squeeze %dma_wait3A_105 : memref<1x632x16xf32, #tpu.memory_space<hbm>> -> memref<632x16xf32, #tpu.memory_space<hbm>>
      %dma_wait3A_107 = arith.constant 0 : i32
      %dma_wait3A_108 = tpu.memref_slice %arg7[%mul3A_8, %dma_wait3A_107] : memref<10112x16xf32, #tpu.memory_space<vmem_shared>> -> memref<632x16xf32, #tpu.memory_space<vmem_shared>>
      tpu.wait_dma2 semaphore(%run_scoped3A : memref<!tpu.dma_semaphore, #tpu.memory_space<semaphore_mem>>) src(%dma_wait3A_108 : memref<632x16xf32, #tpu.memory_space<vmem_shared>>) dst(%dma_wait3A_106 : memref<632x16xf32, #tpu.memory_space<hbm>>)
      tpu.yield
    }) : () -> ()
    return
  }
}

#map = affine_map<(d0, d1) -> (0, 0)>
#map1 = affine_map<(d0, d1) -> (0, 0, 0, 0)>
#map2 = affine_map<(d0, d1) -> (0, 0, 0)>
module attributes {stable_mosaic.version = 14 : i64} {
  func.func @_edges_kernel(%arg0: i32, %arg1: i32, %arg2: memref<20000x128xf32, #tpu.memory_space<hbm>>, %arg3: memref<16x80x3x128xi32, #tpu.memory_space<hbm>>, %arg4: memref<632x128xf32, #tpu.memory_space<hbm>>, %arg5: memref<2x10112x128xf32, #tpu.memory_space<hbm>>, %arg6: memref<8x3x128xi32, #tpu.memory_space<vmem>>, %arg7: memref<32x128xf32, #tpu.memory_space<vmem>>, %arg8: memref<32x128xf32, #tpu.memory_space<vmem>>, %arg9: memref<32x128xf32, #tpu.memory_space<vmem>>, %arg10: memref<32x128xf32, #tpu.memory_space<vmem>>, %arg11: memref<32x128xf32, #tpu.memory_space<vmem>>, %arg12: memref<32x128xf32, #tpu.memory_space<vmem>>, %arg13: memref<32x128xf32, #tpu.memory_space<vmem>>, %arg14: memref<32x128xf32, #tpu.memory_space<vmem>>, %arg15: memref<10112x128xf32, #tpu.memory_space<vmem_shared>>, %arg16: memref<!tpu.dma_semaphore, #tpu.memory_space<semaphore_mem>>, %arg17: memref<!tpu.dma_semaphore, #tpu.memory_space<semaphore_mem>>, %arg18: memref<!tpu.dma_semaphore, #tpu.memory_space<semaphore_mem>>, %arg19: memref<!tpu.dma_semaphore, #tpu.memory_space<semaphore_mem>>, %arg20: memref<!tpu.dma_semaphore, #tpu.memory_space<semaphore_mem>>, %arg21: memref<!tpu.dma_semaphore, #tpu.memory_space<semaphore_mem>>, %arg22: memref<!tpu.dma_semaphore, #tpu.memory_space<semaphore_mem>>, %arg23: memref<!tpu.dma_semaphore, #tpu.memory_space<semaphore_mem>>, %arg24: memref<!tpu.dma_semaphore, #tpu.memory_space<semaphore_mem>>, %arg25: memref<!tpu.dma_semaphore, #tpu.memory_space<semaphore_mem>>, %arg26: memref<!tpu.dma_semaphore, #tpu.memory_space<semaphore_mem>>, %arg27: memref<!tpu.dma_semaphore, #tpu.memory_space<semaphore_mem>>, %arg28: memref<!tpu.dma_semaphore, #tpu.memory_space<semaphore_mem>>, %arg29: memref<!tpu.dma_semaphore, #tpu.memory_space<semaphore_mem>>, %arg30: memref<!tpu.dma_semaphore, #tpu.memory_space<semaphore_mem>>, %arg31: memref<!tpu.dma_semaphore, #tpu.memory_space<semaphore_mem>>, %arg32: memref<!tpu.dma_semaphore, #tpu.memory_space<semaphore_mem>>, %arg33: memref<!tpu.dma_semaphore, #tpu.memory_space<semaphore_mem>>, %arg34: memref<!tpu.dma_semaphore, #tpu.memory_space<semaphore_mem>>, %arg35: memref<!tpu.dma_semaphore, #tpu.memory_space<semaphore_mem>>, %arg36: memref<!tpu.dma_semaphore, #tpu.memory_space<semaphore_mem>>, %arg37: memref<!tpu.dma_semaphore, #tpu.memory_space<semaphore_mem>>, %arg38: memref<!tpu.dma_semaphore, #tpu.memory_space<semaphore_mem>>, %arg39: memref<!tpu.dma_semaphore, #tpu.memory_space<semaphore_mem>>) attributes {dimension_semantics = [#tpu.dimension_semantics<core_parallel>, #tpu.dimension_semantics<subcore_parallel>], iteration_bounds = array<i64: 2, 16>, scalar_prefetch = 0 : i64, scratch_operands = 34 : i64, tpu.core_type = #tpu.core_type<sc_vector_subcore>, window_params = [{transform_indices = #map}, {transform_indices = #map1}, {transform_indices = #map}, {transform_indices = #map2}]} {
    %mul3A = arith.constant 632 : i32
    %mul3A_0 = arith.muli %arg1, %mul3A : i32
    "tpu.region"() ({
      %run_scoped3A = tpu.sem_alloc : memref<!tpu.dma_semaphore, #tpu.memory_space<semaphore_mem>>
      %dma_start3A_172 = arith.constant 0 : i32
      %dma_start3A_173 = tpu.memref_slice %arg15[%mul3A_0, %dma_start3A_172] : memref<10112x128xf32, #tpu.memory_space<vmem_shared>> -> memref<632x128xf32, #tpu.memory_space<vmem_shared>>
      tpu.enqueue_dma source(%arg4 : memref<632x128xf32, #tpu.memory_space<hbm>>) target(%dma_start3A_173 : memref<632x128xf32, #tpu.memory_space<vmem_shared>>) target_semaphore(%run_scoped3A : memref<!tpu.dma_semaphore, #tpu.memory_space<semaphore_mem>>)
      %dma_wait3A_174 = arith.constant 0 : i32
      %dma_wait3A_175 = tpu.memref_slice %arg15[%mul3A_0, %dma_wait3A_174] : memref<10112x128xf32, #tpu.memory_space<vmem_shared>> -> memref<632x128xf32, #tpu.memory_space<vmem_shared>>
      tpu.wait_dma2 semaphore(%run_scoped3A : memref<!tpu.dma_semaphore, #tpu.memory_space<semaphore_mem>>) src(%arg4 : memref<632x128xf32, #tpu.memory_space<hbm>>) dst(%dma_wait3A_175 : memref<632x128xf32, #tpu.memory_space<vmem_shared>>)
      tpu.yield
    }) : () -> ()
    %barrier3A = arith.constant 0 : index
    tpu.barrier barrier_id(%barrier3A)
    %dma_start3A = arith.constant 0 : i32
    %dma_start3A_1 = arith.constant 0 : i32
    %dma_start3A_2 = arith.constant 0 : i32
    %dma_start3A_3 = arith.constant 0 : i32
    %dma_start3A_4 = tpu.memref_slice %arg6[%dma_start3A_1, %dma_start3A_2, %dma_start3A_3] : memref<8x3x128xi32, #tpu.memory_space<vmem>> -> memref<1x3x128xi32, #tpu.memory_space<vmem>>
    %dma_start3A_5 = tpu.memref_squeeze %dma_start3A_4 : memref<1x3x128xi32, #tpu.memory_space<vmem>> -> memref<3x128xi32, #tpu.memory_space<vmem>>
    %dma_start3A_6 = arith.constant 0 : i32
    %dma_start3A_7 = arith.constant 0 : i32
    %dma_start3A_8 = tpu.memref_slice %arg3[%arg1, %dma_start3A, %dma_start3A_6, %dma_start3A_7] : memref<16x80x3x128xi32, #tpu.memory_space<hbm>> -> memref<1x1x3x128xi32, #tpu.memory_space<hbm>>
    %dma_start3A_9 = tpu.memref_squeeze %dma_start3A_8 : memref<1x1x3x128xi32, #tpu.memory_space<hbm>> -> memref<3x128xi32, #tpu.memory_space<hbm>>
    %dma_start3A_10 = arith.constant 0 : i32
    %dma_start3A_11 = arith.constant 0 : i32
    %dma_start3A_12 = tpu.memref_slice %arg6[%dma_start3A_1, %dma_start3A_10, %dma_start3A_11] : memref<8x3x128xi32, #tpu.memory_space<vmem>> -> memref<1x3x128xi32, #tpu.memory_space<vmem>>
    %dma_start3A_13 = tpu.memref_squeeze %dma_start3A_12 : memref<1x3x128xi32, #tpu.memory_space<vmem>> -> memref<3x128xi32, #tpu.memory_space<vmem>>
    %dma_start3A_14 = arith.constant 0 : i32
    %dma_start3A_15 = arith.constant 0 : i32
    %dma_start3A_16 = tpu.memref_slice %arg3[%arg1, %dma_start3A, %dma_start3A_14, %dma_start3A_15] : memref<16x80x3x128xi32, #tpu.memory_space<hbm>> -> memref<1x1x3x128xi32, #tpu.memory_space<hbm>>
    %dma_start3A_17 = tpu.memref_squeeze %dma_start3A_16 : memref<1x1x3x128xi32, #tpu.memory_space<hbm>> -> memref<3x128xi32, #tpu.memory_space<hbm>>
    tpu.enqueue_dma source(%dma_start3A_17 : memref<3x128xi32, #tpu.memory_space<hbm>>) target(%dma_start3A_13 : memref<3x128xi32, #tpu.memory_space<vmem>>) target_semaphore(%arg16 : memref<!tpu.dma_semaphore, #tpu.memory_space<semaphore_mem>>)
    %dma_start3A_18 = arith.constant 1 : i32
    %dma_start3A_19 = arith.constant 1 : i32
    %dma_start3A_20 = arith.constant 0 : i32
    %dma_start3A_21 = arith.constant 0 : i32
    %dma_start3A_22 = tpu.memref_slice %arg6[%dma_start3A_19, %dma_start3A_20, %dma_start3A_21] : memref<8x3x128xi32, #tpu.memory_space<vmem>> -> memref<1x3x128xi32, #tpu.memory_space<vmem>>
    %dma_start3A_23 = tpu.memref_squeeze %dma_start3A_22 : memref<1x3x128xi32, #tpu.memory_space<vmem>> -> memref<3x128xi32, #tpu.memory_space<vmem>>
    %dma_start3A_24 = arith.constant 0 : i32
    %dma_start3A_25 = arith.constant 0 : i32
    %dma_start3A_26 = tpu.memref_slice %arg3[%arg1, %dma_start3A_18, %dma_start3A_24, %dma_start3A_25] : memref<16x80x3x128xi32, #tpu.memory_space<hbm>> -> memref<1x1x3x128xi32, #tpu.memory_space<hbm>>
    %dma_start3A_27 = tpu.memref_squeeze %dma_start3A_26 : memref<1x1x3x128xi32, #tpu.memory_space<hbm>> -> memref<3x128xi32, #tpu.memory_space<hbm>>
    %dma_start3A_28 = arith.constant 0 : i32
    %dma_start3A_29 = arith.constant 0 : i32
    %dma_start3A_30 = tpu.memref_slice %arg6[%dma_start3A_19, %dma_start3A_28, %dma_start3A_29] : memref<8x3x128xi32, #tpu.memory_space<vmem>> -> memref<1x3x128xi32, #tpu.memory_space<vmem>>
    %dma_start3A_31 = tpu.memref_squeeze %dma_start3A_30 : memref<1x3x128xi32, #tpu.memory_space<vmem>> -> memref<3x128xi32, #tpu.memory_space<vmem>>
    %dma_start3A_32 = arith.constant 0 : i32
    %dma_start3A_33 = arith.constant 0 : i32
    %dma_start3A_34 = tpu.memref_slice %arg3[%arg1, %dma_start3A_18, %dma_start3A_32, %dma_start3A_33] : memref<16x80x3x128xi32, #tpu.memory_space<hbm>> -> memref<1x1x3x128xi32, #tpu.memory_space<hbm>>
    %dma_start3A_35 = tpu.memref_squeeze %dma_start3A_34 : memref<1x1x3x128xi32, #tpu.memory_space<hbm>> -> memref<3x128xi32, #tpu.memory_space<hbm>>
    tpu.enqueue_dma source(%dma_start3A_35 : memref<3x128xi32, #tpu.memory_space<hbm>>) target(%dma_start3A_31 : memref<3x128xi32, #tpu.memory_space<vmem>>) target_semaphore(%arg17 : memref<!tpu.dma_semaphore, #tpu.memory_space<semaphore_mem>>)
    %dma_start3A_36 = arith.constant 2 : i32
    %dma_start3A_37 = arith.constant 2 : i32
    %dma_start3A_38 = arith.constant 0 : i32
    %dma_start3A_39 = arith.constant 0 : i32
    %dma_start3A_40 = tpu.memref_slice %arg6[%dma_start3A_37, %dma_start3A_38, %dma_start3A_39] : memref<8x3x128xi32, #tpu.memory_space<vmem>> -> memref<1x3x128xi32, #tpu.memory_space<vmem>>
    %dma_start3A_41 = tpu.memref_squeeze %dma_start3A_40 : memref<1x3x128xi32, #tpu.memory_space<vmem>> -> memref<3x128xi32, #tpu.memory_space<vmem>>
    %dma_start3A_42 = arith.constant 0 : i32
    %dma_start3A_43 = arith.constant 0 : i32
    %dma_start3A_44 = tpu.memref_slice %arg3[%arg1, %dma_start3A_36, %dma_start3A_42, %dma_start3A_43] : memref<16x80x3x128xi32, #tpu.memory_space<hbm>> -> memref<1x1x3x128xi32, #tpu.memory_space<hbm>>
    %dma_start3A_45 = tpu.memref_squeeze %dma_start3A_44 : memref<1x1x3x128xi32, #tpu.memory_space<hbm>> -> memref<3x128xi32, #tpu.memory_space<hbm>>
    %dma_start3A_46 = arith.constant 0 : i32
    %dma_start3A_47 = arith.constant 0 : i32
    %dma_start3A_48 = tpu.memref_slice %arg6[%dma_start3A_37, %dma_start3A_46, %dma_start3A_47] : memref<8x3x128xi32, #tpu.memory_space<vmem>> -> memref<1x3x128xi32, #tpu.memory_space<vmem>>
    %dma_start3A_49 = tpu.memref_squeeze %dma_start3A_48 : memref<1x3x128xi32, #tpu.memory_space<vmem>> -> memref<3x128xi32, #tpu.memory_space<vmem>>
    %dma_start3A_50 = arith.constant 0 : i32
    %dma_start3A_51 = arith.constant 0 : i32
    %dma_start3A_52 = tpu.memref_slice %arg3[%arg1, %dma_start3A_36, %dma_start3A_50, %dma_start3A_51] : memref<16x80x3x128xi32, #tpu.memory_space<hbm>> -> memref<1x1x3x128xi32, #tpu.memory_space<hbm>>
    %dma_start3A_53 = tpu.memref_squeeze %dma_start3A_52 : memref<1x1x3x128xi32, #tpu.memory_space<hbm>> -> memref<3x128xi32, #tpu.memory_space<hbm>>
    tpu.enqueue_dma source(%dma_start3A_53 : memref<3x128xi32, #tpu.memory_space<hbm>>) target(%dma_start3A_49 : memref<3x128xi32, #tpu.memory_space<vmem>>) target_semaphore(%arg18 : memref<!tpu.dma_semaphore, #tpu.memory_space<semaphore_mem>>)
    %dma_start3A_54 = arith.constant 3 : i32
    %dma_start3A_55 = arith.constant 3 : i32
    %dma_start3A_56 = arith.constant 0 : i32
    %dma_start3A_57 = arith.constant 0 : i32
    %dma_start3A_58 = tpu.memref_slice %arg6[%dma_start3A_55, %dma_start3A_56, %dma_start3A_57] : memref<8x3x128xi32, #tpu.memory_space<vmem>> -> memref<1x3x128xi32, #tpu.memory_space<vmem>>
    %dma_start3A_59 = tpu.memref_squeeze %dma_start3A_58 : memref<1x3x128xi32, #tpu.memory_space<vmem>> -> memref<3x128xi32, #tpu.memory_space<vmem>>
    %dma_start3A_60 = arith.constant 0 : i32
    %dma_start3A_61 = arith.constant 0 : i32
    %dma_start3A_62 = tpu.memref_slice %arg3[%arg1, %dma_start3A_54, %dma_start3A_60, %dma_start3A_61] : memref<16x80x3x128xi32, #tpu.memory_space<hbm>> -> memref<1x1x3x128xi32, #tpu.memory_space<hbm>>
    %dma_start3A_63 = tpu.memref_squeeze %dma_start3A_62 : memref<1x1x3x128xi32, #tpu.memory_space<hbm>> -> memref<3x128xi32, #tpu.memory_space<hbm>>
    %dma_start3A_64 = arith.constant 0 : i32
    %dma_start3A_65 = arith.constant 0 : i32
    %dma_start3A_66 = tpu.memref_slice %arg6[%dma_start3A_55, %dma_start3A_64, %dma_start3A_65] : memref<8x3x128xi32, #tpu.memory_space<vmem>> -> memref<1x3x128xi32, #tpu.memory_space<vmem>>
    %dma_start3A_67 = tpu.memref_squeeze %dma_start3A_66 : memref<1x3x128xi32, #tpu.memory_space<vmem>> -> memref<3x128xi32, #tpu.memory_space<vmem>>
    %dma_start3A_68 = arith.constant 0 : i32
    %dma_start3A_69 = arith.constant 0 : i32
    %dma_start3A_70 = tpu.memref_slice %arg3[%arg1, %dma_start3A_54, %dma_start3A_68, %dma_start3A_69] : memref<16x80x3x128xi32, #tpu.memory_space<hbm>> -> memref<1x1x3x128xi32, #tpu.memory_space<hbm>>
    %dma_start3A_71 = tpu.memref_squeeze %dma_start3A_70 : memref<1x1x3x128xi32, #tpu.memory_space<hbm>> -> memref<3x128xi32, #tpu.memory_space<hbm>>
    tpu.enqueue_dma source(%dma_start3A_71 : memref<3x128xi32, #tpu.memory_space<hbm>>) target(%dma_start3A_67 : memref<3x128xi32, #tpu.memory_space<vmem>>) target_semaphore(%arg19 : memref<!tpu.dma_semaphore, #tpu.memory_space<semaphore_mem>>)
    %dma_wait3A = arith.constant 0 : i32
    %dma_wait3A_72 = arith.constant 0 : i32
    %dma_wait3A_73 = arith.constant 0 : i32
    %dma_wait3A_74 = arith.constant 0 : i32
    %dma_wait3A_75 = tpu.memref_slice %arg6[%dma_wait3A_72, %dma_wait3A_73, %dma_wait3A_74] : memref<8x3x128xi32, #tpu.memory_space<vmem>> -> memref<1x3x128xi32, #tpu.memory_space<vmem>>
    %dma_wait3A_76 = tpu.memref_squeeze %dma_wait3A_75 : memref<1x3x128xi32, #tpu.memory_space<vmem>> -> memref<3x128xi32, #tpu.memory_space<vmem>>
    %dma_wait3A_77 = arith.constant 0 : i32
    %dma_wait3A_78 = arith.constant 0 : i32
    %dma_wait3A_79 = tpu.memref_slice %arg3[%arg1, %dma_wait3A, %dma_wait3A_77, %dma_wait3A_78] : memref<16x80x3x128xi32, #tpu.memory_space<hbm>> -> memref<1x1x3x128xi32, #tpu.memory_space<hbm>>
    %dma_wait3A_80 = tpu.memref_squeeze %dma_wait3A_79 : memref<1x1x3x128xi32, #tpu.memory_space<hbm>> -> memref<3x128xi32, #tpu.memory_space<hbm>>
    %dma_wait3A_81 = arith.constant 0 : i32
    %dma_wait3A_82 = arith.constant 0 : i32
    %dma_wait3A_83 = tpu.memref_slice %arg6[%dma_wait3A_72, %dma_wait3A_81, %dma_wait3A_82] : memref<8x3x128xi32, #tpu.memory_space<vmem>> -> memref<1x3x128xi32, #tpu.memory_space<vmem>>
    %dma_wait3A_84 = tpu.memref_squeeze %dma_wait3A_83 : memref<1x3x128xi32, #tpu.memory_space<vmem>> -> memref<3x128xi32, #tpu.memory_space<vmem>>
    %dma_wait3A_85 = arith.constant 0 : i32
    %dma_wait3A_86 = arith.constant 0 : i32
    %dma_wait3A_87 = tpu.memref_slice %arg3[%arg1, %dma_wait3A, %dma_wait3A_85, %dma_wait3A_86] : memref<16x80x3x128xi32, #tpu.memory_space<hbm>> -> memref<1x1x3x128xi32, #tpu.memory_space<hbm>>
    %dma_wait3A_88 = tpu.memref_squeeze %dma_wait3A_87 : memref<1x1x3x128xi32, #tpu.memory_space<hbm>> -> memref<3x128xi32, #tpu.memory_space<hbm>>
    tpu.wait_dma2 semaphore(%arg16 : memref<!tpu.dma_semaphore, #tpu.memory_space<semaphore_mem>>) src(%dma_wait3A_88 : memref<3x128xi32, #tpu.memory_space<hbm>>) dst(%dma_wait3A_84 : memref<3x128xi32, #tpu.memory_space<vmem>>)
    %dma_start3A_89 = arith.constant 0 : i32
    %dma_start3A_90 = arith.constant 0 : i32
    %dma_start3A_91 = tpu.memref_slice %arg6[%dma_start3A_89, %arg0, %dma_start3A_90] : memref<8x3x128xi32, #tpu.memory_space<vmem>> -> memref<1x1x32xi32, #tpu.memory_space<vmem>>
    %dma_start3A_92 = tpu.memref_squeeze %dma_start3A_91 : memref<1x1x32xi32, #tpu.memory_space<vmem>> -> memref<32xi32, #tpu.memory_space<vmem>>
    %dma_start3A_93 = arith.constant 0 : i32
    %dma_start3A_94 = arith.constant 0 : i32
    %dma_start3A_95 = tpu.memref_slice %arg2[%dma_start3A_93, %dma_start3A_94] : memref<20000x128xf32, #tpu.memory_space<hbm>> -> memref<20000x128xf32, #tpu.memory_space<hbm>>
    tpu.enqueue_indirect_dma source(%dma_start3A_95 : memref<20000x128xf32, #tpu.memory_space<hbm>>) target(%arg7 : memref<32x128xf32, #tpu.memory_space<vmem>>) offsets(%dma_start3A_92 : memref<32xi32, #tpu.memory_space<vmem>>) semaphore(%arg24 : memref<!tpu.dma_semaphore, #tpu.memory_space<semaphore_mem>>)
    %dma_start3A_96 = arith.constant 0 : i32
    %dma_start3A_97 = arith.constant 32 : i32
    %dma_start3A_98 = tpu.memref_slice %arg6[%dma_start3A_96, %arg0, %dma_start3A_97] : memref<8x3x128xi32, #tpu.memory_space<vmem>> -> memref<1x1x32xi32, #tpu.memory_space<vmem>>
    %dma_start3A_99 = tpu.memref_squeeze %dma_start3A_98 : memref<1x1x32xi32, #tpu.memory_space<vmem>> -> memref<32xi32, #tpu.memory_space<vmem>>
    %dma_start3A_100 = arith.constant 0 : i32
    %dma_start3A_101 = arith.constant 0 : i32
    %dma_start3A_102 = tpu.memref_slice %arg2[%dma_start3A_100, %dma_start3A_101] : memref<20000x128xf32, #tpu.memory_space<hbm>> -> memref<20000x128xf32, #tpu.memory_space<hbm>>
    tpu.enqueue_indirect_dma source(%dma_start3A_102 : memref<20000x128xf32, #tpu.memory_space<hbm>>) target(%arg8 : memref<32x128xf32, #tpu.memory_space<vmem>>) offsets(%dma_start3A_99 : memref<32xi32, #tpu.memory_space<vmem>>) semaphore(%arg25 : memref<!tpu.dma_semaphore, #tpu.memory_space<semaphore_mem>>)
    %dma_start3A_103 = arith.constant 0 : i32
    %dma_start3A_104 = arith.constant 64 : i32
    %dma_start3A_105 = tpu.memref_slice %arg6[%dma_start3A_103, %arg0, %dma_start3A_104] : memref<8x3x128xi32, #tpu.memory_space<vmem>> -> memref<1x1x32xi32, #tpu.memory_space<vmem>>
    %dma_start3A_106 = tpu.memref_squeeze %dma_start3A_105 : memref<1x1x32xi32, #tpu.memory_space<vmem>> -> memref<32xi32, #tpu.memory_space<vmem>>
    %dma_start3A_107 = arith.constant 0 : i32
    %dma_start3A_108 = arith.constant 0 : i32
    %dma_start3A_109 = tpu.memref_slice %arg2[%dma_start3A_107, %dma_start3A_108] : memref<20000x128xf32, #tpu.memory_space<hbm>> -> memref<20000x128xf32, #tpu.memory_space<hbm>>
    tpu.enqueue_indirect_dma source(%dma_start3A_109 : memref<20000x128xf32, #tpu.memory_space<hbm>>) target(%arg9 : memref<32x128xf32, #tpu.memory_space<vmem>>) offsets(%dma_start3A_106 : memref<32xi32, #tpu.memory_space<vmem>>) semaphore(%arg26 : memref<!tpu.dma_semaphore, #tpu.memory_space<semaphore_mem>>)
    %dma_start3A_110 = arith.constant 0 : i32
    %dma_start3A_111 = arith.constant 96 : i32
    %dma_start3A_112 = tpu.memref_slice %arg6[%dma_start3A_110, %arg0, %dma_start3A_111] : memref<8x3x128xi32, #tpu.memory_space<vmem>> -> memref<1x1x32xi32, #tpu.memory_space<vmem>>
    %dma_start3A_113 = tpu.memref_squeeze %dma_start3A_112 : memref<1x1x32xi32, #tpu.memory_space<vmem>> -> memref<32xi32, #tpu.memory_space<vmem>>
    %dma_start3A_114 = arith.constant 0 : i32
    %dma_start3A_115 = arith.constant 0 : i32
    %dma_start3A_116 = tpu.memref_slice %arg2[%dma_start3A_114, %dma_start3A_115] : memref<20000x128xf32, #tpu.memory_space<hbm>> -> memref<20000x128xf32, #tpu.memory_space<hbm>>
    tpu.enqueue_indirect_dma source(%dma_start3A_116 : memref<20000x128xf32, #tpu.memory_space<hbm>>) target(%arg10 : memref<32x128xf32, #tpu.memory_space<vmem>>) offsets(%dma_start3A_113 : memref<32xi32, #tpu.memory_space<vmem>>) semaphore(%arg27 : memref<!tpu.dma_semaphore, #tpu.memory_space<semaphore_mem>>)
    %dma_wait3A_117 = arith.constant 0 : i32
    %dma_wait3A_118 = arith.constant 1 : i32
    %dma_wait3A_119 = arith.constant 0 : i32
    %dma_wait3A_120 = arith.constant 0 : i32
    %dma_wait3A_121 = tpu.memref_slice %arg6[%dma_wait3A_118, %dma_wait3A_119, %dma_wait3A_120] : memref<8x3x128xi32, #tpu.memory_space<vmem>> -> memref<1x3x128xi32, #tpu.memory_space<vmem>>
    %dma_wait3A_122 = tpu.memref_squeeze %dma_wait3A_121 : memref<1x3x128xi32, #tpu.memory_space<vmem>> -> memref<3x128xi32, #tpu.memory_space<vmem>>
    %dma_wait3A_123 = arith.constant 0 : i32
    %dma_wait3A_124 = arith.constant 0 : i32
    %dma_wait3A_125 = tpu.memref_slice %arg3[%arg1, %dma_wait3A_117, %dma_wait3A_123, %dma_wait3A_124] : memref<16x80x3x128xi32, #tpu.memory_space<hbm>> -> memref<1x1x3x128xi32, #tpu.memory_space<hbm>>
    %dma_wait3A_126 = tpu.memref_squeeze %dma_wait3A_125 : memref<1x1x3x128xi32, #tpu.memory_space<hbm>> -> memref<3x128xi32, #tpu.memory_space<hbm>>
    %dma_wait3A_127 = arith.constant 0 : i32
    %dma_wait3A_128 = arith.constant 0 : i32
    %dma_wait3A_129 = tpu.memref_slice %arg6[%dma_wait3A_118, %dma_wait3A_127, %dma_wait3A_128] : memref<8x3x128xi32, #tpu.memory_space<vmem>> -> memref<1x3x128xi32, #tpu.memory_space<vmem>>
    %dma_wait3A_130 = tpu.memref_squeeze %dma_wait3A_129 : memref<1x3x128xi32, #tpu.memory_space<vmem>> -> memref<3x128xi32, #tpu.memory_space<vmem>>
    %dma_wait3A_131 = arith.constant 0 : i32
    %dma_wait3A_132 = arith.constant 0 : i32
    %dma_wait3A_133 = tpu.memref_slice %arg3[%arg1, %dma_wait3A_117, %dma_wait3A_131, %dma_wait3A_132] : memref<16x80x3x128xi32, #tpu.memory_space<hbm>> -> memref<1x1x3x128xi32, #tpu.memory_space<hbm>>
    %dma_wait3A_134 = tpu.memref_squeeze %dma_wait3A_133 : memref<1x1x3x128xi32, #tpu.memory_space<hbm>> -> memref<3x128xi32, #tpu.memory_space<hbm>>
    tpu.wait_dma2 semaphore(%arg17 : memref<!tpu.dma_semaphore, #tpu.memory_space<semaphore_mem>>) src(%dma_wait3A_134 : memref<3x128xi32, #tpu.memory_space<hbm>>) dst(%dma_wait3A_130 : memref<3x128xi32, #tpu.memory_space<vmem>>)
    %dma_start3A_135 = arith.constant 1 : i32
    %dma_start3A_136 = arith.constant 0 : i32
    %dma_start3A_137 = tpu.memref_slice %arg6[%dma_start3A_135, %arg0, %dma_start3A_136] : memref<8x3x128xi32, #tpu.memory_space<vmem>> -> memref<1x1x32xi32, #tpu.memory_space<vmem>>
    %dma_start3A_138 = tpu.memref_squeeze %dma_start3A_137 : memref<1x1x32xi32, #tpu.memory_space<vmem>> -> memref<32xi32, #tpu.memory_space<vmem>>
    %dma_start3A_139 = arith.constant 0 : i32
    %dma_start3A_140 = arith.constant 0 : i32
    %dma_start3A_141 = tpu.memref_slice %arg2[%dma_start3A_139, %dma_start3A_140] : memref<20000x128xf32, #tpu.memory_space<hbm>> -> memref<20000x128xf32, #tpu.memory_space<hbm>>
    tpu.enqueue_indirect_dma source(%dma_start3A_141 : memref<20000x128xf32, #tpu.memory_space<hbm>>) target(%arg11 : memref<32x128xf32, #tpu.memory_space<vmem>>) offsets(%dma_start3A_138 : memref<32xi32, #tpu.memory_space<vmem>>) semaphore(%arg28 : memref<!tpu.dma_semaphore, #tpu.memory_space<semaphore_mem>>)
    %dma_start3A_142 = arith.constant 1 : i32
    %dma_start3A_143 = arith.constant 32 : i32
    %dma_start3A_144 = tpu.memref_slice %arg6[%dma_start3A_142, %arg0, %dma_start3A_143] : memref<8x3x128xi32, #tpu.memory_space<vmem>> -> memref<1x1x32xi32, #tpu.memory_space<vmem>>
    %dma_start3A_145 = tpu.memref_squeeze %dma_start3A_144 : memref<1x1x32xi32, #tpu.memory_space<vmem>> -> memref<32xi32, #tpu.memory_space<vmem>>
    %dma_start3A_146 = arith.constant 0 : i32
    %dma_start3A_147 = arith.constant 0 : i32
    %dma_start3A_148 = tpu.memref_slice %arg2[%dma_start3A_146, %dma_start3A_147] : memref<20000x128xf32, #tpu.memory_space<hbm>> -> memref<20000x128xf32, #tpu.memory_space<hbm>>
    tpu.enqueue_indirect_dma source(%dma_start3A_148 : memref<20000x128xf32, #tpu.memory_space<hbm>>) target(%arg12 : memref<32x128xf32, #tpu.memory_space<vmem>>) offsets(%dma_start3A_145 : memref<32xi32, #tpu.memory_space<vmem>>) semaphore(%arg29 : memref<!tpu.dma_semaphore, #tpu.memory_space<semaphore_mem>>)
    %scan3A = arith.constant 0 : i32
    %scan3A_149 = arith.constant 0 : i32
    %scan3A_150 = arith.constant 10 : i32
    %scan3A_151 = arith.addi %scan3A_149, %scan3A_150 : i32
    %scan3A_152 = arith.constant 1 : i32
    %scan3A_153 = scf.for %scan3A_172 = %scan3A_149 to %scan3A_151 step %scan3A_152 iter_args(%scan3A_173 = %scan3A) -> (i32)  : i32 {
      %mul3A_174 = arith.constant 32 : i32
      %mul3A_175 = arith.muli %scan3A_172, %mul3A_174 : i32
      %add3A = arith.constant 0 : i32
      %add3A_176 = arith.addi %mul3A_175, %add3A : i32
      %ge3A = arith.constant 2 : i32
      %ge3A_177 = arith.cmpi sge, %add3A_176, %ge3A : i32
      %convert_element_type3A = arith.extui %ge3A_177 : i1 to i32
      %cond3A = arith.constant 0 : i32
      %cond3A_178 = arith.cmpi ne, %convert_element_type3A, %cond3A : i32
      scf.if %cond3A_178 {
        %dma_wait3A_1402 = arith.constant 7 : i32
        %dma_wait3A_1403 = arith.constant 2 : i32
        %dma_wait3A_1404 = arith.constant 64 : i32
        %dma_wait3A_1405 = tpu.memref_slice %arg6[%dma_wait3A_1402, %dma_wait3A_1403, %dma_wait3A_1404] : memref<8x3x128xi32, #tpu.memory_space<vmem>> -> memref<1x1x32xi32, #tpu.memory_space<vmem>>
        %dma_wait3A_1406 = tpu.memref_squeeze %dma_wait3A_1405 : memref<1x1x32xi32, #tpu.memory_space<vmem>> -> memref<32xi32, #tpu.memory_space<vmem>>
        %dma_wait3A_1407 = arith.constant 0 : i32
        %dma_wait3A_1408 = arith.constant 0 : i32
        %dma_wait3A_1409 = tpu.memref_slice %arg15[%dma_wait3A_1407, %dma_wait3A_1408] : memref<10112x128xf32, #tpu.memory_space<vmem_shared>> -> memref<10112x128xf32, #tpu.memory_space<vmem_shared>>
        tpu.wait_indirect_dma semaphore(%arg38 : memref<!tpu.dma_semaphore, #tpu.memory_space<semaphore_mem>>) src(%arg13 : memref<32x128xf32, #tpu.memory_space<vmem>>) dst(%dma_wait3A_1409 : memref<10112x128xf32, #tpu.memory_space<vmem_shared>>)
      } else {
      }
      %add3A_179 = arith.constant 6 : i32
      %add3A_180 = arith.addi %add3A_176, %add3A_179 : i32
      %lt3A = arith.constant 320 : i32
      %lt3A_181 = arith.cmpi slt, %add3A_180, %lt3A : i32
      %convert_element_type3A_182 = arith.extui %lt3A_181 : i1 to i32
      %cond3A_183 = arith.constant 0 : i32
      %cond3A_184 = arith.cmpi ne, %convert_element_type3A_182, %cond3A_183 : i32
      scf.if %cond3A_184 {
        %dma_start3A_1402 = arith.constant 1 : i32
        %dma_start3A_1403 = arith.constant 64 : i32
        %dma_start3A_1404 = tpu.memref_slice %arg6[%dma_start3A_1402, %arg0, %dma_start3A_1403] : memref<8x3x128xi32, #tpu.memory_space<vmem>> -> memref<1x1x32xi32, #tpu.memory_space<vmem>>
        %dma_start3A_1405 = tpu.memref_squeeze %dma_start3A_1404 : memref<1x1x32xi32, #tpu.memory_space<vmem>> -> memref<32xi32, #tpu.memory_space<vmem>>
        %dma_start3A_1406 = arith.constant 0 : i32
        %dma_start3A_1407 = arith.constant 0 : i32
        %dma_start3A_1408 = tpu.memref_slice %arg2[%dma_start3A_1406, %dma_start3A_1407] : memref<20000x128xf32, #tpu.memory_space<hbm>> -> memref<20000x128xf32, #tpu.memory_space<hbm>>
        tpu.enqueue_indirect_dma source(%dma_start3A_1408 : memref<20000x128xf32, #tpu.memory_space<hbm>>) target(%arg13 : memref<32x128xf32, #tpu.memory_space<vmem>>) offsets(%dma_start3A_1405 : memref<32xi32, #tpu.memory_space<vmem>>) semaphore(%arg30 : memref<!tpu.dma_semaphore, #tpu.memory_space<semaphore_mem>>)
      } else {
      }
      %jit3A = arith.constant 4 : i32
      %div3A = arith.divsi %add3A_176, %jit3A : i32
      %sign3A = arith.constant 0 : i32
      %sign3A_185 = arith.cmpi sgt, %add3A_176, %sign3A : i32
      %sign3A_186 = arith.extui %sign3A_185 : i1 to i32
      %sign3A_187 = arith.constant 0 : i32
      %sign3A_188 = arith.cmpi slt, %add3A_176, %sign3A_187 : i32
      %sign3A_189 = arith.extui %sign3A_188 : i1 to i32
      %sign3A_190 = arith.subi %sign3A_186, %sign3A_189 : i32
      %sign3A_191 = arith.constant 0 : i32
      %sign3A_192 = arith.cmpi sgt, %jit3A, %sign3A_191 : i32
      %sign3A_193 = arith.extui %sign3A_192 : i1 to i32
      %sign3A_194 = arith.constant 0 : i32
      %sign3A_195 = arith.cmpi slt, %jit3A, %sign3A_194 : i32
      %sign3A_196 = arith.extui %sign3A_195 : i1 to i32
      %sign3A_197 = arith.subi %sign3A_193, %sign3A_196 : i32
      %ne3A = arith.cmpi ne, %sign3A_190, %sign3A_197 : i32
      %rem3A = arith.remsi %add3A_176, %jit3A : i32
      %ne3A_198 = arith.constant 0 : i32
      %ne3A_199 = arith.cmpi ne, %rem3A, %ne3A_198 : i32
      %and3A = arith.andi %ne3A, %ne3A_199 : i1
      %sub3A = arith.constant 1 : i32
      %sub3A_200 = arith.subi %div3A, %sub3A : i32
      %select_n3A = arith.select %and3A, %sub3A_200, %div3A : i32
      %add3A_201 = arith.constant 4 : i32
      %add3A_202 = arith.addi %select_n3A, %add3A_201 : i32
      %lt3A_203 = arith.constant 80 : i32
      %lt3A_204 = arith.cmpi slt, %add3A_202, %lt3A_203 : i32
      %convert_element_type3A_205 = arith.extui %lt3A_204 : i1 to i32
      %cond3A_206 = arith.constant 0 : i32
      %cond3A_207 = arith.cmpi ne, %convert_element_type3A_205, %cond3A_206 : i32
      scf.if %cond3A_207 {
        %jit3A_1402 = arith.constant 4 : i32
        %div3A_1403 = arith.divsi %add3A_176, %jit3A_1402 : i32
        %sign3A_1404 = arith.constant 0 : i32
        %sign3A_1405 = arith.cmpi sgt, %add3A_176, %sign3A_1404 : i32
        %sign3A_1406 = arith.extui %sign3A_1405 : i1 to i32
        %sign3A_1407 = arith.constant 0 : i32
        %sign3A_1408 = arith.cmpi slt, %add3A_176, %sign3A_1407 : i32
        %sign3A_1409 = arith.extui %sign3A_1408 : i1 to i32
        %sign3A_1410 = arith.subi %sign3A_1406, %sign3A_1409 : i32
        %sign3A_1411 = arith.constant 0 : i32
        %sign3A_1412 = arith.cmpi sgt, %jit3A_1402, %sign3A_1411 : i32
        %sign3A_1413 = arith.extui %sign3A_1412 : i1 to i32
        %sign3A_1414 = arith.constant 0 : i32
        %sign3A_1415 = arith.cmpi slt, %jit3A_1402, %sign3A_1414 : i32
        %sign3A_1416 = arith.extui %sign3A_1415 : i1 to i32
        %sign3A_1417 = arith.subi %sign3A_1413, %sign3A_1416 : i32
        %ne3A_1418 = arith.cmpi ne, %sign3A_1410, %sign3A_1417 : i32
        %rem3A_1419 = arith.remsi %add3A_176, %jit3A_1402 : i32
        %ne3A_1420 = arith.constant 0 : i32
        %ne3A_1421 = arith.cmpi ne, %rem3A_1419, %ne3A_1420 : i32
        %and3A_1422 = arith.andi %ne3A_1418, %ne3A_1421 : i1
        %sub3A_1423 = arith.constant 1 : i32
        %sub3A_1424 = arith.subi %div3A_1403, %sub3A_1423 : i32
        %select_n3A_1425 = arith.select %and3A_1422, %sub3A_1424, %div3A_1403 : i32
        %add3A_1426 = arith.constant 4 : i32
        %add3A_1427 = arith.addi %select_n3A_1425, %add3A_1426 : i32
        %dma_start3A_1428 = arith.constant 4 : i32
        %dma_start3A_1429 = arith.constant 0 : i32
        %dma_start3A_1430 = arith.constant 0 : i32
        %dma_start3A_1431 = tpu.memref_slice %arg6[%dma_start3A_1428, %dma_start3A_1429, %dma_start3A_1430] : memref<8x3x128xi32, #tpu.memory_space<vmem>> -> memref<1x3x128xi32, #tpu.memory_space<vmem>>
        %dma_start3A_1432 = tpu.memref_squeeze %dma_start3A_1431 : memref<1x3x128xi32, #tpu.memory_space<vmem>> -> memref<3x128xi32, #tpu.memory_space<vmem>>
        %dma_start3A_1433 = arith.constant 0 : i32
        %dma_start3A_1434 = arith.constant 0 : i32
        %dma_start3A_1435 = tpu.memref_slice %arg3[%arg1, %add3A_1427, %dma_start3A_1433, %dma_start3A_1434] : memref<16x80x3x128xi32, #tpu.memory_space<hbm>> -> memref<1x1x3x128xi32, #tpu.memory_space<hbm>>
        %dma_start3A_1436 = tpu.memref_squeeze %dma_start3A_1435 : memref<1x1x3x128xi32, #tpu.memory_space<hbm>> -> memref<3x128xi32, #tpu.memory_space<hbm>>
        %dma_start3A_1437 = arith.constant 0 : i32
        %dma_start3A_1438 = arith.constant 0 : i32
        %dma_start3A_1439 = tpu.memref_slice %arg6[%dma_start3A_1428, %dma_start3A_1437, %dma_start3A_1438] : memref<8x3x128xi32, #tpu.memory_space<vmem>> -> memref<1x3x128xi32, #tpu.memory_space<vmem>>
        %dma_start3A_1440 = tpu.memref_squeeze %dma_start3A_1439 : memref<1x3x128xi32, #tpu.memory_space<vmem>> -> memref<3x128xi32, #tpu.memory_space<vmem>>
        %dma_start3A_1441 = arith.constant 0 : i32
        %dma_start3A_1442 = arith.constant 0 : i32
        %dma_start3A_1443 = tpu.memref_slice %arg3[%arg1, %add3A_1427, %dma_start3A_1441, %dma_start3A_1442] : memref<16x80x3x128xi32, #tpu.memory_space<hbm>> -> memref<1x1x3x128xi32, #tpu.memory_space<hbm>>
        %dma_start3A_1444 = tpu.memref_squeeze %dma_start3A_1443 : memref<1x1x3x128xi32, #tpu.memory_space<hbm>> -> memref<3x128xi32, #tpu.memory_space<hbm>>
        tpu.enqueue_dma source(%dma_start3A_1444 : memref<3x128xi32, #tpu.memory_space<hbm>>) target(%dma_start3A_1440 : memref<3x128xi32, #tpu.memory_space<vmem>>) target_semaphore(%arg20 : memref<!tpu.dma_semaphore, #tpu.memory_space<semaphore_mem>>)
      } else {
      }
      %dma_wait3A_208 = arith.constant 0 : i32
      %dma_wait3A_209 = arith.constant 0 : i32
      %dma_wait3A_210 = tpu.memref_slice %arg6[%dma_wait3A_208, %arg0, %dma_wait3A_209] : memref<8x3x128xi32, #tpu.memory_space<vmem>> -> memref<1x1x32xi32, #tpu.memory_space<vmem>>
      %dma_wait3A_211 = tpu.memref_squeeze %dma_wait3A_210 : memref<1x1x32xi32, #tpu.memory_space<vmem>> -> memref<32xi32, #tpu.memory_space<vmem>>
      %dma_wait3A_212 = arith.constant 0 : i32
      %dma_wait3A_213 = arith.constant 0 : i32
      %dma_wait3A_214 = tpu.memref_slice %arg2[%dma_wait3A_212, %dma_wait3A_213] : memref<20000x128xf32, #tpu.memory_space<hbm>> -> memref<20000x128xf32, #tpu.memory_space<hbm>>
      tpu.wait_indirect_dma semaphore(%arg24 : memref<!tpu.dma_semaphore, #tpu.memory_space<semaphore_mem>>) src(%dma_wait3A_214 : memref<20000x128xf32, #tpu.memory_space<hbm>>) dst(%arg7 : memref<32x128xf32, #tpu.memory_space<vmem>>)
      %dma_start3A_215 = arith.constant 0 : i32
      %dma_start3A_216 = arith.constant 2 : i32
      %dma_start3A_217 = arith.constant 0 : i32
      %dma_start3A_218 = tpu.memref_slice %arg6[%dma_start3A_215, %dma_start3A_216, %dma_start3A_217] : memref<8x3x128xi32, #tpu.memory_space<vmem>> -> memref<1x1x32xi32, #tpu.memory_space<vmem>>
      %dma_start3A_219 = tpu.memref_squeeze %dma_start3A_218 : memref<1x1x32xi32, #tpu.memory_space<vmem>> -> memref<32xi32, #tpu.memory_space<vmem>>
      %dma_start3A_220 = arith.constant 0 : i32
      %dma_start3A_221 = arith.constant 0 : i32
      %dma_start3A_222 = tpu.memref_slice %arg15[%dma_start3A_220, %dma_start3A_221] : memref<10112x128xf32, #tpu.memory_space<vmem_shared>> -> memref<10112x128xf32, #tpu.memory_space<vmem_shared>>
      tpu.enqueue_indirect_dma source(%arg7 : memref<32x128xf32, #tpu.memory_space<vmem>>) target(%dma_start3A_222 : memref<10112x128xf32, #tpu.memory_space<vmem_shared>>) offsets(%dma_start3A_219 : memref<32xi32, #tpu.memory_space<vmem>>) semaphore(%arg32 : memref<!tpu.dma_semaphore, #tpu.memory_space<semaphore_mem>>) {add = true}
      %mul3A_223 = arith.constant 32 : i32
      %mul3A_224 = arith.muli %scan3A_172, %mul3A_223 : i32
      %add3A_225 = arith.constant 1 : i32
      %add3A_226 = arith.addi %mul3A_224, %add3A_225 : i32
      %ge3A_227 = arith.constant 2 : i32
      %ge3A_228 = arith.cmpi sge, %add3A_226, %ge3A_227 : i32
      %convert_element_type3A_229 = arith.extui %ge3A_228 : i1 to i32
      %cond3A_230 = arith.constant 0 : i32
      %cond3A_231 = arith.cmpi ne, %convert_element_type3A_229, %cond3A_230 : i32
      scf.if %cond3A_231 {
        %dma_wait3A_1402 = arith.constant 7 : i32
        %dma_wait3A_1403 = arith.constant 2 : i32
        %dma_wait3A_1404 = arith.constant 96 : i32
        %dma_wait3A_1405 = tpu.memref_slice %arg6[%dma_wait3A_1402, %dma_wait3A_1403, %dma_wait3A_1404] : memref<8x3x128xi32, #tpu.memory_space<vmem>> -> memref<1x1x32xi32, #tpu.memory_space<vmem>>
        %dma_wait3A_1406 = tpu.memref_squeeze %dma_wait3A_1405 : memref<1x1x32xi32, #tpu.memory_space<vmem>> -> memref<32xi32, #tpu.memory_space<vmem>>
        %dma_wait3A_1407 = arith.constant 0 : i32
        %dma_wait3A_1408 = arith.constant 0 : i32
        %dma_wait3A_1409 = tpu.memref_slice %arg15[%dma_wait3A_1407, %dma_wait3A_1408] : memref<10112x128xf32, #tpu.memory_space<vmem_shared>> -> memref<10112x128xf32, #tpu.memory_space<vmem_shared>>
        tpu.wait_indirect_dma semaphore(%arg39 : memref<!tpu.dma_semaphore, #tpu.memory_space<semaphore_mem>>) src(%arg14 : memref<32x128xf32, #tpu.memory_space<vmem>>) dst(%dma_wait3A_1409 : memref<10112x128xf32, #tpu.memory_space<vmem_shared>>)
      } else {
      }
      %add3A_232 = arith.constant 6 : i32
      %add3A_233 = arith.addi %add3A_226, %add3A_232 : i32
      %lt3A_234 = arith.constant 320 : i32
      %lt3A_235 = arith.cmpi slt, %add3A_233, %lt3A_234 : i32
      %convert_element_type3A_236 = arith.extui %lt3A_235 : i1 to i32
      %cond3A_237 = arith.constant 0 : i32
      %cond3A_238 = arith.cmpi ne, %convert_element_type3A_236, %cond3A_237 : i32
      scf.if %cond3A_238 {
        %dma_start3A_1402 = arith.constant 1 : i32
        %dma_start3A_1403 = arith.constant 96 : i32
        %dma_start3A_1404 = tpu.memref_slice %arg6[%dma_start3A_1402, %arg0, %dma_start3A_1403] : memref<8x3x128xi32, #tpu.memory_space<vmem>> -> memref<1x1x32xi32, #tpu.memory_space<vmem>>
        %dma_start3A_1405 = tpu.memref_squeeze %dma_start3A_1404 : memref<1x1x32xi32, #tpu.memory_space<vmem>> -> memref<32xi32, #tpu.memory_space<vmem>>
        %dma_start3A_1406 = arith.constant 0 : i32
        %dma_start3A_1407 = arith.constant 0 : i32
        %dma_start3A_1408 = tpu.memref_slice %arg2[%dma_start3A_1406, %dma_start3A_1407] : memref<20000x128xf32, #tpu.memory_space<hbm>> -> memref<20000x128xf32, #tpu.memory_space<hbm>>
        tpu.enqueue_indirect_dma source(%dma_start3A_1408 : memref<20000x128xf32, #tpu.memory_space<hbm>>) target(%arg14 : memref<32x128xf32, #tpu.memory_space<vmem>>) offsets(%dma_start3A_1405 : memref<32xi32, #tpu.memory_space<vmem>>) semaphore(%arg31 : memref<!tpu.dma_semaphore, #tpu.memory_space<semaphore_mem>>)
      } else {
      }
      %dma_wait3A_239 = arith.constant 0 : i32
      %dma_wait3A_240 = arith.constant 32 : i32
      %dma_wait3A_241 = tpu.memref_slice %arg6[%dma_wait3A_239, %arg0, %dma_wait3A_240] : memref<8x3x128xi32, #tpu.memory_space<vmem>> -> memref<1x1x32xi32, #tpu.memory_space<vmem>>
      %dma_wait3A_242 = tpu.memref_squeeze %dma_wait3A_241 : memref<1x1x32xi32, #tpu.memory_space<vmem>> -> memref<32xi32, #tpu.memory_space<vmem>>
      %dma_wait3A_243 = arith.constant 0 : i32
      %dma_wait3A_244 = arith.constant 0 : i32
      %dma_wait3A_245 = tpu.memref_slice %arg2[%dma_wait3A_243, %dma_wait3A_244] : memref<20000x128xf32, #tpu.memory_space<hbm>> -> memref<20000x128xf32, #tpu.memory_space<hbm>>
      tpu.wait_indirect_dma semaphore(%arg25 : memref<!tpu.dma_semaphore, #tpu.memory_space<semaphore_mem>>) src(%dma_wait3A_245 : memref<20000x128xf32, #tpu.memory_space<hbm>>) dst(%arg8 : memref<32x128xf32, #tpu.memory_space<vmem>>)
      %dma_start3A_246 = arith.constant 0 : i32
      %dma_start3A_247 = arith.constant 2 : i32
      %dma_start3A_248 = arith.constant 32 : i32
      %dma_start3A_249 = tpu.memref_slice %arg6[%dma_start3A_246, %dma_start3A_247, %dma_start3A_248] : memref<8x3x128xi32, #tpu.memory_space<vmem>> -> memref<1x1x32xi32, #tpu.memory_space<vmem>>
      %dma_start3A_250 = tpu.memref_squeeze %dma_start3A_249 : memref<1x1x32xi32, #tpu.memory_space<vmem>> -> memref<32xi32, #tpu.memory_space<vmem>>
      %dma_start3A_251 = arith.constant 0 : i32
      %dma_start3A_252 = arith.constant 0 : i32
      %dma_start3A_253 = tpu.memref_slice %arg15[%dma_start3A_251, %dma_start3A_252] : memref<10112x128xf32, #tpu.memory_space<vmem_shared>> -> memref<10112x128xf32, #tpu.memory_space<vmem_shared>>
      tpu.enqueue_indirect_dma source(%arg8 : memref<32x128xf32, #tpu.memory_space<vmem>>) target(%dma_start3A_253 : memref<10112x128xf32, #tpu.memory_space<vmem_shared>>) offsets(%dma_start3A_250 : memref<32xi32, #tpu.memory_space<vmem>>) semaphore(%arg33 : memref<!tpu.dma_semaphore, #tpu.memory_space<semaphore_mem>>) {add = true}
      %mul3A_254 = arith.constant 32 : i32
      %mul3A_255 = arith.muli %scan3A_172, %mul3A_254 : i32
      %add3A_256 = arith.constant 2 : i32
      %add3A_257 = arith.addi %mul3A_255, %add3A_256 : i32
      %ge3A_258 = arith.constant 2 : i32
      %ge3A_259 = arith.cmpi sge, %add3A_257, %ge3A_258 : i32
      %convert_element_type3A_260 = arith.extui %ge3A_259 : i1 to i32
      %cond3A_261 = arith.constant 0 : i32
      %cond3A_262 = arith.cmpi ne, %convert_element_type3A_260, %cond3A_261 : i32
      scf.if %cond3A_262 {
        %dma_wait3A_1402 = arith.constant 0 : i32
        %dma_wait3A_1403 = arith.constant 2 : i32
        %dma_wait3A_1404 = arith.constant 0 : i32
        %dma_wait3A_1405 = tpu.memref_slice %arg6[%dma_wait3A_1402, %dma_wait3A_1403, %dma_wait3A_1404] : memref<8x3x128xi32, #tpu.memory_space<vmem>> -> memref<1x1x32xi32, #tpu.memory_space<vmem>>
        %dma_wait3A_1406 = tpu.memref_squeeze %dma_wait3A_1405 : memref<1x1x32xi32, #tpu.memory_space<vmem>> -> memref<32xi32, #tpu.memory_space<vmem>>
        %dma_wait3A_1407 = arith.constant 0 : i32
        %dma_wait3A_1408 = arith.constant 0 : i32
        %dma_wait3A_1409 = tpu.memref_slice %arg15[%dma_wait3A_1407, %dma_wait3A_1408] : memref<10112x128xf32, #tpu.memory_space<vmem_shared>> -> memref<10112x128xf32, #tpu.memory_space<vmem_shared>>
        tpu.wait_indirect_dma semaphore(%arg32 : memref<!tpu.dma_semaphore, #tpu.memory_space<semaphore_mem>>) src(%arg7 : memref<32x128xf32, #tpu.memory_space<vmem>>) dst(%dma_wait3A_1409 : memref<10112x128xf32, #tpu.memory_space<vmem_shared>>)
      } else {
      }
      %add3A_263 = arith.constant 6 : i32
      %add3A_264 = arith.addi %add3A_257, %add3A_263 : i32
      %lt3A_265 = arith.constant 320 : i32
      %lt3A_266 = arith.cmpi slt, %add3A_264, %lt3A_265 : i32
      %convert_element_type3A_267 = arith.extui %lt3A_266 : i1 to i32
      %cond3A_268 = arith.constant 0 : i32
      %cond3A_269 = arith.cmpi ne, %convert_element_type3A_267, %cond3A_268 : i32
      scf.if %cond3A_269 {
        %dma_wait3A_1402 = arith.constant 0 : i32
        %dma_wait3A_1403 = arith.constant 2 : i32
        %dma_wait3A_1404 = arith.constant 0 : i32
        %dma_wait3A_1405 = arith.constant 0 : i32
        %dma_wait3A_1406 = tpu.memref_slice %arg6[%dma_wait3A_1403, %dma_wait3A_1404, %dma_wait3A_1405] : memref<8x3x128xi32, #tpu.memory_space<vmem>> -> memref<1x3x128xi32, #tpu.memory_space<vmem>>
        %dma_wait3A_1407 = tpu.memref_squeeze %dma_wait3A_1406 : memref<1x3x128xi32, #tpu.memory_space<vmem>> -> memref<3x128xi32, #tpu.memory_space<vmem>>
        %dma_wait3A_1408 = arith.constant 0 : i32
        %dma_wait3A_1409 = arith.constant 0 : i32
        %dma_wait3A_1410 = tpu.memref_slice %arg3[%arg1, %dma_wait3A_1402, %dma_wait3A_1408, %dma_wait3A_1409] : memref<16x80x3x128xi32, #tpu.memory_space<hbm>> -> memref<1x1x3x128xi32, #tpu.memory_space<hbm>>
        %dma_wait3A_1411 = tpu.memref_squeeze %dma_wait3A_1410 : memref<1x1x3x128xi32, #tpu.memory_space<hbm>> -> memref<3x128xi32, #tpu.memory_space<hbm>>
        %dma_wait3A_1412 = arith.constant 0 : i32
        %dma_wait3A_1413 = arith.constant 0 : i32
        %dma_wait3A_1414 = tpu.memref_slice %arg6[%dma_wait3A_1403, %dma_wait3A_1412, %dma_wait3A_1413] : memref<8x3x128xi32, #tpu.memory_space<vmem>> -> memref<1x3x128xi32, #tpu.memory_space<vmem>>
        %dma_wait3A_1415 = tpu.memref_squeeze %dma_wait3A_1414 : memref<1x3x128xi32, #tpu.memory_space<vmem>> -> memref<3x128xi32, #tpu.memory_space<vmem>>
        %dma_wait3A_1416 = arith.constant 0 : i32
        %dma_wait3A_1417 = arith.constant 0 : i32
        %dma_wait3A_1418 = tpu.memref_slice %arg3[%arg1, %dma_wait3A_1402, %dma_wait3A_1416, %dma_wait3A_1417] : memref<16x80x3x128xi32, #tpu.memory_space<hbm>> -> memref<1x1x3x128xi32, #tpu.memory_space<hbm>>
        %dma_wait3A_1419 = tpu.memref_squeeze %dma_wait3A_1418 : memref<1x1x3x128xi32, #tpu.memory_space<hbm>> -> memref<3x128xi32, #tpu.memory_space<hbm>>
        tpu.wait_dma2 semaphore(%arg18 : memref<!tpu.dma_semaphore, #tpu.memory_space<semaphore_mem>>) src(%dma_wait3A_1419 : memref<3x128xi32, #tpu.memory_space<hbm>>) dst(%dma_wait3A_1415 : memref<3x128xi32, #tpu.memory_space<vmem>>)
        %dma_start3A_1420 = arith.constant 2 : i32
        %dma_start3A_1421 = arith.constant 0 : i32
        %dma_start3A_1422 = tpu.memref_slice %arg6[%dma_start3A_1420, %arg0, %dma_start3A_1421] : memref<8x3x128xi32, #tpu.memory_space<vmem>> -> memref<1x1x32xi32, #tpu.memory_space<vmem>>
        %dma_start3A_1423 = tpu.memref_squeeze %dma_start3A_1422 : memref<1x1x32xi32, #tpu.memory_space<vmem>> -> memref<32xi32, #tpu.memory_space<vmem>>
        %dma_start3A_1424 = arith.constant 0 : i32
        %dma_start3A_1425 = arith.constant 0 : i32
        %dma_start3A_1426 = tpu.memref_slice %arg2[%dma_start3A_1424, %dma_start3A_1425] : memref<20000x128xf32, #tpu.memory_space<hbm>> -> memref<20000x128xf32, #tpu.memory_space<hbm>>
        tpu.enqueue_indirect_dma source(%dma_start3A_1426 : memref<20000x128xf32, #tpu.memory_space<hbm>>) target(%arg7 : memref<32x128xf32, #tpu.memory_space<vmem>>) offsets(%dma_start3A_1423 : memref<32xi32, #tpu.memory_space<vmem>>) semaphore(%arg24 : memref<!tpu.dma_semaphore, #tpu.memory_space<semaphore_mem>>)
      } else {
      }
      %dma_wait3A_270 = arith.constant 0 : i32
      %dma_wait3A_271 = arith.constant 64 : i32
      %dma_wait3A_272 = tpu.memref_slice %arg6[%dma_wait3A_270, %arg0, %dma_wait3A_271] : memref<8x3x128xi32, #tpu.memory_space<vmem>> -> memref<1x1x32xi32, #tpu.memory_space<vmem>>
      %dma_wait3A_273 = tpu.memref_squeeze %dma_wait3A_272 : memref<1x1x32xi32, #tpu.memory_space<vmem>> -> memref<32xi32, #tpu.memory_space<vmem>>
      %dma_wait3A_274 = arith.constant 0 : i32
      %dma_wait3A_275 = arith.constant 0 : i32
      %dma_wait3A_276 = tpu.memref_slice %arg2[%dma_wait3A_274, %dma_wait3A_275] : memref<20000x128xf32, #tpu.memory_space<hbm>> -> memref<20000x128xf32, #tpu.memory_space<hbm>>
      tpu.wait_indirect_dma semaphore(%arg26 : memref<!tpu.dma_semaphore, #tpu.memory_space<semaphore_mem>>) src(%dma_wait3A_276 : memref<20000x128xf32, #tpu.memory_space<hbm>>) dst(%arg9 : memref<32x128xf32, #tpu.memory_space<vmem>>)
      %dma_start3A_277 = arith.constant 0 : i32
      %dma_start3A_278 = arith.constant 2 : i32
      %dma_start3A_279 = arith.constant 64 : i32
      %dma_start3A_280 = tpu.memref_slice %arg6[%dma_start3A_277, %dma_start3A_278, %dma_start3A_279] : memref<8x3x128xi32, #tpu.memory_space<vmem>> -> memref<1x1x32xi32, #tpu.memory_space<vmem>>
      %dma_start3A_281 = tpu.memref_squeeze %dma_start3A_280 : memref<1x1x32xi32, #tpu.memory_space<vmem>> -> memref<32xi32, #tpu.memory_space<vmem>>
      %dma_start3A_282 = arith.constant 0 : i32
      %dma_start3A_283 = arith.constant 0 : i32
      %dma_start3A_284 = tpu.memref_slice %arg15[%dma_start3A_282, %dma_start3A_283] : memref<10112x128xf32, #tpu.memory_space<vmem_shared>> -> memref<10112x128xf32, #tpu.memory_space<vmem_shared>>
      tpu.enqueue_indirect_dma source(%arg9 : memref<32x128xf32, #tpu.memory_space<vmem>>) target(%dma_start3A_284 : memref<10112x128xf32, #tpu.memory_space<vmem_shared>>) offsets(%dma_start3A_281 : memref<32xi32, #tpu.memory_space<vmem>>) semaphore(%arg34 : memref<!tpu.dma_semaphore, #tpu.memory_space<semaphore_mem>>) {add = true}
      %mul3A_285 = arith.constant 32 : i32
      %mul3A_286 = arith.muli %scan3A_172, %mul3A_285 : i32
      %add3A_287 = arith.constant 3 : i32
      %add3A_288 = arith.addi %mul3A_286, %add3A_287 : i32
      %ge3A_289 = arith.constant 2 : i32
      %ge3A_290 = arith.cmpi sge, %add3A_288, %ge3A_289 : i32
      %convert_element_type3A_291 = arith.extui %ge3A_290 : i1 to i32
      %cond3A_292 = arith.constant 0 : i32
      %cond3A_293 = arith.cmpi ne, %convert_element_type3A_291, %cond3A_292 : i32
      scf.if %cond3A_293 {
        %dma_wait3A_1402 = arith.constant 0 : i32
        %dma_wait3A_1403 = arith.constant 2 : i32
        %dma_wait3A_1404 = arith.constant 32 : i32
        %dma_wait3A_1405 = tpu.memref_slice %arg6[%dma_wait3A_1402, %dma_wait3A_1403, %dma_wait3A_1404] : memref<8x3x128xi32, #tpu.memory_space<vmem>> -> memref<1x1x32xi32, #tpu.memory_space<vmem>>
        %dma_wait3A_1406 = tpu.memref_squeeze %dma_wait3A_1405 : memref<1x1x32xi32, #tpu.memory_space<vmem>> -> memref<32xi32, #tpu.memory_space<vmem>>
        %dma_wait3A_1407 = arith.constant 0 : i32
        %dma_wait3A_1408 = arith.constant 0 : i32
        %dma_wait3A_1409 = tpu.memref_slice %arg15[%dma_wait3A_1407, %dma_wait3A_1408] : memref<10112x128xf32, #tpu.memory_space<vmem_shared>> -> memref<10112x128xf32, #tpu.memory_space<vmem_shared>>
        tpu.wait_indirect_dma semaphore(%arg33 : memref<!tpu.dma_semaphore, #tpu.memory_space<semaphore_mem>>) src(%arg8 : memref<32x128xf32, #tpu.memory_space<vmem>>) dst(%dma_wait3A_1409 : memref<10112x128xf32, #tpu.memory_space<vmem_shared>>)
      } else {
      }
      %add3A_294 = arith.constant 6 : i32
      %add3A_295 = arith.addi %add3A_288, %add3A_294 : i32
      %lt3A_296 = arith.constant 320 : i32
      %lt3A_297 = arith.cmpi slt, %add3A_295, %lt3A_296 : i32
      %convert_element_type3A_298 = arith.extui %lt3A_297 : i1 to i32
      %cond3A_299 = arith.constant 0 : i32
      %cond3A_300 = arith.cmpi ne, %convert_element_type3A_298, %cond3A_299 : i32
      scf.if %cond3A_300 {
        %dma_start3A_1402 = arith.constant 2 : i32
        %dma_start3A_1403 = arith.constant 32 : i32
        %dma_start3A_1404 = tpu.memref_slice %arg6[%dma_start3A_1402, %arg0, %dma_start3A_1403] : memref<8x3x128xi32, #tpu.memory_space<vmem>> -> memref<1x1x32xi32, #tpu.memory_space<vmem>>
        %dma_start3A_1405 = tpu.memref_squeeze %dma_start3A_1404 : memref<1x1x32xi32, #tpu.memory_space<vmem>> -> memref<32xi32, #tpu.memory_space<vmem>>
        %dma_start3A_1406 = arith.constant 0 : i32
        %dma_start3A_1407 = arith.constant 0 : i32
        %dma_start3A_1408 = tpu.memref_slice %arg2[%dma_start3A_1406, %dma_start3A_1407] : memref<20000x128xf32, #tpu.memory_space<hbm>> -> memref<20000x128xf32, #tpu.memory_space<hbm>>
        tpu.enqueue_indirect_dma source(%dma_start3A_1408 : memref<20000x128xf32, #tpu.memory_space<hbm>>) target(%arg8 : memref<32x128xf32, #tpu.memory_space<vmem>>) offsets(%dma_start3A_1405 : memref<32xi32, #tpu.memory_space<vmem>>) semaphore(%arg25 : memref<!tpu.dma_semaphore, #tpu.memory_space<semaphore_mem>>)
      } else {
      }
      %dma_wait3A_301 = arith.constant 0 : i32
      %dma_wait3A_302 = arith.constant 96 : i32
      %dma_wait3A_303 = tpu.memref_slice %arg6[%dma_wait3A_301, %arg0, %dma_wait3A_302] : memref<8x3x128xi32, #tpu.memory_space<vmem>> -> memref<1x1x32xi32, #tpu.memory_space<vmem>>
      %dma_wait3A_304 = tpu.memref_squeeze %dma_wait3A_303 : memref<1x1x32xi32, #tpu.memory_space<vmem>> -> memref<32xi32, #tpu.memory_space<vmem>>
      %dma_wait3A_305 = arith.constant 0 : i32
      %dma_wait3A_306 = arith.constant 0 : i32
      %dma_wait3A_307 = tpu.memref_slice %arg2[%dma_wait3A_305, %dma_wait3A_306] : memref<20000x128xf32, #tpu.memory_space<hbm>> -> memref<20000x128xf32, #tpu.memory_space<hbm>>
      tpu.wait_indirect_dma semaphore(%arg27 : memref<!tpu.dma_semaphore, #tpu.memory_space<semaphore_mem>>) src(%dma_wait3A_307 : memref<20000x128xf32, #tpu.memory_space<hbm>>) dst(%arg10 : memref<32x128xf32, #tpu.memory_space<vmem>>)
      %dma_start3A_308 = arith.constant 0 : i32
      %dma_start3A_309 = arith.constant 2 : i32
      %dma_start3A_310 = arith.constant 96 : i32
      %dma_start3A_311 = tpu.memref_slice %arg6[%dma_start3A_308, %dma_start3A_309, %dma_start3A_310] : memref<8x3x128xi32, #tpu.memory_space<vmem>> -> memref<1x1x32xi32, #tpu.memory_space<vmem>>
      %dma_start3A_312 = tpu.memref_squeeze %dma_start3A_311 : memref<1x1x32xi32, #tpu.memory_space<vmem>> -> memref<32xi32, #tpu.memory_space<vmem>>
      %dma_start3A_313 = arith.constant 0 : i32
      %dma_start3A_314 = arith.constant 0 : i32
      %dma_start3A_315 = tpu.memref_slice %arg15[%dma_start3A_313, %dma_start3A_314] : memref<10112x128xf32, #tpu.memory_space<vmem_shared>> -> memref<10112x128xf32, #tpu.memory_space<vmem_shared>>
      tpu.enqueue_indirect_dma source(%arg10 : memref<32x128xf32, #tpu.memory_space<vmem>>) target(%dma_start3A_315 : memref<10112x128xf32, #tpu.memory_space<vmem_shared>>) offsets(%dma_start3A_312 : memref<32xi32, #tpu.memory_space<vmem>>) semaphore(%arg35 : memref<!tpu.dma_semaphore, #tpu.memory_space<semaphore_mem>>) {add = true}
      %mul3A_316 = arith.constant 32 : i32
      %mul3A_317 = arith.muli %scan3A_172, %mul3A_316 : i32
      %add3A_318 = arith.constant 4 : i32
      %add3A_319 = arith.addi %mul3A_317, %add3A_318 : i32
      %ge3A_320 = arith.constant 2 : i32
      %ge3A_321 = arith.cmpi sge, %add3A_319, %ge3A_320 : i32
      %convert_element_type3A_322 = arith.extui %ge3A_321 : i1 to i32
      %cond3A_323 = arith.constant 0 : i32
      %cond3A_324 = arith.cmpi ne, %convert_element_type3A_322, %cond3A_323 : i32
      scf.if %cond3A_324 {
        %dma_wait3A_1402 = arith.constant 0 : i32
        %dma_wait3A_1403 = arith.constant 2 : i32
        %dma_wait3A_1404 = arith.constant 64 : i32
        %dma_wait3A_1405 = tpu.memref_slice %arg6[%dma_wait3A_1402, %dma_wait3A_1403, %dma_wait3A_1404] : memref<8x3x128xi32, #tpu.memory_space<vmem>> -> memref<1x1x32xi32, #tpu.memory_space<vmem>>
        %dma_wait3A_1406 = tpu.memref_squeeze %dma_wait3A_1405 : memref<1x1x32xi32, #tpu.memory_space<vmem>> -> memref<32xi32, #tpu.memory_space<vmem>>
        %dma_wait3A_1407 = arith.constant 0 : i32
        %dma_wait3A_1408 = arith.constant 0 : i32
        %dma_wait3A_1409 = tpu.memref_slice %arg15[%dma_wait3A_1407, %dma_wait3A_1408] : memref<10112x128xf32, #tpu.memory_space<vmem_shared>> -> memref<10112x128xf32, #tpu.memory_space<vmem_shared>>
        tpu.wait_indirect_dma semaphore(%arg34 : memref<!tpu.dma_semaphore, #tpu.memory_space<semaphore_mem>>) src(%arg9 : memref<32x128xf32, #tpu.memory_space<vmem>>) dst(%dma_wait3A_1409 : memref<10112x128xf32, #tpu.memory_space<vmem_shared>>)
      } else {
      }
      %add3A_325 = arith.constant 6 : i32
      %add3A_326 = arith.addi %add3A_319, %add3A_325 : i32
      %lt3A_327 = arith.constant 320 : i32
      %lt3A_328 = arith.cmpi slt, %add3A_326, %lt3A_327 : i32
      %convert_element_type3A_329 = arith.extui %lt3A_328 : i1 to i32
      %cond3A_330 = arith.constant 0 : i32
      %cond3A_331 = arith.cmpi ne, %convert_element_type3A_329, %cond3A_330 : i32
      scf.if %cond3A_331 {
        %dma_start3A_1402 = arith.constant 2 : i32
        %dma_start3A_1403 = arith.constant 64 : i32
        %dma_start3A_1404 = tpu.memref_slice %arg6[%dma_start3A_1402, %arg0, %dma_start3A_1403] : memref<8x3x128xi32, #tpu.memory_space<vmem>> -> memref<1x1x32xi32, #tpu.memory_space<vmem>>
        %dma_start3A_1405 = tpu.memref_squeeze %dma_start3A_1404 : memref<1x1x32xi32, #tpu.memory_space<vmem>> -> memref<32xi32, #tpu.memory_space<vmem>>
        %dma_start3A_1406 = arith.constant 0 : i32
        %dma_start3A_1407 = arith.constant 0 : i32
        %dma_start3A_1408 = tpu.memref_slice %arg2[%dma_start3A_1406, %dma_start3A_1407] : memref<20000x128xf32, #tpu.memory_space<hbm>> -> memref<20000x128xf32, #tpu.memory_space<hbm>>
        tpu.enqueue_indirect_dma source(%dma_start3A_1408 : memref<20000x128xf32, #tpu.memory_space<hbm>>) target(%arg9 : memref<32x128xf32, #tpu.memory_space<vmem>>) offsets(%dma_start3A_1405 : memref<32xi32, #tpu.memory_space<vmem>>) semaphore(%arg26 : memref<!tpu.dma_semaphore, #tpu.memory_space<semaphore_mem>>)
      } else {
      }
      %jit3A_332 = arith.constant 4 : i32
      %div3A_333 = arith.divsi %add3A_319, %jit3A_332 : i32
      %sign3A_334 = arith.constant 0 : i32
      %sign3A_335 = arith.cmpi sgt, %add3A_319, %sign3A_334 : i32
      %sign3A_336 = arith.extui %sign3A_335 : i1 to i32
      %sign3A_337 = arith.constant 0 : i32
      %sign3A_338 = arith.cmpi slt, %add3A_319, %sign3A_337 : i32
      %sign3A_339 = arith.extui %sign3A_338 : i1 to i32
      %sign3A_340 = arith.subi %sign3A_336, %sign3A_339 : i32
      %sign3A_341 = arith.constant 0 : i32
      %sign3A_342 = arith.cmpi sgt, %jit3A_332, %sign3A_341 : i32
      %sign3A_343 = arith.extui %sign3A_342 : i1 to i32
      %sign3A_344 = arith.constant 0 : i32
      %sign3A_345 = arith.cmpi slt, %jit3A_332, %sign3A_344 : i32
      %sign3A_346 = arith.extui %sign3A_345 : i1 to i32
      %sign3A_347 = arith.subi %sign3A_343, %sign3A_346 : i32
      %ne3A_348 = arith.cmpi ne, %sign3A_340, %sign3A_347 : i32
      %rem3A_349 = arith.remsi %add3A_319, %jit3A_332 : i32
      %ne3A_350 = arith.constant 0 : i32
      %ne3A_351 = arith.cmpi ne, %rem3A_349, %ne3A_350 : i32
      %and3A_352 = arith.andi %ne3A_348, %ne3A_351 : i1
      %sub3A_353 = arith.constant 1 : i32
      %sub3A_354 = arith.subi %div3A_333, %sub3A_353 : i32
      %select_n3A_355 = arith.select %and3A_352, %sub3A_354, %div3A_333 : i32
      %add3A_356 = arith.constant 4 : i32
      %add3A_357 = arith.addi %select_n3A_355, %add3A_356 : i32
      %lt3A_358 = arith.constant 80 : i32
      %lt3A_359 = arith.cmpi slt, %add3A_357, %lt3A_358 : i32
      %convert_element_type3A_360 = arith.extui %lt3A_359 : i1 to i32
      %cond3A_361 = arith.constant 0 : i32
      %cond3A_362 = arith.cmpi ne, %convert_element_type3A_360, %cond3A_361 : i32
      scf.if %cond3A_362 {
        %jit3A_1402 = arith.constant 4 : i32
        %div3A_1403 = arith.divsi %add3A_319, %jit3A_1402 : i32
        %sign3A_1404 = arith.constant 0 : i32
        %sign3A_1405 = arith.cmpi sgt, %add3A_319, %sign3A_1404 : i32
        %sign3A_1406 = arith.extui %sign3A_1405 : i1 to i32
        %sign3A_1407 = arith.constant 0 : i32
        %sign3A_1408 = arith.cmpi slt, %add3A_319, %sign3A_1407 : i32
        %sign3A_1409 = arith.extui %sign3A_1408 : i1 to i32
        %sign3A_1410 = arith.subi %sign3A_1406, %sign3A_1409 : i32
        %sign3A_1411 = arith.constant 0 : i32
        %sign3A_1412 = arith.cmpi sgt, %jit3A_1402, %sign3A_1411 : i32
        %sign3A_1413 = arith.extui %sign3A_1412 : i1 to i32
        %sign3A_1414 = arith.constant 0 : i32
        %sign3A_1415 = arith.cmpi slt, %jit3A_1402, %sign3A_1414 : i32
        %sign3A_1416 = arith.extui %sign3A_1415 : i1 to i32
        %sign3A_1417 = arith.subi %sign3A_1413, %sign3A_1416 : i32
        %ne3A_1418 = arith.cmpi ne, %sign3A_1410, %sign3A_1417 : i32
        %rem3A_1419 = arith.remsi %add3A_319, %jit3A_1402 : i32
        %ne3A_1420 = arith.constant 0 : i32
        %ne3A_1421 = arith.cmpi ne, %rem3A_1419, %ne3A_1420 : i32
        %and3A_1422 = arith.andi %ne3A_1418, %ne3A_1421 : i1
        %sub3A_1423 = arith.constant 1 : i32
        %sub3A_1424 = arith.subi %div3A_1403, %sub3A_1423 : i32
        %select_n3A_1425 = arith.select %and3A_1422, %sub3A_1424, %div3A_1403 : i32
        %add3A_1426 = arith.constant 4 : i32
        %add3A_1427 = arith.addi %select_n3A_1425, %add3A_1426 : i32
        %dma_start3A_1428 = arith.constant 5 : i32
        %dma_start3A_1429 = arith.constant 0 : i32
        %dma_start3A_1430 = arith.constant 0 : i32
        %dma_start3A_1431 = tpu.memref_slice %arg6[%dma_start3A_1428, %dma_start3A_1429, %dma_start3A_1430] : memref<8x3x128xi32, #tpu.memory_space<vmem>> -> memref<1x3x128xi32, #tpu.memory_space<vmem>>
        %dma_start3A_1432 = tpu.memref_squeeze %dma_start3A_1431 : memref<1x3x128xi32, #tpu.memory_space<vmem>> -> memref<3x128xi32, #tpu.memory_space<vmem>>
        %dma_start3A_1433 = arith.constant 0 : i32
        %dma_start3A_1434 = arith.constant 0 : i32
        %dma_start3A_1435 = tpu.memref_slice %arg3[%arg1, %add3A_1427, %dma_start3A_1433, %dma_start3A_1434] : memref<16x80x3x128xi32, #tpu.memory_space<hbm>> -> memref<1x1x3x128xi32, #tpu.memory_space<hbm>>
        %dma_start3A_1436 = tpu.memref_squeeze %dma_start3A_1435 : memref<1x1x3x128xi32, #tpu.memory_space<hbm>> -> memref<3x128xi32, #tpu.memory_space<hbm>>
        %dma_start3A_1437 = arith.constant 0 : i32
        %dma_start3A_1438 = arith.constant 0 : i32
        %dma_start3A_1439 = tpu.memref_slice %arg6[%dma_start3A_1428, %dma_start3A_1437, %dma_start3A_1438] : memref<8x3x128xi32, #tpu.memory_space<vmem>> -> memref<1x3x128xi32, #tpu.memory_space<vmem>>
        %dma_start3A_1440 = tpu.memref_squeeze %dma_start3A_1439 : memref<1x3x128xi32, #tpu.memory_space<vmem>> -> memref<3x128xi32, #tpu.memory_space<vmem>>
        %dma_start3A_1441 = arith.constant 0 : i32
        %dma_start3A_1442 = arith.constant 0 : i32
        %dma_start3A_1443 = tpu.memref_slice %arg3[%arg1, %add3A_1427, %dma_start3A_1441, %dma_start3A_1442] : memref<16x80x3x128xi32, #tpu.memory_space<hbm>> -> memref<1x1x3x128xi32, #tpu.memory_space<hbm>>
        %dma_start3A_1444 = tpu.memref_squeeze %dma_start3A_1443 : memref<1x1x3x128xi32, #tpu.memory_space<hbm>> -> memref<3x128xi32, #tpu.memory_space<hbm>>
        tpu.enqueue_dma source(%dma_start3A_1444 : memref<3x128xi32, #tpu.memory_space<hbm>>) target(%dma_start3A_1440 : memref<3x128xi32, #tpu.memory_space<vmem>>) target_semaphore(%arg21 : memref<!tpu.dma_semaphore, #tpu.memory_space<semaphore_mem>>)
      } else {
      }
      %dma_wait3A_363 = arith.constant 1 : i32
      %dma_wait3A_364 = arith.constant 0 : i32
      %dma_wait3A_365 = tpu.memref_slice %arg6[%dma_wait3A_363, %arg0, %dma_wait3A_364] : memref<8x3x128xi32, #tpu.memory_space<vmem>> -> memref<1x1x32xi32, #tpu.memory_space<vmem>>
      %dma_wait3A_366 = tpu.memref_squeeze %dma_wait3A_365 : memref<1x1x32xi32, #tpu.memory_space<vmem>> -> memref<32xi32, #tpu.memory_space<vmem>>
      %dma_wait3A_367 = arith.constant 0 : i32
      %dma_wait3A_368 = arith.constant 0 : i32
      %dma_wait3A_369 = tpu.memref_slice %arg2[%dma_wait3A_367, %dma_wait3A_368] : memref<20000x128xf32, #tpu.memory_space<hbm>> -> memref<20000x128xf32, #tpu.memory_space<hbm>>
      tpu.wait_indirect_dma semaphore(%arg28 : memref<!tpu.dma_semaphore, #tpu.memory_space<semaphore_mem>>) src(%dma_wait3A_369 : memref<20000x128xf32, #tpu.memory_space<hbm>>) dst(%arg11 : memref<32x128xf32, #tpu.memory_space<vmem>>)
      %dma_start3A_370 = arith.constant 1 : i32
      %dma_start3A_371 = arith.constant 2 : i32
      %dma_start3A_372 = arith.constant 0 : i32
      %dma_start3A_373 = tpu.memref_slice %arg6[%dma_start3A_370, %dma_start3A_371, %dma_start3A_372] : memref<8x3x128xi32, #tpu.memory_space<vmem>> -> memref<1x1x32xi32, #tpu.memory_space<vmem>>
      %dma_start3A_374 = tpu.memref_squeeze %dma_start3A_373 : memref<1x1x32xi32, #tpu.memory_space<vmem>> -> memref<32xi32, #tpu.memory_space<vmem>>
      %dma_start3A_375 = arith.constant 0 : i32
      %dma_start3A_376 = arith.constant 0 : i32
      %dma_start3A_377 = tpu.memref_slice %arg15[%dma_start3A_375, %dma_start3A_376] : memref<10112x128xf32, #tpu.memory_space<vmem_shared>> -> memref<10112x128xf32, #tpu.memory_space<vmem_shared>>
      tpu.enqueue_indirect_dma source(%arg11 : memref<32x128xf32, #tpu.memory_space<vmem>>) target(%dma_start3A_377 : memref<10112x128xf32, #tpu.memory_space<vmem_shared>>) offsets(%dma_start3A_374 : memref<32xi32, #tpu.memory_space<vmem>>) semaphore(%arg36 : memref<!tpu.dma_semaphore, #tpu.memory_space<semaphore_mem>>) {add = true}
      %mul3A_378 = arith.constant 32 : i32
      %mul3A_379 = arith.muli %scan3A_172, %mul3A_378 : i32
      %add3A_380 = arith.constant 5 : i32
      %add3A_381 = arith.addi %mul3A_379, %add3A_380 : i32
      %ge3A_382 = arith.constant 2 : i32
      %ge3A_383 = arith.cmpi sge, %add3A_381, %ge3A_382 : i32
      %convert_element_type3A_384 = arith.extui %ge3A_383 : i1 to i32
      %cond3A_385 = arith.constant 0 : i32
      %cond3A_386 = arith.cmpi ne, %convert_element_type3A_384, %cond3A_385 : i32
      scf.if %cond3A_386 {
        %dma_wait3A_1402 = arith.constant 0 : i32
        %dma_wait3A_1403 = arith.constant 2 : i32
        %dma_wait3A_1404 = arith.constant 96 : i32
        %dma_wait3A_1405 = tpu.memref_slice %arg6[%dma_wait3A_1402, %dma_wait3A_1403, %dma_wait3A_1404] : memref<8x3x128xi32, #tpu.memory_space<vmem>> -> memref<1x1x32xi32, #tpu.memory_space<vmem>>
        %dma_wait3A_1406 = tpu.memref_squeeze %dma_wait3A_1405 : memref<1x1x32xi32, #tpu.memory_space<vmem>> -> memref<32xi32, #tpu.memory_space<vmem>>
        %dma_wait3A_1407 = arith.constant 0 : i32
        %dma_wait3A_1408 = arith.constant 0 : i32
        %dma_wait3A_1409 = tpu.memref_slice %arg15[%dma_wait3A_1407, %dma_wait3A_1408] : memref<10112x128xf32, #tpu.memory_space<vmem_shared>> -> memref<10112x128xf32, #tpu.memory_space<vmem_shared>>
        tpu.wait_indirect_dma semaphore(%arg35 : memref<!tpu.dma_semaphore, #tpu.memory_space<semaphore_mem>>) src(%arg10 : memref<32x128xf32, #tpu.memory_space<vmem>>) dst(%dma_wait3A_1409 : memref<10112x128xf32, #tpu.memory_space<vmem_shared>>)
      } else {
      }
      %add3A_387 = arith.constant 6 : i32
      %add3A_388 = arith.addi %add3A_381, %add3A_387 : i32
      %lt3A_389 = arith.constant 320 : i32
      %lt3A_390 = arith.cmpi slt, %add3A_388, %lt3A_389 : i32
      %convert_element_type3A_391 = arith.extui %lt3A_390 : i1 to i32
      %cond3A_392 = arith.constant 0 : i32
      %cond3A_393 = arith.cmpi ne, %convert_element_type3A_391, %cond3A_392 : i32
      scf.if %cond3A_393 {
        %dma_start3A_1402 = arith.constant 2 : i32
        %dma_start3A_1403 = arith.constant 96 : i32
        %dma_start3A_1404 = tpu.memref_slice %arg6[%dma_start3A_1402, %arg0, %dma_start3A_1403] : memref<8x3x128xi32, #tpu.memory_space<vmem>> -> memref<1x1x32xi32, #tpu.memory_space<vmem>>
        %dma_start3A_1405 = tpu.memref_squeeze %dma_start3A_1404 : memref<1x1x32xi32, #tpu.memory_space<vmem>> -> memref<32xi32, #tpu.memory_space<vmem>>
        %dma_start3A_1406 = arith.constant 0 : i32
        %dma_start3A_1407 = arith.constant 0 : i32
        %dma_start3A_1408 = tpu.memref_slice %arg2[%dma_start3A_1406, %dma_start3A_1407] : memref<20000x128xf32, #tpu.memory_space<hbm>> -> memref<20000x128xf32, #tpu.memory_space<hbm>>
        tpu.enqueue_indirect_dma source(%dma_start3A_1408 : memref<20000x128xf32, #tpu.memory_space<hbm>>) target(%arg10 : memref<32x128xf32, #tpu.memory_space<vmem>>) offsets(%dma_start3A_1405 : memref<32xi32, #tpu.memory_space<vmem>>) semaphore(%arg27 : memref<!tpu.dma_semaphore, #tpu.memory_space<semaphore_mem>>)
      } else {
      }
      %dma_wait3A_394 = arith.constant 1 : i32
      %dma_wait3A_395 = arith.constant 32 : i32
      %dma_wait3A_396 = tpu.memref_slice %arg6[%dma_wait3A_394, %arg0, %dma_wait3A_395] : memref<8x3x128xi32, #tpu.memory_space<vmem>> -> memref<1x1x32xi32, #tpu.memory_space<vmem>>
      %dma_wait3A_397 = tpu.memref_squeeze %dma_wait3A_396 : memref<1x1x32xi32, #tpu.memory_space<vmem>> -> memref<32xi32, #tpu.memory_space<vmem>>
      %dma_wait3A_398 = arith.constant 0 : i32
      %dma_wait3A_399 = arith.constant 0 : i32
      %dma_wait3A_400 = tpu.memref_slice %arg2[%dma_wait3A_398, %dma_wait3A_399] : memref<20000x128xf32, #tpu.memory_space<hbm>> -> memref<20000x128xf32, #tpu.memory_space<hbm>>
      tpu.wait_indirect_dma semaphore(%arg29 : memref<!tpu.dma_semaphore, #tpu.memory_space<semaphore_mem>>) src(%dma_wait3A_400 : memref<20000x128xf32, #tpu.memory_space<hbm>>) dst(%arg12 : memref<32x128xf32, #tpu.memory_space<vmem>>)
      %dma_start3A_401 = arith.constant 1 : i32
      %dma_start3A_402 = arith.constant 2 : i32
      %dma_start3A_403 = arith.constant 32 : i32
      %dma_start3A_404 = tpu.memref_slice %arg6[%dma_start3A_401, %dma_start3A_402, %dma_start3A_403] : memref<8x3x128xi32, #tpu.memory_space<vmem>> -> memref<1x1x32xi32, #tpu.memory_space<vmem>>
      %dma_start3A_405 = tpu.memref_squeeze %dma_start3A_404 : memref<1x1x32xi32, #tpu.memory_space<vmem>> -> memref<32xi32, #tpu.memory_space<vmem>>
      %dma_start3A_406 = arith.constant 0 : i32
      %dma_start3A_407 = arith.constant 0 : i32
      %dma_start3A_408 = tpu.memref_slice %arg15[%dma_start3A_406, %dma_start3A_407] : memref<10112x128xf32, #tpu.memory_space<vmem_shared>> -> memref<10112x128xf32, #tpu.memory_space<vmem_shared>>
      tpu.enqueue_indirect_dma source(%arg12 : memref<32x128xf32, #tpu.memory_space<vmem>>) target(%dma_start3A_408 : memref<10112x128xf32, #tpu.memory_space<vmem_shared>>) offsets(%dma_start3A_405 : memref<32xi32, #tpu.memory_space<vmem>>) semaphore(%arg37 : memref<!tpu.dma_semaphore, #tpu.memory_space<semaphore_mem>>) {add = true}
      %mul3A_409 = arith.constant 32 : i32
      %mul3A_410 = arith.muli %scan3A_172, %mul3A_409 : i32
      %add3A_411 = arith.constant 6 : i32
      %add3A_412 = arith.addi %mul3A_410, %add3A_411 : i32
      %ge3A_413 = arith.constant 2 : i32
      %ge3A_414 = arith.cmpi sge, %add3A_412, %ge3A_413 : i32
      %convert_element_type3A_415 = arith.extui %ge3A_414 : i1 to i32
      %cond3A_416 = arith.constant 0 : i32
      %cond3A_417 = arith.cmpi ne, %convert_element_type3A_415, %cond3A_416 : i32
      scf.if %cond3A_417 {
        %dma_wait3A_1402 = arith.constant 1 : i32
        %dma_wait3A_1403 = arith.constant 2 : i32
        %dma_wait3A_1404 = arith.constant 0 : i32
        %dma_wait3A_1405 = tpu.memref_slice %arg6[%dma_wait3A_1402, %dma_wait3A_1403, %dma_wait3A_1404] : memref<8x3x128xi32, #tpu.memory_space<vmem>> -> memref<1x1x32xi32, #tpu.memory_space<vmem>>
        %dma_wait3A_1406 = tpu.memref_squeeze %dma_wait3A_1405 : memref<1x1x32xi32, #tpu.memory_space<vmem>> -> memref<32xi32, #tpu.memory_space<vmem>>
        %dma_wait3A_1407 = arith.constant 0 : i32
        %dma_wait3A_1408 = arith.constant 0 : i32
        %dma_wait3A_1409 = tpu.memref_slice %arg15[%dma_wait3A_1407, %dma_wait3A_1408] : memref<10112x128xf32, #tpu.memory_space<vmem_shared>> -> memref<10112x128xf32, #tpu.memory_space<vmem_shared>>
        tpu.wait_indirect_dma semaphore(%arg36 : memref<!tpu.dma_semaphore, #tpu.memory_space<semaphore_mem>>) src(%arg11 : memref<32x128xf32, #tpu.memory_space<vmem>>) dst(%dma_wait3A_1409 : memref<10112x128xf32, #tpu.memory_space<vmem_shared>>)
      } else {
      }
      %add3A_418 = arith.constant 6 : i32
      %add3A_419 = arith.addi %add3A_412, %add3A_418 : i32
      %lt3A_420 = arith.constant 320 : i32
      %lt3A_421 = arith.cmpi slt, %add3A_419, %lt3A_420 : i32
      %convert_element_type3A_422 = arith.extui %lt3A_421 : i1 to i32
      %cond3A_423 = arith.constant 0 : i32
      %cond3A_424 = arith.cmpi ne, %convert_element_type3A_422, %cond3A_423 : i32
      scf.if %cond3A_424 {
        %dma_wait3A_1402 = arith.constant 0 : i32
        %dma_wait3A_1403 = arith.constant 3 : i32
        %dma_wait3A_1404 = arith.constant 0 : i32
        %dma_wait3A_1405 = arith.constant 0 : i32
        %dma_wait3A_1406 = tpu.memref_slice %arg6[%dma_wait3A_1403, %dma_wait3A_1404, %dma_wait3A_1405] : memref<8x3x128xi32, #tpu.memory_space<vmem>> -> memref<1x3x128xi32, #tpu.memory_space<vmem>>
        %dma_wait3A_1407 = tpu.memref_squeeze %dma_wait3A_1406 : memref<1x3x128xi32, #tpu.memory_space<vmem>> -> memref<3x128xi32, #tpu.memory_space<vmem>>
        %dma_wait3A_1408 = arith.constant 0 : i32
        %dma_wait3A_1409 = arith.constant 0 : i32
        %dma_wait3A_1410 = tpu.memref_slice %arg3[%arg1, %dma_wait3A_1402, %dma_wait3A_1408, %dma_wait3A_1409] : memref<16x80x3x128xi32, #tpu.memory_space<hbm>> -> memref<1x1x3x128xi32, #tpu.memory_space<hbm>>
        %dma_wait3A_1411 = tpu.memref_squeeze %dma_wait3A_1410 : memref<1x1x3x128xi32, #tpu.memory_space<hbm>> -> memref<3x128xi32, #tpu.memory_space<hbm>>
        %dma_wait3A_1412 = arith.constant 0 : i32
        %dma_wait3A_1413 = arith.constant 0 : i32
        %dma_wait3A_1414 = tpu.memref_slice %arg6[%dma_wait3A_1403, %dma_wait3A_1412, %dma_wait3A_1413] : memref<8x3x128xi32, #tpu.memory_space<vmem>> -> memref<1x3x128xi32, #tpu.memory_space<vmem>>
        %dma_wait3A_1415 = tpu.memref_squeeze %dma_wait3A_1414 : memref<1x3x128xi32, #tpu.memory_space<vmem>> -> memref<3x128xi32, #tpu.memory_space<vmem>>
        %dma_wait3A_1416 = arith.constant 0 : i32
        %dma_wait3A_1417 = arith.constant 0 : i32
        %dma_wait3A_1418 = tpu.memref_slice %arg3[%arg1, %dma_wait3A_1402, %dma_wait3A_1416, %dma_wait3A_1417] : memref<16x80x3x128xi32, #tpu.memory_space<hbm>> -> memref<1x1x3x128xi32, #tpu.memory_space<hbm>>
        %dma_wait3A_1419 = tpu.memref_squeeze %dma_wait3A_1418 : memref<1x1x3x128xi32, #tpu.memory_space<hbm>> -> memref<3x128xi32, #tpu.memory_space<hbm>>
        tpu.wait_dma2 semaphore(%arg19 : memref<!tpu.dma_semaphore, #tpu.memory_space<semaphore_mem>>) src(%dma_wait3A_1419 : memref<3x128xi32, #tpu.memory_space<hbm>>) dst(%dma_wait3A_1415 : memref<3x128xi32, #tpu.memory_space<vmem>>)
        %dma_start3A_1420 = arith.constant 3 : i32
        %dma_start3A_1421 = arith.constant 0 : i32
        %dma_start3A_1422 = tpu.memref_slice %arg6[%dma_start3A_1420, %arg0, %dma_start3A_1421] : memref<8x3x128xi32, #tpu.memory_space<vmem>> -> memref<1x1x32xi32, #tpu.memory_space<vmem>>
        %dma_start3A_1423 = tpu.memref_squeeze %dma_start3A_1422 : memref<1x1x32xi32, #tpu.memory_space<vmem>> -> memref<32xi32, #tpu.memory_space<vmem>>
        %dma_start3A_1424 = arith.constant 0 : i32
        %dma_start3A_1425 = arith.constant 0 : i32
        %dma_start3A_1426 = tpu.memref_slice %arg2[%dma_start3A_1424, %dma_start3A_1425] : memref<20000x128xf32, #tpu.memory_space<hbm>> -> memref<20000x128xf32, #tpu.memory_space<hbm>>
        tpu.enqueue_indirect_dma source(%dma_start3A_1426 : memref<20000x128xf32, #tpu.memory_space<hbm>>) target(%arg11 : memref<32x128xf32, #tpu.memory_space<vmem>>) offsets(%dma_start3A_1423 : memref<32xi32, #tpu.memory_space<vmem>>) semaphore(%arg28 : memref<!tpu.dma_semaphore, #tpu.memory_space<semaphore_mem>>)
      } else {
      }
      %dma_wait3A_425 = arith.constant 1 : i32
      %dma_wait3A_426 = arith.constant 64 : i32
      %dma_wait3A_427 = tpu.memref_slice %arg6[%dma_wait3A_425, %arg0, %dma_wait3A_426] : memref<8x3x128xi32, #tpu.memory_space<vmem>> -> memref<1x1x32xi32, #tpu.memory_space<vmem>>
      %dma_wait3A_428 = tpu.memref_squeeze %dma_wait3A_427 : memref<1x1x32xi32, #tpu.memory_space<vmem>> -> memref<32xi32, #tpu.memory_space<vmem>>
      %dma_wait3A_429 = arith.constant 0 : i32
      %dma_wait3A_430 = arith.constant 0 : i32
      %dma_wait3A_431 = tpu.memref_slice %arg2[%dma_wait3A_429, %dma_wait3A_430] : memref<20000x128xf32, #tpu.memory_space<hbm>> -> memref<20000x128xf32, #tpu.memory_space<hbm>>
      tpu.wait_indirect_dma semaphore(%arg30 : memref<!tpu.dma_semaphore, #tpu.memory_space<semaphore_mem>>) src(%dma_wait3A_431 : memref<20000x128xf32, #tpu.memory_space<hbm>>) dst(%arg13 : memref<32x128xf32, #tpu.memory_space<vmem>>)
      %dma_start3A_432 = arith.constant 1 : i32
      %dma_start3A_433 = arith.constant 2 : i32
      %dma_start3A_434 = arith.constant 64 : i32
      %dma_start3A_435 = tpu.memref_slice %arg6[%dma_start3A_432, %dma_start3A_433, %dma_start3A_434] : memref<8x3x128xi32, #tpu.memory_space<vmem>> -> memref<1x1x32xi32, #tpu.memory_space<vmem>>
      %dma_start3A_436 = tpu.memref_squeeze %dma_start3A_435 : memref<1x1x32xi32, #tpu.memory_space<vmem>> -> memref<32xi32, #tpu.memory_space<vmem>>
      %dma_start3A_437 = arith.constant 0 : i32
      %dma_start3A_438 = arith.constant 0 : i32
      %dma_start3A_439 = tpu.memref_slice %arg15[%dma_start3A_437, %dma_start3A_438] : memref<10112x128xf32, #tpu.memory_space<vmem_shared>> -> memref<10112x128xf32, #tpu.memory_space<vmem_shared>>
      tpu.enqueue_indirect_dma source(%arg13 : memref<32x128xf32, #tpu.memory_space<vmem>>) target(%dma_start3A_439 : memref<10112x128xf32, #tpu.memory_space<vmem_shared>>) offsets(%dma_start3A_436 : memref<32xi32, #tpu.memory_space<vmem>>) semaphore(%arg38 : memref<!tpu.dma_semaphore, #tpu.memory_space<semaphore_mem>>) {add = true}
      %mul3A_440 = arith.constant 32 : i32
      %mul3A_441 = arith.muli %scan3A_172, %mul3A_440 : i32
      %add3A_442 = arith.constant 7 : i32
      %add3A_443 = arith.addi %mul3A_441, %add3A_442 : i32
      %ge3A_444 = arith.constant 2 : i32
      %ge3A_445 = arith.cmpi sge, %add3A_443, %ge3A_444 : i32
      %convert_element_type3A_446 = arith.extui %ge3A_445 : i1 to i32
      %cond3A_447 = arith.constant 0 : i32
      %cond3A_448 = arith.cmpi ne, %convert_element_type3A_446, %cond3A_447 : i32
      scf.if %cond3A_448 {
        %dma_wait3A_1402 = arith.constant 1 : i32
        %dma_wait3A_1403 = arith.constant 2 : i32
        %dma_wait3A_1404 = arith.constant 32 : i32
        %dma_wait3A_1405 = tpu.memref_slice %arg6[%dma_wait3A_1402, %dma_wait3A_1403, %dma_wait3A_1404] : memref<8x3x128xi32, #tpu.memory_space<vmem>> -> memref<1x1x32xi32, #tpu.memory_space<vmem>>
        %dma_wait3A_1406 = tpu.memref_squeeze %dma_wait3A_1405 : memref<1x1x32xi32, #tpu.memory_space<vmem>> -> memref<32xi32, #tpu.memory_space<vmem>>
        %dma_wait3A_1407 = arith.constant 0 : i32
        %dma_wait3A_1408 = arith.constant 0 : i32
        %dma_wait3A_1409 = tpu.memref_slice %arg15[%dma_wait3A_1407, %dma_wait3A_1408] : memref<10112x128xf32, #tpu.memory_space<vmem_shared>> -> memref<10112x128xf32, #tpu.memory_space<vmem_shared>>
        tpu.wait_indirect_dma semaphore(%arg37 : memref<!tpu.dma_semaphore, #tpu.memory_space<semaphore_mem>>) src(%arg12 : memref<32x128xf32, #tpu.memory_space<vmem>>) dst(%dma_wait3A_1409 : memref<10112x128xf32, #tpu.memory_space<vmem_shared>>)
      } else {
      }
      %add3A_449 = arith.constant 6 : i32
      %add3A_450 = arith.addi %add3A_443, %add3A_449 : i32
      %lt3A_451 = arith.constant 320 : i32
      %lt3A_452 = arith.cmpi slt, %add3A_450, %lt3A_451 : i32
      %convert_element_type3A_453 = arith.extui %lt3A_452 : i1 to i32
      %cond3A_454 = arith.constant 0 : i32
      %cond3A_455 = arith.cmpi ne, %convert_element_type3A_453, %cond3A_454 : i32
      scf.if %cond3A_455 {
        %dma_start3A_1402 = arith.constant 3 : i32
        %dma_start3A_1403 = arith.constant 32 : i32
        %dma_start3A_1404 = tpu.memref_slice %arg6[%dma_start3A_1402, %arg0, %dma_start3A_1403] : memref<8x3x128xi32, #tpu.memory_space<vmem>> -> memref<1x1x32xi32, #tpu.memory_space<vmem>>
        %dma_start3A_1405 = tpu.memref_squeeze %dma_start3A_1404 : memref<1x1x32xi32, #tpu.memory_space<vmem>> -> memref<32xi32, #tpu.memory_space<vmem>>
        %dma_start3A_1406 = arith.constant 0 : i32
        %dma_start3A_1407 = arith.constant 0 : i32
        %dma_start3A_1408 = tpu.memref_slice %arg2[%dma_start3A_1406, %dma_start3A_1407] : memref<20000x128xf32, #tpu.memory_space<hbm>> -> memref<20000x128xf32, #tpu.memory_space<hbm>>
        tpu.enqueue_indirect_dma source(%dma_start3A_1408 : memref<20000x128xf32, #tpu.memory_space<hbm>>) target(%arg12 : memref<32x128xf32, #tpu.memory_space<vmem>>) offsets(%dma_start3A_1405 : memref<32xi32, #tpu.memory_space<vmem>>) semaphore(%arg29 : memref<!tpu.dma_semaphore, #tpu.memory_space<semaphore_mem>>)
      } else {
      }
      %dma_wait3A_456 = arith.constant 1 : i32
      %dma_wait3A_457 = arith.constant 96 : i32
      %dma_wait3A_458 = tpu.memref_slice %arg6[%dma_wait3A_456, %arg0, %dma_wait3A_457] : memref<8x3x128xi32, #tpu.memory_space<vmem>> -> memref<1x1x32xi32, #tpu.memory_space<vmem>>
      %dma_wait3A_459 = tpu.memref_squeeze %dma_wait3A_458 : memref<1x1x32xi32, #tpu.memory_space<vmem>> -> memref<32xi32, #tpu.memory_space<vmem>>
      %dma_wait3A_460 = arith.constant 0 : i32
      %dma_wait3A_461 = arith.constant 0 : i32
      %dma_wait3A_462 = tpu.memref_slice %arg2[%dma_wait3A_460, %dma_wait3A_461] : memref<20000x128xf32, #tpu.memory_space<hbm>> -> memref<20000x128xf32, #tpu.memory_space<hbm>>
      tpu.wait_indirect_dma semaphore(%arg31 : memref<!tpu.dma_semaphore, #tpu.memory_space<semaphore_mem>>) src(%dma_wait3A_462 : memref<20000x128xf32, #tpu.memory_space<hbm>>) dst(%arg14 : memref<32x128xf32, #tpu.memory_space<vmem>>)
      %dma_start3A_463 = arith.constant 1 : i32
      %dma_start3A_464 = arith.constant 2 : i32
      %dma_start3A_465 = arith.constant 96 : i32
      %dma_start3A_466 = tpu.memref_slice %arg6[%dma_start3A_463, %dma_start3A_464, %dma_start3A_465] : memref<8x3x128xi32, #tpu.memory_space<vmem>> -> memref<1x1x32xi32, #tpu.memory_space<vmem>>
      %dma_start3A_467 = tpu.memref_squeeze %dma_start3A_466 : memref<1x1x32xi32, #tpu.memory_space<vmem>> -> memref<32xi32, #tpu.memory_space<vmem>>
      %dma_start3A_468 = arith.constant 0 : i32
      %dma_start3A_469 = arith.constant 0 : i32
      %dma_start3A_470 = tpu.memref_slice %arg15[%dma_start3A_468, %dma_start3A_469] : memref<10112x128xf32, #tpu.memory_space<vmem_shared>> -> memref<10112x128xf32, #tpu.memory_space<vmem_shared>>
      tpu.enqueue_indirect_dma source(%arg14 : memref<32x128xf32, #tpu.memory_space<vmem>>) target(%dma_start3A_470 : memref<10112x128xf32, #tpu.memory_space<vmem_shared>>) offsets(%dma_start3A_467 : memref<32xi32, #tpu.memory_space<vmem>>) semaphore(%arg39 : memref<!tpu.dma_semaphore, #tpu.memory_space<semaphore_mem>>) {add = true}
      %mul3A_471 = arith.constant 32 : i32
      %mul3A_472 = arith.muli %scan3A_172, %mul3A_471 : i32
      %add3A_473 = arith.constant 8 : i32
      %add3A_474 = arith.addi %mul3A_472, %add3A_473 : i32
      %ge3A_475 = arith.constant 2 : i32
      %ge3A_476 = arith.cmpi sge, %add3A_474, %ge3A_475 : i32
      %convert_element_type3A_477 = arith.extui %ge3A_476 : i1 to i32
      %cond3A_478 = arith.constant 0 : i32
      %cond3A_479 = arith.cmpi ne, %convert_element_type3A_477, %cond3A_478 : i32
      scf.if %cond3A_479 {
        %dma_wait3A_1402 = arith.constant 1 : i32
        %dma_wait3A_1403 = arith.constant 2 : i32
        %dma_wait3A_1404 = arith.constant 64 : i32
        %dma_wait3A_1405 = tpu.memref_slice %arg6[%dma_wait3A_1402, %dma_wait3A_1403, %dma_wait3A_1404] : memref<8x3x128xi32, #tpu.memory_space<vmem>> -> memref<1x1x32xi32, #tpu.memory_space<vmem>>
        %dma_wait3A_1406 = tpu.memref_squeeze %dma_wait3A_1405 : memref<1x1x32xi32, #tpu.memory_space<vmem>> -> memref<32xi32, #tpu.memory_space<vmem>>
        %dma_wait3A_1407 = arith.constant 0 : i32
        %dma_wait3A_1408 = arith.constant 0 : i32
        %dma_wait3A_1409 = tpu.memref_slice %arg15[%dma_wait3A_1407, %dma_wait3A_1408] : memref<10112x128xf32, #tpu.memory_space<vmem_shared>> -> memref<10112x128xf32, #tpu.memory_space<vmem_shared>>
        tpu.wait_indirect_dma semaphore(%arg38 : memref<!tpu.dma_semaphore, #tpu.memory_space<semaphore_mem>>) src(%arg13 : memref<32x128xf32, #tpu.memory_space<vmem>>) dst(%dma_wait3A_1409 : memref<10112x128xf32, #tpu.memory_space<vmem_shared>>)
      } else {
      }
      %add3A_480 = arith.constant 6 : i32
      %add3A_481 = arith.addi %add3A_474, %add3A_480 : i32
      %lt3A_482 = arith.constant 320 : i32
      %lt3A_483 = arith.cmpi slt, %add3A_481, %lt3A_482 : i32
      %convert_element_type3A_484 = arith.extui %lt3A_483 : i1 to i32
      %cond3A_485 = arith.constant 0 : i32
      %cond3A_486 = arith.cmpi ne, %convert_element_type3A_484, %cond3A_485 : i32
      scf.if %cond3A_486 {
        %dma_start3A_1402 = arith.constant 3 : i32
        %dma_start3A_1403 = arith.constant 64 : i32
        %dma_start3A_1404 = tpu.memref_slice %arg6[%dma_start3A_1402, %arg0, %dma_start3A_1403] : memref<8x3x128xi32, #tpu.memory_space<vmem>> -> memref<1x1x32xi32, #tpu.memory_space<vmem>>
        %dma_start3A_1405 = tpu.memref_squeeze %dma_start3A_1404 : memref<1x1x32xi32, #tpu.memory_space<vmem>> -> memref<32xi32, #tpu.memory_space<vmem>>
        %dma_start3A_1406 = arith.constant 0 : i32
        %dma_start3A_1407 = arith.constant 0 : i32
        %dma_start3A_1408 = tpu.memref_slice %arg2[%dma_start3A_1406, %dma_start3A_1407] : memref<20000x128xf32, #tpu.memory_space<hbm>> -> memref<20000x128xf32, #tpu.memory_space<hbm>>
        tpu.enqueue_indirect_dma source(%dma_start3A_1408 : memref<20000x128xf32, #tpu.memory_space<hbm>>) target(%arg13 : memref<32x128xf32, #tpu.memory_space<vmem>>) offsets(%dma_start3A_1405 : memref<32xi32, #tpu.memory_space<vmem>>) semaphore(%arg30 : memref<!tpu.dma_semaphore, #tpu.memory_space<semaphore_mem>>)
      } else {
      }
      %jit3A_487 = arith.constant 4 : i32
      %div3A_488 = arith.divsi %add3A_474, %jit3A_487 : i32
      %sign3A_489 = arith.constant 0 : i32
      %sign3A_490 = arith.cmpi sgt, %add3A_474, %sign3A_489 : i32
      %sign3A_491 = arith.extui %sign3A_490 : i1 to i32
      %sign3A_492 = arith.constant 0 : i32
      %sign3A_493 = arith.cmpi slt, %add3A_474, %sign3A_492 : i32
      %sign3A_494 = arith.extui %sign3A_493 : i1 to i32
      %sign3A_495 = arith.subi %sign3A_491, %sign3A_494 : i32
      %sign3A_496 = arith.constant 0 : i32
      %sign3A_497 = arith.cmpi sgt, %jit3A_487, %sign3A_496 : i32
      %sign3A_498 = arith.extui %sign3A_497 : i1 to i32
      %sign3A_499 = arith.constant 0 : i32
      %sign3A_500 = arith.cmpi slt, %jit3A_487, %sign3A_499 : i32
      %sign3A_501 = arith.extui %sign3A_500 : i1 to i32
      %sign3A_502 = arith.subi %sign3A_498, %sign3A_501 : i32
      %ne3A_503 = arith.cmpi ne, %sign3A_495, %sign3A_502 : i32
      %rem3A_504 = arith.remsi %add3A_474, %jit3A_487 : i32
      %ne3A_505 = arith.constant 0 : i32
      %ne3A_506 = arith.cmpi ne, %rem3A_504, %ne3A_505 : i32
      %and3A_507 = arith.andi %ne3A_503, %ne3A_506 : i1
      %sub3A_508 = arith.constant 1 : i32
      %sub3A_509 = arith.subi %div3A_488, %sub3A_508 : i32
      %select_n3A_510 = arith.select %and3A_507, %sub3A_509, %div3A_488 : i32
      %add3A_511 = arith.constant 4 : i32
      %add3A_512 = arith.addi %select_n3A_510, %add3A_511 : i32
      %lt3A_513 = arith.constant 80 : i32
      %lt3A_514 = arith.cmpi slt, %add3A_512, %lt3A_513 : i32
      %convert_element_type3A_515 = arith.extui %lt3A_514 : i1 to i32
      %cond3A_516 = arith.constant 0 : i32
      %cond3A_517 = arith.cmpi ne, %convert_element_type3A_515, %cond3A_516 : i32
      scf.if %cond3A_517 {
        %jit3A_1402 = arith.constant 4 : i32
        %div3A_1403 = arith.divsi %add3A_474, %jit3A_1402 : i32
        %sign3A_1404 = arith.constant 0 : i32
        %sign3A_1405 = arith.cmpi sgt, %add3A_474, %sign3A_1404 : i32
        %sign3A_1406 = arith.extui %sign3A_1405 : i1 to i32
        %sign3A_1407 = arith.constant 0 : i32
        %sign3A_1408 = arith.cmpi slt, %add3A_474, %sign3A_1407 : i32
        %sign3A_1409 = arith.extui %sign3A_1408 : i1 to i32
        %sign3A_1410 = arith.subi %sign3A_1406, %sign3A_1409 : i32
        %sign3A_1411 = arith.constant 0 : i32
        %sign3A_1412 = arith.cmpi sgt, %jit3A_1402, %sign3A_1411 : i32
        %sign3A_1413 = arith.extui %sign3A_1412 : i1 to i32
        %sign3A_1414 = arith.constant 0 : i32
        %sign3A_1415 = arith.cmpi slt, %jit3A_1402, %sign3A_1414 : i32
        %sign3A_1416 = arith.extui %sign3A_1415 : i1 to i32
        %sign3A_1417 = arith.subi %sign3A_1413, %sign3A_1416 : i32
        %ne3A_1418 = arith.cmpi ne, %sign3A_1410, %sign3A_1417 : i32
        %rem3A_1419 = arith.remsi %add3A_474, %jit3A_1402 : i32
        %ne3A_1420 = arith.constant 0 : i32
        %ne3A_1421 = arith.cmpi ne, %rem3A_1419, %ne3A_1420 : i32
        %and3A_1422 = arith.andi %ne3A_1418, %ne3A_1421 : i1
        %sub3A_1423 = arith.constant 1 : i32
        %sub3A_1424 = arith.subi %div3A_1403, %sub3A_1423 : i32
        %select_n3A_1425 = arith.select %and3A_1422, %sub3A_1424, %div3A_1403 : i32
        %add3A_1426 = arith.constant 4 : i32
        %add3A_1427 = arith.addi %select_n3A_1425, %add3A_1426 : i32
        %dma_start3A_1428 = arith.constant 6 : i32
        %dma_start3A_1429 = arith.constant 0 : i32
        %dma_start3A_1430 = arith.constant 0 : i32
        %dma_start3A_1431 = tpu.memref_slice %arg6[%dma_start3A_1428, %dma_start3A_1429, %dma_start3A_1430] : memref<8x3x128xi32, #tpu.memory_space<vmem>> -> memref<1x3x128xi32, #tpu.memory_space<vmem>>
        %dma_start3A_1432 = tpu.memref_squeeze %dma_start3A_1431 : memref<1x3x128xi32, #tpu.memory_space<vmem>> -> memref<3x128xi32, #tpu.memory_space<vmem>>
        %dma_start3A_1433 = arith.constant 0 : i32
        %dma_start3A_1434 = arith.constant 0 : i32
        %dma_start3A_1435 = tpu.memref_slice %arg3[%arg1, %add3A_1427, %dma_start3A_1433, %dma_start3A_1434] : memref<16x80x3x128xi32, #tpu.memory_space<hbm>> -> memref<1x1x3x128xi32, #tpu.memory_space<hbm>>
        %dma_start3A_1436 = tpu.memref_squeeze %dma_start3A_1435 : memref<1x1x3x128xi32, #tpu.memory_space<hbm>> -> memref<3x128xi32, #tpu.memory_space<hbm>>
        %dma_start3A_1437 = arith.constant 0 : i32
        %dma_start3A_1438 = arith.constant 0 : i32
        %dma_start3A_1439 = tpu.memref_slice %arg6[%dma_start3A_1428, %dma_start3A_1437, %dma_start3A_1438] : memref<8x3x128xi32, #tpu.memory_space<vmem>> -> memref<1x3x128xi32, #tpu.memory_space<vmem>>
        %dma_start3A_1440 = tpu.memref_squeeze %dma_start3A_1439 : memref<1x3x128xi32, #tpu.memory_space<vmem>> -> memref<3x128xi32, #tpu.memory_space<vmem>>
        %dma_start3A_1441 = arith.constant 0 : i32
        %dma_start3A_1442 = arith.constant 0 : i32
        %dma_start3A_1443 = tpu.memref_slice %arg3[%arg1, %add3A_1427, %dma_start3A_1441, %dma_start3A_1442] : memref<16x80x3x128xi32, #tpu.memory_space<hbm>> -> memref<1x1x3x128xi32, #tpu.memory_space<hbm>>
        %dma_start3A_1444 = tpu.memref_squeeze %dma_start3A_1443 : memref<1x1x3x128xi32, #tpu.memory_space<hbm>> -> memref<3x128xi32, #tpu.memory_space<hbm>>
        tpu.enqueue_dma source(%dma_start3A_1444 : memref<3x128xi32, #tpu.memory_space<hbm>>) target(%dma_start3A_1440 : memref<3x128xi32, #tpu.memory_space<vmem>>) target_semaphore(%arg22 : memref<!tpu.dma_semaphore, #tpu.memory_space<semaphore_mem>>)
      } else {
      }
      %dma_wait3A_518 = arith.constant 2 : i32
      %dma_wait3A_519 = arith.constant 0 : i32
      %dma_wait3A_520 = tpu.memref_slice %arg6[%dma_wait3A_518, %arg0, %dma_wait3A_519] : memref<8x3x128xi32, #tpu.memory_space<vmem>> -> memref<1x1x32xi32, #tpu.memory_space<vmem>>
      %dma_wait3A_521 = tpu.memref_squeeze %dma_wait3A_520 : memref<1x1x32xi32, #tpu.memory_space<vmem>> -> memref<32xi32, #tpu.memory_space<vmem>>
      %dma_wait3A_522 = arith.constant 0 : i32
      %dma_wait3A_523 = arith.constant 0 : i32
      %dma_wait3A_524 = tpu.memref_slice %arg2[%dma_wait3A_522, %dma_wait3A_523] : memref<20000x128xf32, #tpu.memory_space<hbm>> -> memref<20000x128xf32, #tpu.memory_space<hbm>>
      tpu.wait_indirect_dma semaphore(%arg24 : memref<!tpu.dma_semaphore, #tpu.memory_space<semaphore_mem>>) src(%dma_wait3A_524 : memref<20000x128xf32, #tpu.memory_space<hbm>>) dst(%arg7 : memref<32x128xf32, #tpu.memory_space<vmem>>)
      %dma_start3A_525 = arith.constant 2 : i32
      %dma_start3A_526 = arith.constant 2 : i32
      %dma_start3A_527 = arith.constant 0 : i32
      %dma_start3A_528 = tpu.memref_slice %arg6[%dma_start3A_525, %dma_start3A_526, %dma_start3A_527] : memref<8x3x128xi32, #tpu.memory_space<vmem>> -> memref<1x1x32xi32, #tpu.memory_space<vmem>>
      %dma_start3A_529 = tpu.memref_squeeze %dma_start3A_528 : memref<1x1x32xi32, #tpu.memory_space<vmem>> -> memref<32xi32, #tpu.memory_space<vmem>>
      %dma_start3A_530 = arith.constant 0 : i32
      %dma_start3A_531 = arith.constant 0 : i32
      %dma_start3A_532 = tpu.memref_slice %arg15[%dma_start3A_530, %dma_start3A_531] : memref<10112x128xf32, #tpu.memory_space<vmem_shared>> -> memref<10112x128xf32, #tpu.memory_space<vmem_shared>>
      tpu.enqueue_indirect_dma source(%arg7 : memref<32x128xf32, #tpu.memory_space<vmem>>) target(%dma_start3A_532 : memref<10112x128xf32, #tpu.memory_space<vmem_shared>>) offsets(%dma_start3A_529 : memref<32xi32, #tpu.memory_space<vmem>>) semaphore(%arg32 : memref<!tpu.dma_semaphore, #tpu.memory_space<semaphore_mem>>) {add = true}
      %mul3A_533 = arith.constant 32 : i32
      %mul3A_534 = arith.muli %scan3A_172, %mul3A_533 : i32
      %add3A_535 = arith.constant 9 : i32
      %add3A_536 = arith.addi %mul3A_534, %add3A_535 : i32
      %ge3A_537 = arith.constant 2 : i32
      %ge3A_538 = arith.cmpi sge, %add3A_536, %ge3A_537 : i32
      %convert_element_type3A_539 = arith.extui %ge3A_538 : i1 to i32
      %cond3A_540 = arith.constant 0 : i32
      %cond3A_541 = arith.cmpi ne, %convert_element_type3A_539, %cond3A_540 : i32
      scf.if %cond3A_541 {
        %dma_wait3A_1402 = arith.constant 1 : i32
        %dma_wait3A_1403 = arith.constant 2 : i32
        %dma_wait3A_1404 = arith.constant 96 : i32
        %dma_wait3A_1405 = tpu.memref_slice %arg6[%dma_wait3A_1402, %dma_wait3A_1403, %dma_wait3A_1404] : memref<8x3x128xi32, #tpu.memory_space<vmem>> -> memref<1x1x32xi32, #tpu.memory_space<vmem>>
        %dma_wait3A_1406 = tpu.memref_squeeze %dma_wait3A_1405 : memref<1x1x32xi32, #tpu.memory_space<vmem>> -> memref<32xi32, #tpu.memory_space<vmem>>
        %dma_wait3A_1407 = arith.constant 0 : i32
        %dma_wait3A_1408 = arith.constant 0 : i32
        %dma_wait3A_1409 = tpu.memref_slice %arg15[%dma_wait3A_1407, %dma_wait3A_1408] : memref<10112x128xf32, #tpu.memory_space<vmem_shared>> -> memref<10112x128xf32, #tpu.memory_space<vmem_shared>>
        tpu.wait_indirect_dma semaphore(%arg39 : memref<!tpu.dma_semaphore, #tpu.memory_space<semaphore_mem>>) src(%arg14 : memref<32x128xf32, #tpu.memory_space<vmem>>) dst(%dma_wait3A_1409 : memref<10112x128xf32, #tpu.memory_space<vmem_shared>>)
      } else {
      }
      %add3A_542 = arith.constant 6 : i32
      %add3A_543 = arith.addi %add3A_536, %add3A_542 : i32
      %lt3A_544 = arith.constant 320 : i32
      %lt3A_545 = arith.cmpi slt, %add3A_543, %lt3A_544 : i32
      %convert_element_type3A_546 = arith.extui %lt3A_545 : i1 to i32
      %cond3A_547 = arith.constant 0 : i32
      %cond3A_548 = arith.cmpi ne, %convert_element_type3A_546, %cond3A_547 : i32
      scf.if %cond3A_548 {
        %dma_start3A_1402 = arith.constant 3 : i32
        %dma_start3A_1403 = arith.constant 96 : i32
        %dma_start3A_1404 = tpu.memref_slice %arg6[%dma_start3A_1402, %arg0, %dma_start3A_1403] : memref<8x3x128xi32, #tpu.memory_space<vmem>> -> memref<1x1x32xi32, #tpu.memory_space<vmem>>
        %dma_start3A_1405 = tpu.memref_squeeze %dma_start3A_1404 : memref<1x1x32xi32, #tpu.memory_space<vmem>> -> memref<32xi32, #tpu.memory_space<vmem>>
        %dma_start3A_1406 = arith.constant 0 : i32
        %dma_start3A_1407 = arith.constant 0 : i32
        %dma_start3A_1408 = tpu.memref_slice %arg2[%dma_start3A_1406, %dma_start3A_1407] : memref<20000x128xf32, #tpu.memory_space<hbm>> -> memref<20000x128xf32, #tpu.memory_space<hbm>>
        tpu.enqueue_indirect_dma source(%dma_start3A_1408 : memref<20000x128xf32, #tpu.memory_space<hbm>>) target(%arg14 : memref<32x128xf32, #tpu.memory_space<vmem>>) offsets(%dma_start3A_1405 : memref<32xi32, #tpu.memory_space<vmem>>) semaphore(%arg31 : memref<!tpu.dma_semaphore, #tpu.memory_space<semaphore_mem>>)
      } else {
      }
      %dma_wait3A_549 = arith.constant 2 : i32
      %dma_wait3A_550 = arith.constant 32 : i32
      %dma_wait3A_551 = tpu.memref_slice %arg6[%dma_wait3A_549, %arg0, %dma_wait3A_550] : memref<8x3x128xi32, #tpu.memory_space<vmem>> -> memref<1x1x32xi32, #tpu.memory_space<vmem>>
      %dma_wait3A_552 = tpu.memref_squeeze %dma_wait3A_551 : memref<1x1x32xi32, #tpu.memory_space<vmem>> -> memref<32xi32, #tpu.memory_space<vmem>>
      %dma_wait3A_553 = arith.constant 0 : i32
      %dma_wait3A_554 = arith.constant 0 : i32
      %dma_wait3A_555 = tpu.memref_slice %arg2[%dma_wait3A_553, %dma_wait3A_554] : memref<20000x128xf32, #tpu.memory_space<hbm>> -> memref<20000x128xf32, #tpu.memory_space<hbm>>
      tpu.wait_indirect_dma semaphore(%arg25 : memref<!tpu.dma_semaphore, #tpu.memory_space<semaphore_mem>>) src(%dma_wait3A_555 : memref<20000x128xf32, #tpu.memory_space<hbm>>) dst(%arg8 : memref<32x128xf32, #tpu.memory_space<vmem>>)
      %dma_start3A_556 = arith.constant 2 : i32
      %dma_start3A_557 = arith.constant 2 : i32
      %dma_start3A_558 = arith.constant 32 : i32
      %dma_start3A_559 = tpu.memref_slice %arg6[%dma_start3A_556, %dma_start3A_557, %dma_start3A_558] : memref<8x3x128xi32, #tpu.memory_space<vmem>> -> memref<1x1x32xi32, #tpu.memory_space<vmem>>
      %dma_start3A_560 = tpu.memref_squeeze %dma_start3A_559 : memref<1x1x32xi32, #tpu.memory_space<vmem>> -> memref<32xi32, #tpu.memory_space<vmem>>
      %dma_start3A_561 = arith.constant 0 : i32
      %dma_start3A_562 = arith.constant 0 : i32
      %dma_start3A_563 = tpu.memref_slice %arg15[%dma_start3A_561, %dma_start3A_562] : memref<10112x128xf32, #tpu.memory_space<vmem_shared>> -> memref<10112x128xf32, #tpu.memory_space<vmem_shared>>
      tpu.enqueue_indirect_dma source(%arg8 : memref<32x128xf32, #tpu.memory_space<vmem>>) target(%dma_start3A_563 : memref<10112x128xf32, #tpu.memory_space<vmem_shared>>) offsets(%dma_start3A_560 : memref<32xi32, #tpu.memory_space<vmem>>) semaphore(%arg33 : memref<!tpu.dma_semaphore, #tpu.memory_space<semaphore_mem>>) {add = true}
      %mul3A_564 = arith.constant 32 : i32
      %mul3A_565 = arith.muli %scan3A_172, %mul3A_564 : i32
      %add3A_566 = arith.constant 10 : i32
      %add3A_567 = arith.addi %mul3A_565, %add3A_566 : i32
      %ge3A_568 = arith.constant 2 : i32
      %ge3A_569 = arith.cmpi sge, %add3A_567, %ge3A_568 : i32
      %convert_element_type3A_570 = arith.extui %ge3A_569 : i1 to i32
      %cond3A_571 = arith.constant 0 : i32
      %cond3A_572 = arith.cmpi ne, %convert_element_type3A_570, %cond3A_571 : i32
      scf.if %cond3A_572 {
        %dma_wait3A_1402 = arith.constant 2 : i32
        %dma_wait3A_1403 = arith.constant 2 : i32
        %dma_wait3A_1404 = arith.constant 0 : i32
        %dma_wait3A_1405 = tpu.memref_slice %arg6[%dma_wait3A_1402, %dma_wait3A_1403, %dma_wait3A_1404] : memref<8x3x128xi32, #tpu.memory_space<vmem>> -> memref<1x1x32xi32, #tpu.memory_space<vmem>>
        %dma_wait3A_1406 = tpu.memref_squeeze %dma_wait3A_1405 : memref<1x1x32xi32, #tpu.memory_space<vmem>> -> memref<32xi32, #tpu.memory_space<vmem>>
        %dma_wait3A_1407 = arith.constant 0 : i32
        %dma_wait3A_1408 = arith.constant 0 : i32
        %dma_wait3A_1409 = tpu.memref_slice %arg15[%dma_wait3A_1407, %dma_wait3A_1408] : memref<10112x128xf32, #tpu.memory_space<vmem_shared>> -> memref<10112x128xf32, #tpu.memory_space<vmem_shared>>
        tpu.wait_indirect_dma semaphore(%arg32 : memref<!tpu.dma_semaphore, #tpu.memory_space<semaphore_mem>>) src(%arg7 : memref<32x128xf32, #tpu.memory_space<vmem>>) dst(%dma_wait3A_1409 : memref<10112x128xf32, #tpu.memory_space<vmem_shared>>)
      } else {
      }
      %add3A_573 = arith.constant 6 : i32
      %add3A_574 = arith.addi %add3A_567, %add3A_573 : i32
      %lt3A_575 = arith.constant 320 : i32
      %lt3A_576 = arith.cmpi slt, %add3A_574, %lt3A_575 : i32
      %convert_element_type3A_577 = arith.extui %lt3A_576 : i1 to i32
      %cond3A_578 = arith.constant 0 : i32
      %cond3A_579 = arith.cmpi ne, %convert_element_type3A_577, %cond3A_578 : i32
      scf.if %cond3A_579 {
        %dma_wait3A_1402 = arith.constant 0 : i32
        %dma_wait3A_1403 = arith.constant 4 : i32
        %dma_wait3A_1404 = arith.constant 0 : i32
        %dma_wait3A_1405 = arith.constant 0 : i32
        %dma_wait3A_1406 = tpu.memref_slice %arg6[%dma_wait3A_1403, %dma_wait3A_1404, %dma_wait3A_1405] : memref<8x3x128xi32, #tpu.memory_space<vmem>> -> memref<1x3x128xi32, #tpu.memory_space<vmem>>
        %dma_wait3A_1407 = tpu.memref_squeeze %dma_wait3A_1406 : memref<1x3x128xi32, #tpu.memory_space<vmem>> -> memref<3x128xi32, #tpu.memory_space<vmem>>
        %dma_wait3A_1408 = arith.constant 0 : i32
        %dma_wait3A_1409 = arith.constant 0 : i32
        %dma_wait3A_1410 = tpu.memref_slice %arg3[%arg1, %dma_wait3A_1402, %dma_wait3A_1408, %dma_wait3A_1409] : memref<16x80x3x128xi32, #tpu.memory_space<hbm>> -> memref<1x1x3x128xi32, #tpu.memory_space<hbm>>
        %dma_wait3A_1411 = tpu.memref_squeeze %dma_wait3A_1410 : memref<1x1x3x128xi32, #tpu.memory_space<hbm>> -> memref<3x128xi32, #tpu.memory_space<hbm>>
        %dma_wait3A_1412 = arith.constant 0 : i32
        %dma_wait3A_1413 = arith.constant 0 : i32
        %dma_wait3A_1414 = tpu.memref_slice %arg6[%dma_wait3A_1403, %dma_wait3A_1412, %dma_wait3A_1413] : memref<8x3x128xi32, #tpu.memory_space<vmem>> -> memref<1x3x128xi32, #tpu.memory_space<vmem>>
        %dma_wait3A_1415 = tpu.memref_squeeze %dma_wait3A_1414 : memref<1x3x128xi32, #tpu.memory_space<vmem>> -> memref<3x128xi32, #tpu.memory_space<vmem>>
        %dma_wait3A_1416 = arith.constant 0 : i32
        %dma_wait3A_1417 = arith.constant 0 : i32
        %dma_wait3A_1418 = tpu.memref_slice %arg3[%arg1, %dma_wait3A_1402, %dma_wait3A_1416, %dma_wait3A_1417] : memref<16x80x3x128xi32, #tpu.memory_space<hbm>> -> memref<1x1x3x128xi32, #tpu.memory_space<hbm>>
        %dma_wait3A_1419 = tpu.memref_squeeze %dma_wait3A_1418 : memref<1x1x3x128xi32, #tpu.memory_space<hbm>> -> memref<3x128xi32, #tpu.memory_space<hbm>>
        tpu.wait_dma2 semaphore(%arg20 : memref<!tpu.dma_semaphore, #tpu.memory_space<semaphore_mem>>) src(%dma_wait3A_1419 : memref<3x128xi32, #tpu.memory_space<hbm>>) dst(%dma_wait3A_1415 : memref<3x128xi32, #tpu.memory_space<vmem>>)
        %dma_start3A_1420 = arith.constant 4 : i32
        %dma_start3A_1421 = arith.constant 0 : i32
        %dma_start3A_1422 = tpu.memref_slice %arg6[%dma_start3A_1420, %arg0, %dma_start3A_1421] : memref<8x3x128xi32, #tpu.memory_space<vmem>> -> memref<1x1x32xi32, #tpu.memory_space<vmem>>
        %dma_start3A_1423 = tpu.memref_squeeze %dma_start3A_1422 : memref<1x1x32xi32, #tpu.memory_space<vmem>> -> memref<32xi32, #tpu.memory_space<vmem>>
        %dma_start3A_1424 = arith.constant 0 : i32
        %dma_start3A_1425 = arith.constant 0 : i32
        %dma_start3A_1426 = tpu.memref_slice %arg2[%dma_start3A_1424, %dma_start3A_1425] : memref<20000x128xf32, #tpu.memory_space<hbm>> -> memref<20000x128xf32, #tpu.memory_space<hbm>>
        tpu.enqueue_indirect_dma source(%dma_start3A_1426 : memref<20000x128xf32, #tpu.memory_space<hbm>>) target(%arg7 : memref<32x128xf32, #tpu.memory_space<vmem>>) offsets(%dma_start3A_1423 : memref<32xi32, #tpu.memory_space<vmem>>) semaphore(%arg24 : memref<!tpu.dma_semaphore, #tpu.memory_space<semaphore_mem>>)
      } else {
      }
      %dma_wait3A_580 = arith.constant 2 : i32
      %dma_wait3A_581 = arith.constant 64 : i32
      %dma_wait3A_582 = tpu.memref_slice %arg6[%dma_wait3A_580, %arg0, %dma_wait3A_581] : memref<8x3x128xi32, #tpu.memory_space<vmem>> -> memref<1x1x32xi32, #tpu.memory_space<vmem>>
      %dma_wait3A_583 = tpu.memref_squeeze %dma_wait3A_582 : memref<1x1x32xi32, #tpu.memory_space<vmem>> -> memref<32xi32, #tpu.memory_space<vmem>>
      %dma_wait3A_584 = arith.constant 0 : i32
      %dma_wait3A_585 = arith.constant 0 : i32
      %dma_wait3A_586 = tpu.memref_slice %arg2[%dma_wait3A_584, %dma_wait3A_585] : memref<20000x128xf32, #tpu.memory_space<hbm>> -> memref<20000x128xf32, #tpu.memory_space<hbm>>
      tpu.wait_indirect_dma semaphore(%arg26 : memref<!tpu.dma_semaphore, #tpu.memory_space<semaphore_mem>>) src(%dma_wait3A_586 : memref<20000x128xf32, #tpu.memory_space<hbm>>) dst(%arg9 : memref<32x128xf32, #tpu.memory_space<vmem>>)
      %dma_start3A_587 = arith.constant 2 : i32
      %dma_start3A_588 = arith.constant 2 : i32
      %dma_start3A_589 = arith.constant 64 : i32
      %dma_start3A_590 = tpu.memref_slice %arg6[%dma_start3A_587, %dma_start3A_588, %dma_start3A_589] : memref<8x3x128xi32, #tpu.memory_space<vmem>> -> memref<1x1x32xi32, #tpu.memory_space<vmem>>
      %dma_start3A_591 = tpu.memref_squeeze %dma_start3A_590 : memref<1x1x32xi32, #tpu.memory_space<vmem>> -> memref<32xi32, #tpu.memory_space<vmem>>
      %dma_start3A_592 = arith.constant 0 : i32
      %dma_start3A_593 = arith.constant 0 : i32
      %dma_start3A_594 = tpu.memref_slice %arg15[%dma_start3A_592, %dma_start3A_593] : memref<10112x128xf32, #tpu.memory_space<vmem_shared>> -> memref<10112x128xf32, #tpu.memory_space<vmem_shared>>
      tpu.enqueue_indirect_dma source(%arg9 : memref<32x128xf32, #tpu.memory_space<vmem>>) target(%dma_start3A_594 : memref<10112x128xf32, #tpu.memory_space<vmem_shared>>) offsets(%dma_start3A_591 : memref<32xi32, #tpu.memory_space<vmem>>) semaphore(%arg34 : memref<!tpu.dma_semaphore, #tpu.memory_space<semaphore_mem>>) {add = true}
      %mul3A_595 = arith.constant 32 : i32
      %mul3A_596 = arith.muli %scan3A_172, %mul3A_595 : i32
      %add3A_597 = arith.constant 11 : i32
      %add3A_598 = arith.addi %mul3A_596, %add3A_597 : i32
      %ge3A_599 = arith.constant 2 : i32
      %ge3A_600 = arith.cmpi sge, %add3A_598, %ge3A_599 : i32
      %convert_element_type3A_601 = arith.extui %ge3A_600 : i1 to i32
      %cond3A_602 = arith.constant 0 : i32
      %cond3A_603 = arith.cmpi ne, %convert_element_type3A_601, %cond3A_602 : i32
      scf.if %cond3A_603 {
        %dma_wait3A_1402 = arith.constant 2 : i32
        %dma_wait3A_1403 = arith.constant 2 : i32
        %dma_wait3A_1404 = arith.constant 32 : i32
        %dma_wait3A_1405 = tpu.memref_slice %arg6[%dma_wait3A_1402, %dma_wait3A_1403, %dma_wait3A_1404] : memref<8x3x128xi32, #tpu.memory_space<vmem>> -> memref<1x1x32xi32, #tpu.memory_space<vmem>>
        %dma_wait3A_1406 = tpu.memref_squeeze %dma_wait3A_1405 : memref<1x1x32xi32, #tpu.memory_space<vmem>> -> memref<32xi32, #tpu.memory_space<vmem>>
        %dma_wait3A_1407 = arith.constant 0 : i32
        %dma_wait3A_1408 = arith.constant 0 : i32
        %dma_wait3A_1409 = tpu.memref_slice %arg15[%dma_wait3A_1407, %dma_wait3A_1408] : memref<10112x128xf32, #tpu.memory_space<vmem_shared>> -> memref<10112x128xf32, #tpu.memory_space<vmem_shared>>
        tpu.wait_indirect_dma semaphore(%arg33 : memref<!tpu.dma_semaphore, #tpu.memory_space<semaphore_mem>>) src(%arg8 : memref<32x128xf32, #tpu.memory_space<vmem>>) dst(%dma_wait3A_1409 : memref<10112x128xf32, #tpu.memory_space<vmem_shared>>)
      } else {
      }
      %add3A_604 = arith.constant 6 : i32
      %add3A_605 = arith.addi %add3A_598, %add3A_604 : i32
      %lt3A_606 = arith.constant 320 : i32
      %lt3A_607 = arith.cmpi slt, %add3A_605, %lt3A_606 : i32
      %convert_element_type3A_608 = arith.extui %lt3A_607 : i1 to i32
      %cond3A_609 = arith.constant 0 : i32
      %cond3A_610 = arith.cmpi ne, %convert_element_type3A_608, %cond3A_609 : i32
      scf.if %cond3A_610 {
        %dma_start3A_1402 = arith.constant 4 : i32
        %dma_start3A_1403 = arith.constant 32 : i32
        %dma_start3A_1404 = tpu.memref_slice %arg6[%dma_start3A_1402, %arg0, %dma_start3A_1403] : memref<8x3x128xi32, #tpu.memory_space<vmem>> -> memref<1x1x32xi32, #tpu.memory_space<vmem>>
        %dma_start3A_1405 = tpu.memref_squeeze %dma_start3A_1404 : memref<1x1x32xi32, #tpu.memory_space<vmem>> -> memref<32xi32, #tpu.memory_space<vmem>>
        %dma_start3A_1406 = arith.constant 0 : i32
        %dma_start3A_1407 = arith.constant 0 : i32
        %dma_start3A_1408 = tpu.memref_slice %arg2[%dma_start3A_1406, %dma_start3A_1407] : memref<20000x128xf32, #tpu.memory_space<hbm>> -> memref<20000x128xf32, #tpu.memory_space<hbm>>
        tpu.enqueue_indirect_dma source(%dma_start3A_1408 : memref<20000x128xf32, #tpu.memory_space<hbm>>) target(%arg8 : memref<32x128xf32, #tpu.memory_space<vmem>>) offsets(%dma_start3A_1405 : memref<32xi32, #tpu.memory_space<vmem>>) semaphore(%arg25 : memref<!tpu.dma_semaphore, #tpu.memory_space<semaphore_mem>>)
      } else {
      }
      %dma_wait3A_611 = arith.constant 2 : i32
      %dma_wait3A_612 = arith.constant 96 : i32
      %dma_wait3A_613 = tpu.memref_slice %arg6[%dma_wait3A_611, %arg0, %dma_wait3A_612] : memref<8x3x128xi32, #tpu.memory_space<vmem>> -> memref<1x1x32xi32, #tpu.memory_space<vmem>>
      %dma_wait3A_614 = tpu.memref_squeeze %dma_wait3A_613 : memref<1x1x32xi32, #tpu.memory_space<vmem>> -> memref<32xi32, #tpu.memory_space<vmem>>
      %dma_wait3A_615 = arith.constant 0 : i32
      %dma_wait3A_616 = arith.constant 0 : i32
      %dma_wait3A_617 = tpu.memref_slice %arg2[%dma_wait3A_615, %dma_wait3A_616] : memref<20000x128xf32, #tpu.memory_space<hbm>> -> memref<20000x128xf32, #tpu.memory_space<hbm>>
      tpu.wait_indirect_dma semaphore(%arg27 : memref<!tpu.dma_semaphore, #tpu.memory_space<semaphore_mem>>) src(%dma_wait3A_617 : memref<20000x128xf32, #tpu.memory_space<hbm>>) dst(%arg10 : memref<32x128xf32, #tpu.memory_space<vmem>>)
      %dma_start3A_618 = arith.constant 2 : i32
      %dma_start3A_619 = arith.constant 2 : i32
      %dma_start3A_620 = arith.constant 96 : i32
      %dma_start3A_621 = tpu.memref_slice %arg6[%dma_start3A_618, %dma_start3A_619, %dma_start3A_620] : memref<8x3x128xi32, #tpu.memory_space<vmem>> -> memref<1x1x32xi32, #tpu.memory_space<vmem>>
      %dma_start3A_622 = tpu.memref_squeeze %dma_start3A_621 : memref<1x1x32xi32, #tpu.memory_space<vmem>> -> memref<32xi32, #tpu.memory_space<vmem>>
      %dma_start3A_623 = arith.constant 0 : i32
      %dma_start3A_624 = arith.constant 0 : i32
      %dma_start3A_625 = tpu.memref_slice %arg15[%dma_start3A_623, %dma_start3A_624] : memref<10112x128xf32, #tpu.memory_space<vmem_shared>> -> memref<10112x128xf32, #tpu.memory_space<vmem_shared>>
      tpu.enqueue_indirect_dma source(%arg10 : memref<32x128xf32, #tpu.memory_space<vmem>>) target(%dma_start3A_625 : memref<10112x128xf32, #tpu.memory_space<vmem_shared>>) offsets(%dma_start3A_622 : memref<32xi32, #tpu.memory_space<vmem>>) semaphore(%arg35 : memref<!tpu.dma_semaphore, #tpu.memory_space<semaphore_mem>>) {add = true}
      %mul3A_626 = arith.constant 32 : i32
      %mul3A_627 = arith.muli %scan3A_172, %mul3A_626 : i32
      %add3A_628 = arith.constant 12 : i32
      %add3A_629 = arith.addi %mul3A_627, %add3A_628 : i32
      %ge3A_630 = arith.constant 2 : i32
      %ge3A_631 = arith.cmpi sge, %add3A_629, %ge3A_630 : i32
      %convert_element_type3A_632 = arith.extui %ge3A_631 : i1 to i32
      %cond3A_633 = arith.constant 0 : i32
      %cond3A_634 = arith.cmpi ne, %convert_element_type3A_632, %cond3A_633 : i32
      scf.if %cond3A_634 {
        %dma_wait3A_1402 = arith.constant 2 : i32
        %dma_wait3A_1403 = arith.constant 2 : i32
        %dma_wait3A_1404 = arith.constant 64 : i32
        %dma_wait3A_1405 = tpu.memref_slice %arg6[%dma_wait3A_1402, %dma_wait3A_1403, %dma_wait3A_1404] : memref<8x3x128xi32, #tpu.memory_space<vmem>> -> memref<1x1x32xi32, #tpu.memory_space<vmem>>
        %dma_wait3A_1406 = tpu.memref_squeeze %dma_wait3A_1405 : memref<1x1x32xi32, #tpu.memory_space<vmem>> -> memref<32xi32, #tpu.memory_space<vmem>>
        %dma_wait3A_1407 = arith.constant 0 : i32
        %dma_wait3A_1408 = arith.constant 0 : i32
        %dma_wait3A_1409 = tpu.memref_slice %arg15[%dma_wait3A_1407, %dma_wait3A_1408] : memref<10112x128xf32, #tpu.memory_space<vmem_shared>> -> memref<10112x128xf32, #tpu.memory_space<vmem_shared>>
        tpu.wait_indirect_dma semaphore(%arg34 : memref<!tpu.dma_semaphore, #tpu.memory_space<semaphore_mem>>) src(%arg9 : memref<32x128xf32, #tpu.memory_space<vmem>>) dst(%dma_wait3A_1409 : memref<10112x128xf32, #tpu.memory_space<vmem_shared>>)
      } else {
      }
      %add3A_635 = arith.constant 6 : i32
      %add3A_636 = arith.addi %add3A_629, %add3A_635 : i32
      %lt3A_637 = arith.constant 320 : i32
      %lt3A_638 = arith.cmpi slt, %add3A_636, %lt3A_637 : i32
      %convert_element_type3A_639 = arith.extui %lt3A_638 : i1 to i32
      %cond3A_640 = arith.constant 0 : i32
      %cond3A_641 = arith.cmpi ne, %convert_element_type3A_639, %cond3A_640 : i32
      scf.if %cond3A_641 {
        %dma_start3A_1402 = arith.constant 4 : i32
        %dma_start3A_1403 = arith.constant 64 : i32
        %dma_start3A_1404 = tpu.memref_slice %arg6[%dma_start3A_1402, %arg0, %dma_start3A_1403] : memref<8x3x128xi32, #tpu.memory_space<vmem>> -> memref<1x1x32xi32, #tpu.memory_space<vmem>>
        %dma_start3A_1405 = tpu.memref_squeeze %dma_start3A_1404 : memref<1x1x32xi32, #tpu.memory_space<vmem>> -> memref<32xi32, #tpu.memory_space<vmem>>
        %dma_start3A_1406 = arith.constant 0 : i32
        %dma_start3A_1407 = arith.constant 0 : i32
        %dma_start3A_1408 = tpu.memref_slice %arg2[%dma_start3A_1406, %dma_start3A_1407] : memref<20000x128xf32, #tpu.memory_space<hbm>> -> memref<20000x128xf32, #tpu.memory_space<hbm>>
        tpu.enqueue_indirect_dma source(%dma_start3A_1408 : memref<20000x128xf32, #tpu.memory_space<hbm>>) target(%arg9 : memref<32x128xf32, #tpu.memory_space<vmem>>) offsets(%dma_start3A_1405 : memref<32xi32, #tpu.memory_space<vmem>>) semaphore(%arg26 : memref<!tpu.dma_semaphore, #tpu.memory_space<semaphore_mem>>)
      } else {
      }
      %jit3A_642 = arith.constant 4 : i32
      %div3A_643 = arith.divsi %add3A_629, %jit3A_642 : i32
      %sign3A_644 = arith.constant 0 : i32
      %sign3A_645 = arith.cmpi sgt, %add3A_629, %sign3A_644 : i32
      %sign3A_646 = arith.extui %sign3A_645 : i1 to i32
      %sign3A_647 = arith.constant 0 : i32
      %sign3A_648 = arith.cmpi slt, %add3A_629, %sign3A_647 : i32
      %sign3A_649 = arith.extui %sign3A_648 : i1 to i32
      %sign3A_650 = arith.subi %sign3A_646, %sign3A_649 : i32
      %sign3A_651 = arith.constant 0 : i32
      %sign3A_652 = arith.cmpi sgt, %jit3A_642, %sign3A_651 : i32
      %sign3A_653 = arith.extui %sign3A_652 : i1 to i32
      %sign3A_654 = arith.constant 0 : i32
      %sign3A_655 = arith.cmpi slt, %jit3A_642, %sign3A_654 : i32
      %sign3A_656 = arith.extui %sign3A_655 : i1 to i32
      %sign3A_657 = arith.subi %sign3A_653, %sign3A_656 : i32
      %ne3A_658 = arith.cmpi ne, %sign3A_650, %sign3A_657 : i32
      %rem3A_659 = arith.remsi %add3A_629, %jit3A_642 : i32
      %ne3A_660 = arith.constant 0 : i32
      %ne3A_661 = arith.cmpi ne, %rem3A_659, %ne3A_660 : i32
      %and3A_662 = arith.andi %ne3A_658, %ne3A_661 : i1
      %sub3A_663 = arith.constant 1 : i32
      %sub3A_664 = arith.subi %div3A_643, %sub3A_663 : i32
      %select_n3A_665 = arith.select %and3A_662, %sub3A_664, %div3A_643 : i32
      %add3A_666 = arith.constant 4 : i32
      %add3A_667 = arith.addi %select_n3A_665, %add3A_666 : i32
      %lt3A_668 = arith.constant 80 : i32
      %lt3A_669 = arith.cmpi slt, %add3A_667, %lt3A_668 : i32
      %convert_element_type3A_670 = arith.extui %lt3A_669 : i1 to i32
      %cond3A_671 = arith.constant 0 : i32
      %cond3A_672 = arith.cmpi ne, %convert_element_type3A_670, %cond3A_671 : i32
      scf.if %cond3A_672 {
        %jit3A_1402 = arith.constant 4 : i32
        %div3A_1403 = arith.divsi %add3A_629, %jit3A_1402 : i32
        %sign3A_1404 = arith.constant 0 : i32
        %sign3A_1405 = arith.cmpi sgt, %add3A_629, %sign3A_1404 : i32
        %sign3A_1406 = arith.extui %sign3A_1405 : i1 to i32
        %sign3A_1407 = arith.constant 0 : i32
        %sign3A_1408 = arith.cmpi slt, %add3A_629, %sign3A_1407 : i32
        %sign3A_1409 = arith.extui %sign3A_1408 : i1 to i32
        %sign3A_1410 = arith.subi %sign3A_1406, %sign3A_1409 : i32
        %sign3A_1411 = arith.constant 0 : i32
        %sign3A_1412 = arith.cmpi sgt, %jit3A_1402, %sign3A_1411 : i32
        %sign3A_1413 = arith.extui %sign3A_1412 : i1 to i32
        %sign3A_1414 = arith.constant 0 : i32
        %sign3A_1415 = arith.cmpi slt, %jit3A_1402, %sign3A_1414 : i32
        %sign3A_1416 = arith.extui %sign3A_1415 : i1 to i32
        %sign3A_1417 = arith.subi %sign3A_1413, %sign3A_1416 : i32
        %ne3A_1418 = arith.cmpi ne, %sign3A_1410, %sign3A_1417 : i32
        %rem3A_1419 = arith.remsi %add3A_629, %jit3A_1402 : i32
        %ne3A_1420 = arith.constant 0 : i32
        %ne3A_1421 = arith.cmpi ne, %rem3A_1419, %ne3A_1420 : i32
        %and3A_1422 = arith.andi %ne3A_1418, %ne3A_1421 : i1
        %sub3A_1423 = arith.constant 1 : i32
        %sub3A_1424 = arith.subi %div3A_1403, %sub3A_1423 : i32
        %select_n3A_1425 = arith.select %and3A_1422, %sub3A_1424, %div3A_1403 : i32
        %add3A_1426 = arith.constant 4 : i32
        %add3A_1427 = arith.addi %select_n3A_1425, %add3A_1426 : i32
        %dma_start3A_1428 = arith.constant 7 : i32
        %dma_start3A_1429 = arith.constant 0 : i32
        %dma_start3A_1430 = arith.constant 0 : i32
        %dma_start3A_1431 = tpu.memref_slice %arg6[%dma_start3A_1428, %dma_start3A_1429, %dma_start3A_1430] : memref<8x3x128xi32, #tpu.memory_space<vmem>> -> memref<1x3x128xi32, #tpu.memory_space<vmem>>
        %dma_start3A_1432 = tpu.memref_squeeze %dma_start3A_1431 : memref<1x3x128xi32, #tpu.memory_space<vmem>> -> memref<3x128xi32, #tpu.memory_space<vmem>>
        %dma_start3A_1433 = arith.constant 0 : i32
        %dma_start3A_1434 = arith.constant 0 : i32
        %dma_start3A_1435 = tpu.memref_slice %arg3[%arg1, %add3A_1427, %dma_start3A_1433, %dma_start3A_1434] : memref<16x80x3x128xi32, #tpu.memory_space<hbm>> -> memref<1x1x3x128xi32, #tpu.memory_space<hbm>>
        %dma_start3A_1436 = tpu.memref_squeeze %dma_start3A_1435 : memref<1x1x3x128xi32, #tpu.memory_space<hbm>> -> memref<3x128xi32, #tpu.memory_space<hbm>>
        %dma_start3A_1437 = arith.constant 0 : i32
        %dma_start3A_1438 = arith.constant 0 : i32
        %dma_start3A_1439 = tpu.memref_slice %arg6[%dma_start3A_1428, %dma_start3A_1437, %dma_start3A_1438] : memref<8x3x128xi32, #tpu.memory_space<vmem>> -> memref<1x3x128xi32, #tpu.memory_space<vmem>>
        %dma_start3A_1440 = tpu.memref_squeeze %dma_start3A_1439 : memref<1x3x128xi32, #tpu.memory_space<vmem>> -> memref<3x128xi32, #tpu.memory_space<vmem>>
        %dma_start3A_1441 = arith.constant 0 : i32
        %dma_start3A_1442 = arith.constant 0 : i32
        %dma_start3A_1443 = tpu.memref_slice %arg3[%arg1, %add3A_1427, %dma_start3A_1441, %dma_start3A_1442] : memref<16x80x3x128xi32, #tpu.memory_space<hbm>> -> memref<1x1x3x128xi32, #tpu.memory_space<hbm>>
        %dma_start3A_1444 = tpu.memref_squeeze %dma_start3A_1443 : memref<1x1x3x128xi32, #tpu.memory_space<hbm>> -> memref<3x128xi32, #tpu.memory_space<hbm>>
        tpu.enqueue_dma source(%dma_start3A_1444 : memref<3x128xi32, #tpu.memory_space<hbm>>) target(%dma_start3A_1440 : memref<3x128xi32, #tpu.memory_space<vmem>>) target_semaphore(%arg23 : memref<!tpu.dma_semaphore, #tpu.memory_space<semaphore_mem>>)
      } else {
      }
      %dma_wait3A_673 = arith.constant 3 : i32
      %dma_wait3A_674 = arith.constant 0 : i32
      %dma_wait3A_675 = tpu.memref_slice %arg6[%dma_wait3A_673, %arg0, %dma_wait3A_674] : memref<8x3x128xi32, #tpu.memory_space<vmem>> -> memref<1x1x32xi32, #tpu.memory_space<vmem>>
      %dma_wait3A_676 = tpu.memref_squeeze %dma_wait3A_675 : memref<1x1x32xi32, #tpu.memory_space<vmem>> -> memref<32xi32, #tpu.memory_space<vmem>>
      %dma_wait3A_677 = arith.constant 0 : i32
      %dma_wait3A_678 = arith.constant 0 : i32
      %dma_wait3A_679 = tpu.memref_slice %arg2[%dma_wait3A_677, %dma_wait3A_678] : memref<20000x128xf32, #tpu.memory_space<hbm>> -> memref<20000x128xf32, #tpu.memory_space<hbm>>
      tpu.wait_indirect_dma semaphore(%arg28 : memref<!tpu.dma_semaphore, #tpu.memory_space<semaphore_mem>>) src(%dma_wait3A_679 : memref<20000x128xf32, #tpu.memory_space<hbm>>) dst(%arg11 : memref<32x128xf32, #tpu.memory_space<vmem>>)
      %dma_start3A_680 = arith.constant 3 : i32
      %dma_start3A_681 = arith.constant 2 : i32
      %dma_start3A_682 = arith.constant 0 : i32
      %dma_start3A_683 = tpu.memref_slice %arg6[%dma_start3A_680, %dma_start3A_681, %dma_start3A_682] : memref<8x3x128xi32, #tpu.memory_space<vmem>> -> memref<1x1x32xi32, #tpu.memory_space<vmem>>
      %dma_start3A_684 = tpu.memref_squeeze %dma_start3A_683 : memref<1x1x32xi32, #tpu.memory_space<vmem>> -> memref<32xi32, #tpu.memory_space<vmem>>
      %dma_start3A_685 = arith.constant 0 : i32
      %dma_start3A_686 = arith.constant 0 : i32
      %dma_start3A_687 = tpu.memref_slice %arg15[%dma_start3A_685, %dma_start3A_686] : memref<10112x128xf32, #tpu.memory_space<vmem_shared>> -> memref<10112x128xf32, #tpu.memory_space<vmem_shared>>
      tpu.enqueue_indirect_dma source(%arg11 : memref<32x128xf32, #tpu.memory_space<vmem>>) target(%dma_start3A_687 : memref<10112x128xf32, #tpu.memory_space<vmem_shared>>) offsets(%dma_start3A_684 : memref<32xi32, #tpu.memory_space<vmem>>) semaphore(%arg36 : memref<!tpu.dma_semaphore, #tpu.memory_space<semaphore_mem>>) {add = true}
      %mul3A_688 = arith.constant 32 : i32
      %mul3A_689 = arith.muli %scan3A_172, %mul3A_688 : i32
      %add3A_690 = arith.constant 13 : i32
      %add3A_691 = arith.addi %mul3A_689, %add3A_690 : i32
      %ge3A_692 = arith.constant 2 : i32
      %ge3A_693 = arith.cmpi sge, %add3A_691, %ge3A_692 : i32
      %convert_element_type3A_694 = arith.extui %ge3A_693 : i1 to i32
      %cond3A_695 = arith.constant 0 : i32
      %cond3A_696 = arith.cmpi ne, %convert_element_type3A_694, %cond3A_695 : i32
      scf.if %cond3A_696 {
        %dma_wait3A_1402 = arith.constant 2 : i32
        %dma_wait3A_1403 = arith.constant 2 : i32
        %dma_wait3A_1404 = arith.constant 96 : i32
        %dma_wait3A_1405 = tpu.memref_slice %arg6[%dma_wait3A_1402, %dma_wait3A_1403, %dma_wait3A_1404] : memref<8x3x128xi32, #tpu.memory_space<vmem>> -> memref<1x1x32xi32, #tpu.memory_space<vmem>>
        %dma_wait3A_1406 = tpu.memref_squeeze %dma_wait3A_1405 : memref<1x1x32xi32, #tpu.memory_space<vmem>> -> memref<32xi32, #tpu.memory_space<vmem>>
        %dma_wait3A_1407 = arith.constant 0 : i32
        %dma_wait3A_1408 = arith.constant 0 : i32
        %dma_wait3A_1409 = tpu.memref_slice %arg15[%dma_wait3A_1407, %dma_wait3A_1408] : memref<10112x128xf32, #tpu.memory_space<vmem_shared>> -> memref<10112x128xf32, #tpu.memory_space<vmem_shared>>
        tpu.wait_indirect_dma semaphore(%arg35 : memref<!tpu.dma_semaphore, #tpu.memory_space<semaphore_mem>>) src(%arg10 : memref<32x128xf32, #tpu.memory_space<vmem>>) dst(%dma_wait3A_1409 : memref<10112x128xf32, #tpu.memory_space<vmem_shared>>)
      } else {
      }
      %add3A_697 = arith.constant 6 : i32
      %add3A_698 = arith.addi %add3A_691, %add3A_697 : i32
      %lt3A_699 = arith.constant 320 : i32
      %lt3A_700 = arith.cmpi slt, %add3A_698, %lt3A_699 : i32
      %convert_element_type3A_701 = arith.extui %lt3A_700 : i1 to i32
      %cond3A_702 = arith.constant 0 : i32
      %cond3A_703 = arith.cmpi ne, %convert_element_type3A_701, %cond3A_702 : i32
      scf.if %cond3A_703 {
        %dma_start3A_1402 = arith.constant 4 : i32
        %dma_start3A_1403 = arith.constant 96 : i32
        %dma_start3A_1404 = tpu.memref_slice %arg6[%dma_start3A_1402, %arg0, %dma_start3A_1403] : memref<8x3x128xi32, #tpu.memory_space<vmem>> -> memref<1x1x32xi32, #tpu.memory_space<vmem>>
        %dma_start3A_1405 = tpu.memref_squeeze %dma_start3A_1404 : memref<1x1x32xi32, #tpu.memory_space<vmem>> -> memref<32xi32, #tpu.memory_space<vmem>>
        %dma_start3A_1406 = arith.constant 0 : i32
        %dma_start3A_1407 = arith.constant 0 : i32
        %dma_start3A_1408 = tpu.memref_slice %arg2[%dma_start3A_1406, %dma_start3A_1407] : memref<20000x128xf32, #tpu.memory_space<hbm>> -> memref<20000x128xf32, #tpu.memory_space<hbm>>
        tpu.enqueue_indirect_dma source(%dma_start3A_1408 : memref<20000x128xf32, #tpu.memory_space<hbm>>) target(%arg10 : memref<32x128xf32, #tpu.memory_space<vmem>>) offsets(%dma_start3A_1405 : memref<32xi32, #tpu.memory_space<vmem>>) semaphore(%arg27 : memref<!tpu.dma_semaphore, #tpu.memory_space<semaphore_mem>>)
      } else {
      }
      %dma_wait3A_704 = arith.constant 3 : i32
      %dma_wait3A_705 = arith.constant 32 : i32
      %dma_wait3A_706 = tpu.memref_slice %arg6[%dma_wait3A_704, %arg0, %dma_wait3A_705] : memref<8x3x128xi32, #tpu.memory_space<vmem>> -> memref<1x1x32xi32, #tpu.memory_space<vmem>>
      %dma_wait3A_707 = tpu.memref_squeeze %dma_wait3A_706 : memref<1x1x32xi32, #tpu.memory_space<vmem>> -> memref<32xi32, #tpu.memory_space<vmem>>
      %dma_wait3A_708 = arith.constant 0 : i32
      %dma_wait3A_709 = arith.constant 0 : i32
      %dma_wait3A_710 = tpu.memref_slice %arg2[%dma_wait3A_708, %dma_wait3A_709] : memref<20000x128xf32, #tpu.memory_space<hbm>> -> memref<20000x128xf32, #tpu.memory_space<hbm>>
      tpu.wait_indirect_dma semaphore(%arg29 : memref<!tpu.dma_semaphore, #tpu.memory_space<semaphore_mem>>) src(%dma_wait3A_710 : memref<20000x128xf32, #tpu.memory_space<hbm>>) dst(%arg12 : memref<32x128xf32, #tpu.memory_space<vmem>>)
      %dma_start3A_711 = arith.constant 3 : i32
      %dma_start3A_712 = arith.constant 2 : i32
      %dma_start3A_713 = arith.constant 32 : i32
      %dma_start3A_714 = tpu.memref_slice %arg6[%dma_start3A_711, %dma_start3A_712, %dma_start3A_713] : memref<8x3x128xi32, #tpu.memory_space<vmem>> -> memref<1x1x32xi32, #tpu.memory_space<vmem>>
      %dma_start3A_715 = tpu.memref_squeeze %dma_start3A_714 : memref<1x1x32xi32, #tpu.memory_space<vmem>> -> memref<32xi32, #tpu.memory_space<vmem>>
      %dma_start3A_716 = arith.constant 0 : i32
      %dma_start3A_717 = arith.constant 0 : i32
      %dma_start3A_718 = tpu.memref_slice %arg15[%dma_start3A_716, %dma_start3A_717] : memref<10112x128xf32, #tpu.memory_space<vmem_shared>> -> memref<10112x128xf32, #tpu.memory_space<vmem_shared>>
      tpu.enqueue_indirect_dma source(%arg12 : memref<32x128xf32, #tpu.memory_space<vmem>>) target(%dma_start3A_718 : memref<10112x128xf32, #tpu.memory_space<vmem_shared>>) offsets(%dma_start3A_715 : memref<32xi32, #tpu.memory_space<vmem>>) semaphore(%arg37 : memref<!tpu.dma_semaphore, #tpu.memory_space<semaphore_mem>>) {add = true}
      %mul3A_719 = arith.constant 32 : i32
      %mul3A_720 = arith.muli %scan3A_172, %mul3A_719 : i32
      %add3A_721 = arith.constant 14 : i32
      %add3A_722 = arith.addi %mul3A_720, %add3A_721 : i32
      %ge3A_723 = arith.constant 2 : i32
      %ge3A_724 = arith.cmpi sge, %add3A_722, %ge3A_723 : i32
      %convert_element_type3A_725 = arith.extui %ge3A_724 : i1 to i32
      %cond3A_726 = arith.constant 0 : i32
      %cond3A_727 = arith.cmpi ne, %convert_element_type3A_725, %cond3A_726 : i32
      scf.if %cond3A_727 {
        %dma_wait3A_1402 = arith.constant 3 : i32
        %dma_wait3A_1403 = arith.constant 2 : i32
        %dma_wait3A_1404 = arith.constant 0 : i32
        %dma_wait3A_1405 = tpu.memref_slice %arg6[%dma_wait3A_1402, %dma_wait3A_1403, %dma_wait3A_1404] : memref<8x3x128xi32, #tpu.memory_space<vmem>> -> memref<1x1x32xi32, #tpu.memory_space<vmem>>
        %dma_wait3A_1406 = tpu.memref_squeeze %dma_wait3A_1405 : memref<1x1x32xi32, #tpu.memory_space<vmem>> -> memref<32xi32, #tpu.memory_space<vmem>>
        %dma_wait3A_1407 = arith.constant 0 : i32
        %dma_wait3A_1408 = arith.constant 0 : i32
        %dma_wait3A_1409 = tpu.memref_slice %arg15[%dma_wait3A_1407, %dma_wait3A_1408] : memref<10112x128xf32, #tpu.memory_space<vmem_shared>> -> memref<10112x128xf32, #tpu.memory_space<vmem_shared>>
        tpu.wait_indirect_dma semaphore(%arg36 : memref<!tpu.dma_semaphore, #tpu.memory_space<semaphore_mem>>) src(%arg11 : memref<32x128xf32, #tpu.memory_space<vmem>>) dst(%dma_wait3A_1409 : memref<10112x128xf32, #tpu.memory_space<vmem_shared>>)
      } else {
      }
      %add3A_728 = arith.constant 6 : i32
      %add3A_729 = arith.addi %add3A_722, %add3A_728 : i32
      %lt3A_730 = arith.constant 320 : i32
      %lt3A_731 = arith.cmpi slt, %add3A_729, %lt3A_730 : i32
      %convert_element_type3A_732 = arith.extui %lt3A_731 : i1 to i32
      %cond3A_733 = arith.constant 0 : i32
      %cond3A_734 = arith.cmpi ne, %convert_element_type3A_732, %cond3A_733 : i32
      scf.if %cond3A_734 {
        %dma_wait3A_1402 = arith.constant 0 : i32
        %dma_wait3A_1403 = arith.constant 5 : i32
        %dma_wait3A_1404 = arith.constant 0 : i32
        %dma_wait3A_1405 = arith.constant 0 : i32
        %dma_wait3A_1406 = tpu.memref_slice %arg6[%dma_wait3A_1403, %dma_wait3A_1404, %dma_wait3A_1405] : memref<8x3x128xi32, #tpu.memory_space<vmem>> -> memref<1x3x128xi32, #tpu.memory_space<vmem>>
        %dma_wait3A_1407 = tpu.memref_squeeze %dma_wait3A_1406 : memref<1x3x128xi32, #tpu.memory_space<vmem>> -> memref<3x128xi32, #tpu.memory_space<vmem>>
        %dma_wait3A_1408 = arith.constant 0 : i32
        %dma_wait3A_1409 = arith.constant 0 : i32
        %dma_wait3A_1410 = tpu.memref_slice %arg3[%arg1, %dma_wait3A_1402, %dma_wait3A_1408, %dma_wait3A_1409] : memref<16x80x3x128xi32, #tpu.memory_space<hbm>> -> memref<1x1x3x128xi32, #tpu.memory_space<hbm>>
        %dma_wait3A_1411 = tpu.memref_squeeze %dma_wait3A_1410 : memref<1x1x3x128xi32, #tpu.memory_space<hbm>> -> memref<3x128xi32, #tpu.memory_space<hbm>>
        %dma_wait3A_1412 = arith.constant 0 : i32
        %dma_wait3A_1413 = arith.constant 0 : i32
        %dma_wait3A_1414 = tpu.memref_slice %arg6[%dma_wait3A_1403, %dma_wait3A_1412, %dma_wait3A_1413] : memref<8x3x128xi32, #tpu.memory_space<vmem>> -> memref<1x3x128xi32, #tpu.memory_space<vmem>>
        %dma_wait3A_1415 = tpu.memref_squeeze %dma_wait3A_1414 : memref<1x3x128xi32, #tpu.memory_space<vmem>> -> memref<3x128xi32, #tpu.memory_space<vmem>>
        %dma_wait3A_1416 = arith.constant 0 : i32
        %dma_wait3A_1417 = arith.constant 0 : i32
        %dma_wait3A_1418 = tpu.memref_slice %arg3[%arg1, %dma_wait3A_1402, %dma_wait3A_1416, %dma_wait3A_1417] : memref<16x80x3x128xi32, #tpu.memory_space<hbm>> -> memref<1x1x3x128xi32, #tpu.memory_space<hbm>>
        %dma_wait3A_1419 = tpu.memref_squeeze %dma_wait3A_1418 : memref<1x1x3x128xi32, #tpu.memory_space<hbm>> -> memref<3x128xi32, #tpu.memory_space<hbm>>
        tpu.wait_dma2 semaphore(%arg21 : memref<!tpu.dma_semaphore, #tpu.memory_space<semaphore_mem>>) src(%dma_wait3A_1419 : memref<3x128xi32, #tpu.memory_space<hbm>>) dst(%dma_wait3A_1415 : memref<3x128xi32, #tpu.memory_space<vmem>>)
        %dma_start3A_1420 = arith.constant 5 : i32
        %dma_start3A_1421 = arith.constant 0 : i32
        %dma_start3A_1422 = tpu.memref_slice %arg6[%dma_start3A_1420, %arg0, %dma_start3A_1421] : memref<8x3x128xi32, #tpu.memory_space<vmem>> -> memref<1x1x32xi32, #tpu.memory_space<vmem>>
        %dma_start3A_1423 = tpu.memref_squeeze %dma_start3A_1422 : memref<1x1x32xi32, #tpu.memory_space<vmem>> -> memref<32xi32, #tpu.memory_space<vmem>>
        %dma_start3A_1424 = arith.constant 0 : i32
        %dma_start3A_1425 = arith.constant 0 : i32
        %dma_start3A_1426 = tpu.memref_slice %arg2[%dma_start3A_1424, %dma_start3A_1425] : memref<20000x128xf32, #tpu.memory_space<hbm>> -> memref<20000x128xf32, #tpu.memory_space<hbm>>
        tpu.enqueue_indirect_dma source(%dma_start3A_1426 : memref<20000x128xf32, #tpu.memory_space<hbm>>) target(%arg11 : memref<32x128xf32, #tpu.memory_space<vmem>>) offsets(%dma_start3A_1423 : memref<32xi32, #tpu.memory_space<vmem>>) semaphore(%arg28 : memref<!tpu.dma_semaphore, #tpu.memory_space<semaphore_mem>>)
      } else {
      }
      %dma_wait3A_735 = arith.constant 3 : i32
      %dma_wait3A_736 = arith.constant 64 : i32
      %dma_wait3A_737 = tpu.memref_slice %arg6[%dma_wait3A_735, %arg0, %dma_wait3A_736] : memref<8x3x128xi32, #tpu.memory_space<vmem>> -> memref<1x1x32xi32, #tpu.memory_space<vmem>>
      %dma_wait3A_738 = tpu.memref_squeeze %dma_wait3A_737 : memref<1x1x32xi32, #tpu.memory_space<vmem>> -> memref<32xi32, #tpu.memory_space<vmem>>
      %dma_wait3A_739 = arith.constant 0 : i32
      %dma_wait3A_740 = arith.constant 0 : i32
      %dma_wait3A_741 = tpu.memref_slice %arg2[%dma_wait3A_739, %dma_wait3A_740] : memref<20000x128xf32, #tpu.memory_space<hbm>> -> memref<20000x128xf32, #tpu.memory_space<hbm>>
      tpu.wait_indirect_dma semaphore(%arg30 : memref<!tpu.dma_semaphore, #tpu.memory_space<semaphore_mem>>) src(%dma_wait3A_741 : memref<20000x128xf32, #tpu.memory_space<hbm>>) dst(%arg13 : memref<32x128xf32, #tpu.memory_space<vmem>>)
      %dma_start3A_742 = arith.constant 3 : i32
      %dma_start3A_743 = arith.constant 2 : i32
      %dma_start3A_744 = arith.constant 64 : i32
      %dma_start3A_745 = tpu.memref_slice %arg6[%dma_start3A_742, %dma_start3A_743, %dma_start3A_744] : memref<8x3x128xi32, #tpu.memory_space<vmem>> -> memref<1x1x32xi32, #tpu.memory_space<vmem>>
      %dma_start3A_746 = tpu.memref_squeeze %dma_start3A_745 : memref<1x1x32xi32, #tpu.memory_space<vmem>> -> memref<32xi32, #tpu.memory_space<vmem>>
      %dma_start3A_747 = arith.constant 0 : i32
      %dma_start3A_748 = arith.constant 0 : i32
      %dma_start3A_749 = tpu.memref_slice %arg15[%dma_start3A_747, %dma_start3A_748] : memref<10112x128xf32, #tpu.memory_space<vmem_shared>> -> memref<10112x128xf32, #tpu.memory_space<vmem_shared>>
      tpu.enqueue_indirect_dma source(%arg13 : memref<32x128xf32, #tpu.memory_space<vmem>>) target(%dma_start3A_749 : memref<10112x128xf32, #tpu.memory_space<vmem_shared>>) offsets(%dma_start3A_746 : memref<32xi32, #tpu.memory_space<vmem>>) semaphore(%arg38 : memref<!tpu.dma_semaphore, #tpu.memory_space<semaphore_mem>>) {add = true}
      %mul3A_750 = arith.constant 32 : i32
      %mul3A_751 = arith.muli %scan3A_172, %mul3A_750 : i32
      %add3A_752 = arith.constant 15 : i32
      %add3A_753 = arith.addi %mul3A_751, %add3A_752 : i32
      %ge3A_754 = arith.constant 2 : i32
      %ge3A_755 = arith.cmpi sge, %add3A_753, %ge3A_754 : i32
      %convert_element_type3A_756 = arith.extui %ge3A_755 : i1 to i32
      %cond3A_757 = arith.constant 0 : i32
      %cond3A_758 = arith.cmpi ne, %convert_element_type3A_756, %cond3A_757 : i32
      scf.if %cond3A_758 {
        %dma_wait3A_1402 = arith.constant 3 : i32
        %dma_wait3A_1403 = arith.constant 2 : i32
        %dma_wait3A_1404 = arith.constant 32 : i32
        %dma_wait3A_1405 = tpu.memref_slice %arg6[%dma_wait3A_1402, %dma_wait3A_1403, %dma_wait3A_1404] : memref<8x3x128xi32, #tpu.memory_space<vmem>> -> memref<1x1x32xi32, #tpu.memory_space<vmem>>
        %dma_wait3A_1406 = tpu.memref_squeeze %dma_wait3A_1405 : memref<1x1x32xi32, #tpu.memory_space<vmem>> -> memref<32xi32, #tpu.memory_space<vmem>>
        %dma_wait3A_1407 = arith.constant 0 : i32
        %dma_wait3A_1408 = arith.constant 0 : i32
        %dma_wait3A_1409 = tpu.memref_slice %arg15[%dma_wait3A_1407, %dma_wait3A_1408] : memref<10112x128xf32, #tpu.memory_space<vmem_shared>> -> memref<10112x128xf32, #tpu.memory_space<vmem_shared>>
        tpu.wait_indirect_dma semaphore(%arg37 : memref<!tpu.dma_semaphore, #tpu.memory_space<semaphore_mem>>) src(%arg12 : memref<32x128xf32, #tpu.memory_space<vmem>>) dst(%dma_wait3A_1409 : memref<10112x128xf32, #tpu.memory_space<vmem_shared>>)
      } else {
      }
      %add3A_759 = arith.constant 6 : i32
      %add3A_760 = arith.addi %add3A_753, %add3A_759 : i32
      %lt3A_761 = arith.constant 320 : i32
      %lt3A_762 = arith.cmpi slt, %add3A_760, %lt3A_761 : i32
      %convert_element_type3A_763 = arith.extui %lt3A_762 : i1 to i32
      %cond3A_764 = arith.constant 0 : i32
      %cond3A_765 = arith.cmpi ne, %convert_element_type3A_763, %cond3A_764 : i32
      scf.if %cond3A_765 {
        %dma_start3A_1402 = arith.constant 5 : i32
        %dma_start3A_1403 = arith.constant 32 : i32
        %dma_start3A_1404 = tpu.memref_slice %arg6[%dma_start3A_1402, %arg0, %dma_start3A_1403] : memref<8x3x128xi32, #tpu.memory_space<vmem>> -> memref<1x1x32xi32, #tpu.memory_space<vmem>>
        %dma_start3A_1405 = tpu.memref_squeeze %dma_start3A_1404 : memref<1x1x32xi32, #tpu.memory_space<vmem>> -> memref<32xi32, #tpu.memory_space<vmem>>
        %dma_start3A_1406 = arith.constant 0 : i32
        %dma_start3A_1407 = arith.constant 0 : i32
        %dma_start3A_1408 = tpu.memref_slice %arg2[%dma_start3A_1406, %dma_start3A_1407] : memref<20000x128xf32, #tpu.memory_space<hbm>> -> memref<20000x128xf32, #tpu.memory_space<hbm>>
        tpu.enqueue_indirect_dma source(%dma_start3A_1408 : memref<20000x128xf32, #tpu.memory_space<hbm>>) target(%arg12 : memref<32x128xf32, #tpu.memory_space<vmem>>) offsets(%dma_start3A_1405 : memref<32xi32, #tpu.memory_space<vmem>>) semaphore(%arg29 : memref<!tpu.dma_semaphore, #tpu.memory_space<semaphore_mem>>)
      } else {
      }
      %dma_wait3A_766 = arith.constant 3 : i32
      %dma_wait3A_767 = arith.constant 96 : i32
      %dma_wait3A_768 = tpu.memref_slice %arg6[%dma_wait3A_766, %arg0, %dma_wait3A_767] : memref<8x3x128xi32, #tpu.memory_space<vmem>> -> memref<1x1x32xi32, #tpu.memory_space<vmem>>
      %dma_wait3A_769 = tpu.memref_squeeze %dma_wait3A_768 : memref<1x1x32xi32, #tpu.memory_space<vmem>> -> memref<32xi32, #tpu.memory_space<vmem>>
      %dma_wait3A_770 = arith.constant 0 : i32
      %dma_wait3A_771 = arith.constant 0 : i32
      %dma_wait3A_772 = tpu.memref_slice %arg2[%dma_wait3A_770, %dma_wait3A_771] : memref<20000x128xf32, #tpu.memory_space<hbm>> -> memref<20000x128xf32, #tpu.memory_space<hbm>>
      tpu.wait_indirect_dma semaphore(%arg31 : memref<!tpu.dma_semaphore, #tpu.memory_space<semaphore_mem>>) src(%dma_wait3A_772 : memref<20000x128xf32, #tpu.memory_space<hbm>>) dst(%arg14 : memref<32x128xf32, #tpu.memory_space<vmem>>)
      %dma_start3A_773 = arith.constant 3 : i32
      %dma_start3A_774 = arith.constant 2 : i32
      %dma_start3A_775 = arith.constant 96 : i32
      %dma_start3A_776 = tpu.memref_slice %arg6[%dma_start3A_773, %dma_start3A_774, %dma_start3A_775] : memref<8x3x128xi32, #tpu.memory_space<vmem>> -> memref<1x1x32xi32, #tpu.memory_space<vmem>>
      %dma_start3A_777 = tpu.memref_squeeze %dma_start3A_776 : memref<1x1x32xi32, #tpu.memory_space<vmem>> -> memref<32xi32, #tpu.memory_space<vmem>>
      %dma_start3A_778 = arith.constant 0 : i32
      %dma_start3A_779 = arith.constant 0 : i32
      %dma_start3A_780 = tpu.memref_slice %arg15[%dma_start3A_778, %dma_start3A_779] : memref<10112x128xf32, #tpu.memory_space<vmem_shared>> -> memref<10112x128xf32, #tpu.memory_space<vmem_shared>>
      tpu.enqueue_indirect_dma source(%arg14 : memref<32x128xf32, #tpu.memory_space<vmem>>) target(%dma_start3A_780 : memref<10112x128xf32, #tpu.memory_space<vmem_shared>>) offsets(%dma_start3A_777 : memref<32xi32, #tpu.memory_space<vmem>>) semaphore(%arg39 : memref<!tpu.dma_semaphore, #tpu.memory_space<semaphore_mem>>) {add = true}
      %mul3A_781 = arith.constant 32 : i32
      %mul3A_782 = arith.muli %scan3A_172, %mul3A_781 : i32
      %add3A_783 = arith.constant 16 : i32
      %add3A_784 = arith.addi %mul3A_782, %add3A_783 : i32
      %ge3A_785 = arith.constant 2 : i32
      %ge3A_786 = arith.cmpi sge, %add3A_784, %ge3A_785 : i32
      %convert_element_type3A_787 = arith.extui %ge3A_786 : i1 to i32
      %cond3A_788 = arith.constant 0 : i32
      %cond3A_789 = arith.cmpi ne, %convert_element_type3A_787, %cond3A_788 : i32
      scf.if %cond3A_789 {
        %dma_wait3A_1402 = arith.constant 3 : i32
        %dma_wait3A_1403 = arith.constant 2 : i32
        %dma_wait3A_1404 = arith.constant 64 : i32
        %dma_wait3A_1405 = tpu.memref_slice %arg6[%dma_wait3A_1402, %dma_wait3A_1403, %dma_wait3A_1404] : memref<8x3x128xi32, #tpu.memory_space<vmem>> -> memref<1x1x32xi32, #tpu.memory_space<vmem>>
        %dma_wait3A_1406 = tpu.memref_squeeze %dma_wait3A_1405 : memref<1x1x32xi32, #tpu.memory_space<vmem>> -> memref<32xi32, #tpu.memory_space<vmem>>
        %dma_wait3A_1407 = arith.constant 0 : i32
        %dma_wait3A_1408 = arith.constant 0 : i32
        %dma_wait3A_1409 = tpu.memref_slice %arg15[%dma_wait3A_1407, %dma_wait3A_1408] : memref<10112x128xf32, #tpu.memory_space<vmem_shared>> -> memref<10112x128xf32, #tpu.memory_space<vmem_shared>>
        tpu.wait_indirect_dma semaphore(%arg38 : memref<!tpu.dma_semaphore, #tpu.memory_space<semaphore_mem>>) src(%arg13 : memref<32x128xf32, #tpu.memory_space<vmem>>) dst(%dma_wait3A_1409 : memref<10112x128xf32, #tpu.memory_space<vmem_shared>>)
      } else {
      }
      %add3A_790 = arith.constant 6 : i32
      %add3A_791 = arith.addi %add3A_784, %add3A_790 : i32
      %lt3A_792 = arith.constant 320 : i32
      %lt3A_793 = arith.cmpi slt, %add3A_791, %lt3A_792 : i32
      %convert_element_type3A_794 = arith.extui %lt3A_793 : i1 to i32
      %cond3A_795 = arith.constant 0 : i32
      %cond3A_796 = arith.cmpi ne, %convert_element_type3A_794, %cond3A_795 : i32
      scf.if %cond3A_796 {
        %dma_start3A_1402 = arith.constant 5 : i32
        %dma_start3A_1403 = arith.constant 64 : i32
        %dma_start3A_1404 = tpu.memref_slice %arg6[%dma_start3A_1402, %arg0, %dma_start3A_1403] : memref<8x3x128xi32, #tpu.memory_space<vmem>> -> memref<1x1x32xi32, #tpu.memory_space<vmem>>
        %dma_start3A_1405 = tpu.memref_squeeze %dma_start3A_1404 : memref<1x1x32xi32, #tpu.memory_space<vmem>> -> memref<32xi32, #tpu.memory_space<vmem>>
        %dma_start3A_1406 = arith.constant 0 : i32
        %dma_start3A_1407 = arith.constant 0 : i32
        %dma_start3A_1408 = tpu.memref_slice %arg2[%dma_start3A_1406, %dma_start3A_1407] : memref<20000x128xf32, #tpu.memory_space<hbm>> -> memref<20000x128xf32, #tpu.memory_space<hbm>>
        tpu.enqueue_indirect_dma source(%dma_start3A_1408 : memref<20000x128xf32, #tpu.memory_space<hbm>>) target(%arg13 : memref<32x128xf32, #tpu.memory_space<vmem>>) offsets(%dma_start3A_1405 : memref<32xi32, #tpu.memory_space<vmem>>) semaphore(%arg30 : memref<!tpu.dma_semaphore, #tpu.memory_space<semaphore_mem>>)
      } else {
      }
      %jit3A_797 = arith.constant 4 : i32
      %div3A_798 = arith.divsi %add3A_784, %jit3A_797 : i32
      %sign3A_799 = arith.constant 0 : i32
      %sign3A_800 = arith.cmpi sgt, %add3A_784, %sign3A_799 : i32
      %sign3A_801 = arith.extui %sign3A_800 : i1 to i32
      %sign3A_802 = arith.constant 0 : i32
      %sign3A_803 = arith.cmpi slt, %add3A_784, %sign3A_802 : i32
      %sign3A_804 = arith.extui %sign3A_803 : i1 to i32
      %sign3A_805 = arith.subi %sign3A_801, %sign3A_804 : i32
      %sign3A_806 = arith.constant 0 : i32
      %sign3A_807 = arith.cmpi sgt, %jit3A_797, %sign3A_806 : i32
      %sign3A_808 = arith.extui %sign3A_807 : i1 to i32
      %sign3A_809 = arith.constant 0 : i32
      %sign3A_810 = arith.cmpi slt, %jit3A_797, %sign3A_809 : i32
      %sign3A_811 = arith.extui %sign3A_810 : i1 to i32
      %sign3A_812 = arith.subi %sign3A_808, %sign3A_811 : i32
      %ne3A_813 = arith.cmpi ne, %sign3A_805, %sign3A_812 : i32
      %rem3A_814 = arith.remsi %add3A_784, %jit3A_797 : i32
      %ne3A_815 = arith.constant 0 : i32
      %ne3A_816 = arith.cmpi ne, %rem3A_814, %ne3A_815 : i32
      %and3A_817 = arith.andi %ne3A_813, %ne3A_816 : i1
      %sub3A_818 = arith.constant 1 : i32
      %sub3A_819 = arith.subi %div3A_798, %sub3A_818 : i32
      %select_n3A_820 = arith.select %and3A_817, %sub3A_819, %div3A_798 : i32
      %add3A_821 = arith.constant 4 : i32
      %add3A_822 = arith.addi %select_n3A_820, %add3A_821 : i32
      %lt3A_823 = arith.constant 80 : i32
      %lt3A_824 = arith.cmpi slt, %add3A_822, %lt3A_823 : i32
      %convert_element_type3A_825 = arith.extui %lt3A_824 : i1 to i32
      %cond3A_826 = arith.constant 0 : i32
      %cond3A_827 = arith.cmpi ne, %convert_element_type3A_825, %cond3A_826 : i32
      scf.if %cond3A_827 {
        %jit3A_1402 = arith.constant 4 : i32
        %div3A_1403 = arith.divsi %add3A_784, %jit3A_1402 : i32
        %sign3A_1404 = arith.constant 0 : i32
        %sign3A_1405 = arith.cmpi sgt, %add3A_784, %sign3A_1404 : i32
        %sign3A_1406 = arith.extui %sign3A_1405 : i1 to i32
        %sign3A_1407 = arith.constant 0 : i32
        %sign3A_1408 = arith.cmpi slt, %add3A_784, %sign3A_1407 : i32
        %sign3A_1409 = arith.extui %sign3A_1408 : i1 to i32
        %sign3A_1410 = arith.subi %sign3A_1406, %sign3A_1409 : i32
        %sign3A_1411 = arith.constant 0 : i32
        %sign3A_1412 = arith.cmpi sgt, %jit3A_1402, %sign3A_1411 : i32
        %sign3A_1413 = arith.extui %sign3A_1412 : i1 to i32
        %sign3A_1414 = arith.constant 0 : i32
        %sign3A_1415 = arith.cmpi slt, %jit3A_1402, %sign3A_1414 : i32
        %sign3A_1416 = arith.extui %sign3A_1415 : i1 to i32
        %sign3A_1417 = arith.subi %sign3A_1413, %sign3A_1416 : i32
        %ne3A_1418 = arith.cmpi ne, %sign3A_1410, %sign3A_1417 : i32
        %rem3A_1419 = arith.remsi %add3A_784, %jit3A_1402 : i32
        %ne3A_1420 = arith.constant 0 : i32
        %ne3A_1421 = arith.cmpi ne, %rem3A_1419, %ne3A_1420 : i32
        %and3A_1422 = arith.andi %ne3A_1418, %ne3A_1421 : i1
        %sub3A_1423 = arith.constant 1 : i32
        %sub3A_1424 = arith.subi %div3A_1403, %sub3A_1423 : i32
        %select_n3A_1425 = arith.select %and3A_1422, %sub3A_1424, %div3A_1403 : i32
        %add3A_1426 = arith.constant 4 : i32
        %add3A_1427 = arith.addi %select_n3A_1425, %add3A_1426 : i32
        %dma_start3A_1428 = arith.constant 0 : i32
        %dma_start3A_1429 = arith.constant 0 : i32
        %dma_start3A_1430 = arith.constant 0 : i32
        %dma_start3A_1431 = tpu.memref_slice %arg6[%dma_start3A_1428, %dma_start3A_1429, %dma_start3A_1430] : memref<8x3x128xi32, #tpu.memory_space<vmem>> -> memref<1x3x128xi32, #tpu.memory_space<vmem>>
        %dma_start3A_1432 = tpu.memref_squeeze %dma_start3A_1431 : memref<1x3x128xi32, #tpu.memory_space<vmem>> -> memref<3x128xi32, #tpu.memory_space<vmem>>
        %dma_start3A_1433 = arith.constant 0 : i32
        %dma_start3A_1434 = arith.constant 0 : i32
        %dma_start3A_1435 = tpu.memref_slice %arg3[%arg1, %add3A_1427, %dma_start3A_1433, %dma_start3A_1434] : memref<16x80x3x128xi32, #tpu.memory_space<hbm>> -> memref<1x1x3x128xi32, #tpu.memory_space<hbm>>
        %dma_start3A_1436 = tpu.memref_squeeze %dma_start3A_1435 : memref<1x1x3x128xi32, #tpu.memory_space<hbm>> -> memref<3x128xi32, #tpu.memory_space<hbm>>
        %dma_start3A_1437 = arith.constant 0 : i32
        %dma_start3A_1438 = arith.constant 0 : i32
        %dma_start3A_1439 = tpu.memref_slice %arg6[%dma_start3A_1428, %dma_start3A_1437, %dma_start3A_1438] : memref<8x3x128xi32, #tpu.memory_space<vmem>> -> memref<1x3x128xi32, #tpu.memory_space<vmem>>
        %dma_start3A_1440 = tpu.memref_squeeze %dma_start3A_1439 : memref<1x3x128xi32, #tpu.memory_space<vmem>> -> memref<3x128xi32, #tpu.memory_space<vmem>>
        %dma_start3A_1441 = arith.constant 0 : i32
        %dma_start3A_1442 = arith.constant 0 : i32
        %dma_start3A_1443 = tpu.memref_slice %arg3[%arg1, %add3A_1427, %dma_start3A_1441, %dma_start3A_1442] : memref<16x80x3x128xi32, #tpu.memory_space<hbm>> -> memref<1x1x3x128xi32, #tpu.memory_space<hbm>>
        %dma_start3A_1444 = tpu.memref_squeeze %dma_start3A_1443 : memref<1x1x3x128xi32, #tpu.memory_space<hbm>> -> memref<3x128xi32, #tpu.memory_space<hbm>>
        tpu.enqueue_dma source(%dma_start3A_1444 : memref<3x128xi32, #tpu.memory_space<hbm>>) target(%dma_start3A_1440 : memref<3x128xi32, #tpu.memory_space<vmem>>) target_semaphore(%arg16 : memref<!tpu.dma_semaphore, #tpu.memory_space<semaphore_mem>>)
      } else {
      }
      %dma_wait3A_828 = arith.constant 4 : i32
      %dma_wait3A_829 = arith.constant 0 : i32
      %dma_wait3A_830 = tpu.memref_slice %arg6[%dma_wait3A_828, %arg0, %dma_wait3A_829] : memref<8x3x128xi32, #tpu.memory_space<vmem>> -> memref<1x1x32xi32, #tpu.memory_space<vmem>>
      %dma_wait3A_831 = tpu.memref_squeeze %dma_wait3A_830 : memref<1x1x32xi32, #tpu.memory_space<vmem>> -> memref<32xi32, #tpu.memory_space<vmem>>
      %dma_wait3A_832 = arith.constant 0 : i32
      %dma_wait3A_833 = arith.constant 0 : i32
      %dma_wait3A_834 = tpu.memref_slice %arg2[%dma_wait3A_832, %dma_wait3A_833] : memref<20000x128xf32, #tpu.memory_space<hbm>> -> memref<20000x128xf32, #tpu.memory_space<hbm>>
      tpu.wait_indirect_dma semaphore(%arg24 : memref<!tpu.dma_semaphore, #tpu.memory_space<semaphore_mem>>) src(%dma_wait3A_834 : memref<20000x128xf32, #tpu.memory_space<hbm>>) dst(%arg7 : memref<32x128xf32, #tpu.memory_space<vmem>>)
      %dma_start3A_835 = arith.constant 4 : i32
      %dma_start3A_836 = arith.constant 2 : i32
      %dma_start3A_837 = arith.constant 0 : i32
      %dma_start3A_838 = tpu.memref_slice %arg6[%dma_start3A_835, %dma_start3A_836, %dma_start3A_837] : memref<8x3x128xi32, #tpu.memory_space<vmem>> -> memref<1x1x32xi32, #tpu.memory_space<vmem>>
      %dma_start3A_839 = tpu.memref_squeeze %dma_start3A_838 : memref<1x1x32xi32, #tpu.memory_space<vmem>> -> memref<32xi32, #tpu.memory_space<vmem>>
      %dma_start3A_840 = arith.constant 0 : i32
      %dma_start3A_841 = arith.constant 0 : i32
      %dma_start3A_842 = tpu.memref_slice %arg15[%dma_start3A_840, %dma_start3A_841] : memref<10112x128xf32, #tpu.memory_space<vmem_shared>> -> memref<10112x128xf32, #tpu.memory_space<vmem_shared>>
      tpu.enqueue_indirect_dma source(%arg7 : memref<32x128xf32, #tpu.memory_space<vmem>>) target(%dma_start3A_842 : memref<10112x128xf32, #tpu.memory_space<vmem_shared>>) offsets(%dma_start3A_839 : memref<32xi32, #tpu.memory_space<vmem>>) semaphore(%arg32 : memref<!tpu.dma_semaphore, #tpu.memory_space<semaphore_mem>>) {add = true}
      %mul3A_843 = arith.constant 32 : i32
      %mul3A_844 = arith.muli %scan3A_172, %mul3A_843 : i32
      %add3A_845 = arith.constant 17 : i32
      %add3A_846 = arith.addi %mul3A_844, %add3A_845 : i32
      %ge3A_847 = arith.constant 2 : i32
      %ge3A_848 = arith.cmpi sge, %add3A_846, %ge3A_847 : i32
      %convert_element_type3A_849 = arith.extui %ge3A_848 : i1 to i32
      %cond3A_850 = arith.constant 0 : i32
      %cond3A_851 = arith.cmpi ne, %convert_element_type3A_849, %cond3A_850 : i32
      scf.if %cond3A_851 {
        %dma_wait3A_1402 = arith.constant 3 : i32
        %dma_wait3A_1403 = arith.constant 2 : i32
        %dma_wait3A_1404 = arith.constant 96 : i32
        %dma_wait3A_1405 = tpu.memref_slice %arg6[%dma_wait3A_1402, %dma_wait3A_1403, %dma_wait3A_1404] : memref<8x3x128xi32, #tpu.memory_space<vmem>> -> memref<1x1x32xi32, #tpu.memory_space<vmem>>
        %dma_wait3A_1406 = tpu.memref_squeeze %dma_wait3A_1405 : memref<1x1x32xi32, #tpu.memory_space<vmem>> -> memref<32xi32, #tpu.memory_space<vmem>>
        %dma_wait3A_1407 = arith.constant 0 : i32
        %dma_wait3A_1408 = arith.constant 0 : i32
        %dma_wait3A_1409 = tpu.memref_slice %arg15[%dma_wait3A_1407, %dma_wait3A_1408] : memref<10112x128xf32, #tpu.memory_space<vmem_shared>> -> memref<10112x128xf32, #tpu.memory_space<vmem_shared>>
        tpu.wait_indirect_dma semaphore(%arg39 : memref<!tpu.dma_semaphore, #tpu.memory_space<semaphore_mem>>) src(%arg14 : memref<32x128xf32, #tpu.memory_space<vmem>>) dst(%dma_wait3A_1409 : memref<10112x128xf32, #tpu.memory_space<vmem_shared>>)
      } else {
      }
      %add3A_852 = arith.constant 6 : i32
      %add3A_853 = arith.addi %add3A_846, %add3A_852 : i32
      %lt3A_854 = arith.constant 320 : i32
      %lt3A_855 = arith.cmpi slt, %add3A_853, %lt3A_854 : i32
      %convert_element_type3A_856 = arith.extui %lt3A_855 : i1 to i32
      %cond3A_857 = arith.constant 0 : i32
      %cond3A_858 = arith.cmpi ne, %convert_element_type3A_856, %cond3A_857 : i32
      scf.if %cond3A_858 {
        %dma_start3A_1402 = arith.constant 5 : i32
        %dma_start3A_1403 = arith.constant 96 : i32
        %dma_start3A_1404 = tpu.memref_slice %arg6[%dma_start3A_1402, %arg0, %dma_start3A_1403] : memref<8x3x128xi32, #tpu.memory_space<vmem>> -> memref<1x1x32xi32, #tpu.memory_space<vmem>>
        %dma_start3A_1405 = tpu.memref_squeeze %dma_start3A_1404 : memref<1x1x32xi32, #tpu.memory_space<vmem>> -> memref<32xi32, #tpu.memory_space<vmem>>
        %dma_start3A_1406 = arith.constant 0 : i32
        %dma_start3A_1407 = arith.constant 0 : i32
        %dma_start3A_1408 = tpu.memref_slice %arg2[%dma_start3A_1406, %dma_start3A_1407] : memref<20000x128xf32, #tpu.memory_space<hbm>> -> memref<20000x128xf32, #tpu.memory_space<hbm>>
        tpu.enqueue_indirect_dma source(%dma_start3A_1408 : memref<20000x128xf32, #tpu.memory_space<hbm>>) target(%arg14 : memref<32x128xf32, #tpu.memory_space<vmem>>) offsets(%dma_start3A_1405 : memref<32xi32, #tpu.memory_space<vmem>>) semaphore(%arg31 : memref<!tpu.dma_semaphore, #tpu.memory_space<semaphore_mem>>)
      } else {
      }
      %dma_wait3A_859 = arith.constant 4 : i32
      %dma_wait3A_860 = arith.constant 32 : i32
      %dma_wait3A_861 = tpu.memref_slice %arg6[%dma_wait3A_859, %arg0, %dma_wait3A_860] : memref<8x3x128xi32, #tpu.memory_space<vmem>> -> memref<1x1x32xi32, #tpu.memory_space<vmem>>
      %dma_wait3A_862 = tpu.memref_squeeze %dma_wait3A_861 : memref<1x1x32xi32, #tpu.memory_space<vmem>> -> memref<32xi32, #tpu.memory_space<vmem>>
      %dma_wait3A_863 = arith.constant 0 : i32
      %dma_wait3A_864 = arith.constant 0 : i32
      %dma_wait3A_865 = tpu.memref_slice %arg2[%dma_wait3A_863, %dma_wait3A_864] : memref<20000x128xf32, #tpu.memory_space<hbm>> -> memref<20000x128xf32, #tpu.memory_space<hbm>>
      tpu.wait_indirect_dma semaphore(%arg25 : memref<!tpu.dma_semaphore, #tpu.memory_space<semaphore_mem>>) src(%dma_wait3A_865 : memref<20000x128xf32, #tpu.memory_space<hbm>>) dst(%arg8 : memref<32x128xf32, #tpu.memory_space<vmem>>)
      %dma_start3A_866 = arith.constant 4 : i32
      %dma_start3A_867 = arith.constant 2 : i32
      %dma_start3A_868 = arith.constant 32 : i32
      %dma_start3A_869 = tpu.memref_slice %arg6[%dma_start3A_866, %dma_start3A_867, %dma_start3A_868] : memref<8x3x128xi32, #tpu.memory_space<vmem>> -> memref<1x1x32xi32, #tpu.memory_space<vmem>>
      %dma_start3A_870 = tpu.memref_squeeze %dma_start3A_869 : memref<1x1x32xi32, #tpu.memory_space<vmem>> -> memref<32xi32, #tpu.memory_space<vmem>>
      %dma_start3A_871 = arith.constant 0 : i32
      %dma_start3A_872 = arith.constant 0 : i32
      %dma_start3A_873 = tpu.memref_slice %arg15[%dma_start3A_871, %dma_start3A_872] : memref<10112x128xf32, #tpu.memory_space<vmem_shared>> -> memref<10112x128xf32, #tpu.memory_space<vmem_shared>>
      tpu.enqueue_indirect_dma source(%arg8 : memref<32x128xf32, #tpu.memory_space<vmem>>) target(%dma_start3A_873 : memref<10112x128xf32, #tpu.memory_space<vmem_shared>>) offsets(%dma_start3A_870 : memref<32xi32, #tpu.memory_space<vmem>>) semaphore(%arg33 : memref<!tpu.dma_semaphore, #tpu.memory_space<semaphore_mem>>) {add = true}
      %mul3A_874 = arith.constant 32 : i32
      %mul3A_875 = arith.muli %scan3A_172, %mul3A_874 : i32
      %add3A_876 = arith.constant 18 : i32
      %add3A_877 = arith.addi %mul3A_875, %add3A_876 : i32
      %ge3A_878 = arith.constant 2 : i32
      %ge3A_879 = arith.cmpi sge, %add3A_877, %ge3A_878 : i32
      %convert_element_type3A_880 = arith.extui %ge3A_879 : i1 to i32
      %cond3A_881 = arith.constant 0 : i32
      %cond3A_882 = arith.cmpi ne, %convert_element_type3A_880, %cond3A_881 : i32
      scf.if %cond3A_882 {
        %dma_wait3A_1402 = arith.constant 4 : i32
        %dma_wait3A_1403 = arith.constant 2 : i32
        %dma_wait3A_1404 = arith.constant 0 : i32
        %dma_wait3A_1405 = tpu.memref_slice %arg6[%dma_wait3A_1402, %dma_wait3A_1403, %dma_wait3A_1404] : memref<8x3x128xi32, #tpu.memory_space<vmem>> -> memref<1x1x32xi32, #tpu.memory_space<vmem>>
        %dma_wait3A_1406 = tpu.memref_squeeze %dma_wait3A_1405 : memref<1x1x32xi32, #tpu.memory_space<vmem>> -> memref<32xi32, #tpu.memory_space<vmem>>
        %dma_wait3A_1407 = arith.constant 0 : i32
        %dma_wait3A_1408 = arith.constant 0 : i32
        %dma_wait3A_1409 = tpu.memref_slice %arg15[%dma_wait3A_1407, %dma_wait3A_1408] : memref<10112x128xf32, #tpu.memory_space<vmem_shared>> -> memref<10112x128xf32, #tpu.memory_space<vmem_shared>>
        tpu.wait_indirect_dma semaphore(%arg32 : memref<!tpu.dma_semaphore, #tpu.memory_space<semaphore_mem>>) src(%arg7 : memref<32x128xf32, #tpu.memory_space<vmem>>) dst(%dma_wait3A_1409 : memref<10112x128xf32, #tpu.memory_space<vmem_shared>>)
      } else {
      }
      %add3A_883 = arith.constant 6 : i32
      %add3A_884 = arith.addi %add3A_877, %add3A_883 : i32
      %lt3A_885 = arith.constant 320 : i32
      %lt3A_886 = arith.cmpi slt, %add3A_884, %lt3A_885 : i32
      %convert_element_type3A_887 = arith.extui %lt3A_886 : i1 to i32
      %cond3A_888 = arith.constant 0 : i32
      %cond3A_889 = arith.cmpi ne, %convert_element_type3A_887, %cond3A_888 : i32
      scf.if %cond3A_889 {
        %dma_wait3A_1402 = arith.constant 0 : i32
        %dma_wait3A_1403 = arith.constant 6 : i32
        %dma_wait3A_1404 = arith.constant 0 : i32
        %dma_wait3A_1405 = arith.constant 0 : i32
        %dma_wait3A_1406 = tpu.memref_slice %arg6[%dma_wait3A_1403, %dma_wait3A_1404, %dma_wait3A_1405] : memref<8x3x128xi32, #tpu.memory_space<vmem>> -> memref<1x3x128xi32, #tpu.memory_space<vmem>>
        %dma_wait3A_1407 = tpu.memref_squeeze %dma_wait3A_1406 : memref<1x3x128xi32, #tpu.memory_space<vmem>> -> memref<3x128xi32, #tpu.memory_space<vmem>>
        %dma_wait3A_1408 = arith.constant 0 : i32
        %dma_wait3A_1409 = arith.constant 0 : i32
        %dma_wait3A_1410 = tpu.memref_slice %arg3[%arg1, %dma_wait3A_1402, %dma_wait3A_1408, %dma_wait3A_1409] : memref<16x80x3x128xi32, #tpu.memory_space<hbm>> -> memref<1x1x3x128xi32, #tpu.memory_space<hbm>>
        %dma_wait3A_1411 = tpu.memref_squeeze %dma_wait3A_1410 : memref<1x1x3x128xi32, #tpu.memory_space<hbm>> -> memref<3x128xi32, #tpu.memory_space<hbm>>
        %dma_wait3A_1412 = arith.constant 0 : i32
        %dma_wait3A_1413 = arith.constant 0 : i32
        %dma_wait3A_1414 = tpu.memref_slice %arg6[%dma_wait3A_1403, %dma_wait3A_1412, %dma_wait3A_1413] : memref<8x3x128xi32, #tpu.memory_space<vmem>> -> memref<1x3x128xi32, #tpu.memory_space<vmem>>
        %dma_wait3A_1415 = tpu.memref_squeeze %dma_wait3A_1414 : memref<1x3x128xi32, #tpu.memory_space<vmem>> -> memref<3x128xi32, #tpu.memory_space<vmem>>
        %dma_wait3A_1416 = arith.constant 0 : i32
        %dma_wait3A_1417 = arith.constant 0 : i32
        %dma_wait3A_1418 = tpu.memref_slice %arg3[%arg1, %dma_wait3A_1402, %dma_wait3A_1416, %dma_wait3A_1417] : memref<16x80x3x128xi32, #tpu.memory_space<hbm>> -> memref<1x1x3x128xi32, #tpu.memory_space<hbm>>
        %dma_wait3A_1419 = tpu.memref_squeeze %dma_wait3A_1418 : memref<1x1x3x128xi32, #tpu.memory_space<hbm>> -> memref<3x128xi32, #tpu.memory_space<hbm>>
        tpu.wait_dma2 semaphore(%arg22 : memref<!tpu.dma_semaphore, #tpu.memory_space<semaphore_mem>>) src(%dma_wait3A_1419 : memref<3x128xi32, #tpu.memory_space<hbm>>) dst(%dma_wait3A_1415 : memref<3x128xi32, #tpu.memory_space<vmem>>)
        %dma_start3A_1420 = arith.constant 6 : i32
        %dma_start3A_1421 = arith.constant 0 : i32
        %dma_start3A_1422 = tpu.memref_slice %arg6[%dma_start3A_1420, %arg0, %dma_start3A_1421] : memref<8x3x128xi32, #tpu.memory_space<vmem>> -> memref<1x1x32xi32, #tpu.memory_space<vmem>>
        %dma_start3A_1423 = tpu.memref_squeeze %dma_start3A_1422 : memref<1x1x32xi32, #tpu.memory_space<vmem>> -> memref<32xi32, #tpu.memory_space<vmem>>
        %dma_start3A_1424 = arith.constant 0 : i32
        %dma_start3A_1425 = arith.constant 0 : i32
        %dma_start3A_1426 = tpu.memref_slice %arg2[%dma_start3A_1424, %dma_start3A_1425] : memref<20000x128xf32, #tpu.memory_space<hbm>> -> memref<20000x128xf32, #tpu.memory_space<hbm>>
        tpu.enqueue_indirect_dma source(%dma_start3A_1426 : memref<20000x128xf32, #tpu.memory_space<hbm>>) target(%arg7 : memref<32x128xf32, #tpu.memory_space<vmem>>) offsets(%dma_start3A_1423 : memref<32xi32, #tpu.memory_space<vmem>>) semaphore(%arg24 : memref<!tpu.dma_semaphore, #tpu.memory_space<semaphore_mem>>)
      } else {
      }
      %dma_wait3A_890 = arith.constant 4 : i32
      %dma_wait3A_891 = arith.constant 64 : i32
      %dma_wait3A_892 = tpu.memref_slice %arg6[%dma_wait3A_890, %arg0, %dma_wait3A_891] : memref<8x3x128xi32, #tpu.memory_space<vmem>> -> memref<1x1x32xi32, #tpu.memory_space<vmem>>
      %dma_wait3A_893 = tpu.memref_squeeze %dma_wait3A_892 : memref<1x1x32xi32, #tpu.memory_space<vmem>> -> memref<32xi32, #tpu.memory_space<vmem>>
      %dma_wait3A_894 = arith.constant 0 : i32
      %dma_wait3A_895 = arith.constant 0 : i32
      %dma_wait3A_896 = tpu.memref_slice %arg2[%dma_wait3A_894, %dma_wait3A_895] : memref<20000x128xf32, #tpu.memory_space<hbm>> -> memref<20000x128xf32, #tpu.memory_space<hbm>>
      tpu.wait_indirect_dma semaphore(%arg26 : memref<!tpu.dma_semaphore, #tpu.memory_space<semaphore_mem>>) src(%dma_wait3A_896 : memref<20000x128xf32, #tpu.memory_space<hbm>>) dst(%arg9 : memref<32x128xf32, #tpu.memory_space<vmem>>)
      %dma_start3A_897 = arith.constant 4 : i32
      %dma_start3A_898 = arith.constant 2 : i32
      %dma_start3A_899 = arith.constant 64 : i32
      %dma_start3A_900 = tpu.memref_slice %arg6[%dma_start3A_897, %dma_start3A_898, %dma_start3A_899] : memref<8x3x128xi32, #tpu.memory_space<vmem>> -> memref<1x1x32xi32, #tpu.memory_space<vmem>>
      %dma_start3A_901 = tpu.memref_squeeze %dma_start3A_900 : memref<1x1x32xi32, #tpu.memory_space<vmem>> -> memref<32xi32, #tpu.memory_space<vmem>>
      %dma_start3A_902 = arith.constant 0 : i32
      %dma_start3A_903 = arith.constant 0 : i32
      %dma_start3A_904 = tpu.memref_slice %arg15[%dma_start3A_902, %dma_start3A_903] : memref<10112x128xf32, #tpu.memory_space<vmem_shared>> -> memref<10112x128xf32, #tpu.memory_space<vmem_shared>>
      tpu.enqueue_indirect_dma source(%arg9 : memref<32x128xf32, #tpu.memory_space<vmem>>) target(%dma_start3A_904 : memref<10112x128xf32, #tpu.memory_space<vmem_shared>>) offsets(%dma_start3A_901 : memref<32xi32, #tpu.memory_space<vmem>>) semaphore(%arg34 : memref<!tpu.dma_semaphore, #tpu.memory_space<semaphore_mem>>) {add = true}
      %mul3A_905 = arith.constant 32 : i32
      %mul3A_906 = arith.muli %scan3A_172, %mul3A_905 : i32
      %add3A_907 = arith.constant 19 : i32
      %add3A_908 = arith.addi %mul3A_906, %add3A_907 : i32
      %ge3A_909 = arith.constant 2 : i32
      %ge3A_910 = arith.cmpi sge, %add3A_908, %ge3A_909 : i32
      %convert_element_type3A_911 = arith.extui %ge3A_910 : i1 to i32
      %cond3A_912 = arith.constant 0 : i32
      %cond3A_913 = arith.cmpi ne, %convert_element_type3A_911, %cond3A_912 : i32
      scf.if %cond3A_913 {
        %dma_wait3A_1402 = arith.constant 4 : i32
        %dma_wait3A_1403 = arith.constant 2 : i32
        %dma_wait3A_1404 = arith.constant 32 : i32
        %dma_wait3A_1405 = tpu.memref_slice %arg6[%dma_wait3A_1402, %dma_wait3A_1403, %dma_wait3A_1404] : memref<8x3x128xi32, #tpu.memory_space<vmem>> -> memref<1x1x32xi32, #tpu.memory_space<vmem>>
        %dma_wait3A_1406 = tpu.memref_squeeze %dma_wait3A_1405 : memref<1x1x32xi32, #tpu.memory_space<vmem>> -> memref<32xi32, #tpu.memory_space<vmem>>
        %dma_wait3A_1407 = arith.constant 0 : i32
        %dma_wait3A_1408 = arith.constant 0 : i32
        %dma_wait3A_1409 = tpu.memref_slice %arg15[%dma_wait3A_1407, %dma_wait3A_1408] : memref<10112x128xf32, #tpu.memory_space<vmem_shared>> -> memref<10112x128xf32, #tpu.memory_space<vmem_shared>>
        tpu.wait_indirect_dma semaphore(%arg33 : memref<!tpu.dma_semaphore, #tpu.memory_space<semaphore_mem>>) src(%arg8 : memref<32x128xf32, #tpu.memory_space<vmem>>) dst(%dma_wait3A_1409 : memref<10112x128xf32, #tpu.memory_space<vmem_shared>>)
      } else {
      }
      %add3A_914 = arith.constant 6 : i32
      %add3A_915 = arith.addi %add3A_908, %add3A_914 : i32
      %lt3A_916 = arith.constant 320 : i32
      %lt3A_917 = arith.cmpi slt, %add3A_915, %lt3A_916 : i32
      %convert_element_type3A_918 = arith.extui %lt3A_917 : i1 to i32
      %cond3A_919 = arith.constant 0 : i32
      %cond3A_920 = arith.cmpi ne, %convert_element_type3A_918, %cond3A_919 : i32
      scf.if %cond3A_920 {
        %dma_start3A_1402 = arith.constant 6 : i32
        %dma_start3A_1403 = arith.constant 32 : i32
        %dma_start3A_1404 = tpu.memref_slice %arg6[%dma_start3A_1402, %arg0, %dma_start3A_1403] : memref<8x3x128xi32, #tpu.memory_space<vmem>> -> memref<1x1x32xi32, #tpu.memory_space<vmem>>
        %dma_start3A_1405 = tpu.memref_squeeze %dma_start3A_1404 : memref<1x1x32xi32, #tpu.memory_space<vmem>> -> memref<32xi32, #tpu.memory_space<vmem>>
        %dma_start3A_1406 = arith.constant 0 : i32
        %dma_start3A_1407 = arith.constant 0 : i32
        %dma_start3A_1408 = tpu.memref_slice %arg2[%dma_start3A_1406, %dma_start3A_1407] : memref<20000x128xf32, #tpu.memory_space<hbm>> -> memref<20000x128xf32, #tpu.memory_space<hbm>>
        tpu.enqueue_indirect_dma source(%dma_start3A_1408 : memref<20000x128xf32, #tpu.memory_space<hbm>>) target(%arg8 : memref<32x128xf32, #tpu.memory_space<vmem>>) offsets(%dma_start3A_1405 : memref<32xi32, #tpu.memory_space<vmem>>) semaphore(%arg25 : memref<!tpu.dma_semaphore, #tpu.memory_space<semaphore_mem>>)
      } else {
      }
      %dma_wait3A_921 = arith.constant 4 : i32
      %dma_wait3A_922 = arith.constant 96 : i32
      %dma_wait3A_923 = tpu.memref_slice %arg6[%dma_wait3A_921, %arg0, %dma_wait3A_922] : memref<8x3x128xi32, #tpu.memory_space<vmem>> -> memref<1x1x32xi32, #tpu.memory_space<vmem>>
      %dma_wait3A_924 = tpu.memref_squeeze %dma_wait3A_923 : memref<1x1x32xi32, #tpu.memory_space<vmem>> -> memref<32xi32, #tpu.memory_space<vmem>>
      %dma_wait3A_925 = arith.constant 0 : i32
      %dma_wait3A_926 = arith.constant 0 : i32
      %dma_wait3A_927 = tpu.memref_slice %arg2[%dma_wait3A_925, %dma_wait3A_926] : memref<20000x128xf32, #tpu.memory_space<hbm>> -> memref<20000x128xf32, #tpu.memory_space<hbm>>
      tpu.wait_indirect_dma semaphore(%arg27 : memref<!tpu.dma_semaphore, #tpu.memory_space<semaphore_mem>>) src(%dma_wait3A_927 : memref<20000x128xf32, #tpu.memory_space<hbm>>) dst(%arg10 : memref<32x128xf32, #tpu.memory_space<vmem>>)
      %dma_start3A_928 = arith.constant 4 : i32
      %dma_start3A_929 = arith.constant 2 : i32
      %dma_start3A_930 = arith.constant 96 : i32
      %dma_start3A_931 = tpu.memref_slice %arg6[%dma_start3A_928, %dma_start3A_929, %dma_start3A_930] : memref<8x3x128xi32, #tpu.memory_space<vmem>> -> memref<1x1x32xi32, #tpu.memory_space<vmem>>
      %dma_start3A_932 = tpu.memref_squeeze %dma_start3A_931 : memref<1x1x32xi32, #tpu.memory_space<vmem>> -> memref<32xi32, #tpu.memory_space<vmem>>
      %dma_start3A_933 = arith.constant 0 : i32
      %dma_start3A_934 = arith.constant 0 : i32
      %dma_start3A_935 = tpu.memref_slice %arg15[%dma_start3A_933, %dma_start3A_934] : memref<10112x128xf32, #tpu.memory_space<vmem_shared>> -> memref<10112x128xf32, #tpu.memory_space<vmem_shared>>
      tpu.enqueue_indirect_dma source(%arg10 : memref<32x128xf32, #tpu.memory_space<vmem>>) target(%dma_start3A_935 : memref<10112x128xf32, #tpu.memory_space<vmem_shared>>) offsets(%dma_start3A_932 : memref<32xi32, #tpu.memory_space<vmem>>) semaphore(%arg35 : memref<!tpu.dma_semaphore, #tpu.memory_space<semaphore_mem>>) {add = true}
      %mul3A_936 = arith.constant 32 : i32
      %mul3A_937 = arith.muli %scan3A_172, %mul3A_936 : i32
      %add3A_938 = arith.constant 20 : i32
      %add3A_939 = arith.addi %mul3A_937, %add3A_938 : i32
      %ge3A_940 = arith.constant 2 : i32
      %ge3A_941 = arith.cmpi sge, %add3A_939, %ge3A_940 : i32
      %convert_element_type3A_942 = arith.extui %ge3A_941 : i1 to i32
      %cond3A_943 = arith.constant 0 : i32
      %cond3A_944 = arith.cmpi ne, %convert_element_type3A_942, %cond3A_943 : i32
      scf.if %cond3A_944 {
        %dma_wait3A_1402 = arith.constant 4 : i32
        %dma_wait3A_1403 = arith.constant 2 : i32
        %dma_wait3A_1404 = arith.constant 64 : i32
        %dma_wait3A_1405 = tpu.memref_slice %arg6[%dma_wait3A_1402, %dma_wait3A_1403, %dma_wait3A_1404] : memref<8x3x128xi32, #tpu.memory_space<vmem>> -> memref<1x1x32xi32, #tpu.memory_space<vmem>>
        %dma_wait3A_1406 = tpu.memref_squeeze %dma_wait3A_1405 : memref<1x1x32xi32, #tpu.memory_space<vmem>> -> memref<32xi32, #tpu.memory_space<vmem>>
        %dma_wait3A_1407 = arith.constant 0 : i32
        %dma_wait3A_1408 = arith.constant 0 : i32
        %dma_wait3A_1409 = tpu.memref_slice %arg15[%dma_wait3A_1407, %dma_wait3A_1408] : memref<10112x128xf32, #tpu.memory_space<vmem_shared>> -> memref<10112x128xf32, #tpu.memory_space<vmem_shared>>
        tpu.wait_indirect_dma semaphore(%arg34 : memref<!tpu.dma_semaphore, #tpu.memory_space<semaphore_mem>>) src(%arg9 : memref<32x128xf32, #tpu.memory_space<vmem>>) dst(%dma_wait3A_1409 : memref<10112x128xf32, #tpu.memory_space<vmem_shared>>)
      } else {
      }
      %add3A_945 = arith.constant 6 : i32
      %add3A_946 = arith.addi %add3A_939, %add3A_945 : i32
      %lt3A_947 = arith.constant 320 : i32
      %lt3A_948 = arith.cmpi slt, %add3A_946, %lt3A_947 : i32
      %convert_element_type3A_949 = arith.extui %lt3A_948 : i1 to i32
      %cond3A_950 = arith.constant 0 : i32
      %cond3A_951 = arith.cmpi ne, %convert_element_type3A_949, %cond3A_950 : i32
      scf.if %cond3A_951 {
        %dma_start3A_1402 = arith.constant 6 : i32
        %dma_start3A_1403 = arith.constant 64 : i32
        %dma_start3A_1404 = tpu.memref_slice %arg6[%dma_start3A_1402, %arg0, %dma_start3A_1403] : memref<8x3x128xi32, #tpu.memory_space<vmem>> -> memref<1x1x32xi32, #tpu.memory_space<vmem>>
        %dma_start3A_1405 = tpu.memref_squeeze %dma_start3A_1404 : memref<1x1x32xi32, #tpu.memory_space<vmem>> -> memref<32xi32, #tpu.memory_space<vmem>>
        %dma_start3A_1406 = arith.constant 0 : i32
        %dma_start3A_1407 = arith.constant 0 : i32
        %dma_start3A_1408 = tpu.memref_slice %arg2[%dma_start3A_1406, %dma_start3A_1407] : memref<20000x128xf32, #tpu.memory_space<hbm>> -> memref<20000x128xf32, #tpu.memory_space<hbm>>
        tpu.enqueue_indirect_dma source(%dma_start3A_1408 : memref<20000x128xf32, #tpu.memory_space<hbm>>) target(%arg9 : memref<32x128xf32, #tpu.memory_space<vmem>>) offsets(%dma_start3A_1405 : memref<32xi32, #tpu.memory_space<vmem>>) semaphore(%arg26 : memref<!tpu.dma_semaphore, #tpu.memory_space<semaphore_mem>>)
      } else {
      }
      %jit3A_952 = arith.constant 4 : i32
      %div3A_953 = arith.divsi %add3A_939, %jit3A_952 : i32
      %sign3A_954 = arith.constant 0 : i32
      %sign3A_955 = arith.cmpi sgt, %add3A_939, %sign3A_954 : i32
      %sign3A_956 = arith.extui %sign3A_955 : i1 to i32
      %sign3A_957 = arith.constant 0 : i32
      %sign3A_958 = arith.cmpi slt, %add3A_939, %sign3A_957 : i32
      %sign3A_959 = arith.extui %sign3A_958 : i1 to i32
      %sign3A_960 = arith.subi %sign3A_956, %sign3A_959 : i32
      %sign3A_961 = arith.constant 0 : i32
      %sign3A_962 = arith.cmpi sgt, %jit3A_952, %sign3A_961 : i32
      %sign3A_963 = arith.extui %sign3A_962 : i1 to i32
      %sign3A_964 = arith.constant 0 : i32
      %sign3A_965 = arith.cmpi slt, %jit3A_952, %sign3A_964 : i32
      %sign3A_966 = arith.extui %sign3A_965 : i1 to i32
      %sign3A_967 = arith.subi %sign3A_963, %sign3A_966 : i32
      %ne3A_968 = arith.cmpi ne, %sign3A_960, %sign3A_967 : i32
      %rem3A_969 = arith.remsi %add3A_939, %jit3A_952 : i32
      %ne3A_970 = arith.constant 0 : i32
      %ne3A_971 = arith.cmpi ne, %rem3A_969, %ne3A_970 : i32
      %and3A_972 = arith.andi %ne3A_968, %ne3A_971 : i1
      %sub3A_973 = arith.constant 1 : i32
      %sub3A_974 = arith.subi %div3A_953, %sub3A_973 : i32
      %select_n3A_975 = arith.select %and3A_972, %sub3A_974, %div3A_953 : i32
      %add3A_976 = arith.constant 4 : i32
      %add3A_977 = arith.addi %select_n3A_975, %add3A_976 : i32
      %lt3A_978 = arith.constant 80 : i32
      %lt3A_979 = arith.cmpi slt, %add3A_977, %lt3A_978 : i32
      %convert_element_type3A_980 = arith.extui %lt3A_979 : i1 to i32
      %cond3A_981 = arith.constant 0 : i32
      %cond3A_982 = arith.cmpi ne, %convert_element_type3A_980, %cond3A_981 : i32
      scf.if %cond3A_982 {
        %jit3A_1402 = arith.constant 4 : i32
        %div3A_1403 = arith.divsi %add3A_939, %jit3A_1402 : i32
        %sign3A_1404 = arith.constant 0 : i32
        %sign3A_1405 = arith.cmpi sgt, %add3A_939, %sign3A_1404 : i32
        %sign3A_1406 = arith.extui %sign3A_1405 : i1 to i32
        %sign3A_1407 = arith.constant 0 : i32
        %sign3A_1408 = arith.cmpi slt, %add3A_939, %sign3A_1407 : i32
        %sign3A_1409 = arith.extui %sign3A_1408 : i1 to i32
        %sign3A_1410 = arith.subi %sign3A_1406, %sign3A_1409 : i32
        %sign3A_1411 = arith.constant 0 : i32
        %sign3A_1412 = arith.cmpi sgt, %jit3A_1402, %sign3A_1411 : i32
        %sign3A_1413 = arith.extui %sign3A_1412 : i1 to i32
        %sign3A_1414 = arith.constant 0 : i32
        %sign3A_1415 = arith.cmpi slt, %jit3A_1402, %sign3A_1414 : i32
        %sign3A_1416 = arith.extui %sign3A_1415 : i1 to i32
        %sign3A_1417 = arith.subi %sign3A_1413, %sign3A_1416 : i32
        %ne3A_1418 = arith.cmpi ne, %sign3A_1410, %sign3A_1417 : i32
        %rem3A_1419 = arith.remsi %add3A_939, %jit3A_1402 : i32
        %ne3A_1420 = arith.constant 0 : i32
        %ne3A_1421 = arith.cmpi ne, %rem3A_1419, %ne3A_1420 : i32
        %and3A_1422 = arith.andi %ne3A_1418, %ne3A_1421 : i1
        %sub3A_1423 = arith.constant 1 : i32
        %sub3A_1424 = arith.subi %div3A_1403, %sub3A_1423 : i32
        %select_n3A_1425 = arith.select %and3A_1422, %sub3A_1424, %div3A_1403 : i32
        %add3A_1426 = arith.constant 4 : i32
        %add3A_1427 = arith.addi %select_n3A_1425, %add3A_1426 : i32
        %dma_start3A_1428 = arith.constant 1 : i32
        %dma_start3A_1429 = arith.constant 0 : i32
        %dma_start3A_1430 = arith.constant 0 : i32
        %dma_start3A_1431 = tpu.memref_slice %arg6[%dma_start3A_1428, %dma_start3A_1429, %dma_start3A_1430] : memref<8x3x128xi32, #tpu.memory_space<vmem>> -> memref<1x3x128xi32, #tpu.memory_space<vmem>>
        %dma_start3A_1432 = tpu.memref_squeeze %dma_start3A_1431 : memref<1x3x128xi32, #tpu.memory_space<vmem>> -> memref<3x128xi32, #tpu.memory_space<vmem>>
        %dma_start3A_1433 = arith.constant 0 : i32
        %dma_start3A_1434 = arith.constant 0 : i32
        %dma_start3A_1435 = tpu.memref_slice %arg3[%arg1, %add3A_1427, %dma_start3A_1433, %dma_start3A_1434] : memref<16x80x3x128xi32, #tpu.memory_space<hbm>> -> memref<1x1x3x128xi32, #tpu.memory_space<hbm>>
        %dma_start3A_1436 = tpu.memref_squeeze %dma_start3A_1435 : memref<1x1x3x128xi32, #tpu.memory_space<hbm>> -> memref<3x128xi32, #tpu.memory_space<hbm>>
        %dma_start3A_1437 = arith.constant 0 : i32
        %dma_start3A_1438 = arith.constant 0 : i32
        %dma_start3A_1439 = tpu.memref_slice %arg6[%dma_start3A_1428, %dma_start3A_1437, %dma_start3A_1438] : memref<8x3x128xi32, #tpu.memory_space<vmem>> -> memref<1x3x128xi32, #tpu.memory_space<vmem>>
        %dma_start3A_1440 = tpu.memref_squeeze %dma_start3A_1439 : memref<1x3x128xi32, #tpu.memory_space<vmem>> -> memref<3x128xi32, #tpu.memory_space<vmem>>
        %dma_start3A_1441 = arith.constant 0 : i32
        %dma_start3A_1442 = arith.constant 0 : i32
        %dma_start3A_1443 = tpu.memref_slice %arg3[%arg1, %add3A_1427, %dma_start3A_1441, %dma_start3A_1442] : memref<16x80x3x128xi32, #tpu.memory_space<hbm>> -> memref<1x1x3x128xi32, #tpu.memory_space<hbm>>
        %dma_start3A_1444 = tpu.memref_squeeze %dma_start3A_1443 : memref<1x1x3x128xi32, #tpu.memory_space<hbm>> -> memref<3x128xi32, #tpu.memory_space<hbm>>
        tpu.enqueue_dma source(%dma_start3A_1444 : memref<3x128xi32, #tpu.memory_space<hbm>>) target(%dma_start3A_1440 : memref<3x128xi32, #tpu.memory_space<vmem>>) target_semaphore(%arg17 : memref<!tpu.dma_semaphore, #tpu.memory_space<semaphore_mem>>)
      } else {
      }
      %dma_wait3A_983 = arith.constant 5 : i32
      %dma_wait3A_984 = arith.constant 0 : i32
      %dma_wait3A_985 = tpu.memref_slice %arg6[%dma_wait3A_983, %arg0, %dma_wait3A_984] : memref<8x3x128xi32, #tpu.memory_space<vmem>> -> memref<1x1x32xi32, #tpu.memory_space<vmem>>
      %dma_wait3A_986 = tpu.memref_squeeze %dma_wait3A_985 : memref<1x1x32xi32, #tpu.memory_space<vmem>> -> memref<32xi32, #tpu.memory_space<vmem>>
      %dma_wait3A_987 = arith.constant 0 : i32
      %dma_wait3A_988 = arith.constant 0 : i32
      %dma_wait3A_989 = tpu.memref_slice %arg2[%dma_wait3A_987, %dma_wait3A_988] : memref<20000x128xf32, #tpu.memory_space<hbm>> -> memref<20000x128xf32, #tpu.memory_space<hbm>>
      tpu.wait_indirect_dma semaphore(%arg28 : memref<!tpu.dma_semaphore, #tpu.memory_space<semaphore_mem>>) src(%dma_wait3A_989 : memref<20000x128xf32, #tpu.memory_space<hbm>>) dst(%arg11 : memref<32x128xf32, #tpu.memory_space<vmem>>)
      %dma_start3A_990 = arith.constant 5 : i32
      %dma_start3A_991 = arith.constant 2 : i32
      %dma_start3A_992 = arith.constant 0 : i32
      %dma_start3A_993 = tpu.memref_slice %arg6[%dma_start3A_990, %dma_start3A_991, %dma_start3A_992] : memref<8x3x128xi32, #tpu.memory_space<vmem>> -> memref<1x1x32xi32, #tpu.memory_space<vmem>>
      %dma_start3A_994 = tpu.memref_squeeze %dma_start3A_993 : memref<1x1x32xi32, #tpu.memory_space<vmem>> -> memref<32xi32, #tpu.memory_space<vmem>>
      %dma_start3A_995 = arith.constant 0 : i32
      %dma_start3A_996 = arith.constant 0 : i32
      %dma_start3A_997 = tpu.memref_slice %arg15[%dma_start3A_995, %dma_start3A_996] : memref<10112x128xf32, #tpu.memory_space<vmem_shared>> -> memref<10112x128xf32, #tpu.memory_space<vmem_shared>>
      tpu.enqueue_indirect_dma source(%arg11 : memref<32x128xf32, #tpu.memory_space<vmem>>) target(%dma_start3A_997 : memref<10112x128xf32, #tpu.memory_space<vmem_shared>>) offsets(%dma_start3A_994 : memref<32xi32, #tpu.memory_space<vmem>>) semaphore(%arg36 : memref<!tpu.dma_semaphore, #tpu.memory_space<semaphore_mem>>) {add = true}
      %mul3A_998 = arith.constant 32 : i32
      %mul3A_999 = arith.muli %scan3A_172, %mul3A_998 : i32
      %add3A_1000 = arith.constant 21 : i32
      %add3A_1001 = arith.addi %mul3A_999, %add3A_1000 : i32
      %ge3A_1002 = arith.constant 2 : i32
      %ge3A_1003 = arith.cmpi sge, %add3A_1001, %ge3A_1002 : i32
      %convert_element_type3A_1004 = arith.extui %ge3A_1003 : i1 to i32
      %cond3A_1005 = arith.constant 0 : i32
      %cond3A_1006 = arith.cmpi ne, %convert_element_type3A_1004, %cond3A_1005 : i32
      scf.if %cond3A_1006 {
        %dma_wait3A_1402 = arith.constant 4 : i32
        %dma_wait3A_1403 = arith.constant 2 : i32
        %dma_wait3A_1404 = arith.constant 96 : i32
        %dma_wait3A_1405 = tpu.memref_slice %arg6[%dma_wait3A_1402, %dma_wait3A_1403, %dma_wait3A_1404] : memref<8x3x128xi32, #tpu.memory_space<vmem>> -> memref<1x1x32xi32, #tpu.memory_space<vmem>>
        %dma_wait3A_1406 = tpu.memref_squeeze %dma_wait3A_1405 : memref<1x1x32xi32, #tpu.memory_space<vmem>> -> memref<32xi32, #tpu.memory_space<vmem>>
        %dma_wait3A_1407 = arith.constant 0 : i32
        %dma_wait3A_1408 = arith.constant 0 : i32
        %dma_wait3A_1409 = tpu.memref_slice %arg15[%dma_wait3A_1407, %dma_wait3A_1408] : memref<10112x128xf32, #tpu.memory_space<vmem_shared>> -> memref<10112x128xf32, #tpu.memory_space<vmem_shared>>
        tpu.wait_indirect_dma semaphore(%arg35 : memref<!tpu.dma_semaphore, #tpu.memory_space<semaphore_mem>>) src(%arg10 : memref<32x128xf32, #tpu.memory_space<vmem>>) dst(%dma_wait3A_1409 : memref<10112x128xf32, #tpu.memory_space<vmem_shared>>)
      } else {
      }
      %add3A_1007 = arith.constant 6 : i32
      %add3A_1008 = arith.addi %add3A_1001, %add3A_1007 : i32
      %lt3A_1009 = arith.constant 320 : i32
      %lt3A_1010 = arith.cmpi slt, %add3A_1008, %lt3A_1009 : i32
      %convert_element_type3A_1011 = arith.extui %lt3A_1010 : i1 to i32
      %cond3A_1012 = arith.constant 0 : i32
      %cond3A_1013 = arith.cmpi ne, %convert_element_type3A_1011, %cond3A_1012 : i32
      scf.if %cond3A_1013 {
        %dma_start3A_1402 = arith.constant 6 : i32
        %dma_start3A_1403 = arith.constant 96 : i32
        %dma_start3A_1404 = tpu.memref_slice %arg6[%dma_start3A_1402, %arg0, %dma_start3A_1403] : memref<8x3x128xi32, #tpu.memory_space<vmem>> -> memref<1x1x32xi32, #tpu.memory_space<vmem>>
        %dma_start3A_1405 = tpu.memref_squeeze %dma_start3A_1404 : memref<1x1x32xi32, #tpu.memory_space<vmem>> -> memref<32xi32, #tpu.memory_space<vmem>>
        %dma_start3A_1406 = arith.constant 0 : i32
        %dma_start3A_1407 = arith.constant 0 : i32
        %dma_start3A_1408 = tpu.memref_slice %arg2[%dma_start3A_1406, %dma_start3A_1407] : memref<20000x128xf32, #tpu.memory_space<hbm>> -> memref<20000x128xf32, #tpu.memory_space<hbm>>
        tpu.enqueue_indirect_dma source(%dma_start3A_1408 : memref<20000x128xf32, #tpu.memory_space<hbm>>) target(%arg10 : memref<32x128xf32, #tpu.memory_space<vmem>>) offsets(%dma_start3A_1405 : memref<32xi32, #tpu.memory_space<vmem>>) semaphore(%arg27 : memref<!tpu.dma_semaphore, #tpu.memory_space<semaphore_mem>>)
      } else {
      }
      %dma_wait3A_1014 = arith.constant 5 : i32
      %dma_wait3A_1015 = arith.constant 32 : i32
      %dma_wait3A_1016 = tpu.memref_slice %arg6[%dma_wait3A_1014, %arg0, %dma_wait3A_1015] : memref<8x3x128xi32, #tpu.memory_space<vmem>> -> memref<1x1x32xi32, #tpu.memory_space<vmem>>
      %dma_wait3A_1017 = tpu.memref_squeeze %dma_wait3A_1016 : memref<1x1x32xi32, #tpu.memory_space<vmem>> -> memref<32xi32, #tpu.memory_space<vmem>>
      %dma_wait3A_1018 = arith.constant 0 : i32
      %dma_wait3A_1019 = arith.constant 0 : i32
      %dma_wait3A_1020 = tpu.memref_slice %arg2[%dma_wait3A_1018, %dma_wait3A_1019] : memref<20000x128xf32, #tpu.memory_space<hbm>> -> memref<20000x128xf32, #tpu.memory_space<hbm>>
      tpu.wait_indirect_dma semaphore(%arg29 : memref<!tpu.dma_semaphore, #tpu.memory_space<semaphore_mem>>) src(%dma_wait3A_1020 : memref<20000x128xf32, #tpu.memory_space<hbm>>) dst(%arg12 : memref<32x128xf32, #tpu.memory_space<vmem>>)
      %dma_start3A_1021 = arith.constant 5 : i32
      %dma_start3A_1022 = arith.constant 2 : i32
      %dma_start3A_1023 = arith.constant 32 : i32
      %dma_start3A_1024 = tpu.memref_slice %arg6[%dma_start3A_1021, %dma_start3A_1022, %dma_start3A_1023] : memref<8x3x128xi32, #tpu.memory_space<vmem>> -> memref<1x1x32xi32, #tpu.memory_space<vmem>>
      %dma_start3A_1025 = tpu.memref_squeeze %dma_start3A_1024 : memref<1x1x32xi32, #tpu.memory_space<vmem>> -> memref<32xi32, #tpu.memory_space<vmem>>
      %dma_start3A_1026 = arith.constant 0 : i32
      %dma_start3A_1027 = arith.constant 0 : i32
      %dma_start3A_1028 = tpu.memref_slice %arg15[%dma_start3A_1026, %dma_start3A_1027] : memref<10112x128xf32, #tpu.memory_space<vmem_shared>> -> memref<10112x128xf32, #tpu.memory_space<vmem_shared>>
      tpu.enqueue_indirect_dma source(%arg12 : memref<32x128xf32, #tpu.memory_space<vmem>>) target(%dma_start3A_1028 : memref<10112x128xf32, #tpu.memory_space<vmem_shared>>) offsets(%dma_start3A_1025 : memref<32xi32, #tpu.memory_space<vmem>>) semaphore(%arg37 : memref<!tpu.dma_semaphore, #tpu.memory_space<semaphore_mem>>) {add = true}
      %mul3A_1029 = arith.constant 32 : i32
      %mul3A_1030 = arith.muli %scan3A_172, %mul3A_1029 : i32
      %add3A_1031 = arith.constant 22 : i32
      %add3A_1032 = arith.addi %mul3A_1030, %add3A_1031 : i32
      %ge3A_1033 = arith.constant 2 : i32
      %ge3A_1034 = arith.cmpi sge, %add3A_1032, %ge3A_1033 : i32
      %convert_element_type3A_1035 = arith.extui %ge3A_1034 : i1 to i32
      %cond3A_1036 = arith.constant 0 : i32
      %cond3A_1037 = arith.cmpi ne, %convert_element_type3A_1035, %cond3A_1036 : i32
      scf.if %cond3A_1037 {
        %dma_wait3A_1402 = arith.constant 5 : i32
        %dma_wait3A_1403 = arith.constant 2 : i32
        %dma_wait3A_1404 = arith.constant 0 : i32
        %dma_wait3A_1405 = tpu.memref_slice %arg6[%dma_wait3A_1402, %dma_wait3A_1403, %dma_wait3A_1404] : memref<8x3x128xi32, #tpu.memory_space<vmem>> -> memref<1x1x32xi32, #tpu.memory_space<vmem>>
        %dma_wait3A_1406 = tpu.memref_squeeze %dma_wait3A_1405 : memref<1x1x32xi32, #tpu.memory_space<vmem>> -> memref<32xi32, #tpu.memory_space<vmem>>
        %dma_wait3A_1407 = arith.constant 0 : i32
        %dma_wait3A_1408 = arith.constant 0 : i32
        %dma_wait3A_1409 = tpu.memref_slice %arg15[%dma_wait3A_1407, %dma_wait3A_1408] : memref<10112x128xf32, #tpu.memory_space<vmem_shared>> -> memref<10112x128xf32, #tpu.memory_space<vmem_shared>>
        tpu.wait_indirect_dma semaphore(%arg36 : memref<!tpu.dma_semaphore, #tpu.memory_space<semaphore_mem>>) src(%arg11 : memref<32x128xf32, #tpu.memory_space<vmem>>) dst(%dma_wait3A_1409 : memref<10112x128xf32, #tpu.memory_space<vmem_shared>>)
      } else {
      }
      %add3A_1038 = arith.constant 6 : i32
      %add3A_1039 = arith.addi %add3A_1032, %add3A_1038 : i32
      %lt3A_1040 = arith.constant 320 : i32
      %lt3A_1041 = arith.cmpi slt, %add3A_1039, %lt3A_1040 : i32
      %convert_element_type3A_1042 = arith.extui %lt3A_1041 : i1 to i32
      %cond3A_1043 = arith.constant 0 : i32
      %cond3A_1044 = arith.cmpi ne, %convert_element_type3A_1042, %cond3A_1043 : i32
      scf.if %cond3A_1044 {
        %dma_wait3A_1402 = arith.constant 0 : i32
        %dma_wait3A_1403 = arith.constant 7 : i32
        %dma_wait3A_1404 = arith.constant 0 : i32
        %dma_wait3A_1405 = arith.constant 0 : i32
        %dma_wait3A_1406 = tpu.memref_slice %arg6[%dma_wait3A_1403, %dma_wait3A_1404, %dma_wait3A_1405] : memref<8x3x128xi32, #tpu.memory_space<vmem>> -> memref<1x3x128xi32, #tpu.memory_space<vmem>>
        %dma_wait3A_1407 = tpu.memref_squeeze %dma_wait3A_1406 : memref<1x3x128xi32, #tpu.memory_space<vmem>> -> memref<3x128xi32, #tpu.memory_space<vmem>>
        %dma_wait3A_1408 = arith.constant 0 : i32
        %dma_wait3A_1409 = arith.constant 0 : i32
        %dma_wait3A_1410 = tpu.memref_slice %arg3[%arg1, %dma_wait3A_1402, %dma_wait3A_1408, %dma_wait3A_1409] : memref<16x80x3x128xi32, #tpu.memory_space<hbm>> -> memref<1x1x3x128xi32, #tpu.memory_space<hbm>>
        %dma_wait3A_1411 = tpu.memref_squeeze %dma_wait3A_1410 : memref<1x1x3x128xi32, #tpu.memory_space<hbm>> -> memref<3x128xi32, #tpu.memory_space<hbm>>
        %dma_wait3A_1412 = arith.constant 0 : i32
        %dma_wait3A_1413 = arith.constant 0 : i32
        %dma_wait3A_1414 = tpu.memref_slice %arg6[%dma_wait3A_1403, %dma_wait3A_1412, %dma_wait3A_1413] : memref<8x3x128xi32, #tpu.memory_space<vmem>> -> memref<1x3x128xi32, #tpu.memory_space<vmem>>
        %dma_wait3A_1415 = tpu.memref_squeeze %dma_wait3A_1414 : memref<1x3x128xi32, #tpu.memory_space<vmem>> -> memref<3x128xi32, #tpu.memory_space<vmem>>
        %dma_wait3A_1416 = arith.constant 0 : i32
        %dma_wait3A_1417 = arith.constant 0 : i32
        %dma_wait3A_1418 = tpu.memref_slice %arg3[%arg1, %dma_wait3A_1402, %dma_wait3A_1416, %dma_wait3A_1417] : memref<16x80x3x128xi32, #tpu.memory_space<hbm>> -> memref<1x1x3x128xi32, #tpu.memory_space<hbm>>
        %dma_wait3A_1419 = tpu.memref_squeeze %dma_wait3A_1418 : memref<1x1x3x128xi32, #tpu.memory_space<hbm>> -> memref<3x128xi32, #tpu.memory_space<hbm>>
        tpu.wait_dma2 semaphore(%arg23 : memref<!tpu.dma_semaphore, #tpu.memory_space<semaphore_mem>>) src(%dma_wait3A_1419 : memref<3x128xi32, #tpu.memory_space<hbm>>) dst(%dma_wait3A_1415 : memref<3x128xi32, #tpu.memory_space<vmem>>)
        %dma_start3A_1420 = arith.constant 7 : i32
        %dma_start3A_1421 = arith.constant 0 : i32
        %dma_start3A_1422 = tpu.memref_slice %arg6[%dma_start3A_1420, %arg0, %dma_start3A_1421] : memref<8x3x128xi32, #tpu.memory_space<vmem>> -> memref<1x1x32xi32, #tpu.memory_space<vmem>>
        %dma_start3A_1423 = tpu.memref_squeeze %dma_start3A_1422 : memref<1x1x32xi32, #tpu.memory_space<vmem>> -> memref<32xi32, #tpu.memory_space<vmem>>
        %dma_start3A_1424 = arith.constant 0 : i32
        %dma_start3A_1425 = arith.constant 0 : i32
        %dma_start3A_1426 = tpu.memref_slice %arg2[%dma_start3A_1424, %dma_start3A_1425] : memref<20000x128xf32, #tpu.memory_space<hbm>> -> memref<20000x128xf32, #tpu.memory_space<hbm>>
        tpu.enqueue_indirect_dma source(%dma_start3A_1426 : memref<20000x128xf32, #tpu.memory_space<hbm>>) target(%arg11 : memref<32x128xf32, #tpu.memory_space<vmem>>) offsets(%dma_start3A_1423 : memref<32xi32, #tpu.memory_space<vmem>>) semaphore(%arg28 : memref<!tpu.dma_semaphore, #tpu.memory_space<semaphore_mem>>)
      } else {
      }
      %dma_wait3A_1045 = arith.constant 5 : i32
      %dma_wait3A_1046 = arith.constant 64 : i32
      %dma_wait3A_1047 = tpu.memref_slice %arg6[%dma_wait3A_1045, %arg0, %dma_wait3A_1046] : memref<8x3x128xi32, #tpu.memory_space<vmem>> -> memref<1x1x32xi32, #tpu.memory_space<vmem>>
      %dma_wait3A_1048 = tpu.memref_squeeze %dma_wait3A_1047 : memref<1x1x32xi32, #tpu.memory_space<vmem>> -> memref<32xi32, #tpu.memory_space<vmem>>
      %dma_wait3A_1049 = arith.constant 0 : i32
      %dma_wait3A_1050 = arith.constant 0 : i32
      %dma_wait3A_1051 = tpu.memref_slice %arg2[%dma_wait3A_1049, %dma_wait3A_1050] : memref<20000x128xf32, #tpu.memory_space<hbm>> -> memref<20000x128xf32, #tpu.memory_space<hbm>>
      tpu.wait_indirect_dma semaphore(%arg30 : memref<!tpu.dma_semaphore, #tpu.memory_space<semaphore_mem>>) src(%dma_wait3A_1051 : memref<20000x128xf32, #tpu.memory_space<hbm>>) dst(%arg13 : memref<32x128xf32, #tpu.memory_space<vmem>>)
      %dma_start3A_1052 = arith.constant 5 : i32
      %dma_start3A_1053 = arith.constant 2 : i32
      %dma_start3A_1054 = arith.constant 64 : i32
      %dma_start3A_1055 = tpu.memref_slice %arg6[%dma_start3A_1052, %dma_start3A_1053, %dma_start3A_1054] : memref<8x3x128xi32, #tpu.memory_space<vmem>> -> memref<1x1x32xi32, #tpu.memory_space<vmem>>
      %dma_start3A_1056 = tpu.memref_squeeze %dma_start3A_1055 : memref<1x1x32xi32, #tpu.memory_space<vmem>> -> memref<32xi32, #tpu.memory_space<vmem>>
      %dma_start3A_1057 = arith.constant 0 : i32
      %dma_start3A_1058 = arith.constant 0 : i32
      %dma_start3A_1059 = tpu.memref_slice %arg15[%dma_start3A_1057, %dma_start3A_1058] : memref<10112x128xf32, #tpu.memory_space<vmem_shared>> -> memref<10112x128xf32, #tpu.memory_space<vmem_shared>>
      tpu.enqueue_indirect_dma source(%arg13 : memref<32x128xf32, #tpu.memory_space<vmem>>) target(%dma_start3A_1059 : memref<10112x128xf32, #tpu.memory_space<vmem_shared>>) offsets(%dma_start3A_1056 : memref<32xi32, #tpu.memory_space<vmem>>) semaphore(%arg38 : memref<!tpu.dma_semaphore, #tpu.memory_space<semaphore_mem>>) {add = true}
      %mul3A_1060 = arith.constant 32 : i32
      %mul3A_1061 = arith.muli %scan3A_172, %mul3A_1060 : i32
      %add3A_1062 = arith.constant 23 : i32
      %add3A_1063 = arith.addi %mul3A_1061, %add3A_1062 : i32
      %ge3A_1064 = arith.constant 2 : i32
      %ge3A_1065 = arith.cmpi sge, %add3A_1063, %ge3A_1064 : i32
      %convert_element_type3A_1066 = arith.extui %ge3A_1065 : i1 to i32
      %cond3A_1067 = arith.constant 0 : i32
      %cond3A_1068 = arith.cmpi ne, %convert_element_type3A_1066, %cond3A_1067 : i32
      scf.if %cond3A_1068 {
        %dma_wait3A_1402 = arith.constant 5 : i32
        %dma_wait3A_1403 = arith.constant 2 : i32
        %dma_wait3A_1404 = arith.constant 32 : i32
        %dma_wait3A_1405 = tpu.memref_slice %arg6[%dma_wait3A_1402, %dma_wait3A_1403, %dma_wait3A_1404] : memref<8x3x128xi32, #tpu.memory_space<vmem>> -> memref<1x1x32xi32, #tpu.memory_space<vmem>>
        %dma_wait3A_1406 = tpu.memref_squeeze %dma_wait3A_1405 : memref<1x1x32xi32, #tpu.memory_space<vmem>> -> memref<32xi32, #tpu.memory_space<vmem>>
        %dma_wait3A_1407 = arith.constant 0 : i32
        %dma_wait3A_1408 = arith.constant 0 : i32
        %dma_wait3A_1409 = tpu.memref_slice %arg15[%dma_wait3A_1407, %dma_wait3A_1408] : memref<10112x128xf32, #tpu.memory_space<vmem_shared>> -> memref<10112x128xf32, #tpu.memory_space<vmem_shared>>
        tpu.wait_indirect_dma semaphore(%arg37 : memref<!tpu.dma_semaphore, #tpu.memory_space<semaphore_mem>>) src(%arg12 : memref<32x128xf32, #tpu.memory_space<vmem>>) dst(%dma_wait3A_1409 : memref<10112x128xf32, #tpu.memory_space<vmem_shared>>)
      } else {
      }
      %add3A_1069 = arith.constant 6 : i32
      %add3A_1070 = arith.addi %add3A_1063, %add3A_1069 : i32
      %lt3A_1071 = arith.constant 320 : i32
      %lt3A_1072 = arith.cmpi slt, %add3A_1070, %lt3A_1071 : i32
      %convert_element_type3A_1073 = arith.extui %lt3A_1072 : i1 to i32
      %cond3A_1074 = arith.constant 0 : i32
      %cond3A_1075 = arith.cmpi ne, %convert_element_type3A_1073, %cond3A_1074 : i32
      scf.if %cond3A_1075 {
        %dma_start3A_1402 = arith.constant 7 : i32
        %dma_start3A_1403 = arith.constant 32 : i32
        %dma_start3A_1404 = tpu.memref_slice %arg6[%dma_start3A_1402, %arg0, %dma_start3A_1403] : memref<8x3x128xi32, #tpu.memory_space<vmem>> -> memref<1x1x32xi32, #tpu.memory_space<vmem>>
        %dma_start3A_1405 = tpu.memref_squeeze %dma_start3A_1404 : memref<1x1x32xi32, #tpu.memory_space<vmem>> -> memref<32xi32, #tpu.memory_space<vmem>>
        %dma_start3A_1406 = arith.constant 0 : i32
        %dma_start3A_1407 = arith.constant 0 : i32
        %dma_start3A_1408 = tpu.memref_slice %arg2[%dma_start3A_1406, %dma_start3A_1407] : memref<20000x128xf32, #tpu.memory_space<hbm>> -> memref<20000x128xf32, #tpu.memory_space<hbm>>
        tpu.enqueue_indirect_dma source(%dma_start3A_1408 : memref<20000x128xf32, #tpu.memory_space<hbm>>) target(%arg12 : memref<32x128xf32, #tpu.memory_space<vmem>>) offsets(%dma_start3A_1405 : memref<32xi32, #tpu.memory_space<vmem>>) semaphore(%arg29 : memref<!tpu.dma_semaphore, #tpu.memory_space<semaphore_mem>>)
      } else {
      }
      %dma_wait3A_1076 = arith.constant 5 : i32
      %dma_wait3A_1077 = arith.constant 96 : i32
      %dma_wait3A_1078 = tpu.memref_slice %arg6[%dma_wait3A_1076, %arg0, %dma_wait3A_1077] : memref<8x3x128xi32, #tpu.memory_space<vmem>> -> memref<1x1x32xi32, #tpu.memory_space<vmem>>
      %dma_wait3A_1079 = tpu.memref_squeeze %dma_wait3A_1078 : memref<1x1x32xi32, #tpu.memory_space<vmem>> -> memref<32xi32, #tpu.memory_space<vmem>>
      %dma_wait3A_1080 = arith.constant 0 : i32
      %dma_wait3A_1081 = arith.constant 0 : i32
      %dma_wait3A_1082 = tpu.memref_slice %arg2[%dma_wait3A_1080, %dma_wait3A_1081] : memref<20000x128xf32, #tpu.memory_space<hbm>> -> memref<20000x128xf32, #tpu.memory_space<hbm>>
      tpu.wait_indirect_dma semaphore(%arg31 : memref<!tpu.dma_semaphore, #tpu.memory_space<semaphore_mem>>) src(%dma_wait3A_1082 : memref<20000x128xf32, #tpu.memory_space<hbm>>) dst(%arg14 : memref<32x128xf32, #tpu.memory_space<vmem>>)
      %dma_start3A_1083 = arith.constant 5 : i32
      %dma_start3A_1084 = arith.constant 2 : i32
      %dma_start3A_1085 = arith.constant 96 : i32
      %dma_start3A_1086 = tpu.memref_slice %arg6[%dma_start3A_1083, %dma_start3A_1084, %dma_start3A_1085] : memref<8x3x128xi32, #tpu.memory_space<vmem>> -> memref<1x1x32xi32, #tpu.memory_space<vmem>>
      %dma_start3A_1087 = tpu.memref_squeeze %dma_start3A_1086 : memref<1x1x32xi32, #tpu.memory_space<vmem>> -> memref<32xi32, #tpu.memory_space<vmem>>
      %dma_start3A_1088 = arith.constant 0 : i32
      %dma_start3A_1089 = arith.constant 0 : i32
      %dma_start3A_1090 = tpu.memref_slice %arg15[%dma_start3A_1088, %dma_start3A_1089] : memref<10112x128xf32, #tpu.memory_space<vmem_shared>> -> memref<10112x128xf32, #tpu.memory_space<vmem_shared>>
      tpu.enqueue_indirect_dma source(%arg14 : memref<32x128xf32, #tpu.memory_space<vmem>>) target(%dma_start3A_1090 : memref<10112x128xf32, #tpu.memory_space<vmem_shared>>) offsets(%dma_start3A_1087 : memref<32xi32, #tpu.memory_space<vmem>>) semaphore(%arg39 : memref<!tpu.dma_semaphore, #tpu.memory_space<semaphore_mem>>) {add = true}
      %mul3A_1091 = arith.constant 32 : i32
      %mul3A_1092 = arith.muli %scan3A_172, %mul3A_1091 : i32
      %add3A_1093 = arith.constant 24 : i32
      %add3A_1094 = arith.addi %mul3A_1092, %add3A_1093 : i32
      %ge3A_1095 = arith.constant 2 : i32
      %ge3A_1096 = arith.cmpi sge, %add3A_1094, %ge3A_1095 : i32
      %convert_element_type3A_1097 = arith.extui %ge3A_1096 : i1 to i32
      %cond3A_1098 = arith.constant 0 : i32
      %cond3A_1099 = arith.cmpi ne, %convert_element_type3A_1097, %cond3A_1098 : i32
      scf.if %cond3A_1099 {
        %dma_wait3A_1402 = arith.constant 5 : i32
        %dma_wait3A_1403 = arith.constant 2 : i32
        %dma_wait3A_1404 = arith.constant 64 : i32
        %dma_wait3A_1405 = tpu.memref_slice %arg6[%dma_wait3A_1402, %dma_wait3A_1403, %dma_wait3A_1404] : memref<8x3x128xi32, #tpu.memory_space<vmem>> -> memref<1x1x32xi32, #tpu.memory_space<vmem>>
        %dma_wait3A_1406 = tpu.memref_squeeze %dma_wait3A_1405 : memref<1x1x32xi32, #tpu.memory_space<vmem>> -> memref<32xi32, #tpu.memory_space<vmem>>
        %dma_wait3A_1407 = arith.constant 0 : i32
        %dma_wait3A_1408 = arith.constant 0 : i32
        %dma_wait3A_1409 = tpu.memref_slice %arg15[%dma_wait3A_1407, %dma_wait3A_1408] : memref<10112x128xf32, #tpu.memory_space<vmem_shared>> -> memref<10112x128xf32, #tpu.memory_space<vmem_shared>>
        tpu.wait_indirect_dma semaphore(%arg38 : memref<!tpu.dma_semaphore, #tpu.memory_space<semaphore_mem>>) src(%arg13 : memref<32x128xf32, #tpu.memory_space<vmem>>) dst(%dma_wait3A_1409 : memref<10112x128xf32, #tpu.memory_space<vmem_shared>>)
      } else {
      }
      %add3A_1100 = arith.constant 6 : i32
      %add3A_1101 = arith.addi %add3A_1094, %add3A_1100 : i32
      %lt3A_1102 = arith.constant 320 : i32
      %lt3A_1103 = arith.cmpi slt, %add3A_1101, %lt3A_1102 : i32
      %convert_element_type3A_1104 = arith.extui %lt3A_1103 : i1 to i32
      %cond3A_1105 = arith.constant 0 : i32
      %cond3A_1106 = arith.cmpi ne, %convert_element_type3A_1104, %cond3A_1105 : i32
      scf.if %cond3A_1106 {
        %dma_start3A_1402 = arith.constant 7 : i32
        %dma_start3A_1403 = arith.constant 64 : i32
        %dma_start3A_1404 = tpu.memref_slice %arg6[%dma_start3A_1402, %arg0, %dma_start3A_1403] : memref<8x3x128xi32, #tpu.memory_space<vmem>> -> memref<1x1x32xi32, #tpu.memory_space<vmem>>
        %dma_start3A_1405 = tpu.memref_squeeze %dma_start3A_1404 : memref<1x1x32xi32, #tpu.memory_space<vmem>> -> memref<32xi32, #tpu.memory_space<vmem>>
        %dma_start3A_1406 = arith.constant 0 : i32
        %dma_start3A_1407 = arith.constant 0 : i32
        %dma_start3A_1408 = tpu.memref_slice %arg2[%dma_start3A_1406, %dma_start3A_1407] : memref<20000x128xf32, #tpu.memory_space<hbm>> -> memref<20000x128xf32, #tpu.memory_space<hbm>>
        tpu.enqueue_indirect_dma source(%dma_start3A_1408 : memref<20000x128xf32, #tpu.memory_space<hbm>>) target(%arg13 : memref<32x128xf32, #tpu.memory_space<vmem>>) offsets(%dma_start3A_1405 : memref<32xi32, #tpu.memory_space<vmem>>) semaphore(%arg30 : memref<!tpu.dma_semaphore, #tpu.memory_space<semaphore_mem>>)
      } else {
      }
      %jit3A_1107 = arith.constant 4 : i32
      %div3A_1108 = arith.divsi %add3A_1094, %jit3A_1107 : i32
      %sign3A_1109 = arith.constant 0 : i32
      %sign3A_1110 = arith.cmpi sgt, %add3A_1094, %sign3A_1109 : i32
      %sign3A_1111 = arith.extui %sign3A_1110 : i1 to i32
      %sign3A_1112 = arith.constant 0 : i32
      %sign3A_1113 = arith.cmpi slt, %add3A_1094, %sign3A_1112 : i32
      %sign3A_1114 = arith.extui %sign3A_1113 : i1 to i32
      %sign3A_1115 = arith.subi %sign3A_1111, %sign3A_1114 : i32
      %sign3A_1116 = arith.constant 0 : i32
      %sign3A_1117 = arith.cmpi sgt, %jit3A_1107, %sign3A_1116 : i32
      %sign3A_1118 = arith.extui %sign3A_1117 : i1 to i32
      %sign3A_1119 = arith.constant 0 : i32
      %sign3A_1120 = arith.cmpi slt, %jit3A_1107, %sign3A_1119 : i32
      %sign3A_1121 = arith.extui %sign3A_1120 : i1 to i32
      %sign3A_1122 = arith.subi %sign3A_1118, %sign3A_1121 : i32
      %ne3A_1123 = arith.cmpi ne, %sign3A_1115, %sign3A_1122 : i32
      %rem3A_1124 = arith.remsi %add3A_1094, %jit3A_1107 : i32
      %ne3A_1125 = arith.constant 0 : i32
      %ne3A_1126 = arith.cmpi ne, %rem3A_1124, %ne3A_1125 : i32
      %and3A_1127 = arith.andi %ne3A_1123, %ne3A_1126 : i1
      %sub3A_1128 = arith.constant 1 : i32
      %sub3A_1129 = arith.subi %div3A_1108, %sub3A_1128 : i32
      %select_n3A_1130 = arith.select %and3A_1127, %sub3A_1129, %div3A_1108 : i32
      %add3A_1131 = arith.constant 4 : i32
      %add3A_1132 = arith.addi %select_n3A_1130, %add3A_1131 : i32
      %lt3A_1133 = arith.constant 80 : i32
      %lt3A_1134 = arith.cmpi slt, %add3A_1132, %lt3A_1133 : i32
      %convert_element_type3A_1135 = arith.extui %lt3A_1134 : i1 to i32
      %cond3A_1136 = arith.constant 0 : i32
      %cond3A_1137 = arith.cmpi ne, %convert_element_type3A_1135, %cond3A_1136 : i32
      scf.if %cond3A_1137 {
        %jit3A_1402 = arith.constant 4 : i32
        %div3A_1403 = arith.divsi %add3A_1094, %jit3A_1402 : i32
        %sign3A_1404 = arith.constant 0 : i32
        %sign3A_1405 = arith.cmpi sgt, %add3A_1094, %sign3A_1404 : i32
        %sign3A_1406 = arith.extui %sign3A_1405 : i1 to i32
        %sign3A_1407 = arith.constant 0 : i32
        %sign3A_1408 = arith.cmpi slt, %add3A_1094, %sign3A_1407 : i32
        %sign3A_1409 = arith.extui %sign3A_1408 : i1 to i32
        %sign3A_1410 = arith.subi %sign3A_1406, %sign3A_1409 : i32
        %sign3A_1411 = arith.constant 0 : i32
        %sign3A_1412 = arith.cmpi sgt, %jit3A_1402, %sign3A_1411 : i32
        %sign3A_1413 = arith.extui %sign3A_1412 : i1 to i32
        %sign3A_1414 = arith.constant 0 : i32
        %sign3A_1415 = arith.cmpi slt, %jit3A_1402, %sign3A_1414 : i32
        %sign3A_1416 = arith.extui %sign3A_1415 : i1 to i32
        %sign3A_1417 = arith.subi %sign3A_1413, %sign3A_1416 : i32
        %ne3A_1418 = arith.cmpi ne, %sign3A_1410, %sign3A_1417 : i32
        %rem3A_1419 = arith.remsi %add3A_1094, %jit3A_1402 : i32
        %ne3A_1420 = arith.constant 0 : i32
        %ne3A_1421 = arith.cmpi ne, %rem3A_1419, %ne3A_1420 : i32
        %and3A_1422 = arith.andi %ne3A_1418, %ne3A_1421 : i1
        %sub3A_1423 = arith.constant 1 : i32
        %sub3A_1424 = arith.subi %div3A_1403, %sub3A_1423 : i32
        %select_n3A_1425 = arith.select %and3A_1422, %sub3A_1424, %div3A_1403 : i32
        %add3A_1426 = arith.constant 4 : i32
        %add3A_1427 = arith.addi %select_n3A_1425, %add3A_1426 : i32
        %dma_start3A_1428 = arith.constant 2 : i32
        %dma_start3A_1429 = arith.constant 0 : i32
        %dma_start3A_1430 = arith.constant 0 : i32
        %dma_start3A_1431 = tpu.memref_slice %arg6[%dma_start3A_1428, %dma_start3A_1429, %dma_start3A_1430] : memref<8x3x128xi32, #tpu.memory_space<vmem>> -> memref<1x3x128xi32, #tpu.memory_space<vmem>>
        %dma_start3A_1432 = tpu.memref_squeeze %dma_start3A_1431 : memref<1x3x128xi32, #tpu.memory_space<vmem>> -> memref<3x128xi32, #tpu.memory_space<vmem>>
        %dma_start3A_1433 = arith.constant 0 : i32
        %dma_start3A_1434 = arith.constant 0 : i32
        %dma_start3A_1435 = tpu.memref_slice %arg3[%arg1, %add3A_1427, %dma_start3A_1433, %dma_start3A_1434] : memref<16x80x3x128xi32, #tpu.memory_space<hbm>> -> memref<1x1x3x128xi32, #tpu.memory_space<hbm>>
        %dma_start3A_1436 = tpu.memref_squeeze %dma_start3A_1435 : memref<1x1x3x128xi32, #tpu.memory_space<hbm>> -> memref<3x128xi32, #tpu.memory_space<hbm>>
        %dma_start3A_1437 = arith.constant 0 : i32
        %dma_start3A_1438 = arith.constant 0 : i32
        %dma_start3A_1439 = tpu.memref_slice %arg6[%dma_start3A_1428, %dma_start3A_1437, %dma_start3A_1438] : memref<8x3x128xi32, #tpu.memory_space<vmem>> -> memref<1x3x128xi32, #tpu.memory_space<vmem>>
        %dma_start3A_1440 = tpu.memref_squeeze %dma_start3A_1439 : memref<1x3x128xi32, #tpu.memory_space<vmem>> -> memref<3x128xi32, #tpu.memory_space<vmem>>
        %dma_start3A_1441 = arith.constant 0 : i32
        %dma_start3A_1442 = arith.constant 0 : i32
        %dma_start3A_1443 = tpu.memref_slice %arg3[%arg1, %add3A_1427, %dma_start3A_1441, %dma_start3A_1442] : memref<16x80x3x128xi32, #tpu.memory_space<hbm>> -> memref<1x1x3x128xi32, #tpu.memory_space<hbm>>
        %dma_start3A_1444 = tpu.memref_squeeze %dma_start3A_1443 : memref<1x1x3x128xi32, #tpu.memory_space<hbm>> -> memref<3x128xi32, #tpu.memory_space<hbm>>
        tpu.enqueue_dma source(%dma_start3A_1444 : memref<3x128xi32, #tpu.memory_space<hbm>>) target(%dma_start3A_1440 : memref<3x128xi32, #tpu.memory_space<vmem>>) target_semaphore(%arg18 : memref<!tpu.dma_semaphore, #tpu.memory_space<semaphore_mem>>)
      } else {
      }
      %dma_wait3A_1138 = arith.constant 6 : i32
      %dma_wait3A_1139 = arith.constant 0 : i32
      %dma_wait3A_1140 = tpu.memref_slice %arg6[%dma_wait3A_1138, %arg0, %dma_wait3A_1139] : memref<8x3x128xi32, #tpu.memory_space<vmem>> -> memref<1x1x32xi32, #tpu.memory_space<vmem>>
      %dma_wait3A_1141 = tpu.memref_squeeze %dma_wait3A_1140 : memref<1x1x32xi32, #tpu.memory_space<vmem>> -> memref<32xi32, #tpu.memory_space<vmem>>
      %dma_wait3A_1142 = arith.constant 0 : i32
      %dma_wait3A_1143 = arith.constant 0 : i32
      %dma_wait3A_1144 = tpu.memref_slice %arg2[%dma_wait3A_1142, %dma_wait3A_1143] : memref<20000x128xf32, #tpu.memory_space<hbm>> -> memref<20000x128xf32, #tpu.memory_space<hbm>>
      tpu.wait_indirect_dma semaphore(%arg24 : memref<!tpu.dma_semaphore, #tpu.memory_space<semaphore_mem>>) src(%dma_wait3A_1144 : memref<20000x128xf32, #tpu.memory_space<hbm>>) dst(%arg7 : memref<32x128xf32, #tpu.memory_space<vmem>>)
      %dma_start3A_1145 = arith.constant 6 : i32
      %dma_start3A_1146 = arith.constant 2 : i32
      %dma_start3A_1147 = arith.constant 0 : i32
      %dma_start3A_1148 = tpu.memref_slice %arg6[%dma_start3A_1145, %dma_start3A_1146, %dma_start3A_1147] : memref<8x3x128xi32, #tpu.memory_space<vmem>> -> memref<1x1x32xi32, #tpu.memory_space<vmem>>
      %dma_start3A_1149 = tpu.memref_squeeze %dma_start3A_1148 : memref<1x1x32xi32, #tpu.memory_space<vmem>> -> memref<32xi32, #tpu.memory_space<vmem>>
      %dma_start3A_1150 = arith.constant 0 : i32
      %dma_start3A_1151 = arith.constant 0 : i32
      %dma_start3A_1152 = tpu.memref_slice %arg15[%dma_start3A_1150, %dma_start3A_1151] : memref<10112x128xf32, #tpu.memory_space<vmem_shared>> -> memref<10112x128xf32, #tpu.memory_space<vmem_shared>>
      tpu.enqueue_indirect_dma source(%arg7 : memref<32x128xf32, #tpu.memory_space<vmem>>) target(%dma_start3A_1152 : memref<10112x128xf32, #tpu.memory_space<vmem_shared>>) offsets(%dma_start3A_1149 : memref<32xi32, #tpu.memory_space<vmem>>) semaphore(%arg32 : memref<!tpu.dma_semaphore, #tpu.memory_space<semaphore_mem>>) {add = true}
      %mul3A_1153 = arith.constant 32 : i32
      %mul3A_1154 = arith.muli %scan3A_172, %mul3A_1153 : i32
      %add3A_1155 = arith.constant 25 : i32
      %add3A_1156 = arith.addi %mul3A_1154, %add3A_1155 : i32
      %ge3A_1157 = arith.constant 2 : i32
      %ge3A_1158 = arith.cmpi sge, %add3A_1156, %ge3A_1157 : i32
      %convert_element_type3A_1159 = arith.extui %ge3A_1158 : i1 to i32
      %cond3A_1160 = arith.constant 0 : i32
      %cond3A_1161 = arith.cmpi ne, %convert_element_type3A_1159, %cond3A_1160 : i32
      scf.if %cond3A_1161 {
        %dma_wait3A_1402 = arith.constant 5 : i32
        %dma_wait3A_1403 = arith.constant 2 : i32
        %dma_wait3A_1404 = arith.constant 96 : i32
        %dma_wait3A_1405 = tpu.memref_slice %arg6[%dma_wait3A_1402, %dma_wait3A_1403, %dma_wait3A_1404] : memref<8x3x128xi32, #tpu.memory_space<vmem>> -> memref<1x1x32xi32, #tpu.memory_space<vmem>>
        %dma_wait3A_1406 = tpu.memref_squeeze %dma_wait3A_1405 : memref<1x1x32xi32, #tpu.memory_space<vmem>> -> memref<32xi32, #tpu.memory_space<vmem>>
        %dma_wait3A_1407 = arith.constant 0 : i32
        %dma_wait3A_1408 = arith.constant 0 : i32
        %dma_wait3A_1409 = tpu.memref_slice %arg15[%dma_wait3A_1407, %dma_wait3A_1408] : memref<10112x128xf32, #tpu.memory_space<vmem_shared>> -> memref<10112x128xf32, #tpu.memory_space<vmem_shared>>
        tpu.wait_indirect_dma semaphore(%arg39 : memref<!tpu.dma_semaphore, #tpu.memory_space<semaphore_mem>>) src(%arg14 : memref<32x128xf32, #tpu.memory_space<vmem>>) dst(%dma_wait3A_1409 : memref<10112x128xf32, #tpu.memory_space<vmem_shared>>)
      } else {
      }
      %add3A_1162 = arith.constant 6 : i32
      %add3A_1163 = arith.addi %add3A_1156, %add3A_1162 : i32
      %lt3A_1164 = arith.constant 320 : i32
      %lt3A_1165 = arith.cmpi slt, %add3A_1163, %lt3A_1164 : i32
      %convert_element_type3A_1166 = arith.extui %lt3A_1165 : i1 to i32
      %cond3A_1167 = arith.constant 0 : i32
      %cond3A_1168 = arith.cmpi ne, %convert_element_type3A_1166, %cond3A_1167 : i32
      scf.if %cond3A_1168 {
        %dma_start3A_1402 = arith.constant 7 : i32
        %dma_start3A_1403 = arith.constant 96 : i32
        %dma_start3A_1404 = tpu.memref_slice %arg6[%dma_start3A_1402, %arg0, %dma_start3A_1403] : memref<8x3x128xi32, #tpu.memory_space<vmem>> -> memref<1x1x32xi32, #tpu.memory_space<vmem>>
        %dma_start3A_1405 = tpu.memref_squeeze %dma_start3A_1404 : memref<1x1x32xi32, #tpu.memory_space<vmem>> -> memref<32xi32, #tpu.memory_space<vmem>>
        %dma_start3A_1406 = arith.constant 0 : i32
        %dma_start3A_1407 = arith.constant 0 : i32
        %dma_start3A_1408 = tpu.memref_slice %arg2[%dma_start3A_1406, %dma_start3A_1407] : memref<20000x128xf32, #tpu.memory_space<hbm>> -> memref<20000x128xf32, #tpu.memory_space<hbm>>
        tpu.enqueue_indirect_dma source(%dma_start3A_1408 : memref<20000x128xf32, #tpu.memory_space<hbm>>) target(%arg14 : memref<32x128xf32, #tpu.memory_space<vmem>>) offsets(%dma_start3A_1405 : memref<32xi32, #tpu.memory_space<vmem>>) semaphore(%arg31 : memref<!tpu.dma_semaphore, #tpu.memory_space<semaphore_mem>>)
      } else {
      }
      %dma_wait3A_1169 = arith.constant 6 : i32
      %dma_wait3A_1170 = arith.constant 32 : i32
      %dma_wait3A_1171 = tpu.memref_slice %arg6[%dma_wait3A_1169, %arg0, %dma_wait3A_1170] : memref<8x3x128xi32, #tpu.memory_space<vmem>> -> memref<1x1x32xi32, #tpu.memory_space<vmem>>
      %dma_wait3A_1172 = tpu.memref_squeeze %dma_wait3A_1171 : memref<1x1x32xi32, #tpu.memory_space<vmem>> -> memref<32xi32, #tpu.memory_space<vmem>>
      %dma_wait3A_1173 = arith.constant 0 : i32
      %dma_wait3A_1174 = arith.constant 0 : i32
      %dma_wait3A_1175 = tpu.memref_slice %arg2[%dma_wait3A_1173, %dma_wait3A_1174] : memref<20000x128xf32, #tpu.memory_space<hbm>> -> memref<20000x128xf32, #tpu.memory_space<hbm>>
      tpu.wait_indirect_dma semaphore(%arg25 : memref<!tpu.dma_semaphore, #tpu.memory_space<semaphore_mem>>) src(%dma_wait3A_1175 : memref<20000x128xf32, #tpu.memory_space<hbm>>) dst(%arg8 : memref<32x128xf32, #tpu.memory_space<vmem>>)
      %dma_start3A_1176 = arith.constant 6 : i32
      %dma_start3A_1177 = arith.constant 2 : i32
      %dma_start3A_1178 = arith.constant 32 : i32
      %dma_start3A_1179 = tpu.memref_slice %arg6[%dma_start3A_1176, %dma_start3A_1177, %dma_start3A_1178] : memref<8x3x128xi32, #tpu.memory_space<vmem>> -> memref<1x1x32xi32, #tpu.memory_space<vmem>>
      %dma_start3A_1180 = tpu.memref_squeeze %dma_start3A_1179 : memref<1x1x32xi32, #tpu.memory_space<vmem>> -> memref<32xi32, #tpu.memory_space<vmem>>
      %dma_start3A_1181 = arith.constant 0 : i32
      %dma_start3A_1182 = arith.constant 0 : i32
      %dma_start3A_1183 = tpu.memref_slice %arg15[%dma_start3A_1181, %dma_start3A_1182] : memref<10112x128xf32, #tpu.memory_space<vmem_shared>> -> memref<10112x128xf32, #tpu.memory_space<vmem_shared>>
      tpu.enqueue_indirect_dma source(%arg8 : memref<32x128xf32, #tpu.memory_space<vmem>>) target(%dma_start3A_1183 : memref<10112x128xf32, #tpu.memory_space<vmem_shared>>) offsets(%dma_start3A_1180 : memref<32xi32, #tpu.memory_space<vmem>>) semaphore(%arg33 : memref<!tpu.dma_semaphore, #tpu.memory_space<semaphore_mem>>) {add = true}
      %mul3A_1184 = arith.constant 32 : i32
      %mul3A_1185 = arith.muli %scan3A_172, %mul3A_1184 : i32
      %add3A_1186 = arith.constant 26 : i32
      %add3A_1187 = arith.addi %mul3A_1185, %add3A_1186 : i32
      %ge3A_1188 = arith.constant 2 : i32
      %ge3A_1189 = arith.cmpi sge, %add3A_1187, %ge3A_1188 : i32
      %convert_element_type3A_1190 = arith.extui %ge3A_1189 : i1 to i32
      %cond3A_1191 = arith.constant 0 : i32
      %cond3A_1192 = arith.cmpi ne, %convert_element_type3A_1190, %cond3A_1191 : i32
      scf.if %cond3A_1192 {
        %dma_wait3A_1402 = arith.constant 6 : i32
        %dma_wait3A_1403 = arith.constant 2 : i32
        %dma_wait3A_1404 = arith.constant 0 : i32
        %dma_wait3A_1405 = tpu.memref_slice %arg6[%dma_wait3A_1402, %dma_wait3A_1403, %dma_wait3A_1404] : memref<8x3x128xi32, #tpu.memory_space<vmem>> -> memref<1x1x32xi32, #tpu.memory_space<vmem>>
        %dma_wait3A_1406 = tpu.memref_squeeze %dma_wait3A_1405 : memref<1x1x32xi32, #tpu.memory_space<vmem>> -> memref<32xi32, #tpu.memory_space<vmem>>
        %dma_wait3A_1407 = arith.constant 0 : i32
        %dma_wait3A_1408 = arith.constant 0 : i32
        %dma_wait3A_1409 = tpu.memref_slice %arg15[%dma_wait3A_1407, %dma_wait3A_1408] : memref<10112x128xf32, #tpu.memory_space<vmem_shared>> -> memref<10112x128xf32, #tpu.memory_space<vmem_shared>>
        tpu.wait_indirect_dma semaphore(%arg32 : memref<!tpu.dma_semaphore, #tpu.memory_space<semaphore_mem>>) src(%arg7 : memref<32x128xf32, #tpu.memory_space<vmem>>) dst(%dma_wait3A_1409 : memref<10112x128xf32, #tpu.memory_space<vmem_shared>>)
      } else {
      }
      %add3A_1193 = arith.constant 6 : i32
      %add3A_1194 = arith.addi %add3A_1187, %add3A_1193 : i32
      %lt3A_1195 = arith.constant 320 : i32
      %lt3A_1196 = arith.cmpi slt, %add3A_1194, %lt3A_1195 : i32
      %convert_element_type3A_1197 = arith.extui %lt3A_1196 : i1 to i32
      %cond3A_1198 = arith.constant 0 : i32
      %cond3A_1199 = arith.cmpi ne, %convert_element_type3A_1197, %cond3A_1198 : i32
      scf.if %cond3A_1199 {
        %dma_wait3A_1402 = arith.constant 0 : i32
        %dma_wait3A_1403 = arith.constant 0 : i32
        %dma_wait3A_1404 = arith.constant 0 : i32
        %dma_wait3A_1405 = arith.constant 0 : i32
        %dma_wait3A_1406 = tpu.memref_slice %arg6[%dma_wait3A_1403, %dma_wait3A_1404, %dma_wait3A_1405] : memref<8x3x128xi32, #tpu.memory_space<vmem>> -> memref<1x3x128xi32, #tpu.memory_space<vmem>>
        %dma_wait3A_1407 = tpu.memref_squeeze %dma_wait3A_1406 : memref<1x3x128xi32, #tpu.memory_space<vmem>> -> memref<3x128xi32, #tpu.memory_space<vmem>>
        %dma_wait3A_1408 = arith.constant 0 : i32
        %dma_wait3A_1409 = arith.constant 0 : i32
        %dma_wait3A_1410 = tpu.memref_slice %arg3[%arg1, %dma_wait3A_1402, %dma_wait3A_1408, %dma_wait3A_1409] : memref<16x80x3x128xi32, #tpu.memory_space<hbm>> -> memref<1x1x3x128xi32, #tpu.memory_space<hbm>>
        %dma_wait3A_1411 = tpu.memref_squeeze %dma_wait3A_1410 : memref<1x1x3x128xi32, #tpu.memory_space<hbm>> -> memref<3x128xi32, #tpu.memory_space<hbm>>
        %dma_wait3A_1412 = arith.constant 0 : i32
        %dma_wait3A_1413 = arith.constant 0 : i32
        %dma_wait3A_1414 = tpu.memref_slice %arg6[%dma_wait3A_1403, %dma_wait3A_1412, %dma_wait3A_1413] : memref<8x3x128xi32, #tpu.memory_space<vmem>> -> memref<1x3x128xi32, #tpu.memory_space<vmem>>
        %dma_wait3A_1415 = tpu.memref_squeeze %dma_wait3A_1414 : memref<1x3x128xi32, #tpu.memory_space<vmem>> -> memref<3x128xi32, #tpu.memory_space<vmem>>
        %dma_wait3A_1416 = arith.constant 0 : i32
        %dma_wait3A_1417 = arith.constant 0 : i32
        %dma_wait3A_1418 = tpu.memref_slice %arg3[%arg1, %dma_wait3A_1402, %dma_wait3A_1416, %dma_wait3A_1417] : memref<16x80x3x128xi32, #tpu.memory_space<hbm>> -> memref<1x1x3x128xi32, #tpu.memory_space<hbm>>
        %dma_wait3A_1419 = tpu.memref_squeeze %dma_wait3A_1418 : memref<1x1x3x128xi32, #tpu.memory_space<hbm>> -> memref<3x128xi32, #tpu.memory_space<hbm>>
        tpu.wait_dma2 semaphore(%arg16 : memref<!tpu.dma_semaphore, #tpu.memory_space<semaphore_mem>>) src(%dma_wait3A_1419 : memref<3x128xi32, #tpu.memory_space<hbm>>) dst(%dma_wait3A_1415 : memref<3x128xi32, #tpu.memory_space<vmem>>)
        %dma_start3A_1420 = arith.constant 0 : i32
        %dma_start3A_1421 = arith.constant 0 : i32
        %dma_start3A_1422 = tpu.memref_slice %arg6[%dma_start3A_1420, %arg0, %dma_start3A_1421] : memref<8x3x128xi32, #tpu.memory_space<vmem>> -> memref<1x1x32xi32, #tpu.memory_space<vmem>>
        %dma_start3A_1423 = tpu.memref_squeeze %dma_start3A_1422 : memref<1x1x32xi32, #tpu.memory_space<vmem>> -> memref<32xi32, #tpu.memory_space<vmem>>
        %dma_start3A_1424 = arith.constant 0 : i32
        %dma_start3A_1425 = arith.constant 0 : i32
        %dma_start3A_1426 = tpu.memref_slice %arg2[%dma_start3A_1424, %dma_start3A_1425] : memref<20000x128xf32, #tpu.memory_space<hbm>> -> memref<20000x128xf32, #tpu.memory_space<hbm>>
        tpu.enqueue_indirect_dma source(%dma_start3A_1426 : memref<20000x128xf32, #tpu.memory_space<hbm>>) target(%arg7 : memref<32x128xf32, #tpu.memory_space<vmem>>) offsets(%dma_start3A_1423 : memref<32xi32, #tpu.memory_space<vmem>>) semaphore(%arg24 : memref<!tpu.dma_semaphore, #tpu.memory_space<semaphore_mem>>)
      } else {
      }
      %dma_wait3A_1200 = arith.constant 6 : i32
      %dma_wait3A_1201 = arith.constant 64 : i32
      %dma_wait3A_1202 = tpu.memref_slice %arg6[%dma_wait3A_1200, %arg0, %dma_wait3A_1201] : memref<8x3x128xi32, #tpu.memory_space<vmem>> -> memref<1x1x32xi32, #tpu.memory_space<vmem>>
      %dma_wait3A_1203 = tpu.memref_squeeze %dma_wait3A_1202 : memref<1x1x32xi32, #tpu.memory_space<vmem>> -> memref<32xi32, #tpu.memory_space<vmem>>
      %dma_wait3A_1204 = arith.constant 0 : i32
      %dma_wait3A_1205 = arith.constant 0 : i32
      %dma_wait3A_1206 = tpu.memref_slice %arg2[%dma_wait3A_1204, %dma_wait3A_1205] : memref<20000x128xf32, #tpu.memory_space<hbm>> -> memref<20000x128xf32, #tpu.memory_space<hbm>>
      tpu.wait_indirect_dma semaphore(%arg26 : memref<!tpu.dma_semaphore, #tpu.memory_space<semaphore_mem>>) src(%dma_wait3A_1206 : memref<20000x128xf32, #tpu.memory_space<hbm>>) dst(%arg9 : memref<32x128xf32, #tpu.memory_space<vmem>>)
      %dma_start3A_1207 = arith.constant 6 : i32
      %dma_start3A_1208 = arith.constant 2 : i32
      %dma_start3A_1209 = arith.constant 64 : i32
      %dma_start3A_1210 = tpu.memref_slice %arg6[%dma_start3A_1207, %dma_start3A_1208, %dma_start3A_1209] : memref<8x3x128xi32, #tpu.memory_space<vmem>> -> memref<1x1x32xi32, #tpu.memory_space<vmem>>
      %dma_start3A_1211 = tpu.memref_squeeze %dma_start3A_1210 : memref<1x1x32xi32, #tpu.memory_space<vmem>> -> memref<32xi32, #tpu.memory_space<vmem>>
      %dma_start3A_1212 = arith.constant 0 : i32
      %dma_start3A_1213 = arith.constant 0 : i32
      %dma_start3A_1214 = tpu.memref_slice %arg15[%dma_start3A_1212, %dma_start3A_1213] : memref<10112x128xf32, #tpu.memory_space<vmem_shared>> -> memref<10112x128xf32, #tpu.memory_space<vmem_shared>>
      tpu.enqueue_indirect_dma source(%arg9 : memref<32x128xf32, #tpu.memory_space<vmem>>) target(%dma_start3A_1214 : memref<10112x128xf32, #tpu.memory_space<vmem_shared>>) offsets(%dma_start3A_1211 : memref<32xi32, #tpu.memory_space<vmem>>) semaphore(%arg34 : memref<!tpu.dma_semaphore, #tpu.memory_space<semaphore_mem>>) {add = true}
      %mul3A_1215 = arith.constant 32 : i32
      %mul3A_1216 = arith.muli %scan3A_172, %mul3A_1215 : i32
      %add3A_1217 = arith.constant 27 : i32
      %add3A_1218 = arith.addi %mul3A_1216, %add3A_1217 : i32
      %ge3A_1219 = arith.constant 2 : i32
      %ge3A_1220 = arith.cmpi sge, %add3A_1218, %ge3A_1219 : i32
      %convert_element_type3A_1221 = arith.extui %ge3A_1220 : i1 to i32
      %cond3A_1222 = arith.constant 0 : i32
      %cond3A_1223 = arith.cmpi ne, %convert_element_type3A_1221, %cond3A_1222 : i32
      scf.if %cond3A_1223 {
        %dma_wait3A_1402 = arith.constant 6 : i32
        %dma_wait3A_1403 = arith.constant 2 : i32
        %dma_wait3A_1404 = arith.constant 32 : i32
        %dma_wait3A_1405 = tpu.memref_slice %arg6[%dma_wait3A_1402, %dma_wait3A_1403, %dma_wait3A_1404] : memref<8x3x128xi32, #tpu.memory_space<vmem>> -> memref<1x1x32xi32, #tpu.memory_space<vmem>>
        %dma_wait3A_1406 = tpu.memref_squeeze %dma_wait3A_1405 : memref<1x1x32xi32, #tpu.memory_space<vmem>> -> memref<32xi32, #tpu.memory_space<vmem>>
        %dma_wait3A_1407 = arith.constant 0 : i32
        %dma_wait3A_1408 = arith.constant 0 : i32
        %dma_wait3A_1409 = tpu.memref_slice %arg15[%dma_wait3A_1407, %dma_wait3A_1408] : memref<10112x128xf32, #tpu.memory_space<vmem_shared>> -> memref<10112x128xf32, #tpu.memory_space<vmem_shared>>
        tpu.wait_indirect_dma semaphore(%arg33 : memref<!tpu.dma_semaphore, #tpu.memory_space<semaphore_mem>>) src(%arg8 : memref<32x128xf32, #tpu.memory_space<vmem>>) dst(%dma_wait3A_1409 : memref<10112x128xf32, #tpu.memory_space<vmem_shared>>)
      } else {
      }
      %add3A_1224 = arith.constant 6 : i32
      %add3A_1225 = arith.addi %add3A_1218, %add3A_1224 : i32
      %lt3A_1226 = arith.constant 320 : i32
      %lt3A_1227 = arith.cmpi slt, %add3A_1225, %lt3A_1226 : i32
      %convert_element_type3A_1228 = arith.extui %lt3A_1227 : i1 to i32
      %cond3A_1229 = arith.constant 0 : i32
      %cond3A_1230 = arith.cmpi ne, %convert_element_type3A_1228, %cond3A_1229 : i32
      scf.if %cond3A_1230 {
        %dma_start3A_1402 = arith.constant 0 : i32
        %dma_start3A_1403 = arith.constant 32 : i32
        %dma_start3A_1404 = tpu.memref_slice %arg6[%dma_start3A_1402, %arg0, %dma_start3A_1403] : memref<8x3x128xi32, #tpu.memory_space<vmem>> -> memref<1x1x32xi32, #tpu.memory_space<vmem>>
        %dma_start3A_1405 = tpu.memref_squeeze %dma_start3A_1404 : memref<1x1x32xi32, #tpu.memory_space<vmem>> -> memref<32xi32, #tpu.memory_space<vmem>>
        %dma_start3A_1406 = arith.constant 0 : i32
        %dma_start3A_1407 = arith.constant 0 : i32
        %dma_start3A_1408 = tpu.memref_slice %arg2[%dma_start3A_1406, %dma_start3A_1407] : memref<20000x128xf32, #tpu.memory_space<hbm>> -> memref<20000x128xf32, #tpu.memory_space<hbm>>
        tpu.enqueue_indirect_dma source(%dma_start3A_1408 : memref<20000x128xf32, #tpu.memory_space<hbm>>) target(%arg8 : memref<32x128xf32, #tpu.memory_space<vmem>>) offsets(%dma_start3A_1405 : memref<32xi32, #tpu.memory_space<vmem>>) semaphore(%arg25 : memref<!tpu.dma_semaphore, #tpu.memory_space<semaphore_mem>>)
      } else {
      }
      %dma_wait3A_1231 = arith.constant 6 : i32
      %dma_wait3A_1232 = arith.constant 96 : i32
      %dma_wait3A_1233 = tpu.memref_slice %arg6[%dma_wait3A_1231, %arg0, %dma_wait3A_1232] : memref<8x3x128xi32, #tpu.memory_space<vmem>> -> memref<1x1x32xi32, #tpu.memory_space<vmem>>
      %dma_wait3A_1234 = tpu.memref_squeeze %dma_wait3A_1233 : memref<1x1x32xi32, #tpu.memory_space<vmem>> -> memref<32xi32, #tpu.memory_space<vmem>>
      %dma_wait3A_1235 = arith.constant 0 : i32
      %dma_wait3A_1236 = arith.constant 0 : i32
      %dma_wait3A_1237 = tpu.memref_slice %arg2[%dma_wait3A_1235, %dma_wait3A_1236] : memref<20000x128xf32, #tpu.memory_space<hbm>> -> memref<20000x128xf32, #tpu.memory_space<hbm>>
      tpu.wait_indirect_dma semaphore(%arg27 : memref<!tpu.dma_semaphore, #tpu.memory_space<semaphore_mem>>) src(%dma_wait3A_1237 : memref<20000x128xf32, #tpu.memory_space<hbm>>) dst(%arg10 : memref<32x128xf32, #tpu.memory_space<vmem>>)
      %dma_start3A_1238 = arith.constant 6 : i32
      %dma_start3A_1239 = arith.constant 2 : i32
      %dma_start3A_1240 = arith.constant 96 : i32
      %dma_start3A_1241 = tpu.memref_slice %arg6[%dma_start3A_1238, %dma_start3A_1239, %dma_start3A_1240] : memref<8x3x128xi32, #tpu.memory_space<vmem>> -> memref<1x1x32xi32, #tpu.memory_space<vmem>>
      %dma_start3A_1242 = tpu.memref_squeeze %dma_start3A_1241 : memref<1x1x32xi32, #tpu.memory_space<vmem>> -> memref<32xi32, #tpu.memory_space<vmem>>
      %dma_start3A_1243 = arith.constant 0 : i32
      %dma_start3A_1244 = arith.constant 0 : i32
      %dma_start3A_1245 = tpu.memref_slice %arg15[%dma_start3A_1243, %dma_start3A_1244] : memref<10112x128xf32, #tpu.memory_space<vmem_shared>> -> memref<10112x128xf32, #tpu.memory_space<vmem_shared>>
      tpu.enqueue_indirect_dma source(%arg10 : memref<32x128xf32, #tpu.memory_space<vmem>>) target(%dma_start3A_1245 : memref<10112x128xf32, #tpu.memory_space<vmem_shared>>) offsets(%dma_start3A_1242 : memref<32xi32, #tpu.memory_space<vmem>>) semaphore(%arg35 : memref<!tpu.dma_semaphore, #tpu.memory_space<semaphore_mem>>) {add = true}
      %mul3A_1246 = arith.constant 32 : i32
      %mul3A_1247 = arith.muli %scan3A_172, %mul3A_1246 : i32
      %add3A_1248 = arith.constant 28 : i32
      %add3A_1249 = arith.addi %mul3A_1247, %add3A_1248 : i32
      %ge3A_1250 = arith.constant 2 : i32
      %ge3A_1251 = arith.cmpi sge, %add3A_1249, %ge3A_1250 : i32
      %convert_element_type3A_1252 = arith.extui %ge3A_1251 : i1 to i32
      %cond3A_1253 = arith.constant 0 : i32
      %cond3A_1254 = arith.cmpi ne, %convert_element_type3A_1252, %cond3A_1253 : i32
      scf.if %cond3A_1254 {
        %dma_wait3A_1402 = arith.constant 6 : i32
        %dma_wait3A_1403 = arith.constant 2 : i32
        %dma_wait3A_1404 = arith.constant 64 : i32
        %dma_wait3A_1405 = tpu.memref_slice %arg6[%dma_wait3A_1402, %dma_wait3A_1403, %dma_wait3A_1404] : memref<8x3x128xi32, #tpu.memory_space<vmem>> -> memref<1x1x32xi32, #tpu.memory_space<vmem>>
        %dma_wait3A_1406 = tpu.memref_squeeze %dma_wait3A_1405 : memref<1x1x32xi32, #tpu.memory_space<vmem>> -> memref<32xi32, #tpu.memory_space<vmem>>
        %dma_wait3A_1407 = arith.constant 0 : i32
        %dma_wait3A_1408 = arith.constant 0 : i32
        %dma_wait3A_1409 = tpu.memref_slice %arg15[%dma_wait3A_1407, %dma_wait3A_1408] : memref<10112x128xf32, #tpu.memory_space<vmem_shared>> -> memref<10112x128xf32, #tpu.memory_space<vmem_shared>>
        tpu.wait_indirect_dma semaphore(%arg34 : memref<!tpu.dma_semaphore, #tpu.memory_space<semaphore_mem>>) src(%arg9 : memref<32x128xf32, #tpu.memory_space<vmem>>) dst(%dma_wait3A_1409 : memref<10112x128xf32, #tpu.memory_space<vmem_shared>>)
      } else {
      }
      %add3A_1255 = arith.constant 6 : i32
      %add3A_1256 = arith.addi %add3A_1249, %add3A_1255 : i32
      %lt3A_1257 = arith.constant 320 : i32
      %lt3A_1258 = arith.cmpi slt, %add3A_1256, %lt3A_1257 : i32
      %convert_element_type3A_1259 = arith.extui %lt3A_1258 : i1 to i32
      %cond3A_1260 = arith.constant 0 : i32
      %cond3A_1261 = arith.cmpi ne, %convert_element_type3A_1259, %cond3A_1260 : i32
      scf.if %cond3A_1261 {
        %dma_start3A_1402 = arith.constant 0 : i32
        %dma_start3A_1403 = arith.constant 64 : i32
        %dma_start3A_1404 = tpu.memref_slice %arg6[%dma_start3A_1402, %arg0, %dma_start3A_1403] : memref<8x3x128xi32, #tpu.memory_space<vmem>> -> memref<1x1x32xi32, #tpu.memory_space<vmem>>
        %dma_start3A_1405 = tpu.memref_squeeze %dma_start3A_1404 : memref<1x1x32xi32, #tpu.memory_space<vmem>> -> memref<32xi32, #tpu.memory_space<vmem>>
        %dma_start3A_1406 = arith.constant 0 : i32
        %dma_start3A_1407 = arith.constant 0 : i32
        %dma_start3A_1408 = tpu.memref_slice %arg2[%dma_start3A_1406, %dma_start3A_1407] : memref<20000x128xf32, #tpu.memory_space<hbm>> -> memref<20000x128xf32, #tpu.memory_space<hbm>>
        tpu.enqueue_indirect_dma source(%dma_start3A_1408 : memref<20000x128xf32, #tpu.memory_space<hbm>>) target(%arg9 : memref<32x128xf32, #tpu.memory_space<vmem>>) offsets(%dma_start3A_1405 : memref<32xi32, #tpu.memory_space<vmem>>) semaphore(%arg26 : memref<!tpu.dma_semaphore, #tpu.memory_space<semaphore_mem>>)
      } else {
      }
      %jit3A_1262 = arith.constant 4 : i32
      %div3A_1263 = arith.divsi %add3A_1249, %jit3A_1262 : i32
      %sign3A_1264 = arith.constant 0 : i32
      %sign3A_1265 = arith.cmpi sgt, %add3A_1249, %sign3A_1264 : i32
      %sign3A_1266 = arith.extui %sign3A_1265 : i1 to i32
      %sign3A_1267 = arith.constant 0 : i32
      %sign3A_1268 = arith.cmpi slt, %add3A_1249, %sign3A_1267 : i32
      %sign3A_1269 = arith.extui %sign3A_1268 : i1 to i32
      %sign3A_1270 = arith.subi %sign3A_1266, %sign3A_1269 : i32
      %sign3A_1271 = arith.constant 0 : i32
      %sign3A_1272 = arith.cmpi sgt, %jit3A_1262, %sign3A_1271 : i32
      %sign3A_1273 = arith.extui %sign3A_1272 : i1 to i32
      %sign3A_1274 = arith.constant 0 : i32
      %sign3A_1275 = arith.cmpi slt, %jit3A_1262, %sign3A_1274 : i32
      %sign3A_1276 = arith.extui %sign3A_1275 : i1 to i32
      %sign3A_1277 = arith.subi %sign3A_1273, %sign3A_1276 : i32
      %ne3A_1278 = arith.cmpi ne, %sign3A_1270, %sign3A_1277 : i32
      %rem3A_1279 = arith.remsi %add3A_1249, %jit3A_1262 : i32
      %ne3A_1280 = arith.constant 0 : i32
      %ne3A_1281 = arith.cmpi ne, %rem3A_1279, %ne3A_1280 : i32
      %and3A_1282 = arith.andi %ne3A_1278, %ne3A_1281 : i1
      %sub3A_1283 = arith.constant 1 : i32
      %sub3A_1284 = arith.subi %div3A_1263, %sub3A_1283 : i32
      %select_n3A_1285 = arith.select %and3A_1282, %sub3A_1284, %div3A_1263 : i32
      %add3A_1286 = arith.constant 4 : i32
      %add3A_1287 = arith.addi %select_n3A_1285, %add3A_1286 : i32
      %lt3A_1288 = arith.constant 80 : i32
      %lt3A_1289 = arith.cmpi slt, %add3A_1287, %lt3A_1288 : i32
      %convert_element_type3A_1290 = arith.extui %lt3A_1289 : i1 to i32
      %cond3A_1291 = arith.constant 0 : i32
      %cond3A_1292 = arith.cmpi ne, %convert_element_type3A_1290, %cond3A_1291 : i32
      scf.if %cond3A_1292 {
        %jit3A_1402 = arith.constant 4 : i32
        %div3A_1403 = arith.divsi %add3A_1249, %jit3A_1402 : i32
        %sign3A_1404 = arith.constant 0 : i32
        %sign3A_1405 = arith.cmpi sgt, %add3A_1249, %sign3A_1404 : i32
        %sign3A_1406 = arith.extui %sign3A_1405 : i1 to i32
        %sign3A_1407 = arith.constant 0 : i32
        %sign3A_1408 = arith.cmpi slt, %add3A_1249, %sign3A_1407 : i32
        %sign3A_1409 = arith.extui %sign3A_1408 : i1 to i32
        %sign3A_1410 = arith.subi %sign3A_1406, %sign3A_1409 : i32
        %sign3A_1411 = arith.constant 0 : i32
        %sign3A_1412 = arith.cmpi sgt, %jit3A_1402, %sign3A_1411 : i32
        %sign3A_1413 = arith.extui %sign3A_1412 : i1 to i32
        %sign3A_1414 = arith.constant 0 : i32
        %sign3A_1415 = arith.cmpi slt, %jit3A_1402, %sign3A_1414 : i32
        %sign3A_1416 = arith.extui %sign3A_1415 : i1 to i32
        %sign3A_1417 = arith.subi %sign3A_1413, %sign3A_1416 : i32
        %ne3A_1418 = arith.cmpi ne, %sign3A_1410, %sign3A_1417 : i32
        %rem3A_1419 = arith.remsi %add3A_1249, %jit3A_1402 : i32
        %ne3A_1420 = arith.constant 0 : i32
        %ne3A_1421 = arith.cmpi ne, %rem3A_1419, %ne3A_1420 : i32
        %and3A_1422 = arith.andi %ne3A_1418, %ne3A_1421 : i1
        %sub3A_1423 = arith.constant 1 : i32
        %sub3A_1424 = arith.subi %div3A_1403, %sub3A_1423 : i32
        %select_n3A_1425 = arith.select %and3A_1422, %sub3A_1424, %div3A_1403 : i32
        %add3A_1426 = arith.constant 4 : i32
        %add3A_1427 = arith.addi %select_n3A_1425, %add3A_1426 : i32
        %dma_start3A_1428 = arith.constant 3 : i32
        %dma_start3A_1429 = arith.constant 0 : i32
        %dma_start3A_1430 = arith.constant 0 : i32
        %dma_start3A_1431 = tpu.memref_slice %arg6[%dma_start3A_1428, %dma_start3A_1429, %dma_start3A_1430] : memref<8x3x128xi32, #tpu.memory_space<vmem>> -> memref<1x3x128xi32, #tpu.memory_space<vmem>>
        %dma_start3A_1432 = tpu.memref_squeeze %dma_start3A_1431 : memref<1x3x128xi32, #tpu.memory_space<vmem>> -> memref<3x128xi32, #tpu.memory_space<vmem>>
        %dma_start3A_1433 = arith.constant 0 : i32
        %dma_start3A_1434 = arith.constant 0 : i32
        %dma_start3A_1435 = tpu.memref_slice %arg3[%arg1, %add3A_1427, %dma_start3A_1433, %dma_start3A_1434] : memref<16x80x3x128xi32, #tpu.memory_space<hbm>> -> memref<1x1x3x128xi32, #tpu.memory_space<hbm>>
        %dma_start3A_1436 = tpu.memref_squeeze %dma_start3A_1435 : memref<1x1x3x128xi32, #tpu.memory_space<hbm>> -> memref<3x128xi32, #tpu.memory_space<hbm>>
        %dma_start3A_1437 = arith.constant 0 : i32
        %dma_start3A_1438 = arith.constant 0 : i32
        %dma_start3A_1439 = tpu.memref_slice %arg6[%dma_start3A_1428, %dma_start3A_1437, %dma_start3A_1438] : memref<8x3x128xi32, #tpu.memory_space<vmem>> -> memref<1x3x128xi32, #tpu.memory_space<vmem>>
        %dma_start3A_1440 = tpu.memref_squeeze %dma_start3A_1439 : memref<1x3x128xi32, #tpu.memory_space<vmem>> -> memref<3x128xi32, #tpu.memory_space<vmem>>
        %dma_start3A_1441 = arith.constant 0 : i32
        %dma_start3A_1442 = arith.constant 0 : i32
        %dma_start3A_1443 = tpu.memref_slice %arg3[%arg1, %add3A_1427, %dma_start3A_1441, %dma_start3A_1442] : memref<16x80x3x128xi32, #tpu.memory_space<hbm>> -> memref<1x1x3x128xi32, #tpu.memory_space<hbm>>
        %dma_start3A_1444 = tpu.memref_squeeze %dma_start3A_1443 : memref<1x1x3x128xi32, #tpu.memory_space<hbm>> -> memref<3x128xi32, #tpu.memory_space<hbm>>
        tpu.enqueue_dma source(%dma_start3A_1444 : memref<3x128xi32, #tpu.memory_space<hbm>>) target(%dma_start3A_1440 : memref<3x128xi32, #tpu.memory_space<vmem>>) target_semaphore(%arg19 : memref<!tpu.dma_semaphore, #tpu.memory_space<semaphore_mem>>)
      } else {
      }
      %dma_wait3A_1293 = arith.constant 7 : i32
      %dma_wait3A_1294 = arith.constant 0 : i32
      %dma_wait3A_1295 = tpu.memref_slice %arg6[%dma_wait3A_1293, %arg0, %dma_wait3A_1294] : memref<8x3x128xi32, #tpu.memory_space<vmem>> -> memref<1x1x32xi32, #tpu.memory_space<vmem>>
      %dma_wait3A_1296 = tpu.memref_squeeze %dma_wait3A_1295 : memref<1x1x32xi32, #tpu.memory_space<vmem>> -> memref<32xi32, #tpu.memory_space<vmem>>
      %dma_wait3A_1297 = arith.constant 0 : i32
      %dma_wait3A_1298 = arith.constant 0 : i32
      %dma_wait3A_1299 = tpu.memref_slice %arg2[%dma_wait3A_1297, %dma_wait3A_1298] : memref<20000x128xf32, #tpu.memory_space<hbm>> -> memref<20000x128xf32, #tpu.memory_space<hbm>>
      tpu.wait_indirect_dma semaphore(%arg28 : memref<!tpu.dma_semaphore, #tpu.memory_space<semaphore_mem>>) src(%dma_wait3A_1299 : memref<20000x128xf32, #tpu.memory_space<hbm>>) dst(%arg11 : memref<32x128xf32, #tpu.memory_space<vmem>>)
      %dma_start3A_1300 = arith.constant 7 : i32
      %dma_start3A_1301 = arith.constant 2 : i32
      %dma_start3A_1302 = arith.constant 0 : i32
      %dma_start3A_1303 = tpu.memref_slice %arg6[%dma_start3A_1300, %dma_start3A_1301, %dma_start3A_1302] : memref<8x3x128xi32, #tpu.memory_space<vmem>> -> memref<1x1x32xi32, #tpu.memory_space<vmem>>
      %dma_start3A_1304 = tpu.memref_squeeze %dma_start3A_1303 : memref<1x1x32xi32, #tpu.memory_space<vmem>> -> memref<32xi32, #tpu.memory_space<vmem>>
      %dma_start3A_1305 = arith.constant 0 : i32
      %dma_start3A_1306 = arith.constant 0 : i32
      %dma_start3A_1307 = tpu.memref_slice %arg15[%dma_start3A_1305, %dma_start3A_1306] : memref<10112x128xf32, #tpu.memory_space<vmem_shared>> -> memref<10112x128xf32, #tpu.memory_space<vmem_shared>>
      tpu.enqueue_indirect_dma source(%arg11 : memref<32x128xf32, #tpu.memory_space<vmem>>) target(%dma_start3A_1307 : memref<10112x128xf32, #tpu.memory_space<vmem_shared>>) offsets(%dma_start3A_1304 : memref<32xi32, #tpu.memory_space<vmem>>) semaphore(%arg36 : memref<!tpu.dma_semaphore, #tpu.memory_space<semaphore_mem>>) {add = true}
      %mul3A_1308 = arith.constant 32 : i32
      %mul3A_1309 = arith.muli %scan3A_172, %mul3A_1308 : i32
      %add3A_1310 = arith.constant 29 : i32
      %add3A_1311 = arith.addi %mul3A_1309, %add3A_1310 : i32
      %ge3A_1312 = arith.constant 2 : i32
      %ge3A_1313 = arith.cmpi sge, %add3A_1311, %ge3A_1312 : i32
      %convert_element_type3A_1314 = arith.extui %ge3A_1313 : i1 to i32
      %cond3A_1315 = arith.constant 0 : i32
      %cond3A_1316 = arith.cmpi ne, %convert_element_type3A_1314, %cond3A_1315 : i32
      scf.if %cond3A_1316 {
        %dma_wait3A_1402 = arith.constant 6 : i32
        %dma_wait3A_1403 = arith.constant 2 : i32
        %dma_wait3A_1404 = arith.constant 96 : i32
        %dma_wait3A_1405 = tpu.memref_slice %arg6[%dma_wait3A_1402, %dma_wait3A_1403, %dma_wait3A_1404] : memref<8x3x128xi32, #tpu.memory_space<vmem>> -> memref<1x1x32xi32, #tpu.memory_space<vmem>>
        %dma_wait3A_1406 = tpu.memref_squeeze %dma_wait3A_1405 : memref<1x1x32xi32, #tpu.memory_space<vmem>> -> memref<32xi32, #tpu.memory_space<vmem>>
        %dma_wait3A_1407 = arith.constant 0 : i32
        %dma_wait3A_1408 = arith.constant 0 : i32
        %dma_wait3A_1409 = tpu.memref_slice %arg15[%dma_wait3A_1407, %dma_wait3A_1408] : memref<10112x128xf32, #tpu.memory_space<vmem_shared>> -> memref<10112x128xf32, #tpu.memory_space<vmem_shared>>
        tpu.wait_indirect_dma semaphore(%arg35 : memref<!tpu.dma_semaphore, #tpu.memory_space<semaphore_mem>>) src(%arg10 : memref<32x128xf32, #tpu.memory_space<vmem>>) dst(%dma_wait3A_1409 : memref<10112x128xf32, #tpu.memory_space<vmem_shared>>)
      } else {
      }
      %add3A_1317 = arith.constant 6 : i32
      %add3A_1318 = arith.addi %add3A_1311, %add3A_1317 : i32
      %lt3A_1319 = arith.constant 320 : i32
      %lt3A_1320 = arith.cmpi slt, %add3A_1318, %lt3A_1319 : i32
      %convert_element_type3A_1321 = arith.extui %lt3A_1320 : i1 to i32
      %cond3A_1322 = arith.constant 0 : i32
      %cond3A_1323 = arith.cmpi ne, %convert_element_type3A_1321, %cond3A_1322 : i32
      scf.if %cond3A_1323 {
        %dma_start3A_1402 = arith.constant 0 : i32
        %dma_start3A_1403 = arith.constant 96 : i32
        %dma_start3A_1404 = tpu.memref_slice %arg6[%dma_start3A_1402, %arg0, %dma_start3A_1403] : memref<8x3x128xi32, #tpu.memory_space<vmem>> -> memref<1x1x32xi32, #tpu.memory_space<vmem>>
        %dma_start3A_1405 = tpu.memref_squeeze %dma_start3A_1404 : memref<1x1x32xi32, #tpu.memory_space<vmem>> -> memref<32xi32, #tpu.memory_space<vmem>>
        %dma_start3A_1406 = arith.constant 0 : i32
        %dma_start3A_1407 = arith.constant 0 : i32
        %dma_start3A_1408 = tpu.memref_slice %arg2[%dma_start3A_1406, %dma_start3A_1407] : memref<20000x128xf32, #tpu.memory_space<hbm>> -> memref<20000x128xf32, #tpu.memory_space<hbm>>
        tpu.enqueue_indirect_dma source(%dma_start3A_1408 : memref<20000x128xf32, #tpu.memory_space<hbm>>) target(%arg10 : memref<32x128xf32, #tpu.memory_space<vmem>>) offsets(%dma_start3A_1405 : memref<32xi32, #tpu.memory_space<vmem>>) semaphore(%arg27 : memref<!tpu.dma_semaphore, #tpu.memory_space<semaphore_mem>>)
      } else {
      }
      %dma_wait3A_1324 = arith.constant 7 : i32
      %dma_wait3A_1325 = arith.constant 32 : i32
      %dma_wait3A_1326 = tpu.memref_slice %arg6[%dma_wait3A_1324, %arg0, %dma_wait3A_1325] : memref<8x3x128xi32, #tpu.memory_space<vmem>> -> memref<1x1x32xi32, #tpu.memory_space<vmem>>
      %dma_wait3A_1327 = tpu.memref_squeeze %dma_wait3A_1326 : memref<1x1x32xi32, #tpu.memory_space<vmem>> -> memref<32xi32, #tpu.memory_space<vmem>>
      %dma_wait3A_1328 = arith.constant 0 : i32
      %dma_wait3A_1329 = arith.constant 0 : i32
      %dma_wait3A_1330 = tpu.memref_slice %arg2[%dma_wait3A_1328, %dma_wait3A_1329] : memref<20000x128xf32, #tpu.memory_space<hbm>> -> memref<20000x128xf32, #tpu.memory_space<hbm>>
      tpu.wait_indirect_dma semaphore(%arg29 : memref<!tpu.dma_semaphore, #tpu.memory_space<semaphore_mem>>) src(%dma_wait3A_1330 : memref<20000x128xf32, #tpu.memory_space<hbm>>) dst(%arg12 : memref<32x128xf32, #tpu.memory_space<vmem>>)
      %dma_start3A_1331 = arith.constant 7 : i32
      %dma_start3A_1332 = arith.constant 2 : i32
      %dma_start3A_1333 = arith.constant 32 : i32
      %dma_start3A_1334 = tpu.memref_slice %arg6[%dma_start3A_1331, %dma_start3A_1332, %dma_start3A_1333] : memref<8x3x128xi32, #tpu.memory_space<vmem>> -> memref<1x1x32xi32, #tpu.memory_space<vmem>>
      %dma_start3A_1335 = tpu.memref_squeeze %dma_start3A_1334 : memref<1x1x32xi32, #tpu.memory_space<vmem>> -> memref<32xi32, #tpu.memory_space<vmem>>
      %dma_start3A_1336 = arith.constant 0 : i32
      %dma_start3A_1337 = arith.constant 0 : i32
      %dma_start3A_1338 = tpu.memref_slice %arg15[%dma_start3A_1336, %dma_start3A_1337] : memref<10112x128xf32, #tpu.memory_space<vmem_shared>> -> memref<10112x128xf32, #tpu.memory_space<vmem_shared>>
      tpu.enqueue_indirect_dma source(%arg12 : memref<32x128xf32, #tpu.memory_space<vmem>>) target(%dma_start3A_1338 : memref<10112x128xf32, #tpu.memory_space<vmem_shared>>) offsets(%dma_start3A_1335 : memref<32xi32, #tpu.memory_space<vmem>>) semaphore(%arg37 : memref<!tpu.dma_semaphore, #tpu.memory_space<semaphore_mem>>) {add = true}
      %mul3A_1339 = arith.constant 32 : i32
      %mul3A_1340 = arith.muli %scan3A_172, %mul3A_1339 : i32
      %add3A_1341 = arith.constant 30 : i32
      %add3A_1342 = arith.addi %mul3A_1340, %add3A_1341 : i32
      %ge3A_1343 = arith.constant 2 : i32
      %ge3A_1344 = arith.cmpi sge, %add3A_1342, %ge3A_1343 : i32
      %convert_element_type3A_1345 = arith.extui %ge3A_1344 : i1 to i32
      %cond3A_1346 = arith.constant 0 : i32
      %cond3A_1347 = arith.cmpi ne, %convert_element_type3A_1345, %cond3A_1346 : i32
      scf.if %cond3A_1347 {
        %dma_wait3A_1402 = arith.constant 7 : i32
        %dma_wait3A_1403 = arith.constant 2 : i32
        %dma_wait3A_1404 = arith.constant 0 : i32
        %dma_wait3A_1405 = tpu.memref_slice %arg6[%dma_wait3A_1402, %dma_wait3A_1403, %dma_wait3A_1404] : memref<8x3x128xi32, #tpu.memory_space<vmem>> -> memref<1x1x32xi32, #tpu.memory_space<vmem>>
        %dma_wait3A_1406 = tpu.memref_squeeze %dma_wait3A_1405 : memref<1x1x32xi32, #tpu.memory_space<vmem>> -> memref<32xi32, #tpu.memory_space<vmem>>
        %dma_wait3A_1407 = arith.constant 0 : i32
        %dma_wait3A_1408 = arith.constant 0 : i32
        %dma_wait3A_1409 = tpu.memref_slice %arg15[%dma_wait3A_1407, %dma_wait3A_1408] : memref<10112x128xf32, #tpu.memory_space<vmem_shared>> -> memref<10112x128xf32, #tpu.memory_space<vmem_shared>>
        tpu.wait_indirect_dma semaphore(%arg36 : memref<!tpu.dma_semaphore, #tpu.memory_space<semaphore_mem>>) src(%arg11 : memref<32x128xf32, #tpu.memory_space<vmem>>) dst(%dma_wait3A_1409 : memref<10112x128xf32, #tpu.memory_space<vmem_shared>>)
      } else {
      }
      %add3A_1348 = arith.constant 6 : i32
      %add3A_1349 = arith.addi %add3A_1342, %add3A_1348 : i32
      %lt3A_1350 = arith.constant 320 : i32
      %lt3A_1351 = arith.cmpi slt, %add3A_1349, %lt3A_1350 : i32
      %convert_element_type3A_1352 = arith.extui %lt3A_1351 : i1 to i32
      %cond3A_1353 = arith.constant 0 : i32
      %cond3A_1354 = arith.cmpi ne, %convert_element_type3A_1352, %cond3A_1353 : i32
      scf.if %cond3A_1354 {
        %dma_wait3A_1402 = arith.constant 0 : i32
        %dma_wait3A_1403 = arith.constant 1 : i32
        %dma_wait3A_1404 = arith.constant 0 : i32
        %dma_wait3A_1405 = arith.constant 0 : i32
        %dma_wait3A_1406 = tpu.memref_slice %arg6[%dma_wait3A_1403, %dma_wait3A_1404, %dma_wait3A_1405] : memref<8x3x128xi32, #tpu.memory_space<vmem>> -> memref<1x3x128xi32, #tpu.memory_space<vmem>>
        %dma_wait3A_1407 = tpu.memref_squeeze %dma_wait3A_1406 : memref<1x3x128xi32, #tpu.memory_space<vmem>> -> memref<3x128xi32, #tpu.memory_space<vmem>>
        %dma_wait3A_1408 = arith.constant 0 : i32
        %dma_wait3A_1409 = arith.constant 0 : i32
        %dma_wait3A_1410 = tpu.memref_slice %arg3[%arg1, %dma_wait3A_1402, %dma_wait3A_1408, %dma_wait3A_1409] : memref<16x80x3x128xi32, #tpu.memory_space<hbm>> -> memref<1x1x3x128xi32, #tpu.memory_space<hbm>>
        %dma_wait3A_1411 = tpu.memref_squeeze %dma_wait3A_1410 : memref<1x1x3x128xi32, #tpu.memory_space<hbm>> -> memref<3x128xi32, #tpu.memory_space<hbm>>
        %dma_wait3A_1412 = arith.constant 0 : i32
        %dma_wait3A_1413 = arith.constant 0 : i32
        %dma_wait3A_1414 = tpu.memref_slice %arg6[%dma_wait3A_1403, %dma_wait3A_1412, %dma_wait3A_1413] : memref<8x3x128xi32, #tpu.memory_space<vmem>> -> memref<1x3x128xi32, #tpu.memory_space<vmem>>
        %dma_wait3A_1415 = tpu.memref_squeeze %dma_wait3A_1414 : memref<1x3x128xi32, #tpu.memory_space<vmem>> -> memref<3x128xi32, #tpu.memory_space<vmem>>
        %dma_wait3A_1416 = arith.constant 0 : i32
        %dma_wait3A_1417 = arith.constant 0 : i32
        %dma_wait3A_1418 = tpu.memref_slice %arg3[%arg1, %dma_wait3A_1402, %dma_wait3A_1416, %dma_wait3A_1417] : memref<16x80x3x128xi32, #tpu.memory_space<hbm>> -> memref<1x1x3x128xi32, #tpu.memory_space<hbm>>
        %dma_wait3A_1419 = tpu.memref_squeeze %dma_wait3A_1418 : memref<1x1x3x128xi32, #tpu.memory_space<hbm>> -> memref<3x128xi32, #tpu.memory_space<hbm>>
        tpu.wait_dma2 semaphore(%arg17 : memref<!tpu.dma_semaphore, #tpu.memory_space<semaphore_mem>>) src(%dma_wait3A_1419 : memref<3x128xi32, #tpu.memory_space<hbm>>) dst(%dma_wait3A_1415 : memref<3x128xi32, #tpu.memory_space<vmem>>)
        %dma_start3A_1420 = arith.constant 1 : i32
        %dma_start3A_1421 = arith.constant 0 : i32
        %dma_start3A_1422 = tpu.memref_slice %arg6[%dma_start3A_1420, %arg0, %dma_start3A_1421] : memref<8x3x128xi32, #tpu.memory_space<vmem>> -> memref<1x1x32xi32, #tpu.memory_space<vmem>>
        %dma_start3A_1423 = tpu.memref_squeeze %dma_start3A_1422 : memref<1x1x32xi32, #tpu.memory_space<vmem>> -> memref<32xi32, #tpu.memory_space<vmem>>
        %dma_start3A_1424 = arith.constant 0 : i32
        %dma_start3A_1425 = arith.constant 0 : i32
        %dma_start3A_1426 = tpu.memref_slice %arg2[%dma_start3A_1424, %dma_start3A_1425] : memref<20000x128xf32, #tpu.memory_space<hbm>> -> memref<20000x128xf32, #tpu.memory_space<hbm>>
        tpu.enqueue_indirect_dma source(%dma_start3A_1426 : memref<20000x128xf32, #tpu.memory_space<hbm>>) target(%arg11 : memref<32x128xf32, #tpu.memory_space<vmem>>) offsets(%dma_start3A_1423 : memref<32xi32, #tpu.memory_space<vmem>>) semaphore(%arg28 : memref<!tpu.dma_semaphore, #tpu.memory_space<semaphore_mem>>)
      } else {
      }
      %dma_wait3A_1355 = arith.constant 7 : i32
      %dma_wait3A_1356 = arith.constant 64 : i32
      %dma_wait3A_1357 = tpu.memref_slice %arg6[%dma_wait3A_1355, %arg0, %dma_wait3A_1356] : memref<8x3x128xi32, #tpu.memory_space<vmem>> -> memref<1x1x32xi32, #tpu.memory_space<vmem>>
      %dma_wait3A_1358 = tpu.memref_squeeze %dma_wait3A_1357 : memref<1x1x32xi32, #tpu.memory_space<vmem>> -> memref<32xi32, #tpu.memory_space<vmem>>
      %dma_wait3A_1359 = arith.constant 0 : i32
      %dma_wait3A_1360 = arith.constant 0 : i32
      %dma_wait3A_1361 = tpu.memref_slice %arg2[%dma_wait3A_1359, %dma_wait3A_1360] : memref<20000x128xf32, #tpu.memory_space<hbm>> -> memref<20000x128xf32, #tpu.memory_space<hbm>>
      tpu.wait_indirect_dma semaphore(%arg30 : memref<!tpu.dma_semaphore, #tpu.memory_space<semaphore_mem>>) src(%dma_wait3A_1361 : memref<20000x128xf32, #tpu.memory_space<hbm>>) dst(%arg13 : memref<32x128xf32, #tpu.memory_space<vmem>>)
      %dma_start3A_1362 = arith.constant 7 : i32
      %dma_start3A_1363 = arith.constant 2 : i32
      %dma_start3A_1364 = arith.constant 64 : i32
      %dma_start3A_1365 = tpu.memref_slice %arg6[%dma_start3A_1362, %dma_start3A_1363, %dma_start3A_1364] : memref<8x3x128xi32, #tpu.memory_space<vmem>> -> memref<1x1x32xi32, #tpu.memory_space<vmem>>
      %dma_start3A_1366 = tpu.memref_squeeze %dma_start3A_1365 : memref<1x1x32xi32, #tpu.memory_space<vmem>> -> memref<32xi32, #tpu.memory_space<vmem>>
      %dma_start3A_1367 = arith.constant 0 : i32
      %dma_start3A_1368 = arith.constant 0 : i32
      %dma_start3A_1369 = tpu.memref_slice %arg15[%dma_start3A_1367, %dma_start3A_1368] : memref<10112x128xf32, #tpu.memory_space<vmem_shared>> -> memref<10112x128xf32, #tpu.memory_space<vmem_shared>>
      tpu.enqueue_indirect_dma source(%arg13 : memref<32x128xf32, #tpu.memory_space<vmem>>) target(%dma_start3A_1369 : memref<10112x128xf32, #tpu.memory_space<vmem_shared>>) offsets(%dma_start3A_1366 : memref<32xi32, #tpu.memory_space<vmem>>) semaphore(%arg38 : memref<!tpu.dma_semaphore, #tpu.memory_space<semaphore_mem>>) {add = true}
      %mul3A_1370 = arith.constant 32 : i32
      %mul3A_1371 = arith.muli %scan3A_172, %mul3A_1370 : i32
      %add3A_1372 = arith.constant 31 : i32
      %add3A_1373 = arith.addi %mul3A_1371, %add3A_1372 : i32
      %ge3A_1374 = arith.constant 2 : i32
      %ge3A_1375 = arith.cmpi sge, %add3A_1373, %ge3A_1374 : i32
      %convert_element_type3A_1376 = arith.extui %ge3A_1375 : i1 to i32
      %cond3A_1377 = arith.constant 0 : i32
      %cond3A_1378 = arith.cmpi ne, %convert_element_type3A_1376, %cond3A_1377 : i32
      scf.if %cond3A_1378 {
        %dma_wait3A_1402 = arith.constant 7 : i32
        %dma_wait3A_1403 = arith.constant 2 : i32
        %dma_wait3A_1404 = arith.constant 32 : i32
        %dma_wait3A_1405 = tpu.memref_slice %arg6[%dma_wait3A_1402, %dma_wait3A_1403, %dma_wait3A_1404] : memref<8x3x128xi32, #tpu.memory_space<vmem>> -> memref<1x1x32xi32, #tpu.memory_space<vmem>>
        %dma_wait3A_1406 = tpu.memref_squeeze %dma_wait3A_1405 : memref<1x1x32xi32, #tpu.memory_space<vmem>> -> memref<32xi32, #tpu.memory_space<vmem>>
        %dma_wait3A_1407 = arith.constant 0 : i32
        %dma_wait3A_1408 = arith.constant 0 : i32
        %dma_wait3A_1409 = tpu.memref_slice %arg15[%dma_wait3A_1407, %dma_wait3A_1408] : memref<10112x128xf32, #tpu.memory_space<vmem_shared>> -> memref<10112x128xf32, #tpu.memory_space<vmem_shared>>
        tpu.wait_indirect_dma semaphore(%arg37 : memref<!tpu.dma_semaphore, #tpu.memory_space<semaphore_mem>>) src(%arg12 : memref<32x128xf32, #tpu.memory_space<vmem>>) dst(%dma_wait3A_1409 : memref<10112x128xf32, #tpu.memory_space<vmem_shared>>)
      } else {
      }
      %add3A_1379 = arith.constant 6 : i32
      %add3A_1380 = arith.addi %add3A_1373, %add3A_1379 : i32
      %lt3A_1381 = arith.constant 320 : i32
      %lt3A_1382 = arith.cmpi slt, %add3A_1380, %lt3A_1381 : i32
      %convert_element_type3A_1383 = arith.extui %lt3A_1382 : i1 to i32
      %cond3A_1384 = arith.constant 0 : i32
      %cond3A_1385 = arith.cmpi ne, %convert_element_type3A_1383, %cond3A_1384 : i32
      scf.if %cond3A_1385 {
        %dma_start3A_1402 = arith.constant 1 : i32
        %dma_start3A_1403 = arith.constant 32 : i32
        %dma_start3A_1404 = tpu.memref_slice %arg6[%dma_start3A_1402, %arg0, %dma_start3A_1403] : memref<8x3x128xi32, #tpu.memory_space<vmem>> -> memref<1x1x32xi32, #tpu.memory_space<vmem>>
        %dma_start3A_1405 = tpu.memref_squeeze %dma_start3A_1404 : memref<1x1x32xi32, #tpu.memory_space<vmem>> -> memref<32xi32, #tpu.memory_space<vmem>>
        %dma_start3A_1406 = arith.constant 0 : i32
        %dma_start3A_1407 = arith.constant 0 : i32
        %dma_start3A_1408 = tpu.memref_slice %arg2[%dma_start3A_1406, %dma_start3A_1407] : memref<20000x128xf32, #tpu.memory_space<hbm>> -> memref<20000x128xf32, #tpu.memory_space<hbm>>
        tpu.enqueue_indirect_dma source(%dma_start3A_1408 : memref<20000x128xf32, #tpu.memory_space<hbm>>) target(%arg12 : memref<32x128xf32, #tpu.memory_space<vmem>>) offsets(%dma_start3A_1405 : memref<32xi32, #tpu.memory_space<vmem>>) semaphore(%arg29 : memref<!tpu.dma_semaphore, #tpu.memory_space<semaphore_mem>>)
      } else {
      }
      %dma_wait3A_1386 = arith.constant 7 : i32
      %dma_wait3A_1387 = arith.constant 96 : i32
      %dma_wait3A_1388 = tpu.memref_slice %arg6[%dma_wait3A_1386, %arg0, %dma_wait3A_1387] : memref<8x3x128xi32, #tpu.memory_space<vmem>> -> memref<1x1x32xi32, #tpu.memory_space<vmem>>
      %dma_wait3A_1389 = tpu.memref_squeeze %dma_wait3A_1388 : memref<1x1x32xi32, #tpu.memory_space<vmem>> -> memref<32xi32, #tpu.memory_space<vmem>>
      %dma_wait3A_1390 = arith.constant 0 : i32
      %dma_wait3A_1391 = arith.constant 0 : i32
      %dma_wait3A_1392 = tpu.memref_slice %arg2[%dma_wait3A_1390, %dma_wait3A_1391] : memref<20000x128xf32, #tpu.memory_space<hbm>> -> memref<20000x128xf32, #tpu.memory_space<hbm>>
      tpu.wait_indirect_dma semaphore(%arg31 : memref<!tpu.dma_semaphore, #tpu.memory_space<semaphore_mem>>) src(%dma_wait3A_1392 : memref<20000x128xf32, #tpu.memory_space<hbm>>) dst(%arg14 : memref<32x128xf32, #tpu.memory_space<vmem>>)
      %dma_start3A_1393 = arith.constant 7 : i32
      %dma_start3A_1394 = arith.constant 2 : i32
      %dma_start3A_1395 = arith.constant 96 : i32
      %dma_start3A_1396 = tpu.memref_slice %arg6[%dma_start3A_1393, %dma_start3A_1394, %dma_start3A_1395] : memref<8x3x128xi32, #tpu.memory_space<vmem>> -> memref<1x1x32xi32, #tpu.memory_space<vmem>>
      %dma_start3A_1397 = tpu.memref_squeeze %dma_start3A_1396 : memref<1x1x32xi32, #tpu.memory_space<vmem>> -> memref<32xi32, #tpu.memory_space<vmem>>
      %dma_start3A_1398 = arith.constant 0 : i32
      %dma_start3A_1399 = arith.constant 0 : i32
      %dma_start3A_1400 = tpu.memref_slice %arg15[%dma_start3A_1398, %dma_start3A_1399] : memref<10112x128xf32, #tpu.memory_space<vmem_shared>> -> memref<10112x128xf32, #tpu.memory_space<vmem_shared>>
      tpu.enqueue_indirect_dma source(%arg14 : memref<32x128xf32, #tpu.memory_space<vmem>>) target(%dma_start3A_1400 : memref<10112x128xf32, #tpu.memory_space<vmem_shared>>) offsets(%dma_start3A_1397 : memref<32xi32, #tpu.memory_space<vmem>>) semaphore(%arg39 : memref<!tpu.dma_semaphore, #tpu.memory_space<semaphore_mem>>) {add = true}
      %scan3A_1401 = arith.constant 0 : i32
      scf.yield %scan3A_1401 : i32
    }
    %scan3A_154 = arith.constant 10 : i32
    %dma_wait3A_155 = arith.constant 7 : i32
    %dma_wait3A_156 = arith.constant 2 : i32
    %dma_wait3A_157 = arith.constant 64 : i32
    %dma_wait3A_158 = tpu.memref_slice %arg6[%dma_wait3A_155, %dma_wait3A_156, %dma_wait3A_157] : memref<8x3x128xi32, #tpu.memory_space<vmem>> -> memref<1x1x32xi32, #tpu.memory_space<vmem>>
    %dma_wait3A_159 = tpu.memref_squeeze %dma_wait3A_158 : memref<1x1x32xi32, #tpu.memory_space<vmem>> -> memref<32xi32, #tpu.memory_space<vmem>>
    %dma_wait3A_160 = arith.constant 0 : i32
    %dma_wait3A_161 = arith.constant 0 : i32
    %dma_wait3A_162 = tpu.memref_slice %arg15[%dma_wait3A_160, %dma_wait3A_161] : memref<10112x128xf32, #tpu.memory_space<vmem_shared>> -> memref<10112x128xf32, #tpu.memory_space<vmem_shared>>
    tpu.wait_indirect_dma semaphore(%arg38 : memref<!tpu.dma_semaphore, #tpu.memory_space<semaphore_mem>>) src(%arg13 : memref<32x128xf32, #tpu.memory_space<vmem>>) dst(%dma_wait3A_162 : memref<10112x128xf32, #tpu.memory_space<vmem_shared>>)
    %dma_wait3A_163 = arith.constant 7 : i32
    %dma_wait3A_164 = arith.constant 2 : i32
    %dma_wait3A_165 = arith.constant 96 : i32
    %dma_wait3A_166 = tpu.memref_slice %arg6[%dma_wait3A_163, %dma_wait3A_164, %dma_wait3A_165] : memref<8x3x128xi32, #tpu.memory_space<vmem>> -> memref<1x1x32xi32, #tpu.memory_space<vmem>>
    %dma_wait3A_167 = tpu.memref_squeeze %dma_wait3A_166 : memref<1x1x32xi32, #tpu.memory_space<vmem>> -> memref<32xi32, #tpu.memory_space<vmem>>
    %dma_wait3A_168 = arith.constant 0 : i32
    %dma_wait3A_169 = arith.constant 0 : i32
    %dma_wait3A_170 = tpu.memref_slice %arg15[%dma_wait3A_168, %dma_wait3A_169] : memref<10112x128xf32, #tpu.memory_space<vmem_shared>> -> memref<10112x128xf32, #tpu.memory_space<vmem_shared>>
    tpu.wait_indirect_dma semaphore(%arg39 : memref<!tpu.dma_semaphore, #tpu.memory_space<semaphore_mem>>) src(%arg14 : memref<32x128xf32, #tpu.memory_space<vmem>>) dst(%dma_wait3A_170 : memref<10112x128xf32, #tpu.memory_space<vmem_shared>>)
    %barrier3A_171 = arith.constant 0 : index
    tpu.barrier barrier_id(%barrier3A_171)
    "tpu.region"() ({
      %run_scoped3A = tpu.sem_alloc : memref<!tpu.dma_semaphore, #tpu.memory_space<semaphore_mem>>
      %dma_start3A_172 = arith.constant 0 : i32
      %dma_start3A_173 = tpu.memref_slice %arg5[%arg0, %mul3A_0, %dma_start3A_172] : memref<2x10112x128xf32, #tpu.memory_space<hbm>> -> memref<1x632x128xf32, #tpu.memory_space<hbm>>
      %dma_start3A_174 = tpu.memref_squeeze %dma_start3A_173 : memref<1x632x128xf32, #tpu.memory_space<hbm>> -> memref<632x128xf32, #tpu.memory_space<hbm>>
      %dma_start3A_175 = arith.constant 0 : i32
      %dma_start3A_176 = tpu.memref_slice %arg15[%mul3A_0, %dma_start3A_175] : memref<10112x128xf32, #tpu.memory_space<vmem_shared>> -> memref<632x128xf32, #tpu.memory_space<vmem_shared>>
      tpu.enqueue_dma source(%dma_start3A_176 : memref<632x128xf32, #tpu.memory_space<vmem_shared>>) target(%dma_start3A_174 : memref<632x128xf32, #tpu.memory_space<hbm>>) target_semaphore(%run_scoped3A : memref<!tpu.dma_semaphore, #tpu.memory_space<semaphore_mem>>)
      %dma_wait3A_177 = arith.constant 0 : i32
      %dma_wait3A_178 = tpu.memref_slice %arg5[%arg0, %mul3A_0, %dma_wait3A_177] : memref<2x10112x128xf32, #tpu.memory_space<hbm>> -> memref<1x632x128xf32, #tpu.memory_space<hbm>>
      %dma_wait3A_179 = tpu.memref_squeeze %dma_wait3A_178 : memref<1x632x128xf32, #tpu.memory_space<hbm>> -> memref<632x128xf32, #tpu.memory_space<hbm>>
      %dma_wait3A_180 = arith.constant 0 : i32
      %dma_wait3A_181 = tpu.memref_slice %arg15[%mul3A_0, %dma_wait3A_180] : memref<10112x128xf32, #tpu.memory_space<vmem_shared>> -> memref<632x128xf32, #tpu.memory_space<vmem_shared>>
      tpu.wait_dma2 semaphore(%run_scoped3A : memref<!tpu.dma_semaphore, #tpu.memory_space<semaphore_mem>>) src(%dma_wait3A_181 : memref<632x128xf32, #tpu.memory_space<vmem_shared>>) dst(%dma_wait3A_179 : memref<632x128xf32, #tpu.memory_space<hbm>>)
      tpu.yield
    }) : () -> ()
    return
  }
}

module attributes {stable_mosaic.version = 14 : i64} {
  func.func @_dense1_body(%arg0: i32, %arg1: memref<1000x256xf32, #tpu.memory_space<vmem>>, %arg2: memref<256x256xf32, #tpu.memory_space<vmem>>, %arg3: memref<1x256xf32, #tpu.memory_space<vmem>>, %arg4: memref<1x256xf32, #tpu.memory_space<vmem>>, %arg5: memref<2x1000x128xf32, #tpu.memory_space<vmem>>) attributes {dimension_semantics = [#tpu.dimension_semantics<arbitrary>], iteration_bounds = array<i64: 10>, scalar_prefetch = 0 : i64, scratch_operands = 0 : i64, tpu.core_type = #tpu.core_type<tc>, window_params = [{transform_indices = @transform_0, window_bounds = array<i64: 1000, 256>}, {pipeline_mode = #tpu.pipeline_mode<synchronous>, transform_indices = @transform_1, window_bounds = array<i64: 256, 256>}, {pipeline_mode = #tpu.pipeline_mode<synchronous>, transform_indices = @transform_2, window_bounds = array<i64: 1, 256>}, {pipeline_mode = #tpu.pipeline_mode<synchronous>, transform_indices = @transform_3, window_bounds = array<i64: 1, 256>}, {transform_indices = @transform_4, window_bounds = array<i64: 2, 1000, 128>}]} {
    %get3A = arith.constant 0 : index
    %get3A_0 = arith.constant 0 : index
    %get3A_1 = vector.load %arg1[%get3A, %get3A_0] : memref<1000x256xf32, #tpu.memory_space<vmem>>, vector<1000x256xf32>
    %reduce_sum3A = arith.constant dense<0.000000e+00> : vector<1000xf32>
    %reduce_sum3A_2 = vector.multi_reduction <add>, %get3A_1, %reduce_sum3A [1] : vector<1000x256xf32> to vector<1000xf32>
    %broadcast_in_dim3A = vector.shape_cast %reduce_sum3A_2 : vector<1000xf32> to vector<1000x1xf32>
    %div3A = arith.constant 2.560000e+02 : f32
    %div3A_3 = vector.broadcast %div3A : f32 to vector<1000x1xf32>
    %div3A_4 = arith.divf %broadcast_in_dim3A, %div3A_3 : vector<1000x1xf32>
    %sub3A = vector.broadcast %div3A_4 : vector<1000x1xf32> to vector<1000x256xf32>
    %sub3A_5 = arith.subf %get3A_1, %sub3A : vector<1000x256xf32>
    %integer_pow3A = arith.mulf %sub3A_5, %sub3A_5 : vector<1000x256xf32>
    %reduce_sum3A_6 = arith.constant dense<0.000000e+00> : vector<1000xf32>
    %reduce_sum3A_7 = vector.multi_reduction <add>, %integer_pow3A, %reduce_sum3A_6 [1] : vector<1000x256xf32> to vector<1000xf32>
    %broadcast_in_dim3A_8 = vector.shape_cast %reduce_sum3A_7 : vector<1000xf32> to vector<1000x1xf32>
    %div3A_9 = arith.constant 2.560000e+02 : f32
    %div3A_10 = vector.broadcast %div3A_9 : f32 to vector<1000x1xf32>
    %div3A_11 = arith.divf %broadcast_in_dim3A_8, %div3A_10 : vector<1000x1xf32>
    %sub3A_12 = vector.broadcast %div3A_4 : vector<1000x1xf32> to vector<1000x256xf32>
    %sub3A_13 = arith.subf %get3A_1, %sub3A_12 : vector<1000x256xf32>
    %add3A = arith.constant 9.99999974E-6 : f32
    %add3A_14 = vector.broadcast %add3A : f32 to vector<1000x1xf32>
    %add3A_15 = arith.addf %div3A_11, %add3A_14 : vector<1000x1xf32>
    %rsqrt3A = math.rsqrt %add3A_15 : vector<1000x1xf32>
    %mul3A = vector.broadcast %rsqrt3A : vector<1000x1xf32> to vector<1000x256xf32>
    %mul3A_16 = arith.mulf %sub3A_13, %mul3A : vector<1000x256xf32>
    %get3A_17 = arith.constant 0 : index
    %get3A_18 = arith.constant 0 : index
    %get3A_19 = vector.load %arg3[%get3A_17, %get3A_18] : memref<1x256xf32, #tpu.memory_space<vmem>>, vector<1x256xf32>
    %mul3A_20 = vector.broadcast %get3A_19 : vector<1x256xf32> to vector<1000x256xf32>
    %mul3A_21 = arith.mulf %mul3A_16, %mul3A_20 : vector<1000x256xf32>
    %get3A_22 = arith.constant 0 : index
    %get3A_23 = arith.constant 0 : index
    %get3A_24 = vector.load %arg4[%get3A_22, %get3A_23] : memref<1x256xf32, #tpu.memory_space<vmem>>, vector<1x256xf32>
    %add3A_25 = vector.broadcast %get3A_24 : vector<1x256xf32> to vector<1000x256xf32>
    %add3A_26 = arith.addf %mul3A_21, %add3A_25 : vector<1000x256xf32>
    %get3A_27 = arith.constant 0 : index
    %get3A_28 = arith.constant 0 : index
    %get3A_29 = vector.load %arg2[%get3A_27, %get3A_28] : memref<256x256xf32, #tpu.memory_space<vmem>>, vector<256x256xf32>
    %dot_general3A = arith.constant dense<0.000000e+00> : vector<1000x256xf32>
    %dot_general3A_30 = tpu.matmul %add3A_26, %get3A_29, %dot_general3A {dimension_numbers = #tpu.dot_dimension_numbers<[1], [1], [0], [0], [0, 0, 1, 0], [], []>, transpose_lhs_hint = false} : vector<1000x256xf32>, vector<256x256xf32>, vector<1000x256xf32> -> vector<1000x256xf32>
    %slice3A = vector.extract_strided_slice %dot_general3A_30 {offsets = [0, 0], sizes = [1000, 128], strides = [1, 1]} : vector<1000x256xf32> to vector<1000x128xf32>
    %slice3A_31 = vector.extract_strided_slice %dot_general3A_30 {offsets = [0, 128], sizes = [1000, 128], strides = [1, 1]} : vector<1000x256xf32> to vector<1000x128xf32>
    %stack3A = vector.shape_cast %slice3A : vector<1000x128xf32> to vector<1x1000x128xf32>
    %stack3A_32 = vector.shape_cast %slice3A_31 : vector<1000x128xf32> to vector<1x1000x128xf32>
    %stack3A_33 = tpu.concatenate %stack3A, %stack3A_32 in 0 : vector<1x1000x128xf32>, vector<1x1000x128xf32> -> vector<2x1000x128xf32>
    %swap3A = arith.constant 0 : index
    %swap3A_34 = arith.constant 0 : index
    %swap3A_35 = arith.constant 0 : index
    %swap3A_36 = vector.load %arg5[%swap3A, %swap3A_34, %swap3A_35] : memref<2x1000x128xf32, #tpu.memory_space<vmem>>, vector<2x1000x128xf32>
    tpu.vector_store %arg5[%swap3A, %swap3A_34, %swap3A_35], %stack3A_33 {strides = array<i32>} : memref<2x1000x128xf32, #tpu.memory_space<vmem>>, vector<2x1000x128xf32>,
    return
  }
  func.func @transform_0(%arg0: i32) -> (i32, i32) {
    %c0_i32 = arith.constant 0 : i32
    %c0_i32_0 = arith.constant 0 : i32
    return %arg0, %c0_i32 : i32, i32
  }
  func.func @transform_1(%arg0: i32) -> (i32, i32) {
    %c0_i32 = arith.constant 0 : i32
    %c0_i32_0 = arith.constant 0 : i32
    %c0_i32_1 = arith.constant 0 : i32
    return %c0_i32, %c0_i32_0 : i32, i32
  }
  func.func @transform_2(%arg0: i32) -> (i32, i32) {
    %c0_i32 = arith.constant 0 : i32
    %c0_i32_0 = arith.constant 0 : i32
    %c0_i32_1 = arith.constant 0 : i32
    return %c0_i32, %c0_i32_0 : i32, i32
  }
  func.func @transform_3(%arg0: i32) -> (i32, i32) {
    %c0_i32 = arith.constant 0 : i32
    %c0_i32_0 = arith.constant 0 : i32
    %c0_i32_1 = arith.constant 0 : i32
    return %c0_i32, %c0_i32_0 : i32, i32
  }
  func.func @transform_4(%arg0: i32) -> (i32, i32, i32) {
    %c0_i32 = arith.constant 0 : i32
    %c0_i32_0 = arith.constant 0 : i32
    %c0_i32_1 = arith.constant 0 : i32
    return %c0_i32, %arg0, %c0_i32_0 : i32, i32, i32
  }
}

module attributes {stable_mosaic.version = 14 : i64} {
  func.func @_scale_body(%arg0: i32, %arg1: memref<2x1000x128xf32, #tpu.memory_space<vmem>>, %arg2: memref<1000x1xf32, #tpu.memory_space<vmem>>, %arg3: memref<2x1000x128xf32, #tpu.memory_space<vmem>>) attributes {dimension_semantics = [#tpu.dimension_semantics<arbitrary>], iteration_bounds = array<i64: 10>, scalar_prefetch = 0 : i64, scratch_operands = 0 : i64, tpu.core_type = #tpu.core_type<tc>, window_params = [{transform_indices = @transform_0, window_bounds = array<i64: 2, 1000, 128>}, {transform_indices = @transform_1, window_bounds = array<i64: 1000, 1>}, {transform_indices = @transform_2, window_bounds = array<i64: 2, 1000, 128>}]} {
    %get3A = arith.constant 0 : index
    %get3A_0 = arith.constant 0 : index
    %get3A_1 = arith.constant 0 : index
    %get3A_2 = vector.load %arg1[%get3A, %get3A_0, %get3A_1] : memref<2x1000x128xf32, #tpu.memory_space<vmem>>, vector<2x1000x128xf32>
    %get3A_3 = arith.constant 0 : index
    %get3A_4 = arith.constant 0 : index
    %get3A_5 = vector.load %arg2[%get3A_3, %get3A_4] : memref<1000x1xf32, #tpu.memory_space<vmem>>, vector<1000x1xf32>
    %rsqrt3A = math.rsqrt %get3A_5 : vector<1000x1xf32>
    %broadcast_in_dim3A = vector.shape_cast %rsqrt3A : vector<1000x1xf32> to vector<1x1000x1xf32>
    %mul3A = vector.broadcast %broadcast_in_dim3A : vector<1x1000x1xf32> to vector<2x1000x128xf32>
    %mul3A_6 = arith.mulf %get3A_2, %mul3A : vector<2x1000x128xf32>
    %swap3A = arith.constant 0 : index
    %swap3A_7 = arith.constant 0 : index
    %swap3A_8 = arith.constant 0 : index
    %swap3A_9 = vector.load %arg3[%swap3A, %swap3A_7, %swap3A_8] : memref<2x1000x128xf32, #tpu.memory_space<vmem>>, vector<2x1000x128xf32>
    tpu.vector_store %arg3[%swap3A, %swap3A_7, %swap3A_8], %mul3A_6 {strides = array<i32>} : memref<2x1000x128xf32, #tpu.memory_space<vmem>>, vector<2x1000x128xf32>,
    return
  }
  func.func @transform_0(%arg0: i32) -> (i32, i32, i32) {
    %c0_i32 = arith.constant 0 : i32
    %c0_i32_0 = arith.constant 0 : i32
    %c0_i32_1 = arith.constant 0 : i32
    return %c0_i32, %arg0, %c0_i32_0 : i32, i32, i32
  }
  func.func @transform_1(%arg0: i32) -> (i32, i32) {
    %c0_i32 = arith.constant 0 : i32
    %c0_i32_0 = arith.constant 0 : i32
    return %arg0, %c0_i32 : i32, i32
  }
  func.func @transform_2(%arg0: i32) -> (i32, i32, i32) {
    %c0_i32 = arith.constant 0 : i32
    %c0_i32_0 = arith.constant 0 : i32
    %c0_i32_1 = arith.constant 0 : i32
    return %c0_i32, %arg0, %c0_i32_0 : i32, i32, i32
  }
}

module attributes {stable_mosaic.version = 14 : i64} {
  func.func @_dense2_body(%arg0: i32, %arg1: memref<2x1000x128xf32, #tpu.memory_space<vmem>>, %arg2: memref<2x1000x128xf32, #tpu.memory_space<vmem>>, %arg3: memref<1000x1xf32, #tpu.memory_space<vmem>>, %arg4: memref<1000x256xf32, #tpu.memory_space<vmem>>, %arg5: memref<1x256xf32, #tpu.memory_space<vmem>>, %arg6: memref<1000x256xf32, #tpu.memory_space<vmem>>) attributes {dimension_semantics = [#tpu.dimension_semantics<arbitrary>], iteration_bounds = array<i64: 10>, scalar_prefetch = 0 : i64, scratch_operands = 0 : i64, tpu.core_type = #tpu.core_type<tc>, window_params = [{transform_indices = @transform_0, window_bounds = array<i64: 2, 1000, 128>}, {transform_indices = @transform_1, window_bounds = array<i64: 2, 1000, 128>}, {transform_indices = @transform_2, window_bounds = array<i64: 1000, 1>}, {transform_indices = @transform_3, window_bounds = array<i64: 1000, 256>}, {pipeline_mode = #tpu.pipeline_mode<synchronous>, transform_indices = @transform_4, window_bounds = array<i64: 1, 256>}, {transform_indices = @transform_5, window_bounds = array<i64: 1000, 256>}]} {
    %get3A = arith.constant 0 : index
    %get3A_0 = arith.constant 0 : index
    %get3A_1 = arith.constant 0 : index
    %get3A_2 = vector.load %arg1[%get3A, %get3A_0, %get3A_1] : memref<2x1000x128xf32, #tpu.memory_space<vmem>>, vector<2x1000x128xf32>
    %get3A_3 = arith.constant 0 : index
    %get3A_4 = arith.constant 0 : index
    %get3A_5 = arith.constant 0 : index
    %get3A_6 = vector.load %arg2[%get3A_3, %get3A_4, %get3A_5] : memref<2x1000x128xf32, #tpu.memory_space<vmem>>, vector<2x1000x128xf32>
    %add3A = arith.addf %get3A_2, %get3A_6 : vector<2x1000x128xf32>
    %slice3A = vector.extract_strided_slice %add3A {offsets = [0, 0, 0], sizes = [1, 1000, 128], strides = [1, 1, 1]} : vector<2x1000x128xf32> to vector<1x1000x128xf32>
    %squeeze3A = vector.shape_cast %slice3A : vector<1x1000x128xf32> to vector<1000x128xf32>
    %slice3A_7 = vector.extract_strided_slice %add3A {offsets = [1, 0, 0], sizes = [1, 1000, 128], strides = [1, 1, 1]} : vector<2x1000x128xf32> to vector<1x1000x128xf32>
    %squeeze3A_8 = vector.shape_cast %slice3A_7 : vector<1x1000x128xf32> to vector<1000x128xf32>
    %concatenate3A = tpu.concatenate %squeeze3A, %squeeze3A_8 in 1 : vector<1000x128xf32>, vector<1000x128xf32> -> vector<1000x256xf32>
    %get3A_9 = arith.constant 0 : index
    %get3A_10 = arith.constant 0 : index
    %get3A_11 = vector.load %arg3[%get3A_9, %get3A_10] : memref<1000x1xf32, #tpu.memory_space<vmem>>, vector<1000x1xf32>
    %rsqrt3A = math.rsqrt %get3A_11 : vector<1000x1xf32>
    %mul3A = vector.broadcast %rsqrt3A : vector<1000x1xf32> to vector<1000x256xf32>
    %mul3A_12 = arith.mulf %concatenate3A, %mul3A : vector<1000x256xf32>
    %get3A_13 = arith.constant 0 : index
    %get3A_14 = arith.constant 0 : index
    %get3A_15 = vector.load %arg5[%get3A_13, %get3A_14] : memref<1x256xf32, #tpu.memory_space<vmem>>, vector<1x256xf32>
    %add3A_16 = vector.broadcast %get3A_15 : vector<1x256xf32> to vector<1000x256xf32>
    %add3A_17 = arith.addf %mul3A_12, %add3A_16 : vector<1000x256xf32>
    %tanh3A = math.tanh %add3A_17 : vector<1000x256xf32>
    %get3A_18 = arith.constant 0 : index
    %get3A_19 = arith.constant 0 : index
    %get3A_20 = vector.load %arg4[%get3A_18, %get3A_19] : memref<1000x256xf32, #tpu.memory_space<vmem>>, vector<1000x256xf32>
    %mul3A_21 = arith.mulf %tanh3A, %get3A_20 : vector<1000x256xf32>
    %swap3A = arith.constant 0 : index
    %swap3A_22 = arith.constant 0 : index
    %swap3A_23 = vector.load %arg6[%swap3A, %swap3A_22] : memref<1000x256xf32, #tpu.memory_space<vmem>>, vector<1000x256xf32>
    tpu.vector_store %arg6[%swap3A, %swap3A_22], %mul3A_21 {strides = array<i32>} : memref<1000x256xf32, #tpu.memory_space<vmem>>, vector<1000x256xf32>,
    return
  }
  func.func @transform_0(%arg0: i32) -> (i32, i32, i32) {
    %c0_i32 = arith.constant 0 : i32
    %c0_i32_0 = arith.constant 0 : i32
    %c0_i32_1 = arith.constant 0 : i32
    return %c0_i32, %arg0, %c0_i32_0 : i32, i32, i32
  }
  func.func @transform_1(%arg0: i32) -> (i32, i32, i32) {
    %c0_i32 = arith.constant 0 : i32
    %c0_i32_0 = arith.constant 0 : i32
    %c0_i32_1 = arith.constant 0 : i32
    return %c0_i32, %arg0, %c0_i32_0 : i32, i32, i32
  }
  func.func @transform_2(%arg0: i32) -> (i32, i32) {
    %c0_i32 = arith.constant 0 : i32
    %c0_i32_0 = arith.constant 0 : i32
    return %arg0, %c0_i32 : i32, i32
  }
  func.func @transform_3(%arg0: i32) -> (i32, i32) {
    %c0_i32 = arith.constant 0 : i32
    %c0_i32_0 = arith.constant 0 : i32
    return %arg0, %c0_i32 : i32, i32
  }
  func.func @transform_4(%arg0: i32) -> (i32, i32) {
    %c0_i32 = arith.constant 0 : i32
    %c0_i32_0 = arith.constant 0 : i32
    %c0_i32_1 = arith.constant 0 : i32
    return %c0_i32, %c0_i32_0 : i32, i32
  }
  func.func @transform_5(%arg0: i32) -> (i32, i32) {
    %c0_i32 = arith.constant 0 : i32
    %c0_i32_0 = arith.constant 0 : i32
    return %arg0, %c0_i32 : i32, i32
  }
}

</mosaic_0001>

<sc_bundles>
// kernel: kernel.10.cloned.1.call-start
scs
__scs_entry_jumppad:
0x0: {  	(pc) =	sbr.rel $0x88, $3  }
0x1: {  	(tag) =	ssettag $0x0;
	lr =	simm.s32 $0x1  }
0x2: {  	[smem:$0x3F9B] =	sst lr;
	_ =	strace $0xD0000000  }
0x3: {  	_ = 	snop  }
0x4: {  	_ = 	snop  }
0x5: {  	_ = 	snop  }
0x6: {  	_ = 	snop  }
0x7: {  	_ = 	snop  }
__scs_overlays_trampoline_lowered:
0x8: {  	[smem:$0x3FAA] =	sst s0  }
0x9: {  	[smem:$0x3FAB] =	sst s1  }
0xa: {  	[smem:$0x3FAC] =	sst s2  }
0xb: {  	[smem:$0x3FAD] =	sst s3  }
0xc: {  	[smem:$0x3FAE] =	sst s4  }
0xd: {  	[smem:$0x3FAF] =	sst s5  }
0xe: {  	[smem:$0x3FB0] =	sst s6  }
0xf: {  	[smem:$0x3FB1] =	sst s7  }
0x10: {  	[smem:$0x3FB2] =	sst s8  }
0x11: {  	[smem:$0x3FB3] =	sst s9;
	s0 =	simm.s32 @!p0 $0x0  }
0x12: {  	s1 =	sld [smem:$0x3F99];
	s0 =	simm.s32 @p0 $0x1  }
0x13: {  	[smem:$0x3FB4] =	sst s0;
	s0 =	simm.s32 @!p1 $0x0  }
0x14: {  	s2 =	sld [smem:$0x3F98];
	s0 =	simm.s32 @p1 $0x1  }
0x15: {  	[smem:$0x3FB5] =	sst s0;
	s0 =	simm.s32 @!p2 $0x0  }
0x16: {  	s3 =	sld [smem:$0x3FDB];
	s0 =	simm.s32 @p2 $0x1  }
0x17: {  	s4 =	simm.s32 $0x1BF5;
	[smem:$0x3FB7] =	sst s0  }
0x18: {  	s0 =	sld [smem:$0x3F9A];
	_ =	swait.ge [sflag:s4], $0x0  }
0x19: {  	s7 =	sld [smem:$0x3F9B]  }
0x1a: {  	s8 =	sadd.s32 $0xFFFFE003, lr  }
0x1b: {  	s9 =	sadd.s32 $0xFFFFFEF7, lr;
	s5 =	simm.s32 $0xFFFFFFFF;
	p2 =	slt.u32 s8, $0xFFFFF086  }
0x1c: {  	p1 =	slt.u32 s9, $0xF7A;
	s5 =	simm.s32 @!p2 $0x0  }
0x1d: {  	s5 =	simm.s32 @p1 $0x1;
	p0 =	seq.s32 s7, s2  }
0x1e: {  	s7 =	smul.u32 @!p0 $0xF7A, s2;
	p2 =	seq.s32 @!p0 s5, $0x0  }
0x1f: {  	s9 =	smul.u32 $0xF7A, s1;
	s8 =	simm.s32 @!p0 $0x1BF5;
	p2 =	por !p2, p0  }
0x20: {  	[sflag:s8] =	ssyncset.s32 @!p0 $0xFFFFF086;
	s6 =	sadd.s32 @!p0 s3, s7;
	s7 =	simm.s32 @!p0 $0x108  }
0x21: {  	s3 =	sadd.s32 s3, s9;
	s6 =	sadd.s32 @!p0 $0x88, s6;
	s7 =	simm.s32 @p2 $0x1082  }
0x22: {  	[simem:s7], [sflag:s8] =	dma.local @!p0 [hbm:s6], $0xF7A  }
0x23: {  	s9 =	sor.u32 $0xD0000000, s2;
	s6 =	simm.s32 $0x108;
	_ =	swait.ge @!p0 [sflag:s8], $0x0  }
0x24: {  	s3 =	sadd.s32 $0x88, s3;
	s6 =	simm.s32 @!p1 $0x1082;
	[sflag:s4] =	ssyncset.s32 $0xFFFFF086  }
0x25: {  	[simem:s6], [sflag:s4] =	dma.local [hbm:s3], $0xF7A  }
0x26: {  	[smem:$0x3F9B] =	sst s1;
	(tag) =	ssettag s2;
	_ =	strace s9  }
0x27: {  	s1 =	sld [smem:$0x3FAB]  }
0x28: {  	s2 =	sld [smem:$0x3FAC]  }
0x29: {  	s4 =	sld [smem:$0x3FAE]  }
0x2a: {  	p0 =	seq.s32 s5, $0x0;
	s5 =	sld [smem:$0x3FAF]  }
0x2b: {  	s6 =	sld [smem:$0x3FB0]  }
0x2c: {  	s7 =	sld [smem:$0x3FB1]  }
0x2d: {  	s3 =	simm.s32 $0x108;
	s8 =	sld [smem:$0x3FB2]  }
0x2e: {  	s3 =	simm.s32 @!p0 $0x1082;
	s9 =	sld [smem:$0x3FB3]  }
0x2f: {  	lr =	sadd.s32 s0, s3;
	s0 =	sld [smem:$0x3FAA]  }
0x30: {  	s3 =	sld [smem:$0x3FAD]  }
0x31: {  	[smem:$0x3FB6] =	sst s10  }
0x32: {  	s10 =	sld [smem:$0x3FB4];
	_ =	sdelay $0x3  }
0x33: {  	p0 =	seq.s32 s10, $0x1;
	s10 =	sld [smem:$0x3FB6];
	_ =	sdelay $0x3  }
0x34: {  	[smem:$0x3FB6] =	sst s10  }
0x35: {  	s10 =	sld [smem:$0x3FB5];
	_ =	sdelay $0x3  }
0x36: {  	p1 =	seq.s32 s10, $0x1;
	s10 =	sld [smem:$0x3FB6];
	_ =	sdelay $0x3  }
0x37: {  	[smem:$0x3FB6] =	sst s10  }
0x38: {  	s10 =	sld [smem:$0x3FB7]  }
0x39: {  	_ = 	snop;
	(pc) =	sbr.ind lr, $3  }
0x3a: {  	_ = 	snop  }
0x3b: {  	_ = 	snop  }
0x3c: {  	p2 =	seq.s32 s10, $0x1;
	s10 =	sld [smem:$0x3FB6]  }
0x3d: {  	_ =	shalt  }
0x3e: {  	_ =	shalt  }
0x3f: {  	_ =	shalt  }
0x40: {  	_ =	shalt  }
0x41: {  	_ =	shalt  }
0x42: {  	_ =	shalt  }
0x43: {  	_ =	shalt  }
0x44: {  	_ =	shalt  }
0x45: {  	_ =	shalt  }
0x46: {  	_ =	shalt  }
0x47: {  	_ =	shalt  }
0x48: {  	_ =	shalt  }
0x49: {  	_ =	shalt  }
0x4a: {  	_ =	shalt  }
0x4b: {  	_ =	shalt  }
0x4c: {  	_ =	shalt  }
0x4d: {  	_ =	shalt  }
0x4e: {  	_ =	shalt  }
0x4f: {  	_ =	shalt  }
0x50: {  	_ =	shalt  }
0x51: {  	_ =	shalt  }
0x52: {  	_ =	shalt  }
0x53: {  	_ =	shalt  }
0x54: {  	_ =	shalt  }
0x55: {  	_ =	shalt  }
0x56: {  	_ =	shalt  }
0x57: {  	_ =	shalt  }
0x58: {  	_ =	shalt  }
0x59: {  	_ =	shalt  }
0x5a: {  	_ =	shalt  }
0x5b: {  	_ =	shalt  }
0x5c: {  	_ =	shalt  }
0x5d: {  	_ =	shalt  }
0x5e: {  	_ =	shalt  }
0x5f: {  	_ =	shalt  }
0x60: {  	_ =	shalt  }
0x61: {  	_ =	shalt  }
0x62: {  	_ =	shalt  }
0x63: {  	_ =	shalt  }
0x64: {  	_ =	shalt  }
0x65: {  	_ =	shalt  }
0x66: {  	_ =	shalt  }
0x67: {  	_ =	shalt  }
0x68: {  	_ =	shalt  }
0x69: {  	_ =	shalt  }
0x6a: {  	_ =	shalt  }
0x6b: {  	_ =	shalt  }
0x6c: {  	_ =	shalt  }
0x6d: {  	_ =	shalt  }
0x6e: {  	_ =	shalt  }
0x6f: {  	_ =	shalt  }
0x70: {  	_ =	shalt  }
0x71: {  	_ =	shalt  }
0x72: {  	_ =	shalt  }
0x73: {  	_ =	shalt  }
0x74: {  	_ =	shalt  }
0x75: {  	_ =	shalt  }
0x76: {  	_ =	shalt  }
0x77: {  	_ =	shalt  }
0x78: {  	_ =	shalt  }
0x79: {  	_ =	shalt  }
0x7a: {  	_ =	shalt  }
0x7b: {  	_ =	shalt  }
0x7c: {  	_ =	shalt  }
0x7d: {  	_ =	shalt  }
0x7e: {  	_ =	shalt  }
0x7f: {  	_ =	shalt  }
0x80: {  	_ =	shalt  }
0x81: {  	_ =	shalt  }
0x82: {  	_ =	shalt  }
0x83: {  	_ =	shalt  }
0x84: {  	_ =	shalt  }
0x85: {  	_ =	shalt  }
0x86: {  	_ =	shalt  }
0x87: {  	_ =	shalt  }
.Lfunc_end0:
.L_simem_size_0:
called_computation.1_lowered:
.L_overlay_start_0:
0x88: {  	s2 =	sld [smem:$0x3FD9]  }
0x89: {  	s3 =	sld [smem:$0x3FFE];
	_ =	sdelay $0x1  }
0x8a: {  	s1 =	srdreg.scid  }
0x8b: {  	s0 =	sand.u32 $0x1, s1  }
0x8c: {  	s17 =	sshll.u32 s0, $0xA;
	s2 =	sadd.s32 s3, s2  }
0x8d: {  	s2 =	sadd.s32 s2, s17  }
0x8e: {  	[smem:$0x3FC2] =	sst s2  }
0x8f: {  	_ = 	snop  }
0x90: {  	s2 =	sld [smem:$0x3FD0];
	(tm) =	ssettm $0x1  }
0x91: {  	s18 =	sld [smem:$0x3FFB];
	_ =	sdelay $0x3  }
0x92: {  	_ =	strace s18  }
0x93: {  	s3 =	sld [smem:$0x3FFC];
	_ =	sdelay $0x3  }
0x94: {  	_ =	strace s3  }
0x95: {  	s3 =	sld [smem:$0x3FFD];
	_ =	sdelay $0x3  }
0x96: {  	_ =	strace s3  }
0x97: {  	_ =	strace $0x8FFFFFFF  }
0x98: {  	s19 =	sld [smem:$0x3FDB];
	_ =	sdelay $0x1  }
0x99: {  	s4 =	simm.s32 $_scs_section_size  }
0x9a: {  	s5 =	simm.s32 $_size__tile_overlayer_lowered;
	s6 =	simm.s32 $_tile_overlayer_lowered  }
0x9b: {  	s22 =	simm.s32 $0x1BFF;
	s21 =	sshll.u32 s6, $0x1;
	s3 =	sadd.s32 s4, s19  }
0x9c: {  	s7 =	simm.s32 $0x0;
	s20 =	sshll.u32 s5, $0x1;
	s5 =	sadd.s32 s21, s3  }
0x9d: {  	[timem:s7], [sflag:s22] =	dma.local [hbm:s5], s20  }
0x9e: {  	_ =	swait.ge [sflag:s22], s20  }
0x9f: {  	s4 =	ssub.s32 $0x0, s20;
	[sflag:s22] =	ssyncset.done $0x0  }
0xa0: {  	[sflag:s22] =	ssyncadd.s32 s4;
	_ =	sdelay $0x1  }
0xa1: {  	s23 =	simm.s32 $0x1B8B  }
0xa2: {  	_ =	swait.ge [sflag:s23], $0x1  }
0xa3: {  	[sflag:s23] =	ssyncset.done $0x0  }
0xa4: {  	s25 =	simm.s32 $0x1B8E;
	s24 =	sld [smem:$0x3FFE];
	[sflag:s23] =	ssyncadd.s32 $0xFFFFFFFF  }
0xa5: {  	s26 =	simm.s32 $execute0_lowered;
	[smem:$0x3FD2] =	sst s25  }
0xa6: {  	s5 =	sshll.u32 s26, $0x1;
	_ =	strace $0x80000049;
	[dreg:$0x1] =	wrdreg $0xFFFFFFFF  }
0xa7: {  	s28 =	simm.s32 $_size_execute0_lowered;
	s3 =	sadd.s32 s3, s5;
	[dreg:$0x0] =	wrdreg $0x0  }
0xa8: {  	s5 =	sshll.u32 s28, $0x1;
	[dreg:$0x2] =	wrdreg s3  }
0xa9: {  	[dreg:$0x3] =	wrdreg s5  }
0xaa: {  	[dreg:$0x4] =	wrdreg $0xC0  }
0xab: {  	_ =	task [dreg:s7], $0x5FFFF  }
0xac: {  	[dreg:$0x1] =	wrdreg $0xFFFFFFFF  }
0xad: {  	[dreg:$0x0] =	wrdreg $0x60  }
0xae: {  	[dreg:$0x2] =	wrdreg s2  }
0xaf: {  	[dreg:$0x3] =	wrdreg s24  }
0xb0: {  	[dreg:$0x4] =	wrdreg $0x90000  }
0xb1: {  	[dreg:$0x5] =	wrdreg $0x9  }
0xb2: {  	_ =	task.clear_ibuf [dreg:s7], $0x6FFFF;
	_ =	strace $0x90000049  }
0xb3: {  	s29 =	simm.s32 $0x9;
	_ =	strace $0x8000004B  }
0xb4: {  	_ =	swait.ge [sflag:s29], $0x1  }
0xb5: {  	[sflag:s29] =	ssyncadd.s32 $0xFFFFFFFF  }
0xb6: {  	_ =	strace $0x9000004B  }
0xb7: {  	_ =	sfence  }
0xb8: {  	s30 =	sld [smem:$0x0];
	_ =	sdelay $0x2  }
0xb9: {  	s31 =	sshll.u32 s1, $0xD;
	s1 =	sshrl.u32 s1, $0x2  }
0xba: {  	s3 =	sand.u32 $0x4000, s31;
	s1 =	sadd.s32 s1, s30  }
0xbb: {  	s0 =	sor.u32 s3, s0;
	s1 =	sshll.u32 s1, $0x11  }
0xbc: {  	s0 =	sor.u32 s1, s0  }
0xbd: {  	s0 =	sadd.s32 $0x8F2B, s0  }
0xbe: {  	[sflag:s0] =	ssyncadd.remote.s32 $0x1  }
0xbf: {  	_ =	sfence.sel $0xFFFF  }
0xc0: {  	[dreg:$0x0] =	wrdreg $0xFFFFFFFF;
	(pc) =	sbr.abs _section_cstart, $3  }
0xc1: {  	[dreg:$0x1] =	wrdreg $0xFFFFFFFF  }
0xc2: {  	_ =	task.clear_ibuf [dreg:s7], $0x2FFFF;
	_ =	strace $0x9FFFFFFF  }
0xc3: {  	(tm) =	ssettm $0x7FFFFFFF  }
tec
execute0_lowered:
.L_overlay_start_1:
0x0: {  	(tag) =	ssettag $0x1  }
0x1: {  	s3 =	rddreg [dreg:$0x1];
	s0 =	srdreg.scid  }
0x2: {  	s2 =	rddreg [dreg:$0x2];
	s5 =	simm.s32 $0x0;
	s4 =	sand.u32 $0x1, s0  }
0x3: {  	[smem:$0x7FF] =	sst s5;
	s8 =	sshll.u32 s4, $0x7  }
0x4: {  	_ =	strace $0x8000004A;
	s28 =	sor.u32 $0x240, s8;
	[smem:$0x7EF] =	sst s8  }
0x5: {  	s29 =	sor.u32 $0x260, s8;
	[dreg:$0x4] =	wrdreg s28  }
0x6: {  	s30 =	sor.u32 $0x400, s8;
	[dreg:$0x5] =	wrdreg s29  }
0x7: {  	s31 =	sor.u32 $0x420, s8;
	[dreg:$0x6] =	wrdreg s30  }
0x8: {  	s1 =	sor.u32 $0x440, s8;
	[dreg:$0x7] =	wrdreg s31  }
0x9: {  	s5 =	sor.u32 $0x460, s8;
	[dreg:$0x8] =	wrdreg s1  }
0xa: {  	s6 =	sor.u32 $0x600, s8;
	[dreg:$0x9] =	wrdreg s5  }
0xb: {  	s7 =	sor.u32 $0x620, s8;
	[dreg:$0xa] =	wrdreg s6  }
0xc: {  	s9 =	sor.u32 $0x640, s8;
	[dreg:$0xb] =	wrdreg s7  }
0xd: {  	s10 =	sor.u32 $0x660, s8;
	[dreg:$0xc] =	wrdreg s9  }
0xe: {  	s11 =	sor.u32 $0x800, s8;
	[dreg:$0xd] =	wrdreg s10  }
0xf: {  	s12 =	sor.u32 $0x820, s8;
	[dreg:$0xe] =	wrdreg s11  }
0x10: {  	s13 =	sor.u32 $0x840, s8;
	[dreg:$0xf] =	wrdreg s12  }
0x11: {  	s14 =	sor.u32 $0x860, s8;
	[dreg:$0x10] =	wrdreg s13  }
0x12: {  	s15 =	sor.u32 $0xA00, s8;
	[dreg:$0x11] =	wrdreg s14  }
0x13: {  	s16 =	sor.u32 $0xA20, s8;
	[dreg:$0x12] =	wrdreg s15  }
0x14: {  	s17 =	sor.u32 $0xA40, s8;
	[dreg:$0x13] =	wrdreg s16  }
0x15: {  	s18 =	sor.u32 $0xA60, s8;
	[dreg:$0x14] =	wrdreg s17  }
0x16: {  	s19 =	sor.u32 $0xC00, s8;
	[dreg:$0x15] =	wrdreg s18  }
0x17: {  	s20 =	sor.u32 $0xC20, s8;
	[dreg:$0x16] =	wrdreg s19  }
0x18: {  	s21 =	sor.u32 $0xC40, s8;
	[dreg:$0x17] =	wrdreg s20  }
0x19: {  	s22 =	sor.u32 $0xC60, s8;
	[dreg:$0x18] =	wrdreg s21  }
0x1a: {  	s23 =	sor.u32 $0xE00, s8;
	[dreg:$0x19] =	wrdreg s22  }
0x1b: {  	s24 =	sor.u32 $0xE20, s8;
	[dreg:$0x1a] =	wrdreg s23  }
0x1c: {  	s25 =	sor.u32 $0xE40, s8;
	[dreg:$0x1b] =	wrdreg s24  }
0x1d: {  	s26 =	sor.u32 $0xE60, s8;
	[dreg:$0x1c] =	wrdreg s25  }
0x1e: {  	[dreg:$0x1d] =	wrdreg s26;
	s28 =	simm.s32 $0x800  }
0x1f: {  	s29 =	simm.s32 $0x100;
	[dreg:$0x1e] =	wrdreg s28  }
0x20: {  	s30 =	simm.s32 $0x120;
	[dreg:$0x1f] =	wrdreg s29  }
0x21: {  	s10 =	sadd.s32 $0x2600, s3;
	[smem:$0x7CE] =	sst s30  }
0x22: {  	s31 =	simm.s32 $0x140;
	[smem:$0x7CF] =	sst s10  }
0x23: {  	s1 =	simm.s32 $0x160;
	[smem:$0x7D0] =	sst s31  }
0x24: {  	s11 =	simm.s32 $0x320;
	[smem:$0x7D1] =	sst s1  }
0x25: {  	s12 =	simm.s32 $0x340;
	[smem:$0x7D4] =	sst s11  }
0x26: {  	s14 =	simm.s32 $0x360;
	[smem:$0x7D5] =	sst s12  }
0x27: {  	s16 =	simm.s32 $0xC00;
	[smem:$0x7D6] =	sst s14  }
0x28: {  	s17 =	simm.s32 $0x500;
	[smem:$0x7D7] =	sst s16  }
0x29: {  	s19 =	simm.s32 $0x520;
	[smem:$0x7D8] =	sst s17  }
0x2a: {  	s20 =	simm.s32 $0x540;
	[smem:$0x7DA] =	sst s19  }
0x2b: {  	s22 =	simm.s32 $0x560;
	[smem:$0x7DB] =	sst s20  }
0x2c: {  	s24 =	simm.s32 $0xE00;
	[smem:$0x7DC] =	sst s22  }
0x2d: {  	s25 =	simm.s32 $0x700;
	[smem:$0x7DD] =	sst s24  }
0x2e: {  	s10 =	simm.s32 $0x300;
	[smem:$0x7DE] =	sst s25  }
0x2f: {  	s28 =	simm.s32 $0x720;
	[smem:$0x7D3] =	sst s10  }
0x30: {  	s29 =	simm.s32 $0x740;
	[smem:$0x7DF] =	sst s28  }
0x31: {  	s31 =	simm.s32 $0x760;
	[smem:$0x7E1] =	sst s29  }
0x32: {  	s12 =	simm.s32 $0x920;
	[smem:$0x7E3] =	sst s31  }
0x33: {  	s14 =	simm.s32 $0x940;
	[smem:$0x7E8] =	sst s12  }
0x34: {  	s17 =	sor.u32 $0x60, s8;
	[smem:$0x7EA] =	sst s14  }
0x35: {  	s16 =	simm.s32 $0x960;
	[smem:$0x7EB] =	sst s17  }
0x36: {  	s9 =	stileid.u32;
	s19 =	sor.u32 $0x200, s8;
	[smem:$0x7EC] =	sst s16  }
0x37: {  	s6 =	smul.u32 $0x13C000, s4;
	s20 =	simm.s32 $0xB20;
	[smem:$0x7ED] =	sst s19  }
0x38: {  	s4 =	ssub.s32 $0x2, s4;
	s22 =	simm.s32 $0xB40;
	[smem:$0x7F1] =	sst s20  }
0x39: {  	s13 =	sshrl.u32 s4, $0x1;
	s25 =	simm.s32 $0xD00;
	[smem:$0x7F3] =	sst s22  }
0x3a: {  	s21 =	sshll.u32 s9, $0x6;
	s10 =	simm.s32 $0x900;
	[smem:$0x7F6] =	sst s25  }
0x3b: {  	s4 =	ssub.s32 s4, s13;
	s13 =	sor.u32 $0x20, s8;
	[smem:$0x7E6] =	sst s10  }
0x3c: {  	s11 =	sor.u32 $0x1C19, s21;
	s21 =	sor.u32 $0x220, s8;
	[smem:$0x7E7] =	sst s13  }
0x3d: {  	s28 =	simm.s32 $0xD60;
	[smem:$0x7F0] =	sst s21  }
0x3e: {  	s7 =	smul.u32 $0x13C00, s9;
	s29 =	simm.s32 $0xF00;
	[smem:$0x7F9] =	sst s28  }
0x3f: {  	s15 =	smul.u32 $0x4F000, s9;
	s31 =	simm.s32 $0xF60;
	[smem:$0x7FA] =	sst s29  }
0x40: {  	s0 =	sadd.s32 $0x58E00, s3;
	s23 =	smul.u32 $0xA000, s9;
	[smem:$0x7FC] =	sst s31  }
0x41: {  	s6 =	sadd.s32 s7, s6;
	s7 =	simm.s32 $0xA00;
	[smem:$0x7FD] =	sst s11  }
0x42: {  	s18 =	sshrl.u32 s15, $0x2;
	s15 =	sor.u32 $0x40, s8;
	[smem:$0x7D2] =	sst s7  }
0x43: {  	s26 =	sshrl.u32 s23, $0x3;
	s23 =	simm.s32 $0xB60;
	[smem:$0x7E9] =	sst s15  }
0x44: {  	s4 =	smax.u32 s4, $0x1;
	s6 =	sshrl.u32 s6, $0x3;
	[smem:$0x7F4] =	sst s23  }
0x45: {  	[smem:$0x7F5] =	sst s4;
	s3 =	sadd.s32 s6, s3;
	s6 =	sadd.s32 s18, s2  }
0x46: {  	s18 =	simm.s32 $0xB00;
	[smem:$0x7D9] =	sst s6  }
0x47: {  	s24 =	smul.u32 $0x1400, s9;
	s6 =	sadd.s32 s0, s26;
	[smem:$0x7EE] =	sst s18  }
0x48: {  	s3 =	sadd.s32 $0x4E00, s3;
	[smem:$0x7E4] =	sst s6  }
0x49: {  	s0 =	sadd.s32 s24, s0;
	[smem:$0x7F2] =	sst s3  }
0x4a: {  	s26 =	simm.s32 $0xD20;
	[smem:$0x7F7] =	sst s0  }
0x4b: {  	s30 =	sadd.s32 $0x40, s6;
	[smem:$0x7F8] =	sst s26  }
0x4c: {  	s1 =	sadd.s32 $0x80, s6;
	[smem:$0x7E0] =	sst s30  }
0x4d: {  	s6 =	sadd.s32 $0xC0, s6;
	[smem:$0x7E2] =	sst s1  }
0x4e: {  	s4 =	simm.s32 $0x19;
	[smem:$0x7E5] =	sst s6;
	s30 =	simm.s32 $0xF40  }
0x4f: {  	s26 =	simm.s32 $0x20;
	s0 =	simm.s32 $0x0;
	[smem:$0x7FB] =	sst s30  }
.LBB2_1:
0x50: {  	s3 =	sld [smem:$0x7D9];
	_ =	sdelay $0x1  }
0x51: {  	s20 =	sld [smem:$0x7CF]  }
0x52: {  	[smem:$0x7CB] =	sst s0;
	s19 =	sshrl.u32 s3, $0x3  }
0x53: {  	[smem:$0x7CC] =	sst s19  }
0x54: {  	[spmem:s19], [sflag:s11] =	dma.local [hbm:s20], $0x2780  }
0x55: {  	_ =	swait.ge [sflag:s4], $0x2780  }
0x56: {  	[sflag:s4] =	ssyncset.done $0x0  }
0x57: {  	[sflag:s4] =	ssyncadd.s32 $0xFFFFD880  }
0x58: {  	[bflag:$0x0] =	sbarrier.arrive $0xFFFF  }
0x59: {  	s21 =	sld [smem:$0x7E4];
	_ =	sdelay $0x1  }
0x5a: {  	s5 =	simm.s32 $0x0;
	s22 =	sld [smem:$0x7E0]  }
0x5b: {  	[tilespmem:s5], [sflag:$0x1] =	stream.linear.gather [hbm4b:s21+s5], $0x180, $0x38;
	[tilespmem:$0x1CC00] =	vst v63  }
0x5c: {  	s23 =	simm.s32 $0x200;
	s24 =	sld [smem:$0x7E2]  }
0x5d: {  	[tilespmem:s23], [sflag:$0x2] =	stream.linear.gather [hbm4b:s22+s5], $0x180, $0x38;
	[tilespmem:$0x1CC00] =	vst v63  }
0x5e: {  	s25 =	simm.s32 $0x400;
	s28 =	sld [smem:$0x7E5]  }
0x5f: {  	[tilespmem:s25], [sflag:$0x3] =	stream.linear.gather [hbm4b:s24+s5], $0x180, $0x38;
	[tilespmem:$0x1CC00] =	vst v63  }
0x60: {  	s29 =	simm.s32 $0x600;
	s30 =	simm.s32 $0x1  }
0x61: {  	[tilespmem:s29], [sflag:$0x4] =	stream.linear.gather [hbm4b:s28+s5], $0x180, $0x38;
	[tilespmem:$0x1CC00] =	vst v63  }
0x62: {  	_ =	swait.ge [sflag:s30], $0x180  }
0x63: {  	[sflag:s30] =	ssyncset.done $0x0;
	s31 =	sld [smem:$0x7EF]  }
0x64: {  	s1 =	sld [smem:$0x7E7];
	[sflag:s30] =	ssyncadd.s32 $0xFFFFFE80  }
0x65: {  	s22 =	simm.s32 $0x1000;
	s17 =	rddreg [dreg:$0x0]  }
0x66: {  	[tilespmem:s22], [sflag:$0x9] =	stream.indirect.gather [hbm4b:s17+s26], $0x80, s31, s26, $0xb8;
	[tilespmem:$0x1CC00] =	vst v63  }
0x67: {  	s23 =	simm.s32 $0x2000;
	s3 =	sld [smem:$0x7E9]  }
0x68: {  	[tilespmem:s23], [sflag:$0xA] =	stream.indirect.gather [hbm4b:s17+s26], $0x80, s1, s26, $0xb8;
	[tilespmem:$0x1CC00] =	vst v63  }
0x69: {  	s21 =	simm.s32 $0x3000;
	s4 =	sld [smem:$0x7EB]  }
0x6a: {  	[tilespmem:s21], [sflag:$0xB] =	stream.indirect.gather [hbm4b:s17+s26], $0x80, s3, s26, $0xb8;
	[tilespmem:$0x1CC00] =	vst v63  }
0x6b: {  	s6 =	simm.s32 $0x2;
	s30 =	simm.s32 $0x4000  }
0x6c: {  	[tilespmem:s30], [sflag:$0xC] =	stream.indirect.gather [hbm4b:s17+s26], $0x80, s4, s26, $0xb8;
	[tilespmem:$0x1CC00] =	vst v63  }
0x6d: {  	_ =	swait.ge [sflag:s6], $0x180  }
0x6e: {  	p0 =	por $0x1, $0x1;
	s7 =	sld [smem:$0x7ED]  }
0x6f: {  	p0 =	por p0, p0;
	[sflag:s6] =	ssyncset.done $0x0  }
0x70: {  	s31 =	simm.s32 $0x5000;
	s8 =	sld [smem:$0x7F0];
	[sflag:s6] =	ssyncadd.s32 $0xFFFFFE80  }
0x71: {  	[tilespmem:s31], [sflag:$0xD] =	stream.indirect.gather [hbm4b:s17+s26], $0x80, s7, s26, $0xb8;
	[tilespmem:$0x1CC00] =	vst v63  }
0x72: {  	s28 =	simm.s32 $0x6000;
	s3 =	simm.s32 @!p0 $0x17  }
0x73: {  	[tilespmem:s28], [sflag:$0xE] =	stream.indirect.gather [hbm4b:s17+s26], $0x80, s8, s26, $0xb8;
	[tilespmem:$0x1CC00] =	vst v63  }
0x74: {  	_ =	swait.ge @!p0 [sflag:s3], $0x1000  }
0x75: {  	[sflag:s3] =	ssyncset.done @!p0 $0x0;
	s24 =	sld [smem:$0x7F7]  }
0x76: {  	s12 =	simm.s32 $0x7000;
	s9 =	rddreg [dreg:$0x4];
	[sflag:s3] =	ssyncadd.s32 @!p0 $0xFFFFF000  }
0x77: {  	[tilespmem:s12], [sflag:$0xF] =	stream.indirect.gather [hbm4b:s17+s26], $0x80, s9, s26, $0xb8;
	[tilespmem:$0x1CC00] =	vst v63  }
0x78: {  	s3 =	sadd.s32 $0x0, s24  }
0x79: {  	s7 =	simm.s32 $0x9;
	s10 =	rddreg [dreg:$0x1e];
	s13 =	sadd.s32 $0x100, s3  }
0x7a: {  	[tilespmem:s10], [sflag:$0x5] =	stream.linear.gather [hbm4b:s13+s5], $0x180, $0x38;
	[tilespmem:$0x1CC00] =	vst v63  }
0x7b: {  	_ =	swait.ge [sflag:s7], $0x1000  }
0x7c: {  	[sflag:s7] =	ssyncset.done $0x0  }
0x7d: {  	s11 =	simm.s32 @!p0 $0x18;
	s14 =	rddreg [dreg:$0x1f];
	[sflag:s7] =	ssyncadd.s32 $0xFFFFF000  }
0x7e: {  	[spmem:s2] =	stream.indirect.scatter.add.f32 [tilespmem:s22], [sflag:$0x11], $0x80, s14, s26, $0xb8;
	[tilespmem:$0x1CC00] =	vst v63  }
0x7f: {  	_ =	swait.ge @!p0 [sflag:s11], $0x1000  }
0x80: {  	s29 =	simm.s32 $0x8000;
	[sflag:s11] =	ssyncset.done @!p0 $0x0  }
0x81: {  	s10 =	simm.s32 $0xA;
	s15 =	rddreg [dreg:$0x5];
	[sflag:s11] =	ssyncadd.s32 @!p0 $0xFFFFF000  }
0x82: {  	[tilespmem:s29], [sflag:$0x10] =	stream.indirect.gather [hbm4b:s17+s26], $0x80, s15, s26, $0xb8;
	[tilespmem:$0x1CC00] =	vst v63  }
0x83: {  	_ =	swait.ge [sflag:s10], $0x1000  }
0x84: {  	s16 =	sld [smem:$0x7CE]  }
0x85: {  	[sflag:s10] =	ssyncset.done $0x0  }
0x86: {  	s19 =	simm.s32 $0x11;
	[sflag:s10] =	ssyncadd.s32 $0xFFFFF000  }
0x87: {  	[spmem:s2] =	stream.indirect.scatter.add.f32 [tilespmem:s23], [sflag:$0x12], $0x80, s16, s26, $0xb8;
	[tilespmem:$0x1CC00] =	vst v63  }
0x88: {  	_ =	swait.ge [sflag:s19], $0x1000  }
0x89: {  	[sflag:s19] =	ssyncset.done $0x0  }
0x8a: {  	s18 =	simm.s32 $0x3;
	[sflag:s19] =	ssyncadd.s32 $0xFFFFF000  }
0x8b: {  	_ =	swait.ge [sflag:s18], $0x180  }
0x8c: {  	[sflag:s18] =	ssyncset.done $0x0  }
0x8d: {  	s0 =	simm.s32 $0xB;
	s20 =	rddreg [dreg:$0x6];
	[sflag:s18] =	ssyncadd.s32 $0xFFFFFE80  }
0x8e: {  	[tilespmem:s22], [sflag:$0x9] =	stream.indirect.gather [hbm4b:s17+s26], $0x80, s20, s26, $0xb8;
	[tilespmem:$0x1CC00] =	vst v63  }
0x8f: {  	_ =	swait.ge [sflag:s0], $0x1000  }
0x90: {  	s25 =	sld [smem:$0x7D0]  }
0x91: {  	[sflag:s0] =	ssyncset.done $0x0  }
0x92: {  	s20 =	simm.s32 $0x12;
	[sflag:s0] =	ssyncadd.s32 $0xFFFFF000  }
0x93: {  	[spmem:s2] =	stream.indirect.scatter.add.f32 [tilespmem:s21], [sflag:$0x13], $0x80, s25, s26, $0xb8;
	[tilespmem:$0x1CC00] =	vst v63  }
0x94: {  	_ =	swait.ge [sflag:s20], $0x1000  }
0x95: {  	[sflag:s20] =	ssyncset.done $0x0  }
0x96: {  	s9 =	simm.s32 $0xC;
	s1 =	rddreg [dreg:$0x7];
	[sflag:s20] =	ssyncadd.s32 $0xFFFFF000  }
0x97: {  	[tilespmem:s23], [sflag:$0xA] =	stream.indirect.gather [hbm4b:s17+s26], $0x80, s1, s26, $0xb8;
	[tilespmem:$0x1CC00] =	vst v63  }
0x98: {  	_ =	swait.ge [sflag:s9], $0x1000  }
0x99: {  	s8 =	sld [smem:$0x7D1]  }
0x9a: {  	[sflag:s9] =	ssyncset.done $0x0  }
0x9b: {  	s25 =	simm.s32 $0x13;
	[sflag:s9] =	ssyncadd.s32 $0xFFFFF000  }
0x9c: {  	[spmem:s2] =	stream.indirect.scatter.add.f32 [tilespmem:s30], [sflag:$0x14], $0x80, s8, s26, $0xb8;
	[tilespmem:$0x1CC00] =	vst v63  }
0x9d: {  	_ =	swait.ge [sflag:s25], $0x1000  }
0x9e: {  	s11 =	rddreg [dreg:$0x8];
	[sflag:s25] =	ssyncset.done $0x0  }
0x9f: {  	s12 =	sld [smem:$0x7D2];
	[sflag:s25] =	ssyncadd.s32 $0xFFFFF000  }
0xa0: {  	[tilespmem:s21], [sflag:$0xB] =	stream.indirect.gather [hbm4b:s17+s26], $0x80, s11, s26, $0xb8;
	[tilespmem:$0x1CC00] =	vst v63  }
0xa1: {  	s13 =	sadd.s32 $0x140, s3;
	s8 =	simm.s32 $0xD  }
0xa2: {  	[tilespmem:s12], [sflag:$0x6] =	stream.linear.gather [hbm4b:s13+s5], $0x180, $0x38;
	[tilespmem:$0x1CC00] =	vst v63  }
0xa3: {  	_ =	swait.ge [sflag:s8], $0x1000  }
0xa4: {  	s14 =	sld [smem:$0x7D3]  }
0xa5: {  	[sflag:s8] =	ssyncset.done $0x0  }
0xa6: {  	s13 =	simm.s32 $0x14;
	[sflag:s8] =	ssyncadd.s32 $0xFFFFF000  }
0xa7: {  	[spmem:s2] =	stream.indirect.scatter.add.f32 [tilespmem:s31], [sflag:$0x15], $0x80, s14, s26, $0xb8;
	[tilespmem:$0x1CC00] =	vst v63  }
0xa8: {  	_ =	swait.ge [sflag:s13], $0x1000  }
0xa9: {  	[sflag:s13] =	ssyncset.done $0x0  }
0xaa: {  	s14 =	simm.s32 $0xE;
	s15 =	rddreg [dreg:$0x9];
	[sflag:s13] =	ssyncadd.s32 $0xFFFFF000  }
0xab: {  	[tilespmem:s30], [sflag:$0xC] =	stream.indirect.gather [hbm4b:s17+s26], $0x80, s15, s26, $0xb8;
	[tilespmem:$0x1CC00] =	vst v63  }
0xac: {  	_ =	swait.ge [sflag:s14], $0x1000  }
0xad: {  	s16 =	sld [smem:$0x7D4]  }
0xae: {  	[sflag:s14] =	ssyncset.done $0x0  }
0xaf: {  	s15 =	simm.s32 $0x15;
	[sflag:s14] =	ssyncadd.s32 $0xFFFFF000  }
0xb0: {  	[spmem:s2] =	stream.indirect.scatter.add.f32 [tilespmem:s28], [sflag:$0x16], $0x80, s16, s26, $0xb8;
	[tilespmem:$0x1CC00] =	vst v63  }
0xb1: {  	_ =	swait.ge [sflag:s15], $0x1000  }
0xb2: {  	[sflag:s15] =	ssyncset.done $0x0  }
0xb3: {  	s18 =	simm.s32 $0x4;
	[sflag:s15] =	ssyncadd.s32 $0xFFFFF000  }
0xb4: {  	_ =	swait.ge [sflag:s18], $0x180  }
0xb5: {  	[sflag:s18] =	ssyncset.done $0x0  }
0xb6: {  	s16 =	simm.s32 $0xF;
	s1 =	rddreg [dreg:$0xa];
	[sflag:s18] =	ssyncadd.s32 $0xFFFFFE80  }
0xb7: {  	[tilespmem:s31], [sflag:$0xD] =	stream.indirect.gather [hbm4b:s17+s26], $0x80, s1, s26, $0xb8;
	[tilespmem:$0x1CC00] =	vst v63  }
0xb8: {  	_ =	swait.ge [sflag:s16], $0x1000  }
0xb9: {  	s12 =	sld [smem:$0x7D5]  }
0xba: {  	[sflag:s16] =	ssyncset.done $0x0  }
0xbb: {  	s6 =	simm.s32 $0x7000;
	[sflag:s16] =	ssyncadd.s32 $0xFFFFF000  }
0xbc: {  	[spmem:s2] =	stream.indirect.scatter.add.f32 [tilespmem:s6], [sflag:$0x17], $0x80, s12, s26, $0xb8;
	[tilespmem:$0x1CC00] =	vst v63  }
0xbd: {  	s12 =	simm.s32 $0x16  }
0xbe: {  	_ =	swait.ge [sflag:s12], $0x1000  }
0xbf: {  	[sflag:s12] =	ssyncset.done $0x0  }
0xc0: {  	s18 =	rddreg [dreg:$0xb];
	[sflag:s12] =	ssyncadd.s32 $0xFFFFF000  }
0xc1: {  	[tilespmem:s28], [sflag:$0xE] =	stream.indirect.gather [hbm4b:s17+s26], $0x80, s18, s26, $0xb8;
	[tilespmem:$0x1CC00] =	vst v63  }
0xc2: {  	s18 =	simm.s32 $0x10  }
0xc3: {  	_ =	swait.ge [sflag:s18], $0x1000  }
0xc4: {  	s1 =	sld [smem:$0x7D6]  }
0xc5: {  	[sflag:s18] =	ssyncset.done $0x0  }
0xc6: {  	[sflag:s18] =	ssyncadd.s32 $0xFFFFF000  }
0xc7: {  	[spmem:s2] =	stream.indirect.scatter.add.f32 [tilespmem:s29], [sflag:$0x18], $0x80, s1, s26, $0xb8;
	[tilespmem:$0x1CC00] =	vst v63  }
0xc8: {  	s1 =	simm.s32 $0x17  }
0xc9: {  	_ =	swait.ge [sflag:s1], $0x1000  }
0xca: {  	s4 =	rddreg [dreg:$0xc];
	[sflag:s1] =	ssyncset.done $0x0  }
0xcb: {  	s11 =	sld [smem:$0x7D7];
	[sflag:s1] =	ssyncadd.s32 $0xFFFFF000  }
0xcc: {  	[tilespmem:s6], [sflag:$0xF] =	stream.indirect.gather [hbm4b:s17+s26], $0x80, s4, s26, $0xb8;
	[tilespmem:$0x1CC00] =	vst v63  }
0xcd: {  	s6 =	sadd.s32 $0x180, s3  }
0xce: {  	[tilespmem:s11], [sflag:$0x7] =	stream.linear.gather [hbm4b:s6+s5], $0x180, $0x38;
	[tilespmem:$0x1CC00] =	vst v63  }
0xcf: {  	_ =	swait.ge [sflag:s7], $0x1000  }
0xd0: {  	s6 =	sld [smem:$0x7D8]  }
0xd1: {  	[sflag:s7] =	ssyncset.done $0x0  }
0xd2: {  	[sflag:s7] =	ssyncadd.s32 $0xFFFFF000  }
0xd3: {  	[spmem:s2] =	stream.indirect.scatter.add.f32 [tilespmem:s22], [sflag:$0x11], $0x80, s6, s26, $0xb8;
	[tilespmem:$0x1CC00] =	vst v63  }
0xd4: {  	s6 =	simm.s32 $0x18  }
0xd5: {  	_ =	swait.ge [sflag:s6], $0x1000  }
0xd6: {  	[sflag:s6] =	ssyncset.done $0x0  }
0xd7: {  	s11 =	rddreg [dreg:$0xd];
	[sflag:s6] =	ssyncadd.s32 $0xFFFFF000  }
0xd8: {  	[tilespmem:s29], [sflag:$0x10] =	stream.indirect.gather [hbm4b:s17+s26], $0x80, s11, s26, $0xb8;
	[tilespmem:$0x1CC00] =	vst v63  }
0xd9: {  	_ =	swait.ge [sflag:s10], $0x1000  }
0xda: {  	s11 =	sld [smem:$0x7DA]  }
0xdb: {  	[sflag:s10] =	ssyncset.done $0x0  }
0xdc: {  	[sflag:s10] =	ssyncadd.s32 $0xFFFFF000  }
0xdd: {  	[spmem:s2] =	stream.indirect.scatter.add.f32 [tilespmem:s23], [sflag:$0x12], $0x80, s11, s26, $0xb8;
	[tilespmem:$0x1CC00] =	vst v63  }
0xde: {  	_ =	swait.ge [sflag:s19], $0x1000  }
0xdf: {  	[sflag:s19] =	ssyncset.done $0x0  }
0xe0: {  	s11 =	simm.s32 $0x5;
	[sflag:s19] =	ssyncadd.s32 $0xFFFFF000  }
0xe1: {  	_ =	swait.ge [sflag:s11], $0x180  }
0xe2: {  	[sflag:s11] =	ssyncset.done $0x0  }
0xe3: {  	s4 =	rddreg [dreg:$0xe];
	[sflag:s11] =	ssyncadd.s32 $0xFFFFFE80  }
0xe4: {  	[tilespmem:s22], [sflag:$0x9] =	stream.indirect.gather [hbm4b:s17+s26], $0x80, s4, s26, $0xb8;
	[tilespmem:$0x1CC00] =	vst v63  }
0xe5: {  	_ =	swait.ge [sflag:s0], $0x1000  }
0xe6: {  	s11 =	sld [smem:$0x7DB]  }
0xe7: {  	[sflag:s0] =	ssyncset.done $0x0  }
0xe8: {  	[sflag:s0] =	ssyncadd.s32 $0xFFFFF000  }
0xe9: {  	[spmem:s2] =	stream.indirect.scatter.add.f32 [tilespmem:s21], [sflag:$0x13], $0x80, s11, s26, $0xb8;
	[tilespmem:$0x1CC00] =	vst v63  }
0xea: {  	_ =	swait.ge [sflag:s20], $0x1000  }
0xeb: {  	[sflag:s20] =	ssyncset.done $0x0  }
0xec: {  	s11 =	rddreg [dreg:$0xf];
	[sflag:s20] =	ssyncadd.s32 $0xFFFFF000  }
0xed: {  	[tilespmem:s23], [sflag:$0xA] =	stream.indirect.gather [hbm4b:s17+s26], $0x80, s11, s26, $0xb8;
	[tilespmem:$0x1CC00] =	vst v63  }
0xee: {  	_ =	swait.ge [sflag:s9], $0x1000  }
0xef: {  	s11 =	sld [smem:$0x7DC]  }
0xf0: {  	[sflag:s9] =	ssyncset.done $0x0  }
0xf1: {  	[sflag:s9] =	ssyncadd.s32 $0xFFFFF000  }
0xf2: {  	[spmem:s2] =	stream.indirect.scatter.add.f32 [tilespmem:s30], [sflag:$0x14], $0x80, s11, s26, $0xb8;
	[tilespmem:$0x1CC00] =	vst v63  }
0xf3: {  	_ =	swait.ge [sflag:s25], $0x1000  }
0xf4: {  	s4 =	rddreg [dreg:$0x10];
	[sflag:s25] =	ssyncset.done $0x0  }
0xf5: {  	s11 =	sld [smem:$0x7DD];
	[sflag:s25] =	ssyncadd.s32 $0xFFFFF000  }
0xf6: {  	[tilespmem:s21], [sflag:$0xB] =	stream.indirect.gather [hbm4b:s17+s26], $0x80, s4, s26, $0xb8;
	[tilespmem:$0x1CC00] =	vst v63  }
0xf7: {  	s3 =	sadd.s32 $0x1C0, s3  }
0xf8: {  	[tilespmem:s11], [sflag:$0x8] =	stream.linear.gather [hbm4b:s3+s5], $0x180, $0x38;
	[tilespmem:$0x1CC00] =	vst v63  }
0xf9: {  	_ =	swait.ge [sflag:s8], $0x1000  }
0xfa: {  	s4 =	sld [smem:$0x7DE]  }
0xfb: {  	[sflag:s8] =	ssyncset.done $0x0  }
0xfc: {  	[sflag:s8] =	ssyncadd.s32 $0xFFFFF000  }
0xfd: {  	[spmem:s2] =	stream.indirect.scatter.add.f32 [tilespmem:s31], [sflag:$0x15], $0x80, s4, s26, $0xb8;
	[tilespmem:$0x1CC00] =	vst v63  }
0xfe: {  	_ =	swait.ge [sflag:s13], $0x1000  }
0xff: {  	[sflag:s13] =	ssyncset.done $0x0  }
0x100: {  	s5 =	rddreg [dreg:$0x11];
	[sflag:s13] =	ssyncadd.s32 $0xFFFFF000  }
0x101: {  	[tilespmem:s30], [sflag:$0xC] =	stream.indirect.gather [hbm4b:s17+s26], $0x80, s5, s26, $0xb8;
	[tilespmem:$0x1CC00] =	vst v63  }
0x102: {  	_ =	swait.ge [sflag:s14], $0x1000  }
0x103: {  	s11 =	sld [smem:$0x7DF]  }
0x104: {  	[sflag:s14] =	ssyncset.done $0x0  }
0x105: {  	[sflag:s14] =	ssyncadd.s32 $0xFFFFF000  }
0x106: {  	[spmem:s2] =	stream.indirect.scatter.add.f32 [tilespmem:s28], [sflag:$0x16], $0x80, s11, s26, $0xb8;
	[tilespmem:$0x1CC00] =	vst v63  }
0x107: {  	_ =	swait.ge [sflag:s15], $0x1000  }
0x108: {  	[sflag:s15] =	ssyncset.done $0x0  }
0x109: {  	s3 =	simm.s32 $0x6;
	[sflag:s15] =	ssyncadd.s32 $0xFFFFF000  }
0x10a: {  	_ =	swait.ge [sflag:s3], $0x180  }
0x10b: {  	[sflag:s3] =	ssyncset.done $0x0  }
0x10c: {  	s5 =	rddreg [dreg:$0x12];
	[sflag:s3] =	ssyncadd.s32 $0xFFFFFE80  }
0x10d: {  	[tilespmem:s31], [sflag:$0xD] =	stream.indirect.gather [hbm4b:s17+s26], $0x80, s5, s26, $0xb8;
	[tilespmem:$0x1CC00] =	vst v63  }
0x10e: {  	_ =	swait.ge [sflag:s16], $0x1000  }
0x10f: {  	s11 =	sld [smem:$0x7E1]  }
0x110: {  	[sflag:s16] =	ssyncset.done $0x0  }
0x111: {  	s4 =	simm.s32 $0x7000;
	[sflag:s16] =	ssyncadd.s32 $0xFFFFF000  }
0x112: {  	[spmem:s2] =	stream.indirect.scatter.add.f32 [tilespmem:s4], [sflag:$0x17], $0x80, s11, s26, $0xb8;
	[tilespmem:$0x1CC00] =	vst v63  }
0x113: {  	_ =	swait.ge [sflag:s12], $0x1000  }
0x114: {  	[sflag:s12] =	ssyncset.done $0x0  }
0x115: {  	s5 =	rddreg [dreg:$0x13];
	[sflag:s12] =	ssyncadd.s32 $0xFFFFF000  }
0x116: {  	[tilespmem:s28], [sflag:$0xE] =	stream.indirect.gather [hbm4b:s17+s26], $0x80, s5, s26, $0xb8;
	[tilespmem:$0x1CC00] =	vst v63  }
0x117: {  	_ =	swait.ge [sflag:s18], $0x1000  }
0x118: {  	s11 =	sld [smem:$0x7E3]  }
0x119: {  	[sflag:s18] =	ssyncset.done $0x0  }
0x11a: {  	[sflag:s18] =	ssyncadd.s32 $0xFFFFF000  }
0x11b: {  	[spmem:s2] =	stream.indirect.scatter.add.f32 [tilespmem:s29], [sflag:$0x18], $0x80, s11, s26, $0xb8;
	[tilespmem:$0x1CC00] =	vst v63  }
0x11c: {  	_ =	swait.ge [sflag:s1], $0x1000  }
0x11d: {  	p0 =	por $0x0, $0x0;
	[sflag:s1] =	ssyncset.done $0x0  }
0x11e: {  	s3 =	sadd.s32 @!p0 $0x0, s24;
	s5 =	rddreg [dreg:$0x14];
	[sflag:s1] =	ssyncadd.s32 $0xFFFFF000  }
0x11f: {  	[tilespmem:s4], [sflag:$0xF] =	stream.indirect.gather [hbm4b:s17+s26], $0x80, s5, s26, $0xb8;
	[tilespmem:$0x1CC00] =	vst v63  }
0x120: {  	s3 =	sadd.s32 @!p0 $0x200, s3;
	s4 =	simm.s32 @!p0 $0x0  }
0x121: {  	[tilespmem:s4], [sflag:$0x1] =	stream.linear.gather @!p0 [hbm4b:s3+s4], $0x180, $0x38;
	[tilespmem:$0x1CC00] =	vst v63  }
0x122: {  	_ =	swait.ge [sflag:s7], $0x1000  }
0x123: {  	s11 =	sld [smem:$0x7E6]  }
0x124: {  	[sflag:s7] =	ssyncset.done $0x0  }
0x125: {  	[sflag:s7] =	ssyncadd.s32 $0xFFFFF000  }
0x126: {  	[spmem:s2] =	stream.indirect.scatter.add.f32 [tilespmem:s22], [sflag:$0x11], $0x80, s11, s26, $0xb8;
	[tilespmem:$0x1CC00] =	vst v63  }
0x127: {  	_ =	swait.ge [sflag:s6], $0x1000  }
0x128: {  	[sflag:s6] =	ssyncset.done $0x0  }
0x129: {  	s4 =	rddreg [dreg:$0x15];
	[sflag:s6] =	ssyncadd.s32 $0xFFFFF000  }
0x12a: {  	[tilespmem:s29], [sflag:$0x10] =	stream.indirect.gather [hbm4b:s17+s26], $0x80, s4, s26, $0xb8;
	[tilespmem:$0x1CC00] =	vst v63  }
0x12b: {  	_ =	swait.ge [sflag:s10], $0x1000  }
0x12c: {  	s11 =	sld [smem:$0x7E8]  }
0x12d: {  	[sflag:s10] =	ssyncset.done $0x0  }
0x12e: {  	[sflag:s10] =	ssyncadd.s32 $0xFFFFF000  }
0x12f: {  	[spmem:s2] =	stream.indirect.scatter.add.f32 [tilespmem:s23], [sflag:$0x12], $0x80, s11, s26, $0xb8;
	[tilespmem:$0x1CC00] =	vst v63  }
0x130: {  	_ =	swait.ge [sflag:s19], $0x1000  }
0x131: {  	[sflag:s19] =	ssyncset.done $0x0  }
0x132: {  	s3 =	simm.s32 $0x7;
	[sflag:s19] =	ssyncadd.s32 $0xFFFFF000  }
0x133: {  	_ =	swait.ge [sflag:s3], $0x180  }
0x134: {  	[sflag:s3] =	ssyncset.done $0x0  }
0x135: {  	s11 =	rddreg [dreg:$0x16];
	[sflag:s3] =	ssyncadd.s32 $0xFFFFFE80  }
0x136: {  	[tilespmem:s22], [sflag:$0x9] =	stream.indirect.gather [hbm4b:s17+s26], $0x80, s11, s26, $0xb8;
	[tilespmem:$0x1CC00] =	vst v63  }
0x137: {  	_ =	swait.ge [sflag:s0], $0x1000  }
0x138: {  	s11 =	sld [smem:$0x7EA]  }
0x139: {  	[sflag:s0] =	ssyncset.done $0x0  }
0x13a: {  	[sflag:s0] =	ssyncadd.s32 $0xFFFFF000  }
0x13b: {  	[spmem:s2] =	stream.indirect.scatter.add.f32 [tilespmem:s21], [sflag:$0x13], $0x80, s11, s26, $0xb8;
	[tilespmem:$0x1CC00] =	vst v63  }
0x13c: {  	_ =	swait.ge [sflag:s20], $0x1000  }
0x13d: {  	[sflag:s20] =	ssyncset.done $0x0  }
0x13e: {  	s4 =	rddreg [dreg:$0x17];
	[sflag:s20] =	ssyncadd.s32 $0xFFFFF000  }
0x13f: {  	[tilespmem:s23], [sflag:$0xA] =	stream.indirect.gather [hbm4b:s17+s26], $0x80, s4, s26, $0xb8;
	[tilespmem:$0x1CC00] =	vst v63  }
0x140: {  	_ =	swait.ge [sflag:s9], $0x1000  }
0x141: {  	s11 =	sld [smem:$0x7EC]  }
0x142: {  	[sflag:s9] =	ssyncset.done $0x0  }
0x143: {  	[sflag:s9] =	ssyncadd.s32 $0xFFFFF000  }
0x144: {  	[spmem:s2] =	stream.indirect.scatter.add.f32 [tilespmem:s30], [sflag:$0x14], $0x80, s11, s26, $0xb8;
	[tilespmem:$0x1CC00] =	vst v63  }
0x145: {  	_ =	swait.ge [sflag:s25], $0x1000  }
0x146: {  	p0 =	por $0x0, $0x0;
	[sflag:s25] =	ssyncset.done $0x0  }
0x147: {  	s4 =	sadd.s32 @!p0 $0x0, s24;
	s20 =	rddreg [dreg:$0x18];
	[sflag:s25] =	ssyncadd.s32 $0xFFFFF000  }
0x148: {  	[tilespmem:s21], [sflag:$0xB] =	stream.indirect.gather [hbm4b:s17+s26], $0x80, s20, s26, $0xb8;
	[tilespmem:$0x1CC00] =	vst v63  }
0x149: {  	s3 =	simm.s32 @!p0 $0x0;
	s4 =	sadd.s32 @!p0 $0x240, s4;
	s11 =	simm.s32 @!p0 $0x200  }
0x14a: {  	[tilespmem:s11], [sflag:$0x2] =	stream.linear.gather @!p0 [hbm4b:s4+s3], $0x180, $0x38;
	[tilespmem:$0x1CC00] =	vst v63  }
0x14b: {  	_ =	swait.ge [sflag:s8], $0x1000  }
0x14c: {  	s0 =	sld [smem:$0x7EE]  }
0x14d: {  	[sflag:s8] =	ssyncset.done $0x0  }
0x14e: {  	[sflag:s8] =	ssyncadd.s32 $0xFFFFF000  }
0x14f: {  	[spmem:s2] =	stream.indirect.scatter.add.f32 [tilespmem:s31], [sflag:$0x15], $0x80, s0, s26, $0xb8;
	[tilespmem:$0x1CC00] =	vst v63  }
0x150: {  	_ =	swait.ge [sflag:s13], $0x1000  }
0x151: {  	[sflag:s13] =	ssyncset.done $0x0  }
0x152: {  	s4 =	rddreg [dreg:$0x19];
	[sflag:s13] =	ssyncadd.s32 $0xFFFFF000  }
0x153: {  	[tilespmem:s30], [sflag:$0xC] =	stream.indirect.gather [hbm4b:s17+s26], $0x80, s4, s26, $0xb8;
	[tilespmem:$0x1CC00] =	vst v63  }
0x154: {  	_ =	swait.ge [sflag:s14], $0x1000  }
0x155: {  	s11 =	sld [smem:$0x7F1]  }
0x156: {  	[sflag:s14] =	ssyncset.done $0x0  }
0x157: {  	[sflag:s14] =	ssyncadd.s32 $0xFFFFF000  }
0x158: {  	[spmem:s2] =	stream.indirect.scatter.add.f32 [tilespmem:s28], [sflag:$0x16], $0x80, s11, s26, $0xb8;
	[tilespmem:$0x1CC00] =	vst v63  }
0x159: {  	_ =	swait.ge [sflag:s15], $0x1000  }
0x15a: {  	[sflag:s15] =	ssyncset.done $0x0  }
0x15b: {  	s20 =	simm.s32 $0x8;
	[sflag:s15] =	ssyncadd.s32 $0xFFFFF000  }
0x15c: {  	_ =	swait.ge [sflag:s20], $0x180  }
0x15d: {  	[sflag:s20] =	ssyncset.done $0x0  }
0x15e: {  	s21 =	rddreg [dreg:$0x1a];
	[sflag:s20] =	ssyncadd.s32 $0xFFFFFE80  }
0x15f: {  	[tilespmem:s31], [sflag:$0xD] =	stream.indirect.gather [hbm4b:s17+s26], $0x80, s21, s26, $0xb8;
	[tilespmem:$0x1CC00] =	vst v63  }
0x160: {  	_ =	swait.ge [sflag:s16], $0x1000  }
0x161: {  	s4 =	sld [smem:$0x7F3]  }
0x162: {  	[sflag:s16] =	ssyncset.done $0x0  }
0x163: {  	s5 =	simm.s32 $0x7000;
	[sflag:s16] =	ssyncadd.s32 $0xFFFFF000  }
0x164: {  	[spmem:s2] =	stream.indirect.scatter.add.f32 [tilespmem:s5], [sflag:$0x17], $0x80, s4, s26, $0xb8;
	[tilespmem:$0x1CC00] =	vst v63  }
0x165: {  	_ =	swait.ge [sflag:s12], $0x1000  }
0x166: {  	[sflag:s12] =	ssyncset.done $0x0  }
0x167: {  	s11 =	rddreg [dreg:$0x1b];
	[sflag:s12] =	ssyncadd.s32 $0xFFFFF000  }
0x168: {  	[tilespmem:s28], [sflag:$0xE] =	stream.indirect.gather [hbm4b:s17+s26], $0x80, s11, s26, $0xb8;
	[tilespmem:$0x1CC00] =	vst v63  }
0x169: {  	_ =	swait.ge [sflag:s18], $0x1000  }
0x16a: {  	s14 =	sld [smem:$0x7F4]  }
0x16b: {  	[sflag:s18] =	ssyncset.done $0x0  }
0x16c: {  	[sflag:s18] =	ssyncadd.s32 $0xFFFFF000  }
0x16d: {  	[spmem:s2] =	stream.indirect.scatter.add.f32 [tilespmem:s29], [sflag:$0x18], $0x80, s14, s26, $0xb8;
	[tilespmem:$0x1CC00] =	vst v63  }
0x16e: {  	_ =	swait.ge [sflag:s1], $0x1000  }
0x16f: {  	p0 =	por $0x0, $0x0;
	[sflag:s1] =	ssyncset.done $0x0  }
0x170: {  	s4 =	sadd.s32 @!p0 $0x0, s24;
	s15 =	rddreg [dreg:$0x1c];
	[sflag:s1] =	ssyncadd.s32 $0xFFFFF000  }
0x171: {  	[tilespmem:s5], [sflag:$0xF] =	stream.indirect.gather [hbm4b:s17+s26], $0x80, s15, s26, $0xb8;
	[tilespmem:$0x1CC00] =	vst v63  }
0x172: {  	s3 =	simm.s32 @!p0 $0x0;
	s4 =	sadd.s32 @!p0 $0x280, s4;
	s11 =	simm.s32 @!p0 $0x400  }
0x173: {  	[tilespmem:s11], [sflag:$0x3] =	stream.linear.gather @!p0 [hbm4b:s4+s3], $0x180, $0x38;
	[tilespmem:$0x1CC00] =	vst v63  }
0x174: {  	_ =	swait.ge [sflag:s7], $0x1000  }
0x175: {  	s20 =	sld [smem:$0x7F6]  }
0x176: {  	[sflag:s7] =	ssyncset.done $0x0  }
0x177: {  	[sflag:s7] =	ssyncadd.s32 $0xFFFFF000  }
0x178: {  	[spmem:s2] =	stream.indirect.scatter.add.f32 [tilespmem:s22], [sflag:$0x11], $0x80, s20, s26, $0xb8;
	[tilespmem:$0x1CC00] =	vst v63  }
0x179: {  	_ =	swait.ge [sflag:s6], $0x1000  }
0x17a: {  	[sflag:s6] =	ssyncset.done $0x0  }
0x17b: {  	s21 =	rddreg [dreg:$0x1d];
	[sflag:s6] =	ssyncadd.s32 $0xFFFFF000  }
0x17c: {  	[tilespmem:s29], [sflag:$0x10] =	stream.indirect.gather [hbm4b:s17+s26], $0x80, s21, s26, $0xb8;
	[tilespmem:$0x1CC00] =	vst v63  }
0x17d: {  	_ =	swait.ge [sflag:s10], $0x1000  }
0x17e: {  	s22 =	sld [smem:$0x7F8]  }
0x17f: {  	[sflag:s10] =	ssyncset.done $0x0  }
0x180: {  	[sflag:s10] =	ssyncadd.s32 $0xFFFFF000  }
0x181: {  	[spmem:s2] =	stream.indirect.scatter.add.f32 [tilespmem:s23], [sflag:$0x12], $0x80, s22, s26, $0xb8;
	[tilespmem:$0x1CC00] =	vst v63  }
0x182: {  	_ =	swait.ge [sflag:s19], $0x1000  }
0x183: {  	p0 =	por $0x0, $0x0;
	[sflag:s19] =	ssyncset.done $0x0  }
0x184: {  	s3 =	simm.s32 @p0 $0xB;
	[sflag:s19] =	ssyncadd.s32 $0xFFFFF000  }
0x185: {  	_ =	swait.ge @p0 [sflag:s3], $0x1000  }
0x186: {  	s4 =	simm.s32 @p0 $0x3000;
	s11 =	simm.s32 @p0 $0x20;
	[sflag:s3] =	ssyncset.done @p0 $0x0  }
0x187: {  	s22 =	simm.s32 @p0 $0xD40;
	[sflag:s3] =	ssyncadd.s32 @p0 $0xFFFFF000;
	s3 =	simm.s32 @p0 $0x12  }
0x188: {  	[spmem:s2] =	stream.indirect.scatter.add.f32 @p0 [tilespmem:s4], [sflag:$0x13], $0x80, s22, s11, $0xb8;
	[tilespmem:$0x1CC00] =	vst v63  }
0x189: {  	_ =	swait.ge @p0 [sflag:s3], $0x1000  }
0x18a: {  	[sflag:s3] =	ssyncset.done @p0 $0x0  }
0x18b: {  	s4 =	simm.s32 @!p0 $0x1;
	[sflag:s3] =	ssyncadd.s32 @p0 $0xFFFFF000  }
0x18c: {  	_ =	swait.ge @!p0 [sflag:s4], $0x180  }
0x18d: {  	s0 =	sld [smem:$0x7EF]  }
0x18e: {  	s22 =	simm.s32 @!p0 $0x1000;
	[sflag:s4] =	ssyncset.done @!p0 $0x0  }
0x18f: {  	s3 =	simm.s32 @!p0 $0x20;
	[sflag:s4] =	ssyncadd.s32 @!p0 $0xFFFFFE80;
	s4 =	simm.s32 @!p0 $0xB  }
0x190: {  	[tilespmem:s22], [sflag:$0x9] =	stream.indirect.gather @!p0 [hbm4b:s17+s3], $0x80, s0, s3, $0xb8;
	[tilespmem:$0x1CC00] =	vst v63  }
0x191: {  	_ =	swait.ge @!p0 [sflag:s4], $0x1000  }
0x192: {  	s28 =	simm.s32 @!p0 $0x3000;
	[sflag:s4] =	ssyncset.done @!p0 $0x0  }
0x193: {  	s22 =	simm.s32 @!p0 $0xD40;
	[sflag:s4] =	ssyncadd.s32 @!p0 $0xFFFFF000;
	s4 =	simm.s32 @!p0 $0x12  }
0x194: {  	[spmem:s2] =	stream.indirect.scatter.add.f32 @!p0 [tilespmem:s28], [sflag:$0x13], $0x80, s22, s3, $0xb8;
	[tilespmem:$0x1CC00] =	vst v63  }
0x195: {  	_ =	swait.ge @!p0 [sflag:s4], $0x1000  }
0x196: {  	s0 =	sld [smem:$0x7E7]  }
0x197: {  	[sflag:s4] =	ssyncset.done @!p0 $0x0  }
0x198: {  	s22 =	simm.s32 @!p0 $0x2000;
	[sflag:s4] =	ssyncadd.s32 @!p0 $0xFFFFF000  }
0x199: {  	[tilespmem:s22], [sflag:$0xA] =	stream.indirect.gather @!p0 [hbm4b:s17+s3], $0x80, s0, s3, $0xb8;
	[tilespmem:$0x1CC00] =	vst v63  }
0x19a: {  	_ =	swait.ge [sflag:s9], $0x1000  }
0x19b: {  	s23 =	sld [smem:$0x7F9]  }
0x19c: {  	[sflag:s9] =	ssyncset.done $0x0  }
0x19d: {  	[sflag:s9] =	ssyncadd.s32 $0xFFFFF000  }
0x19e: {  	[spmem:s2] =	stream.indirect.scatter.add.f32 [tilespmem:s30], [sflag:$0x14], $0x80, s23, s26, $0xb8;
	[tilespmem:$0x1CC00] =	vst v63  }
0x19f: {  	_ =	swait.ge [sflag:s25], $0x1000  }
0x1a0: {  	s0 =	sld [smem:$0x7E9]  }
0x1a1: {  	p1 =	por $0x0, $0x0;
	[sflag:s25] =	ssyncset.done $0x0  }
0x1a2: {  	s4 =	sadd.s32 @!p1 $0x0, s24;
	[sflag:s25] =	ssyncadd.s32 $0xFFFFF000  }
0x1a3: {  	[tilespmem:s28], [sflag:$0xB] =	stream.indirect.gather @!p0 [hbm4b:s17+s3], $0x80, s0, s3, $0xb8;
	[tilespmem:$0x1CC00] =	vst v63  }
0x1a4: {  	s4 =	sadd.s32 @!p1 $0x2C0, s4;
	s22 =	simm.s32 @!p1 $0x600;
	s28 =	simm.s32 @!p1 $0x0  }
0x1a5: {  	[tilespmem:s22], [sflag:$0x4] =	stream.linear.gather @!p1 [hbm4b:s4+s28], $0x180, $0x38;
	[tilespmem:$0x1CC00] =	vst v63  }
0x1a6: {  	_ =	swait.ge [sflag:s8], $0x1000  }
0x1a7: {  	s29 =	sld [smem:$0x7FA]  }
0x1a8: {  	[sflag:s8] =	ssyncset.done $0x0  }
0x1a9: {  	[sflag:s8] =	ssyncadd.s32 $0xFFFFF000  }
0x1aa: {  	[spmem:s2] =	stream.indirect.scatter.add.f32 [tilespmem:s31], [sflag:$0x15], $0x80, s29, s26, $0xb8;
	[tilespmem:$0x1CC00] =	vst v63  }
0x1ab: {  	_ =	swait.ge [sflag:s13], $0x1000  }
0x1ac: {  	[sflag:s13] =	ssyncset.done $0x0  }
0x1ad: {  	s4 =	simm.s32 @p0 $0xE;
	[sflag:s13] =	ssyncadd.s32 $0xFFFFF000  }
0x1ae: {  	_ =	swait.ge @p0 [sflag:s4], $0x1000  }
0x1af: {  	[sflag:s4] =	ssyncset.done @p0 $0x0  }
0x1b0: {  	s22 =	simm.s32 @p0 $0xF20;
	[sflag:s4] =	ssyncadd.s32 @p0 $0xFFFFF000;
	s4 =	simm.s32 @p0 $0x6000  }
0x1b1: {  	[spmem:s2] =	stream.indirect.scatter.add.f32 @p0 [tilespmem:s4], [sflag:$0x16], $0x80, s22, s11, $0xb8;
	[tilespmem:$0x1CC00] =	vst v63  }
0x1b2: {  	s4 =	simm.s32 @p0 $0x15  }
0x1b3: {  	_ =	swait.ge @p0 [sflag:s4], $0x1000  }
0x1b4: {  	s0 =	sld [smem:$0x7EB]  }
0x1b5: {  	[sflag:s4] =	ssyncset.done @p0 $0x0  }
0x1b6: {  	s11 =	simm.s32 @!p0 $0x4000;
	[sflag:s4] =	ssyncadd.s32 @p0 $0xFFFFF000;
	s4 =	simm.s32 @!p0 $0xE  }
0x1b7: {  	[tilespmem:s11], [sflag:$0xC] =	stream.indirect.gather @!p0 [hbm4b:s17+s3], $0x80, s0, s3, $0xb8;
	[tilespmem:$0x1CC00] =	vst v63  }
0x1b8: {  	_ =	swait.ge @!p0 [sflag:s4], $0x1000  }
0x1b9: {  	s22 =	simm.s32 @!p0 $0x6000;
	[sflag:s4] =	ssyncset.done @!p0 $0x0  }
0x1ba: {  	s11 =	simm.s32 @!p0 $0xF20;
	[sflag:s4] =	ssyncadd.s32 @!p0 $0xFFFFF000;
	s4 =	simm.s32 @!p0 $0x15  }
0x1bb: {  	[spmem:s2] =	stream.indirect.scatter.add.f32 @!p0 [tilespmem:s22], [sflag:$0x16], $0x80, s11, s3, $0xb8;
	[tilespmem:$0x1CC00] =	vst v63  }
0x1bc: {  	_ =	swait.ge @!p0 [sflag:s4], $0x1000  }
0x1bd: {  	[sflag:s4] =	ssyncset.done @!p0 $0x0  }
0x1be: {  	s11 =	simm.s32 @!p0 $0x2;
	[sflag:s4] =	ssyncadd.s32 @!p0 $0xFFFFF000  }
0x1bf: {  	_ =	swait.ge @!p0 [sflag:s11], $0x180  }
0x1c0: {  	s0 =	sld [smem:$0x7ED]  }
0x1c1: {  	[sflag:s11] =	ssyncset.done @!p0 $0x0  }
0x1c2: {  	s4 =	simm.s32 @!p0 $0x5000;
	[sflag:s11] =	ssyncadd.s32 @!p0 $0xFFFFFE80  }
0x1c3: {  	[tilespmem:s4], [sflag:$0xD] =	stream.indirect.gather @!p0 [hbm4b:s17+s3], $0x80, s0, s3, $0xb8;
	[tilespmem:$0x1CC00] =	vst v63  }
0x1c4: {  	_ =	swait.ge [sflag:s16], $0x1000  }
0x1c5: {  	s30 =	sld [smem:$0x7FB]  }
0x1c6: {  	[sflag:s16] =	ssyncset.done $0x0  }
0x1c7: {  	[sflag:s16] =	ssyncadd.s32 $0xFFFFF000  }
0x1c8: {  	[spmem:s2] =	stream.indirect.scatter.add.f32 [tilespmem:s5], [sflag:$0x17], $0x80, s30, s26, $0xb8;
	[tilespmem:$0x1CC00] =	vst v63  }
0x1c9: {  	_ =	swait.ge [sflag:s12], $0x1000  }
0x1ca: {  	s0 =	sld [smem:$0x7F0]  }
0x1cb: {  	[sflag:s12] =	ssyncset.done $0x0  }
0x1cc: {  	p6 =	por $0x0, $0x0;
	[sflag:s12] =	ssyncadd.s32 $0xFFFFF000  }
0x1cd: {  	[tilespmem:s22], [sflag:$0xE] =	stream.indirect.gather @!p0 [hbm4b:s17+s3], $0x80, s0, s3, $0xb8;
	[tilespmem:$0x1CC00] =	vst v63  }
0x1ce: {  	s23 =	simm.s32 $0x200;
	s31 =	simm.s32 $0x3C;
	_ =	swait.ge [sflag:s18], $0x1000  }
0x1cf: {  	s3 =	simm.s32 $0x400;
	[sflag:s18] =	ssyncset.done $0x0;
	s22 =	sld [smem:$0x7FC]  }
0x1d0: {  	p0 =	por p6, p6;
	[smem:$0x7CD] =	sst s31;
	[sflag:s18] =	ssyncadd.s32 $0xFFFFF000  }
.LBB2_2:
0x1d1: {  	s0 =	smov.u32 s3  }
0x1d2: {  	s28 =	simm.s32 @!p0 $0x17;
	s6 =	simm.s32 $0x8000;
	[smem:$0x7CA] =	sst s0  }
0x1d3: {  	[spmem:s2] =	stream.indirect.scatter.add.f32 [tilespmem:s6], [sflag:$0x18], $0x80, s22, s26, $0xb8;
	[tilespmem:$0x1CC00] =	vst v63  }
0x1d4: {  	_ =	swait.ge @!p0 [sflag:s28], $0x1000  }
0x1d5: {  	s24 =	sld [smem:$0x7F7]  }
0x1d6: {  	[sflag:s28] =	ssyncset.done @!p0 $0x0  }
0x1d7: {  	s29 =	rddreg [dreg:$0x4];
	[sflag:s28] =	ssyncadd.s32 @!p0 $0xFFFFF000  }
0x1d8: {  	s8 =	simm.s32 $0x7000;
	s4 =	rddreg [dreg:$0x0];
	s22 =	sadd.s32 s23, s24  }
0x1d9: {  	[tilespmem:s8], [sflag:$0xF] =	stream.indirect.gather [hbm4b:s4+s26], $0x80, s29, s26, $0xb8;
	[tilespmem:$0x1CC00] =	vst v63  }
0x1da: {  	s5 =	simm.s32 $0x0;
	s7 =	rddreg [dreg:$0x1e];
	s9 =	sadd.s32 $0x100, s22  }
0x1db: {  	[tilespmem:s7], [sflag:$0x5] =	stream.linear.gather [hbm4b:s9+s5], $0x180, $0x38;
	[tilespmem:$0x1CC00] =	vst v63  }
0x1dc: {  	s7 =	simm.s32 $0x9  }
0x1dd: {  	_ =	swait.ge [sflag:s7], $0x1000  }
0x1de: {  	s11 =	simm.s32 $0x1000;
	[sflag:s7] =	ssyncset.done $0x0  }
0x1df: {  	s29 =	simm.s32 @!p0 $0x18;
	s10 =	rddreg [dreg:$0x1f];
	[sflag:s7] =	ssyncadd.s32 $0xFFFFF000  }
0x1e0: {  	[spmem:s2] =	stream.indirect.scatter.add.f32 [tilespmem:s11], [sflag:$0x11], $0x80, s10, s26, $0xb8;
	[tilespmem:$0x1CC00] =	vst v63  }
0x1e1: {  	_ =	swait.ge @!p0 [sflag:s29], $0x1000  }
0x1e2: {  	s1 =	simm.s32 $0x8000;
	[sflag:s29] =	ssyncset.done @!p0 $0x0  }
0x1e3: {  	s10 =	simm.s32 $0xA;
	s12 =	rddreg [dreg:$0x5];
	[sflag:s29] =	ssyncadd.s32 @!p0 $0xFFFFF000  }
0x1e4: {  	[tilespmem:s1], [sflag:$0x10] =	stream.indirect.gather [hbm4b:s4+s26], $0x80, s12, s26, $0xb8;
	[tilespmem:$0x1CC00] =	vst v63  }
0x1e5: {  	_ =	swait.ge [sflag:s10], $0x1000  }
0x1e6: {  	s13 =	sld [smem:$0x7CE]  }
0x1e7: {  	[sflag:s10] =	ssyncset.done $0x0  }
0x1e8: {  	s14 =	simm.s32 $0x2000;
	s19 =	simm.s32 $0x11;
	[sflag:s10] =	ssyncadd.s32 $0xFFFFF000  }
0x1e9: {  	[spmem:s2] =	stream.indirect.scatter.add.f32 [tilespmem:s14], [sflag:$0x12], $0x80, s13, s26, $0xb8;
	[tilespmem:$0x1CC00] =	vst v63  }
0x1ea: {  	_ =	swait.ge [sflag:s19], $0x1000  }
0x1eb: {  	[sflag:s19] =	ssyncset.done $0x0  }
0x1ec: {  	s8 =	simm.s32 $0x3;
	[sflag:s19] =	ssyncadd.s32 $0xFFFFF000  }
0x1ed: {  	_ =	swait.ge [sflag:s8], $0x180  }
0x1ee: {  	s30 =	simm.s32 $0x1000;
	[sflag:s8] =	ssyncset.done $0x0  }
0x1ef: {  	s31 =	simm.s32 $0xB;
	s15 =	rddreg [dreg:$0x6];
	[sflag:s8] =	ssyncadd.s32 $0xFFFFFE80  }
0x1f0: {  	[tilespmem:s30], [sflag:$0x9] =	stream.indirect.gather [hbm4b:s4+s26], $0x80, s15, s26, $0xb8;
	[tilespmem:$0x1CC00] =	vst v63  }
0x1f1: {  	_ =	swait.ge [sflag:s31], $0x1000  }
0x1f2: {  	s16 =	sld [smem:$0x7D0]  }
0x1f3: {  	[sflag:s31] =	ssyncset.done $0x0  }
0x1f4: {  	s17 =	simm.s32 $0x3000;
	s20 =	simm.s32 $0x12;
	[sflag:s31] =	ssyncadd.s32 $0xFFFFF000  }
0x1f5: {  	[spmem:s2] =	stream.indirect.scatter.add.f32 [tilespmem:s17], [sflag:$0x13], $0x80, s16, s26, $0xb8;
	[tilespmem:$0x1CC00] =	vst v63  }
0x1f6: {  	_ =	swait.ge [sflag:s20], $0x1000  }
0x1f7: {  	s9 =	simm.s32 $0xC;
	[sflag:s20] =	ssyncset.done $0x0  }
0x1f8: {  	s12 =	simm.s32 $0x2000;
	s29 =	rddreg [dreg:$0x7];
	[sflag:s20] =	ssyncadd.s32 $0xFFFFF000  }
0x1f9: {  	[tilespmem:s12], [sflag:$0xA] =	stream.indirect.gather [hbm4b:s4+s26], $0x80, s29, s26, $0xb8;
	[tilespmem:$0x1CC00] =	vst v63  }
0x1fa: {  	_ =	swait.ge [sflag:s9], $0x1000  }
0x1fb: {  	s0 =	sld [smem:$0x7D1]  }
0x1fc: {  	[sflag:s9] =	ssyncset.done $0x0  }
0x1fd: {  	s25 =	simm.s32 $0x13;
	s8 =	simm.s32 $0x4000;
	[sflag:s9] =	ssyncadd.s32 $0xFFFFF000  }
0x1fe: {  	[spmem:s2] =	stream.indirect.scatter.add.f32 [tilespmem:s8], [sflag:$0x14], $0x80, s0, s26, $0xb8;
	[tilespmem:$0x1CC00] =	vst v63  }
0x1ff: {  	_ =	swait.ge [sflag:s25], $0x1000  }
0x200: {  	s11 =	rddreg [dreg:$0x8];
	[sflag:s25] =	ssyncset.done $0x0  }
0x201: {  	s18 =	simm.s32 $0x3000;
	s13 =	sld [smem:$0x7D2];
	[sflag:s25] =	ssyncadd.s32 $0xFFFFF000  }
0x202: {  	[tilespmem:s18], [sflag:$0xB] =	stream.indirect.gather [hbm4b:s4+s26], $0x80, s11, s26, $0xb8;
	[tilespmem:$0x1CC00] =	vst v63  }
0x203: {  	s14 =	sadd.s32 $0x140, s22;
	s0 =	simm.s32 $0xD  }
0x204: {  	[tilespmem:s13], [sflag:$0x6] =	stream.linear.gather [hbm4b:s14+s5], $0x180, $0x38;
	[tilespmem:$0x1CC00] =	vst v63  }
0x205: {  	_ =	swait.ge [sflag:s0], $0x1000  }
0x206: {  	s15 =	sld [smem:$0x7D3]  }
0x207: {  	[sflag:s0] =	ssyncset.done $0x0  }
0x208: {  	s16 =	simm.s32 $0x5000;
	s13 =	simm.s32 $0x14;
	[sflag:s0] =	ssyncadd.s32 $0xFFFFF000  }
0x209: {  	[spmem:s2] =	stream.indirect.scatter.add.f32 [tilespmem:s16], [sflag:$0x15], $0x80, s15, s26, $0xb8;
	[tilespmem:$0x1CC00] =	vst v63  }
0x20a: {  	_ =	swait.ge [sflag:s13], $0x1000  }
0x20b: {  	s21 =	simm.s32 $0x4000;
	[sflag:s13] =	ssyncset.done $0x0  }
0x20c: {  	s14 =	simm.s32 $0xE;
	s17 =	rddreg [dreg:$0x9];
	[sflag:s13] =	ssyncadd.s32 $0xFFFFF000  }
0x20d: {  	[tilespmem:s21], [sflag:$0xC] =	stream.indirect.gather [hbm4b:s4+s26], $0x80, s17, s26, $0xb8;
	[tilespmem:$0x1CC00] =	vst v63  }
0x20e: {  	_ =	swait.ge [sflag:s14], $0x1000  }
0x20f: {  	s18 =	sld [smem:$0x7D4]  }
0x210: {  	[sflag:s14] =	ssyncset.done $0x0  }
0x211: {  	s29 =	simm.s32 $0x6000;
	s15 =	simm.s32 $0x15;
	[sflag:s14] =	ssyncadd.s32 $0xFFFFF000  }
0x212: {  	[spmem:s2] =	stream.indirect.scatter.add.f32 [tilespmem:s29], [sflag:$0x16], $0x80, s18, s26, $0xb8;
	[tilespmem:$0x1CC00] =	vst v63  }
0x213: {  	_ =	swait.ge [sflag:s15], $0x1000  }
0x214: {  	[sflag:s15] =	ssyncset.done $0x0  }
0x215: {  	s1 =	simm.s32 $0x4;
	[sflag:s15] =	ssyncadd.s32 $0xFFFFF000  }
0x216: {  	_ =	swait.ge [sflag:s1], $0x180  }
0x217: {  	s8 =	simm.s32 $0x5000;
	[sflag:s1] =	ssyncset.done $0x0  }
0x218: {  	s16 =	rddreg [dreg:$0xa];
	[sflag:s1] =	ssyncadd.s32 $0xFFFFFE80;
	s1 =	simm.s32 $0xF  }
0x219: {  	[tilespmem:s8], [sflag:$0xD] =	stream.indirect.gather [hbm4b:s4+s26], $0x80, s16, s26, $0xb8;
	[tilespmem:$0x1CC00] =	vst v63  }
0x21a: {  	_ =	swait.ge [sflag:s1], $0x1000  }
0x21b: {  	s17 =	sld [smem:$0x7D5]  }
0x21c: {  	[sflag:s1] =	ssyncset.done $0x0  }
0x21d: {  	s6 =	simm.s32 $0x7000;
	s16 =	simm.s32 $0x16;
	[sflag:s1] =	ssyncadd.s32 $0xFFFFF000  }
0x21e: {  	[spmem:s2] =	stream.indirect.scatter.add.f32 [tilespmem:s6], [sflag:$0x17], $0x80, s17, s26, $0xb8;
	[tilespmem:$0x1CC00] =	vst v63  }
0x21f: {  	_ =	swait.ge [sflag:s16], $0x1000  }
0x220: {  	[sflag:s16] =	ssyncset.done $0x0  }
0x221: {  	s11 =	simm.s32 $0x6000;
	s18 =	rddreg [dreg:$0xb];
	[sflag:s16] =	ssyncadd.s32 $0xFFFFF000  }
0x222: {  	[tilespmem:s11], [sflag:$0xE] =	stream.indirect.gather [hbm4b:s4+s26], $0x80, s18, s26, $0xb8;
	[tilespmem:$0x1CC00] =	vst v63  }
0x223: {  	s18 =	simm.s32 $0x10  }
0x224: {  	_ =	swait.ge [sflag:s18], $0x1000  }
0x225: {  	s29 =	sld [smem:$0x7D6]  }
0x226: {  	[sflag:s18] =	ssyncset.done $0x0  }
0x227: {  	s17 =	simm.s32 $0x8000;
	s11 =	simm.s32 $0x17;
	[sflag:s18] =	ssyncadd.s32 $0xFFFFF000  }
0x228: {  	[spmem:s2] =	stream.indirect.scatter.add.f32 [tilespmem:s17], [sflag:$0x18], $0x80, s29, s26, $0xb8;
	[tilespmem:$0x1CC00] =	vst v63  }
0x229: {  	_ =	swait.ge [sflag:s11], $0x1000  }
0x22a: {  	s28 =	rddreg [dreg:$0xc];
	[sflag:s11] =	ssyncset.done $0x0  }
0x22b: {  	s29 =	sld [smem:$0x7D7];
	[sflag:s11] =	ssyncadd.s32 $0xFFFFF000  }
0x22c: {  	[tilespmem:s6], [sflag:$0xF] =	stream.indirect.gather [hbm4b:s4+s26], $0x80, s28, s26, $0xb8;
	[tilespmem:$0x1CC00] =	vst v63  }
0x22d: {  	s6 =	sadd.s32 $0x180, s22  }
0x22e: {  	[tilespmem:s29], [sflag:$0x7] =	stream.linear.gather [hbm4b:s6+s5], $0x180, $0x38;
	[tilespmem:$0x1CC00] =	vst v63  }
0x22f: {  	_ =	swait.ge [sflag:s7], $0x1000  }
0x230: {  	s6 =	sld [smem:$0x7D8]  }
0x231: {  	[sflag:s7] =	ssyncset.done $0x0  }
0x232: {  	[sflag:s7] =	ssyncadd.s32 $0xFFFFF000  }
0x233: {  	[spmem:s2] =	stream.indirect.scatter.add.f32 [tilespmem:s30], [sflag:$0x11], $0x80, s6, s26, $0xb8;
	[tilespmem:$0x1CC00] =	vst v63  }
0x234: {  	s6 =	simm.s32 $0x18  }
0x235: {  	_ =	swait.ge [sflag:s6], $0x1000  }
0x236: {  	[sflag:s6] =	ssyncset.done $0x0  }
0x237: {  	s29 =	rddreg [dreg:$0xd];
	[sflag:s6] =	ssyncadd.s32 $0xFFFFF000  }
0x238: {  	[tilespmem:s17], [sflag:$0x10] =	stream.indirect.gather [hbm4b:s4+s26], $0x80, s29, s26, $0xb8;
	[tilespmem:$0x1CC00] =	vst v63  }
0x239: {  	_ =	swait.ge [sflag:s10], $0x1000  }
0x23a: {  	s29 =	sld [smem:$0x7DA]  }
0x23b: {  	[sflag:s10] =	ssyncset.done $0x0  }
0x23c: {  	[sflag:s10] =	ssyncadd.s32 $0xFFFFF000  }
0x23d: {  	[spmem:s2] =	stream.indirect.scatter.add.f32 [tilespmem:s12], [sflag:$0x12], $0x80, s29, s26, $0xb8;
	[tilespmem:$0x1CC00] =	vst v63  }
0x23e: {  	_ =	swait.ge [sflag:s19], $0x1000  }
0x23f: {  	[sflag:s19] =	ssyncset.done $0x0  }
0x240: {  	s29 =	simm.s32 $0x5;
	[sflag:s19] =	ssyncadd.s32 $0xFFFFF000  }
0x241: {  	_ =	swait.ge [sflag:s29], $0x180  }
0x242: {  	[sflag:s29] =	ssyncset.done $0x0  }
0x243: {  	s17 =	rddreg [dreg:$0xe];
	[sflag:s29] =	ssyncadd.s32 $0xFFFFFE80  }
0x244: {  	[tilespmem:s30], [sflag:$0x9] =	stream.indirect.gather [hbm4b:s4+s26], $0x80, s17, s26, $0xb8;
	[tilespmem:$0x1CC00] =	vst v63  }
0x245: {  	_ =	swait.ge [sflag:s31], $0x1000  }
0x246: {  	s29 =	sld [smem:$0x7DB]  }
0x247: {  	[sflag:s31] =	ssyncset.done $0x0  }
0x248: {  	s30 =	simm.s32 $0x3000;
	[sflag:s31] =	ssyncadd.s32 $0xFFFFF000  }
0x249: {  	[spmem:s2] =	stream.indirect.scatter.add.f32 [tilespmem:s30], [sflag:$0x13], $0x80, s29, s26, $0xb8;
	[tilespmem:$0x1CC00] =	vst v63  }
0x24a: {  	_ =	swait.ge [sflag:s20], $0x1000  }
0x24b: {  	[sflag:s20] =	ssyncset.done $0x0  }
0x24c: {  	s17 =	rddreg [dreg:$0xf];
	[sflag:s20] =	ssyncadd.s32 $0xFFFFF000  }
0x24d: {  	[tilespmem:s12], [sflag:$0xA] =	stream.indirect.gather [hbm4b:s4+s26], $0x80, s17, s26, $0xb8;
	[tilespmem:$0x1CC00] =	vst v63  }
0x24e: {  	_ =	swait.ge [sflag:s9], $0x1000  }
0x24f: {  	s29 =	sld [smem:$0x7DC]  }
0x250: {  	[sflag:s9] =	ssyncset.done $0x0  }
0x251: {  	[sflag:s9] =	ssyncadd.s32 $0xFFFFF000  }
0x252: {  	[spmem:s2] =	stream.indirect.scatter.add.f32 [tilespmem:s21], [sflag:$0x14], $0x80, s29, s26, $0xb8;
	[tilespmem:$0x1CC00] =	vst v63  }
0x253: {  	_ =	swait.ge [sflag:s25], $0x1000  }
0x254: {  	s12 =	rddreg [dreg:$0x10];
	[sflag:s25] =	ssyncset.done $0x0  }
0x255: {  	s17 =	sld [smem:$0x7DD];
	[sflag:s25] =	ssyncadd.s32 $0xFFFFF000  }
0x256: {  	[tilespmem:s30], [sflag:$0xB] =	stream.indirect.gather [hbm4b:s4+s26], $0x80, s12, s26, $0xb8;
	[tilespmem:$0x1CC00] =	vst v63  }
0x257: {  	s22 =	sadd.s32 $0x1C0, s22  }
0x258: {  	[tilespmem:s17], [sflag:$0x8] =	stream.linear.gather [hbm4b:s22+s5], $0x180, $0x38;
	[tilespmem:$0x1CC00] =	vst v63  }
0x259: {  	_ =	swait.ge [sflag:s0], $0x1000  }
0x25a: {  	s12 =	sld [smem:$0x7DE]  }
0x25b: {  	[sflag:s0] =	ssyncset.done $0x0  }
0x25c: {  	[sflag:s0] =	ssyncadd.s32 $0xFFFFF000  }
0x25d: {  	[spmem:s2] =	stream.indirect.scatter.add.f32 [tilespmem:s8], [sflag:$0x15], $0x80, s12, s26, $0xb8;
	[tilespmem:$0x1CC00] =	vst v63  }
0x25e: {  	_ =	swait.ge [sflag:s13], $0x1000  }
0x25f: {  	[sflag:s13] =	ssyncset.done $0x0  }
0x260: {  	s17 =	rddreg [dreg:$0x11];
	[sflag:s13] =	ssyncadd.s32 $0xFFFFF000  }
0x261: {  	[tilespmem:s21], [sflag:$0xC] =	stream.indirect.gather [hbm4b:s4+s26], $0x80, s17, s26, $0xb8;
	[tilespmem:$0x1CC00] =	vst v63  }
0x262: {  	_ =	swait.ge [sflag:s14], $0x1000  }
0x263: {  	s28 =	sld [smem:$0x7DF]  }
0x264: {  	[sflag:s14] =	ssyncset.done $0x0  }
0x265: {  	s29 =	simm.s32 $0x6000;
	[sflag:s14] =	ssyncadd.s32 $0xFFFFF000  }
0x266: {  	[spmem:s2] =	stream.indirect.scatter.add.f32 [tilespmem:s29], [sflag:$0x16], $0x80, s28, s26, $0xb8;
	[tilespmem:$0x1CC00] =	vst v63  }
0x267: {  	_ =	swait.ge [sflag:s15], $0x1000  }
0x268: {  	[sflag:s15] =	ssyncset.done $0x0  }
0x269: {  	s30 =	simm.s32 $0x6;
	[sflag:s15] =	ssyncadd.s32 $0xFFFFF000  }
0x26a: {  	_ =	swait.ge [sflag:s30], $0x180  }
0x26b: {  	[sflag:s30] =	ssyncset.done $0x0  }
0x26c: {  	s17 =	rddreg [dreg:$0x12];
	[sflag:s30] =	ssyncadd.s32 $0xFFFFFE80  }
0x26d: {  	[tilespmem:s8], [sflag:$0xD] =	stream.indirect.gather [hbm4b:s4+s26], $0x80, s17, s26, $0xb8;
	[tilespmem:$0x1CC00] =	vst v63  }
0x26e: {  	_ =	swait.ge [sflag:s1], $0x1000  }
0x26f: {  	s21 =	sld [smem:$0x7E1]  }
0x270: {  	[sflag:s1] =	ssyncset.done $0x0  }
0x271: {  	s5 =	simm.s32 $0x7000;
	[sflag:s1] =	ssyncadd.s32 $0xFFFFF000  }
0x272: {  	[spmem:s2] =	stream.indirect.scatter.add.f32 [tilespmem:s5], [sflag:$0x17], $0x80, s21, s26, $0xb8;
	[tilespmem:$0x1CC00] =	vst v63  }
0x273: {  	_ =	swait.ge [sflag:s16], $0x1000  }
0x274: {  	[sflag:s16] =	ssyncset.done $0x0  }
0x275: {  	s28 =	rddreg [dreg:$0x13];
	[sflag:s16] =	ssyncadd.s32 $0xFFFFF000  }
0x276: {  	[tilespmem:s29], [sflag:$0xE] =	stream.indirect.gather [hbm4b:s4+s26], $0x80, s28, s26, $0xb8;
	[tilespmem:$0x1CC00] =	vst v63  }
0x277: {  	_ =	swait.ge [sflag:s18], $0x1000  }
0x278: {  	s29 =	sld [smem:$0x7E3]  }
0x279: {  	[sflag:s18] =	ssyncset.done $0x0  }
0x27a: {  	s8 =	simm.s32 $0x8000;
	[sflag:s18] =	ssyncadd.s32 $0xFFFFF000  }
0x27b: {  	[spmem:s2] =	stream.indirect.scatter.add.f32 [tilespmem:s8], [sflag:$0x18], $0x80, s29, s26, $0xb8;
	[tilespmem:$0x1CC00] =	vst v63  }
0x27c: {  	_ =	swait.ge [sflag:s11], $0x1000  }
0x27d: {  	s17 =	sld [smem:$0x7CD];
	[sflag:s11] =	ssyncset.done $0x0  }
0x27e: {  	s12 =	rddreg [dreg:$0x14];
	[sflag:s11] =	ssyncadd.s32 $0xFFFFF000  }
0x27f: {  	[tilespmem:s5], [sflag:$0xF] =	stream.indirect.gather [hbm4b:s4+s26], $0x80, s12, s26, $0xb8;
	[tilespmem:$0x1CC00] =	vst v63  }
0x280: {  	p2 =	seq.s32 s3, $0x0;
	s21 =	sadd.s32 $0xFFFFFFF4, s17  }
0x281: {  	p0 =	por p2, p2;
	p2 =	sgt.u32 s21, $0x12F  }
0x282: {  	s22 =	sadd.s32 @!p2 s23, s24  }
0x283: {  	s28 =	simm.s32 @!p2 $0x0;
	s22 =	sadd.s32 @!p2 $0x200, s22  }
0x284: {  	[tilespmem:s28], [sflag:$0x1] =	stream.linear.gather @!p2 [hbm4b:s22+s28], $0x180, $0x38;
	[tilespmem:$0x1CC00] =	vst v63  }
0x285: {  	_ =	swait.ge [sflag:s7], $0x1000  }
0x286: {  	s29 =	sld [smem:$0x7E6]  }
0x287: {  	[sflag:s7] =	ssyncset.done $0x0  }
0x288: {  	s12 =	simm.s32 $0x1000;
	[sflag:s7] =	ssyncadd.s32 $0xFFFFF000  }
0x289: {  	[spmem:s2] =	stream.indirect.scatter.add.f32 [tilespmem:s12], [sflag:$0x11], $0x80, s29, s26, $0xb8;
	[tilespmem:$0x1CC00] =	vst v63  }
0x28a: {  	_ =	swait.ge [sflag:s6], $0x1000  }
0x28b: {  	[sflag:s6] =	ssyncset.done $0x0  }
0x28c: {  	s5 =	rddreg [dreg:$0x15];
	[sflag:s6] =	ssyncadd.s32 $0xFFFFF000  }
0x28d: {  	[tilespmem:s8], [sflag:$0x10] =	stream.indirect.gather [hbm4b:s4+s26], $0x80, s5, s26, $0xb8;
	[tilespmem:$0x1CC00] =	vst v63  }
0x28e: {  	_ =	swait.ge [sflag:s10], $0x1000  }
0x28f: {  	s21 =	sld [smem:$0x7E8]  }
0x290: {  	[sflag:s10] =	ssyncset.done $0x0  }
0x291: {  	s8 =	simm.s32 $0x2000;
	[sflag:s10] =	ssyncadd.s32 $0xFFFFF000  }
0x292: {  	[spmem:s2] =	stream.indirect.scatter.add.f32 [tilespmem:s8], [sflag:$0x12], $0x80, s21, s26, $0xb8;
	[tilespmem:$0x1CC00] =	vst v63  }
0x293: {  	_ =	swait.ge [sflag:s19], $0x1000  }
0x294: {  	[sflag:s19] =	ssyncset.done $0x0  }
0x295: {  	s28 =	simm.s32 $0x7;
	[sflag:s19] =	ssyncadd.s32 $0xFFFFF000  }
0x296: {  	_ =	swait.ge [sflag:s28], $0x180  }
0x297: {  	[sflag:s28] =	ssyncset.done $0x0  }
0x298: {  	s29 =	rddreg [dreg:$0x16];
	[sflag:s28] =	ssyncadd.s32 $0xFFFFFE80  }
0x299: {  	[tilespmem:s12], [sflag:$0x9] =	stream.indirect.gather [hbm4b:s4+s26], $0x80, s29, s26, $0xb8;
	[tilespmem:$0x1CC00] =	vst v63  }
0x29a: {  	_ =	swait.ge [sflag:s31], $0x1000  }
0x29b: {  	s5 =	sld [smem:$0x7EA]  }
0x29c: {  	[sflag:s31] =	ssyncset.done $0x0  }
0x29d: {  	s21 =	simm.s32 $0x3000;
	[sflag:s31] =	ssyncadd.s32 $0xFFFFF000  }
0x29e: {  	[spmem:s2] =	stream.indirect.scatter.add.f32 [tilespmem:s21], [sflag:$0x13], $0x80, s5, s26, $0xb8;
	[tilespmem:$0x1CC00] =	vst v63  }
0x29f: {  	_ =	swait.ge [sflag:s20], $0x1000  }
0x2a0: {  	[sflag:s20] =	ssyncset.done $0x0  }
0x2a1: {  	s28 =	rddreg [dreg:$0x17];
	[sflag:s20] =	ssyncadd.s32 $0xFFFFF000  }
0x2a2: {  	[tilespmem:s8], [sflag:$0xA] =	stream.indirect.gather [hbm4b:s4+s26], $0x80, s28, s26, $0xb8;
	[tilespmem:$0x1CC00] =	vst v63  }
0x2a3: {  	_ =	swait.ge [sflag:s9], $0x1000  }
0x2a4: {  	s29 =	sld [smem:$0x7EC]  }
0x2a5: {  	[sflag:s9] =	ssyncset.done $0x0  }
0x2a6: {  	s5 =	simm.s32 $0x4000;
	[sflag:s9] =	ssyncadd.s32 $0xFFFFF000  }
0x2a7: {  	[spmem:s2] =	stream.indirect.scatter.add.f32 [tilespmem:s5], [sflag:$0x14], $0x80, s29, s26, $0xb8;
	[tilespmem:$0x1CC00] =	vst v63  }
0x2a8: {  	s31 =	sadd.s32 $0xFFFFFFF8, s17;
	_ =	swait.ge [sflag:s25], $0x1000  }
0x2a9: {  	p2 =	sgt.u32 s31, $0x12F;
	[sflag:s25] =	ssyncset.done $0x0  }
0x2aa: {  	s22 =	sadd.s32 @!p2 s23, s24;
	s8 =	rddreg [dreg:$0x18];
	[sflag:s25] =	ssyncadd.s32 $0xFFFFF000  }
0x2ab: {  	[tilespmem:s21], [sflag:$0xB] =	stream.indirect.gather [hbm4b:s4+s26], $0x80, s8, s26, $0xb8;
	[tilespmem:$0x1CC00] =	vst v63  }
0x2ac: {  	s31 =	simm.s32 @!p2 $0x200;
	s22 =	sadd.s32 @!p2 $0x240, s22;
	s29 =	simm.s32 @!p2 $0x0  }
0x2ad: {  	[tilespmem:s31], [sflag:$0x2] =	stream.linear.gather @!p2 [hbm4b:s22+s29], $0x180, $0x38;
	[tilespmem:$0x1CC00] =	vst v63  }
0x2ae: {  	_ =	swait.ge [sflag:s0], $0x1000  }
0x2af: {  	s31 =	sld [smem:$0x7EE]  }
0x2b0: {  	[sflag:s0] =	ssyncset.done $0x0  }
0x2b1: {  	s8 =	simm.s32 $0x5000;
	[sflag:s0] =	ssyncadd.s32 $0xFFFFF000  }
0x2b2: {  	[spmem:s2] =	stream.indirect.scatter.add.f32 [tilespmem:s8], [sflag:$0x15], $0x80, s31, s26, $0xb8;
	[tilespmem:$0x1CC00] =	vst v63  }
0x2b3: {  	_ =	swait.ge [sflag:s13], $0x1000  }
0x2b4: {  	[sflag:s13] =	ssyncset.done $0x0  }
0x2b5: {  	s21 =	rddreg [dreg:$0x19];
	[sflag:s13] =	ssyncadd.s32 $0xFFFFF000  }
0x2b6: {  	[tilespmem:s5], [sflag:$0xC] =	stream.indirect.gather [hbm4b:s4+s26], $0x80, s21, s26, $0xb8;
	[tilespmem:$0x1CC00] =	vst v63  }
0x2b7: {  	_ =	swait.ge [sflag:s14], $0x1000  }
0x2b8: {  	s28 =	sld [smem:$0x7F1]  }
0x2b9: {  	[sflag:s14] =	ssyncset.done $0x0  }
0x2ba: {  	s30 =	simm.s32 $0x6000;
	[sflag:s14] =	ssyncadd.s32 $0xFFFFF000  }
0x2bb: {  	[spmem:s2] =	stream.indirect.scatter.add.f32 [tilespmem:s30], [sflag:$0x16], $0x80, s28, s26, $0xb8;
	[tilespmem:$0x1CC00] =	vst v63  }
0x2bc: {  	_ =	swait.ge [sflag:s15], $0x1000  }
0x2bd: {  	[sflag:s15] =	ssyncset.done $0x0  }
0x2be: {  	s29 =	simm.s32 $0x8;
	[sflag:s15] =	ssyncadd.s32 $0xFFFFF000  }
0x2bf: {  	_ =	swait.ge [sflag:s29], $0x180  }
0x2c0: {  	[sflag:s29] =	ssyncset.done $0x0  }
0x2c1: {  	s31 =	rddreg [dreg:$0x1a];
	[sflag:s29] =	ssyncadd.s32 $0xFFFFFE80  }
0x2c2: {  	[tilespmem:s8], [sflag:$0xD] =	stream.indirect.gather [hbm4b:s4+s26], $0x80, s31, s26, $0xb8;
	[tilespmem:$0x1CC00] =	vst v63  }
0x2c3: {  	_ =	swait.ge [sflag:s1], $0x1000  }
0x2c4: {  	s5 =	sld [smem:$0x7F3]  }
0x2c5: {  	[sflag:s1] =	ssyncset.done $0x0  }
0x2c6: {  	s14 =	simm.s32 $0x7000;
	[sflag:s1] =	ssyncadd.s32 $0xFFFFF000  }
0x2c7: {  	[spmem:s2] =	stream.indirect.scatter.add.f32 [tilespmem:s14], [sflag:$0x17], $0x80, s5, s26, $0xb8;
	[tilespmem:$0x1CC00] =	vst v63  }
0x2c8: {  	_ =	swait.ge [sflag:s16], $0x1000  }
0x2c9: {  	[sflag:s16] =	ssyncset.done $0x0  }
0x2ca: {  	s15 =	rddreg [dreg:$0x1b];
	[sflag:s16] =	ssyncadd.s32 $0xFFFFF000  }
0x2cb: {  	[tilespmem:s30], [sflag:$0xE] =	stream.indirect.gather [hbm4b:s4+s26], $0x80, s15, s26, $0xb8;
	[tilespmem:$0x1CC00] =	vst v63  }
0x2cc: {  	_ =	swait.ge [sflag:s18], $0x1000  }
0x2cd: {  	s28 =	sld [smem:$0x7F4]  }
0x2ce: {  	[sflag:s18] =	ssyncset.done $0x0  }
0x2cf: {  	s15 =	simm.s32 $0x8000;
	[sflag:s18] =	ssyncadd.s32 $0xFFFFF000  }
0x2d0: {  	[spmem:s2] =	stream.indirect.scatter.add.f32 [tilespmem:s15], [sflag:$0x18], $0x80, s28, s26, $0xb8;
	[tilespmem:$0x1CC00] =	vst v63  }
0x2d1: {  	s29 =	sadd.s32 $0xFFFFFFFC, s17;
	_ =	swait.ge [sflag:s11], $0x1000  }
0x2d2: {  	p2 =	sgt.u32 s29, $0x12F;
	[sflag:s11] =	ssyncset.done $0x0  }
0x2d3: {  	s22 =	sadd.s32 @!p2 s23, s24;
	s30 =	rddreg [dreg:$0x1c];
	[sflag:s11] =	ssyncadd.s32 $0xFFFFF000  }
0x2d4: {  	[tilespmem:s14], [sflag:$0xF] =	stream.indirect.gather [hbm4b:s4+s26], $0x80, s30, s26, $0xb8;
	[tilespmem:$0x1CC00] =	vst v63  }
0x2d5: {  	s29 =	simm.s32 @!p2 $0x0;
	s31 =	simm.s32 @!p2 $0x400;
	s22 =	sadd.s32 @!p2 $0x280, s22  }
0x2d6: {  	[tilespmem:s31], [sflag:$0x3] =	stream.linear.gather @!p2 [hbm4b:s22+s29], $0x180, $0x38;
	[tilespmem:$0x1CC00] =	vst v63  }
0x2d7: {  	_ =	swait.ge [sflag:s7], $0x1000  }
0x2d8: {  	s11 =	sld [smem:$0x7F6]  }
0x2d9: {  	[sflag:s7] =	ssyncset.done $0x0  }
0x2da: {  	s12 =	simm.s32 $0x1000;
	[sflag:s7] =	ssyncadd.s32 $0xFFFFF000  }
0x2db: {  	[spmem:s2] =	stream.indirect.scatter.add.f32 [tilespmem:s12], [sflag:$0x11], $0x80, s11, s26, $0xb8;
	[tilespmem:$0x1CC00] =	vst v63  }
0x2dc: {  	_ =	swait.ge [sflag:s6], $0x1000  }
0x2dd: {  	[sflag:s6] =	ssyncset.done $0x0  }
0x2de: {  	s12 =	rddreg [dreg:$0x1d];
	[sflag:s6] =	ssyncadd.s32 $0xFFFFF000  }
0x2df: {  	[tilespmem:s15], [sflag:$0x10] =	stream.indirect.gather [hbm4b:s4+s26], $0x80, s12, s26, $0xb8;
	[tilespmem:$0x1CC00] =	vst v63  }
0x2e0: {  	_ =	swait.ge [sflag:s10], $0x1000  }
0x2e1: {  	s15 =	sld [smem:$0x7F8]  }
0x2e2: {  	[sflag:s10] =	ssyncset.done $0x0  }
0x2e3: {  	s20 =	simm.s32 $0x2000;
	[sflag:s10] =	ssyncadd.s32 $0xFFFFF000  }
0x2e4: {  	[spmem:s2] =	stream.indirect.scatter.add.f32 [tilespmem:s20], [sflag:$0x12], $0x80, s15, s26, $0xb8;
	[tilespmem:$0x1CC00] =	vst v63  }
0x2e5: {  	_ =	swait.ge [sflag:s19], $0x1000  }
0x2e6: {  	p2 =	seq.s32 s23, $0x1200;
	[sflag:s19] =	ssyncset.done $0x0  }
0x2e7: {  	s22 =	simm.s32 @p2 $0xB;
	[sflag:s19] =	ssyncadd.s32 $0xFFFFF000  }
0x2e8: {  	_ =	swait.ge @p2 [sflag:s22], $0x1000  }
0x2e9: {  	s29 =	simm.s32 @p2 $0x3000;
	s28 =	simm.s32 @p2 $0x20;
	[sflag:s22] =	ssyncset.done @p2 $0x0  }
0x2ea: {  	s31 =	simm.s32 @p2 $0xD40;
	[sflag:s22] =	ssyncadd.s32 @p2 $0xFFFFF000;
	s22 =	simm.s32 @p2 $0x12  }
0x2eb: {  	[spmem:s2] =	stream.indirect.scatter.add.f32 @p2 [tilespmem:s29], [sflag:$0x13], $0x80, s31, s28, $0xb8;
	[tilespmem:$0x1CC00] =	vst v63  }
0x2ec: {  	_ =	swait.ge @p2 [sflag:s22], $0x1000  }
0x2ed: {  	[sflag:s22] =	ssyncset.done @p2 $0x0  }
0x2ee: {  	s29 =	simm.s32 @!p2 $0x1;
	[sflag:s22] =	ssyncadd.s32 @p2 $0xFFFFF000  }
0x2ef: {  	_ =	swait.ge @!p2 [sflag:s29], $0x180  }
0x2f0: {  	s5 =	sld [smem:$0x7EF]  }
0x2f1: {  	s31 =	simm.s32 @!p2 $0x1000;
	[sflag:s29] =	ssyncset.done @!p2 $0x0  }
0x2f2: {  	s22 =	simm.s32 @!p2 $0x20;
	[sflag:s29] =	ssyncadd.s32 @!p2 $0xFFFFFE80;
	s29 =	simm.s32 @!p2 $0xB  }
0x2f3: {  	[tilespmem:s31], [sflag:$0x9] =	stream.indirect.gather @!p2 [hbm4b:s4+s22], $0x80, s5, s22, $0xb8;
	[tilespmem:$0x1CC00] =	vst v63  }
0x2f4: {  	_ =	swait.ge @!p2 [sflag:s29], $0x1000  }
0x2f5: {  	s31 =	simm.s32 @!p2 $0xD40;
	[sflag:s29] =	ssyncset.done @!p2 $0x0  }
0x2f6: {  	s5 =	simm.s32 @!p2 $0x3000;
	[sflag:s29] =	ssyncadd.s32 @!p2 $0xFFFFF000;
	s29 =	simm.s32 @!p2 $0x12  }
0x2f7: {  	[spmem:s2] =	stream.indirect.scatter.add.f32 @!p2 [tilespmem:s5], [sflag:$0x13], $0x80, s31, s22, $0xb8;
	[tilespmem:$0x1CC00] =	vst v63  }
0x2f8: {  	_ =	swait.ge @!p2 [sflag:s29], $0x1000  }
0x2f9: {  	[sflag:s29] =	ssyncset.done @!p2 $0x0  }
0x2fa: {  	[sflag:s29] =	ssyncadd.s32 @!p2 $0xFFFFF000;
	s29 =	sld [smem:$0x7E7];
	_ =	sdelay $0x1  }
0x2fb: {  	s31 =	simm.s32 @!p2 $0x2000  }
0x2fc: {  	[tilespmem:s31], [sflag:$0xA] =	stream.indirect.gather @!p2 [hbm4b:s4+s22], $0x80, s29, s22, $0xb8;
	[tilespmem:$0x1CC00] =	vst v63  }
0x2fd: {  	_ =	swait.ge [sflag:s9], $0x1000  }
0x2fe: {  	s20 =	sld [smem:$0x7F9]  }
0x2ff: {  	[sflag:s9] =	ssyncset.done $0x0  }
0x300: {  	s21 =	simm.s32 $0x4000;
	[sflag:s9] =	ssyncadd.s32 $0xFFFFF000  }
0x301: {  	[spmem:s2] =	stream.indirect.scatter.add.f32 [tilespmem:s21], [sflag:$0x14], $0x80, s20, s26, $0xb8;
	[tilespmem:$0x1CC00] =	vst v63  }
0x302: {  	_ =	swait.ge [sflag:s25], $0x1000  }
0x303: {  	s31 =	sld [smem:$0x7E9]  }
0x304: {  	p3 =	sgt.u32 s17, $0x12F;
	[sflag:s25] =	ssyncset.done $0x0  }
0x305: {  	s11 =	sadd.s32 @!p3 s23, s24;
	[sflag:s25] =	ssyncadd.s32 $0xFFFFF000  }
0x306: {  	[tilespmem:s5], [sflag:$0xB] =	stream.indirect.gather @!p2 [hbm4b:s4+s22], $0x80, s31, s22, $0xb8;
	[tilespmem:$0x1CC00] =	vst v63  }
0x307: {  	s29 =	simm.s32 @!p3 $0x600;
	s5 =	sadd.s32 @!p3 $0x2C0, s11;
	s31 =	simm.s32 @!p3 $0x0  }
0x308: {  	[tilespmem:s29], [sflag:$0x4] =	stream.linear.gather @!p3 [hbm4b:s5+s31], $0x180, $0x38;
	[tilespmem:$0x1CC00] =	vst v63  }
0x309: {  	s25 =	sld [smem:$0x7CA];
	_ =	swait.ge [sflag:s0], $0x1000  }
0x30a: {  	s30 =	sld [smem:$0x7FA]  }
0x30b: {  	[sflag:s0] =	ssyncset.done $0x0  }
0x30c: {  	s8 =	simm.s32 $0x5000;
	[sflag:s0] =	ssyncadd.s32 $0xFFFFF000  }
0x30d: {  	[spmem:s2] =	stream.indirect.scatter.add.f32 [tilespmem:s8], [sflag:$0x15], $0x80, s30, s26, $0xb8;
	[tilespmem:$0x1CC00] =	vst v63  }
0x30e: {  	_ =	swait.ge [sflag:s13], $0x1000  }
0x30f: {  	[sflag:s13] =	ssyncset.done $0x0  }
0x310: {  	s5 =	simm.s32 @p2 $0xE;
	[sflag:s13] =	ssyncadd.s32 $0xFFFFF000  }
0x311: {  	_ =	swait.ge @p2 [sflag:s5], $0x1000  }
0x312: {  	s29 =	simm.s32 @p2 $0xF20;
	[sflag:s5] =	ssyncset.done @p2 $0x0  }
0x313: {  	s30 =	simm.s32 @p2 $0x6000;
	[sflag:s5] =	ssyncadd.s32 @p2 $0xFFFFF000;
	s5 =	simm.s32 @p2 $0x15  }
0x314: {  	[spmem:s2] =	stream.indirect.scatter.add.f32 @p2 [tilespmem:s30], [sflag:$0x16], $0x80, s29, s28, $0xb8;
	[tilespmem:$0x1CC00] =	vst v63  }
0x315: {  	_ =	swait.ge @p2 [sflag:s5], $0x1000  }
0x316: {  	s29 =	sld [smem:$0x7EB]  }
0x317: {  	[sflag:s5] =	ssyncset.done @p2 $0x0  }
0x318: {  	s28 =	simm.s32 @!p2 $0x4000;
	[sflag:s5] =	ssyncadd.s32 @p2 $0xFFFFF000;
	s5 =	simm.s32 @!p2 $0xE  }
0x319: {  	[tilespmem:s28], [sflag:$0xC] =	stream.indirect.gather @!p2 [hbm4b:s4+s22], $0x80, s29, s22, $0xb8;
	[tilespmem:$0x1CC00] =	vst v63  }
0x31a: {  	_ =	swait.ge @!p2 [sflag:s5], $0x1000  }
0x31b: {  	s28 =	simm.s32 @!p2 $0xF20;
	[sflag:s5] =	ssyncset.done @!p2 $0x0  }
0x31c: {  	s29 =	simm.s32 @!p2 $0x6000;
	[sflag:s5] =	ssyncadd.s32 @!p2 $0xFFFFF000;
	s5 =	simm.s32 @!p2 $0x15  }
0x31d: {  	[spmem:s2] =	stream.indirect.scatter.add.f32 @!p2 [tilespmem:s29], [sflag:$0x16], $0x80, s28, s22, $0xb8;
	[tilespmem:$0x1CC00] =	vst v63  }
0x31e: {  	_ =	swait.ge @!p2 [sflag:s5], $0x1000  }
0x31f: {  	[sflag:s5] =	ssyncset.done @!p2 $0x0  }
0x320: {  	s28 =	simm.s32 @!p2 $0x2;
	[sflag:s5] =	ssyncadd.s32 @!p2 $0xFFFFF000  }
0x321: {  	_ =	swait.ge @!p2 [sflag:s28], $0x180  }
0x322: {  	[sflag:s28] =	ssyncset.done @!p2 $0x0  }
0x323: {  	[sflag:s28] =	ssyncadd.s32 @!p2 $0xFFFFFE80;
	s28 =	sld [smem:$0x7ED];
	_ =	sdelay $0x1  }
0x324: {  	s5 =	simm.s32 @!p2 $0x5000  }
0x325: {  	[tilespmem:s5], [sflag:$0xD] =	stream.indirect.gather @!p2 [hbm4b:s4+s22], $0x80, s28, s22, $0xb8;
	[tilespmem:$0x1CC00] =	vst v63  }
0x326: {  	_ =	swait.ge [sflag:s1], $0x1000  }
0x327: {  	s31 =	sld [smem:$0x7FB]  }
0x328: {  	[sflag:s1] =	ssyncset.done $0x0  }
0x329: {  	s14 =	simm.s32 $0x7000;
	[sflag:s1] =	ssyncadd.s32 $0xFFFFF000  }
0x32a: {  	[spmem:s2] =	stream.indirect.scatter.add.f32 [tilespmem:s14], [sflag:$0x17], $0x80, s31, s26, $0xb8;
	[tilespmem:$0x1CC00] =	vst v63  }
0x32b: {  	_ =	swait.ge [sflag:s16], $0x1000  }
0x32c: {  	s3 =	sadd.s32 $0x200, s3;
	s5 =	sld [smem:$0x7F0]  }
0x32d: {  	p1 =	sne.s32 s3, $0x1400;
	[sflag:s16] =	ssyncset.done $0x0  }
.Ltmp0:
0x32e: {  	[sflag:s16] =	ssyncadd.s32 $0xFFFFF000;
	(pc) =	sbr.rel @p1 .LBB2_2-.Ltmp0, $4  }
0x32f: {  	[tilespmem:s29], [sflag:$0xE] =	stream.indirect.gather @!p2 [hbm4b:s4+s22], $0x80, s5, s22, $0xb8;
	[tilespmem:$0x1CC00] =	vst v63  }
0x330: {  	_ =	swait.ge [sflag:s18], $0x1000  }
0x331: {  	s17 =	sadd.s32 $0x20, s17;
	[sflag:s18] =	ssyncset.done $0x0;
	s22 =	sld [smem:$0x7FC]  }
0x332: {  	s23 =	smov.u32 s25;
	[smem:$0x7CD] =	sst s17;
	[sflag:s18] =	ssyncadd.s32 $0xFFFFF000  }
0x333: {  	s3 =	simm.s32 @!p0 $0x17;
	s0 =	simm.s32 $0x8000  }
0x334: {  	[spmem:s2] =	stream.indirect.scatter.add.f32 [tilespmem:s0], [sflag:$0x18], $0x80, s22, s26, $0xb8;
	[tilespmem:$0x1CC00] =	vst v63  }
0x335: {  	_ =	swait.ge @!p0 [sflag:s3], $0x1000  }
0x336: {  	s24 =	sld [smem:$0x7F7]  }
0x337: {  	[sflag:s3] =	ssyncset.done @!p0 $0x0  }
0x338: {  	s19 =	simm.s32 $0x7000;
	s5 =	rddreg [dreg:$0x4];
	[sflag:s3] =	ssyncadd.s32 @!p0 $0xFFFFF000  }
0x339: {  	s28 =	simm.s32 $0x0;
	s17 =	rddreg [dreg:$0x0];
	s3 =	sadd.s32 s23, s24  }
0x33a: {  	[tilespmem:s19], [sflag:$0xF] =	stream.indirect.gather [hbm4b:s17+s26], $0x80, s5, s26, $0xb8;
	[tilespmem:$0x1CC00] =	vst v63  }
0x33b: {  	s7 =	simm.s32 $0x9;
	s18 =	rddreg [dreg:$0x1e];
	s20 =	sadd.s32 $0x100, s3  }
0x33c: {  	[tilespmem:s18], [sflag:$0x5] =	stream.linear.gather [hbm4b:s20+s28], $0x180, $0x38;
	[tilespmem:$0x1CC00] =	vst v63  }
0x33d: {  	_ =	swait.ge [sflag:s7], $0x1000  }
0x33e: {  	s25 =	simm.s32 $0x1000;
	[sflag:s7] =	ssyncset.done $0x0  }
0x33f: {  	s22 =	simm.s32 @!p0 $0x18;
	s21 =	rddreg [dreg:$0x1f];
	[sflag:s7] =	ssyncadd.s32 $0xFFFFF000  }
0x340: {  	[spmem:s2] =	stream.indirect.scatter.add.f32 [tilespmem:s25], [sflag:$0x11], $0x80, s21, s26, $0xb8;
	[tilespmem:$0x1CC00] =	vst v63  }
0x341: {  	_ =	swait.ge @!p0 [sflag:s22], $0x1000  }
0x342: {  	s4 =	simm.s32 $0x8000;
	[sflag:s22] =	ssyncset.done @!p0 $0x0  }
0x343: {  	s10 =	simm.s32 $0xA;
	s29 =	rddreg [dreg:$0x5];
	[sflag:s22] =	ssyncadd.s32 @!p0 $0xFFFFF000  }
0x344: {  	[tilespmem:s4], [sflag:$0x10] =	stream.indirect.gather [hbm4b:s17+s26], $0x80, s29, s26, $0xb8;
	[tilespmem:$0x1CC00] =	vst v63  }
0x345: {  	_ =	swait.ge [sflag:s10], $0x1000  }
0x346: {  	s30 =	sld [smem:$0x7CE]  }
0x347: {  	[sflag:s10] =	ssyncset.done $0x0  }
0x348: {  	s31 =	simm.s32 $0x2000;
	s19 =	simm.s32 $0x11;
	[sflag:s10] =	ssyncadd.s32 $0xFFFFF000  }
0x349: {  	[spmem:s2] =	stream.indirect.scatter.add.f32 [tilespmem:s31], [sflag:$0x12], $0x80, s30, s26, $0xb8;
	[tilespmem:$0x1CC00] =	vst v63  }
0x34a: {  	_ =	swait.ge [sflag:s19], $0x1000  }
0x34b: {  	[sflag:s19] =	ssyncset.done $0x0  }
0x34c: {  	s8 =	simm.s32 $0x3;
	[sflag:s19] =	ssyncadd.s32 $0xFFFFF000  }
0x34d: {  	_ =	swait.ge [sflag:s8], $0x180  }
0x34e: {  	s1 =	simm.s32 $0x1000;
	[sflag:s8] =	ssyncset.done $0x0  }
0x34f: {  	s29 =	simm.s32 $0xB;
	s0 =	rddreg [dreg:$0x6];
	[sflag:s8] =	ssyncadd.s32 $0xFFFFFE80  }
0x350: {  	[tilespmem:s1], [sflag:$0x9] =	stream.indirect.gather [hbm4b:s17+s26], $0x80, s0, s26, $0xb8;
	[tilespmem:$0x1CC00] =	vst v63  }
0x351: {  	_ =	swait.ge [sflag:s29], $0x1000  }
0x352: {  	s8 =	sld [smem:$0x7D0]  }
0x353: {  	[sflag:s29] =	ssyncset.done $0x0  }
0x354: {  	s12 =	simm.s32 $0x3000;
	s20 =	simm.s32 $0x12;
	[sflag:s29] =	ssyncadd.s32 $0xFFFFF000  }
0x355: {  	[spmem:s2] =	stream.indirect.scatter.add.f32 [tilespmem:s12], [sflag:$0x13], $0x80, s8, s26, $0xb8;
	[tilespmem:$0x1CC00] =	vst v63  }
0x356: {  	_ =	swait.ge [sflag:s20], $0x1000  }
0x357: {  	[sflag:s20] =	ssyncset.done $0x0  }
0x358: {  	s11 =	simm.s32 $0x2000;
	s9 =	rddreg [dreg:$0x7];
	[sflag:s20] =	ssyncadd.s32 $0xFFFFF000  }
0x359: {  	[tilespmem:s11], [sflag:$0xA] =	stream.indirect.gather [hbm4b:s17+s26], $0x80, s9, s26, $0xb8;
	[tilespmem:$0x1CC00] =	vst v63  }
0x35a: {  	s9 =	simm.s32 $0xC  }
0x35b: {  	_ =	swait.ge [sflag:s9], $0x1000  }
0x35c: {  	s13 =	sld [smem:$0x7D1]  }
0x35d: {  	[sflag:s9] =	ssyncset.done $0x0  }
0x35e: {  	s25 =	simm.s32 $0x13;
	s8 =	simm.s32 $0x4000;
	[sflag:s9] =	ssyncadd.s32 $0xFFFFF000  }
0x35f: {  	[spmem:s2] =	stream.indirect.scatter.add.f32 [tilespmem:s8], [sflag:$0x14], $0x80, s13, s26, $0xb8;
	[tilespmem:$0x1CC00] =	vst v63  }
0x360: {  	_ =	swait.ge [sflag:s25], $0x1000  }
0x361: {  	s14 =	rddreg [dreg:$0x8];
	[sflag:s25] =	ssyncset.done $0x0  }
0x362: {  	s15 =	sld [smem:$0x7D2];
	[sflag:s25] =	ssyncadd.s32 $0xFFFFF000  }
0x363: {  	[tilespmem:s12], [sflag:$0xB] =	stream.indirect.gather [hbm4b:s17+s26], $0x80, s14, s26, $0xb8;
	[tilespmem:$0x1CC00] =	vst v63  }
0x364: {  	s16 =	sadd.s32 $0x140, s3;
	s0 =	simm.s32 $0xD  }
0x365: {  	[tilespmem:s15], [sflag:$0x6] =	stream.linear.gather [hbm4b:s16+s28], $0x180, $0x38;
	[tilespmem:$0x1CC00] =	vst v63  }
0x366: {  	_ =	swait.ge [sflag:s0], $0x1000  }
0x367: {  	s18 =	sld [smem:$0x7D3]  }
0x368: {  	[sflag:s0] =	ssyncset.done $0x0  }
0x369: {  	s13 =	simm.s32 $0x5000;
	[sflag:s0] =	ssyncadd.s32 $0xFFFFF000  }
0x36a: {  	[spmem:s2] =	stream.indirect.scatter.add.f32 [tilespmem:s13], [sflag:$0x15], $0x80, s18, s26, $0xb8;
	[tilespmem:$0x1CC00] =	vst v63  }
0x36b: {  	s13 =	simm.s32 $0x14  }
0x36c: {  	_ =	swait.ge [sflag:s13], $0x1000  }
0x36d: {  	[sflag:s13] =	ssyncset.done $0x0  }
0x36e: {  	s14 =	simm.s32 $0xE;
	s21 =	rddreg [dreg:$0x9];
	[sflag:s13] =	ssyncadd.s32 $0xFFFFF000  }
0x36f: {  	[tilespmem:s8], [sflag:$0xC] =	stream.indirect.gather [hbm4b:s17+s26], $0x80, s21, s26, $0xb8;
	[tilespmem:$0x1CC00] =	vst v63  }
0x370: {  	_ =	swait.ge [sflag:s14], $0x1000  }
0x371: {  	s22 =	sld [smem:$0x7D4]  }
0x372: {  	[sflag:s14] =	ssyncset.done $0x0  }
0x373: {  	s15 =	simm.s32 $0x15;
	s21 =	simm.s32 $0x6000;
	[sflag:s14] =	ssyncadd.s32 $0xFFFFF000  }
0x374: {  	[spmem:s2] =	stream.indirect.scatter.add.f32 [tilespmem:s21], [sflag:$0x16], $0x80, s22, s26, $0xb8;
	[tilespmem:$0x1CC00] =	vst v63  }
0x375: {  	_ =	swait.ge [sflag:s15], $0x1000  }
0x376: {  	[sflag:s15] =	ssyncset.done $0x0  }
0x377: {  	s30 =	simm.s32 $0x4;
	[sflag:s15] =	ssyncadd.s32 $0xFFFFF000  }
0x378: {  	_ =	swait.ge [sflag:s30], $0x180  }
0x379: {  	s16 =	simm.s32 $0x5000;
	[sflag:s30] =	ssyncset.done $0x0  }
0x37a: {  	s31 =	rddreg [dreg:$0xa];
	[sflag:s30] =	ssyncadd.s32 $0xFFFFFE80;
	s30 =	simm.s32 $0xF  }
0x37b: {  	[tilespmem:s16], [sflag:$0xD] =	stream.indirect.gather [hbm4b:s17+s26], $0x80, s31, s26, $0xb8;
	[tilespmem:$0x1CC00] =	vst v63  }
0x37c: {  	_ =	swait.ge [sflag:s30], $0x1000  }
0x37d: {  	s18 =	sld [smem:$0x7D5]  }
0x37e: {  	[sflag:s30] =	ssyncset.done $0x0  }
0x37f: {  	s6 =	simm.s32 $0x7000;
	s16 =	simm.s32 $0x16;
	[sflag:s30] =	ssyncadd.s32 $0xFFFFF000  }
0x380: {  	[spmem:s2] =	stream.indirect.scatter.add.f32 [tilespmem:s6], [sflag:$0x17], $0x80, s18, s26, $0xb8;
	[tilespmem:$0x1CC00] =	vst v63  }
0x381: {  	_ =	swait.ge [sflag:s16], $0x1000  }
0x382: {  	[sflag:s16] =	ssyncset.done $0x0  }
0x383: {  	s18 =	simm.s32 $0x10;
	s22 =	rddreg [dreg:$0xb];
	[sflag:s16] =	ssyncadd.s32 $0xFFFFF000  }
0x384: {  	[tilespmem:s21], [sflag:$0xE] =	stream.indirect.gather [hbm4b:s17+s26], $0x80, s22, s26, $0xb8;
	[tilespmem:$0x1CC00] =	vst v63  }
0x385: {  	_ =	swait.ge [sflag:s18], $0x1000  }
0x386: {  	s31 =	sld [smem:$0x7D6]  }
0x387: {  	[sflag:s18] =	ssyncset.done $0x0  }
0x388: {  	[sflag:s18] =	ssyncadd.s32 $0xFFFFF000  }
0x389: {  	[spmem:s2] =	stream.indirect.scatter.add.f32 [tilespmem:s4], [sflag:$0x18], $0x80, s31, s26, $0xb8;
	[tilespmem:$0x1CC00] =	vst v63  }
0x38a: {  	s31 =	simm.s32 $0x17  }
0x38b: {  	_ =	swait.ge [sflag:s31], $0x1000  }
0x38c: {  	s5 =	rddreg [dreg:$0xc];
	[sflag:s31] =	ssyncset.done $0x0  }
0x38d: {  	s22 =	sld [smem:$0x7D7];
	[sflag:s31] =	ssyncadd.s32 $0xFFFFF000  }
0x38e: {  	[tilespmem:s6], [sflag:$0xF] =	stream.indirect.gather [hbm4b:s17+s26], $0x80, s5, s26, $0xb8;
	[tilespmem:$0x1CC00] =	vst v63  }
0x38f: {  	s6 =	sadd.s32 $0x180, s3  }
0x390: {  	[tilespmem:s22], [sflag:$0x7] =	stream.linear.gather [hbm4b:s6+s28], $0x180, $0x38;
	[tilespmem:$0x1CC00] =	vst v63  }
0x391: {  	_ =	swait.ge [sflag:s7], $0x1000  }
0x392: {  	s6 =	sld [smem:$0x7D8]  }
0x393: {  	[sflag:s7] =	ssyncset.done $0x0  }
0x394: {  	[sflag:s7] =	ssyncadd.s32 $0xFFFFF000  }
0x395: {  	[spmem:s2] =	stream.indirect.scatter.add.f32 [tilespmem:s1], [sflag:$0x11], $0x80, s6, s26, $0xb8;
	[tilespmem:$0x1CC00] =	vst v63  }
0x396: {  	s6 =	simm.s32 $0x18  }
0x397: {  	_ =	swait.ge [sflag:s6], $0x1000  }
0x398: {  	[sflag:s6] =	ssyncset.done $0x0  }
0x399: {  	s22 =	rddreg [dreg:$0xd];
	[sflag:s6] =	ssyncadd.s32 $0xFFFFF000  }
0x39a: {  	[tilespmem:s4], [sflag:$0x10] =	stream.indirect.gather [hbm4b:s17+s26], $0x80, s22, s26, $0xb8;
	[tilespmem:$0x1CC00] =	vst v63  }
0x39b: {  	_ =	swait.ge [sflag:s10], $0x1000  }
0x39c: {  	s4 =	sld [smem:$0x7DA]  }
0x39d: {  	[sflag:s10] =	ssyncset.done $0x0  }
0x39e: {  	[sflag:s10] =	ssyncadd.s32 $0xFFFFF000  }
0x39f: {  	[spmem:s2] =	stream.indirect.scatter.add.f32 [tilespmem:s11], [sflag:$0x12], $0x80, s4, s26, $0xb8;
	[tilespmem:$0x1CC00] =	vst v63  }
0x3a0: {  	_ =	swait.ge [sflag:s19], $0x1000  }
0x3a1: {  	[sflag:s19] =	ssyncset.done $0x0  }
0x3a2: {  	s5 =	simm.s32 $0x5;
	[sflag:s19] =	ssyncadd.s32 $0xFFFFF000  }
0x3a3: {  	_ =	swait.ge [sflag:s5], $0x180  }
0x3a4: {  	[sflag:s5] =	ssyncset.done $0x0  }
0x3a5: {  	s4 =	rddreg [dreg:$0xe];
	[sflag:s5] =	ssyncadd.s32 $0xFFFFFE80  }
0x3a6: {  	[tilespmem:s1], [sflag:$0x9] =	stream.indirect.gather [hbm4b:s17+s26], $0x80, s4, s26, $0xb8;
	[tilespmem:$0x1CC00] =	vst v63  }
0x3a7: {  	_ =	swait.ge [sflag:s29], $0x1000  }
0x3a8: {  	s4 =	sld [smem:$0x7DB]  }
0x3a9: {  	[sflag:s29] =	ssyncset.done $0x0  }
0x3aa: {  	[sflag:s29] =	ssyncadd.s32 $0xFFFFF000  }
0x3ab: {  	[spmem:s2] =	stream.indirect.scatter.add.f32 [tilespmem:s12], [sflag:$0x13], $0x80, s4, s26, $0xb8;
	[tilespmem:$0x1CC00] =	vst v63  }
0x3ac: {  	_ =	swait.ge [sflag:s20], $0x1000  }
0x3ad: {  	[sflag:s20] =	ssyncset.done $0x0  }
0x3ae: {  	s22 =	rddreg [dreg:$0xf];
	[sflag:s20] =	ssyncadd.s32 $0xFFFFF000  }
0x3af: {  	[tilespmem:s11], [sflag:$0xA] =	stream.indirect.gather [hbm4b:s17+s26], $0x80, s22, s26, $0xb8;
	[tilespmem:$0x1CC00] =	vst v63  }
0x3b0: {  	_ =	swait.ge [sflag:s9], $0x1000  }
0x3b1: {  	s1 =	sld [smem:$0x7DC]  }
0x3b2: {  	[sflag:s9] =	ssyncset.done $0x0  }
0x3b3: {  	[sflag:s9] =	ssyncadd.s32 $0xFFFFF000  }
0x3b4: {  	[spmem:s2] =	stream.indirect.scatter.add.f32 [tilespmem:s8], [sflag:$0x14], $0x80, s1, s26, $0xb8;
	[tilespmem:$0x1CC00] =	vst v63  }
0x3b5: {  	_ =	swait.ge [sflag:s25], $0x1000  }
0x3b6: {  	s4 =	rddreg [dreg:$0x10];
	[sflag:s25] =	ssyncset.done $0x0  }
0x3b7: {  	s11 =	sld [smem:$0x7DD];
	[sflag:s25] =	ssyncadd.s32 $0xFFFFF000  }
0x3b8: {  	[tilespmem:s12], [sflag:$0xB] =	stream.indirect.gather [hbm4b:s17+s26], $0x80, s4, s26, $0xb8;
	[tilespmem:$0x1CC00] =	vst v63  }
0x3b9: {  	s3 =	sadd.s32 $0x1C0, s3  }
0x3ba: {  	[tilespmem:s11], [sflag:$0x8] =	stream.linear.gather [hbm4b:s3+s28], $0x180, $0x38;
	[tilespmem:$0x1CC00] =	vst v63  }
0x3bb: {  	_ =	swait.ge [sflag:s0], $0x1000  }
0x3bc: {  	s1 =	sld [smem:$0x7DE]  }
0x3bd: {  	[sflag:s0] =	ssyncset.done $0x0  }
0x3be: {  	s4 =	simm.s32 $0x5000;
	[sflag:s0] =	ssyncadd.s32 $0xFFFFF000  }
0x3bf: {  	[spmem:s2] =	stream.indirect.scatter.add.f32 [tilespmem:s4], [sflag:$0x15], $0x80, s1, s26, $0xb8;
	[tilespmem:$0x1CC00] =	vst v63  }
0x3c0: {  	_ =	swait.ge [sflag:s13], $0x1000  }
0x3c1: {  	[sflag:s13] =	ssyncset.done $0x0  }
0x3c2: {  	s5 =	rddreg [dreg:$0x11];
	[sflag:s13] =	ssyncadd.s32 $0xFFFFF000  }
0x3c3: {  	[tilespmem:s8], [sflag:$0xC] =	stream.indirect.gather [hbm4b:s17+s26], $0x80, s5, s26, $0xb8;
	[tilespmem:$0x1CC00] =	vst v63  }
0x3c4: {  	_ =	swait.ge [sflag:s14], $0x1000  }
0x3c5: {  	s11 =	sld [smem:$0x7DF]  }
0x3c6: {  	[sflag:s14] =	ssyncset.done $0x0  }
0x3c7: {  	[sflag:s14] =	ssyncadd.s32 $0xFFFFF000  }
0x3c8: {  	[spmem:s2] =	stream.indirect.scatter.add.f32 [tilespmem:s21], [sflag:$0x16], $0x80, s11, s26, $0xb8;
	[tilespmem:$0x1CC00] =	vst v63  }
0x3c9: {  	_ =	swait.ge [sflag:s15], $0x1000  }
0x3ca: {  	[sflag:s15] =	ssyncset.done $0x0  }
0x3cb: {  	s22 =	simm.s32 $0x6;
	[sflag:s15] =	ssyncadd.s32 $0xFFFFF000  }
0x3cc: {  	_ =	swait.ge [sflag:s22], $0x180  }
0x3cd: {  	[sflag:s22] =	ssyncset.done $0x0  }
0x3ce: {  	s28 =	rddreg [dreg:$0x12];
	[sflag:s22] =	ssyncadd.s32 $0xFFFFFE80  }
0x3cf: {  	[tilespmem:s4], [sflag:$0xD] =	stream.indirect.gather [hbm4b:s17+s26], $0x80, s28, s26, $0xb8;
	[tilespmem:$0x1CC00] =	vst v63  }
0x3d0: {  	_ =	swait.ge [sflag:s30], $0x1000  }
0x3d1: {  	s4 =	sld [smem:$0x7E1]  }
0x3d2: {  	[sflag:s30] =	ssyncset.done $0x0  }
0x3d3: {  	s22 =	simm.s32 $0x7000;
	[sflag:s30] =	ssyncadd.s32 $0xFFFFF000  }
0x3d4: {  	[spmem:s2] =	stream.indirect.scatter.add.f32 [tilespmem:s22], [sflag:$0x17], $0x80, s4, s26, $0xb8;
	[tilespmem:$0x1CC00] =	vst v63  }
0x3d5: {  	_ =	swait.ge [sflag:s16], $0x1000  }
0x3d6: {  	[sflag:s16] =	ssyncset.done $0x0  }
0x3d7: {  	s5 =	rddreg [dreg:$0x13];
	[sflag:s16] =	ssyncadd.s32 $0xFFFFF000  }
0x3d8: {  	[tilespmem:s21], [sflag:$0xE] =	stream.indirect.gather [hbm4b:s17+s26], $0x80, s5, s26, $0xb8;
	[tilespmem:$0x1CC00] =	vst v63  }
0x3d9: {  	_ =	swait.ge [sflag:s18], $0x1000  }
0x3da: {  	s11 =	sld [smem:$0x7E3]  }
0x3db: {  	[sflag:s18] =	ssyncset.done $0x0  }
0x3dc: {  	s1 =	simm.s32 $0x8000;
	[sflag:s18] =	ssyncadd.s32 $0xFFFFF000  }
0x3dd: {  	[spmem:s2] =	stream.indirect.scatter.add.f32 [tilespmem:s1], [sflag:$0x18], $0x80, s11, s26, $0xb8;
	[tilespmem:$0x1CC00] =	vst v63  }
0x3de: {  	_ =	swait.ge [sflag:s31], $0x1000  }
0x3df: {  	s4 =	sld [smem:$0x7CD];
	[sflag:s31] =	ssyncset.done $0x0  }
0x3e0: {  	s28 =	rddreg [dreg:$0x14];
	[sflag:s31] =	ssyncadd.s32 $0xFFFFF000  }
0x3e1: {  	[tilespmem:s22], [sflag:$0xF] =	stream.indirect.gather [hbm4b:s17+s26], $0x80, s28, s26, $0xb8;
	[tilespmem:$0x1CC00] =	vst v63  }
0x3e2: {  	s11 =	sadd.s32 $0xFFFFFFF4, s4  }
0x3e3: {  	p0 =	sgt.u32 s11, $0x12F  }
0x3e4: {  	s3 =	sadd.s32 @!p0 s23, s24  }
0x3e5: {  	s5 =	simm.s32 @!p0 $0x0;
	s3 =	sadd.s32 @!p0 $0x200, s3  }
0x3e6: {  	[tilespmem:s5], [sflag:$0x1] =	stream.linear.gather @!p0 [hbm4b:s3+s5], $0x180, $0x38;
	[tilespmem:$0x1CC00] =	vst v63  }
0x3e7: {  	_ =	swait.ge [sflag:s7], $0x1000  }
0x3e8: {  	s22 =	sld [smem:$0x7E6]  }
0x3e9: {  	[sflag:s7] =	ssyncset.done $0x0  }
0x3ea: {  	s11 =	simm.s32 $0x1000;
	[sflag:s7] =	ssyncadd.s32 $0xFFFFF000  }
0x3eb: {  	[spmem:s2] =	stream.indirect.scatter.add.f32 [tilespmem:s11], [sflag:$0x11], $0x80, s22, s26, $0xb8;
	[tilespmem:$0x1CC00] =	vst v63  }
0x3ec: {  	_ =	swait.ge [sflag:s6], $0x1000  }
0x3ed: {  	[sflag:s6] =	ssyncset.done $0x0  }
0x3ee: {  	s28 =	rddreg [dreg:$0x15];
	[sflag:s6] =	ssyncadd.s32 $0xFFFFF000  }
0x3ef: {  	[tilespmem:s1], [sflag:$0x10] =	stream.indirect.gather [hbm4b:s17+s26], $0x80, s28, s26, $0xb8;
	[tilespmem:$0x1CC00] =	vst v63  }
0x3f0: {  	_ =	swait.ge [sflag:s10], $0x1000  }
0x3f1: {  	s5 =	sld [smem:$0x7E8]  }
0x3f2: {  	[sflag:s10] =	ssyncset.done $0x0  }
0x3f3: {  	s22 =	simm.s32 $0x2000;
	[sflag:s10] =	ssyncadd.s32 $0xFFFFF000  }
0x3f4: {  	[spmem:s2] =	stream.indirect.scatter.add.f32 [tilespmem:s22], [sflag:$0x12], $0x80, s5, s26, $0xb8;
	[tilespmem:$0x1CC00] =	vst v63  }
0x3f5: {  	_ =	swait.ge [sflag:s19], $0x1000  }
0x3f6: {  	[sflag:s19] =	ssyncset.done $0x0  }
0x3f7: {  	s28 =	simm.s32 $0x7;
	[sflag:s19] =	ssyncadd.s32 $0xFFFFF000  }
0x3f8: {  	_ =	swait.ge [sflag:s28], $0x180  }
0x3f9: {  	[sflag:s28] =	ssyncset.done $0x0  }
0x3fa: {  	s1 =	rddreg [dreg:$0x16];
	[sflag:s28] =	ssyncadd.s32 $0xFFFFFE80  }
0x3fb: {  	[tilespmem:s11], [sflag:$0x9] =	stream.indirect.gather [hbm4b:s17+s26], $0x80, s1, s26, $0xb8;
	[tilespmem:$0x1CC00] =	vst v63  }
0x3fc: {  	_ =	swait.ge [sflag:s29], $0x1000  }
0x3fd: {  	s28 =	sld [smem:$0x7EA]  }
0x3fe: {  	[sflag:s29] =	ssyncset.done $0x0  }
0x3ff: {  	[sflag:s29] =	ssyncadd.s32 $0xFFFFF000  }
0x400: {  	[spmem:s2] =	stream.indirect.scatter.add.f32 [tilespmem:s12], [sflag:$0x13], $0x80, s28, s26, $0xb8;
	[tilespmem:$0x1CC00] =	vst v63  }
0x401: {  	_ =	swait.ge [sflag:s20], $0x1000  }
0x402: {  	[sflag:s20] =	ssyncset.done $0x0  }
0x403: {  	s29 =	rddreg [dreg:$0x17];
	[sflag:s20] =	ssyncadd.s32 $0xFFFFF000  }
0x404: {  	[tilespmem:s22], [sflag:$0xA] =	stream.indirect.gather [hbm4b:s17+s26], $0x80, s29, s26, $0xb8;
	[tilespmem:$0x1CC00] =	vst v63  }
0x405: {  	_ =	swait.ge [sflag:s9], $0x1000  }
0x406: {  	s5 =	sld [smem:$0x7EC]  }
0x407: {  	[sflag:s9] =	ssyncset.done $0x0  }
0x408: {  	[sflag:s9] =	ssyncadd.s32 $0xFFFFF000  }
0x409: {  	[spmem:s2] =	stream.indirect.scatter.add.f32 [tilespmem:s8], [sflag:$0x14], $0x80, s5, s26, $0xb8;
	[tilespmem:$0x1CC00] =	vst v63  }
0x40a: {  	s20 =	sadd.s32 $0xFFFFFFF8, s4;
	_ =	swait.ge [sflag:s25], $0x1000  }
0x40b: {  	p0 =	sgt.u32 s20, $0x12F;
	[sflag:s25] =	ssyncset.done $0x0  }
0x40c: {  	s3 =	sadd.s32 @!p0 s23, s24;
	s22 =	rddreg [dreg:$0x18];
	[sflag:s25] =	ssyncadd.s32 $0xFFFFF000  }
0x40d: {  	[tilespmem:s12], [sflag:$0xB] =	stream.indirect.gather [hbm4b:s17+s26], $0x80, s22, s26, $0xb8;
	[tilespmem:$0x1CC00] =	vst v63  }
0x40e: {  	s3 =	sadd.s32 @!p0 $0x240, s3;
	s5 =	simm.s32 @!p0 $0x0;
	s22 =	simm.s32 @!p0 $0x200  }
0x40f: {  	[tilespmem:s22], [sflag:$0x2] =	stream.linear.gather @!p0 [hbm4b:s3+s5], $0x180, $0x38;
	[tilespmem:$0x1CC00] =	vst v63  }
0x410: {  	_ =	swait.ge [sflag:s0], $0x1000  }
0x411: {  	s28 =	sld [smem:$0x7EE]  }
0x412: {  	[sflag:s0] =	ssyncset.done $0x0  }
0x413: {  	s29 =	simm.s32 $0x5000;
	[sflag:s0] =	ssyncadd.s32 $0xFFFFF000  }
0x414: {  	[spmem:s2] =	stream.indirect.scatter.add.f32 [tilespmem:s29], [sflag:$0x15], $0x80, s28, s26, $0xb8;
	[tilespmem:$0x1CC00] =	vst v63  }
0x415: {  	_ =	swait.ge [sflag:s13], $0x1000  }
0x416: {  	[sflag:s13] =	ssyncset.done $0x0  }
0x417: {  	s5 =	rddreg [dreg:$0x19];
	[sflag:s13] =	ssyncadd.s32 $0xFFFFF000  }
0x418: {  	[tilespmem:s8], [sflag:$0xC] =	stream.indirect.gather [hbm4b:s17+s26], $0x80, s5, s26, $0xb8;
	[tilespmem:$0x1CC00] =	vst v63  }
0x419: {  	_ =	swait.ge [sflag:s14], $0x1000  }
0x41a: {  	s20 =	sld [smem:$0x7F1]  }
0x41b: {  	[sflag:s14] =	ssyncset.done $0x0  }
0x41c: {  	[sflag:s14] =	ssyncadd.s32 $0xFFFFF000  }
0x41d: {  	[spmem:s2] =	stream.indirect.scatter.add.f32 [tilespmem:s21], [sflag:$0x16], $0x80, s20, s26, $0xb8;
	[tilespmem:$0x1CC00] =	vst v63  }
0x41e: {  	_ =	swait.ge [sflag:s15], $0x1000  }
0x41f: {  	[sflag:s15] =	ssyncset.done $0x0  }
0x420: {  	s22 =	simm.s32 $0x8;
	[sflag:s15] =	ssyncadd.s32 $0xFFFFF000  }
0x421: {  	_ =	swait.ge [sflag:s22], $0x180  }
0x422: {  	[sflag:s22] =	ssyncset.done $0x0  }
0x423: {  	s28 =	rddreg [dreg:$0x1a];
	[sflag:s22] =	ssyncadd.s32 $0xFFFFFE80  }
0x424: {  	[tilespmem:s29], [sflag:$0xD] =	stream.indirect.gather [hbm4b:s17+s26], $0x80, s28, s26, $0xb8;
	[tilespmem:$0x1CC00] =	vst v63  }
0x425: {  	_ =	swait.ge [sflag:s30], $0x1000  }
0x426: {  	s29 =	sld [smem:$0x7F3]  }
0x427: {  	[sflag:s30] =	ssyncset.done $0x0  }
0x428: {  	s5 =	simm.s32 $0x7000;
	[sflag:s30] =	ssyncadd.s32 $0xFFFFF000  }
0x429: {  	[spmem:s2] =	stream.indirect.scatter.add.f32 [tilespmem:s5], [sflag:$0x17], $0x80, s29, s26, $0xb8;
	[tilespmem:$0x1CC00] =	vst v63  }
0x42a: {  	_ =	swait.ge [sflag:s16], $0x1000  }
0x42b: {  	[sflag:s16] =	ssyncset.done $0x0  }
0x42c: {  	s14 =	rddreg [dreg:$0x1b];
	[sflag:s16] =	ssyncadd.s32 $0xFFFFF000  }
0x42d: {  	[tilespmem:s21], [sflag:$0xE] =	stream.indirect.gather [hbm4b:s17+s26], $0x80, s14, s26, $0xb8;
	[tilespmem:$0x1CC00] =	vst v63  }
0x42e: {  	_ =	swait.ge [sflag:s18], $0x1000  }
0x42f: {  	s20 =	sld [smem:$0x7F4]  }
0x430: {  	[sflag:s18] =	ssyncset.done $0x0  }
0x431: {  	s21 =	simm.s32 $0x8000;
	[sflag:s18] =	ssyncadd.s32 $0xFFFFF000  }
0x432: {  	[spmem:s2] =	stream.indirect.scatter.add.f32 [tilespmem:s21], [sflag:$0x18], $0x80, s20, s26, $0xb8;
	[tilespmem:$0x1CC00] =	vst v63  }
0x433: {  	s28 =	sadd.s32 $0xFFFFFFFC, s4;
	_ =	swait.ge [sflag:s31], $0x1000  }
0x434: {  	p0 =	sgt.u32 s28, $0x12F;
	[sflag:s31] =	ssyncset.done $0x0  }
0x435: {  	s3 =	sadd.s32 @!p0 s23, s24;
	s29 =	rddreg [dreg:$0x1c];
	[sflag:s31] =	ssyncadd.s32 $0xFFFFF000  }
0x436: {  	[tilespmem:s5], [sflag:$0xF] =	stream.indirect.gather [hbm4b:s17+s26], $0x80, s29, s26, $0xb8;
	[tilespmem:$0x1CC00] =	vst v63  }
0x437: {  	s22 =	simm.s32 @!p0 $0x400;
	s3 =	sadd.s32 @!p0 $0x280, s3;
	s5 =	simm.s32 @!p0 $0x0  }
0x438: {  	[tilespmem:s22], [sflag:$0x3] =	stream.linear.gather @!p0 [hbm4b:s3+s5], $0x180, $0x38;
	[tilespmem:$0x1CC00] =	vst v63  }
0x439: {  	_ =	swait.ge [sflag:s7], $0x1000  }
0x43a: {  	s5 =	sld [smem:$0x7F6]  }
0x43b: {  	[sflag:s7] =	ssyncset.done $0x0  }
0x43c: {  	s1 =	simm.s32 $0x1000;
	[sflag:s7] =	ssyncadd.s32 $0xFFFFF000  }
0x43d: {  	[spmem:s2] =	stream.indirect.scatter.add.f32 [tilespmem:s1], [sflag:$0x11], $0x80, s5, s26, $0xb8;
	[tilespmem:$0x1CC00] =	vst v63  }
0x43e: {  	_ =	swait.ge [sflag:s6], $0x1000  }
0x43f: {  	[sflag:s6] =	ssyncset.done $0x0  }
0x440: {  	s7 =	rddreg [dreg:$0x1d];
	[sflag:s6] =	ssyncadd.s32 $0xFFFFF000  }
0x441: {  	[tilespmem:s21], [sflag:$0x10] =	stream.indirect.gather [hbm4b:s17+s26], $0x80, s7, s26, $0xb8;
	[tilespmem:$0x1CC00] =	vst v63  }
0x442: {  	_ =	swait.ge [sflag:s10], $0x1000  }
0x443: {  	s20 =	sld [smem:$0x7F8]  }
0x444: {  	[sflag:s10] =	ssyncset.done $0x0  }
0x445: {  	s11 =	simm.s32 $0x2000;
	[sflag:s10] =	ssyncadd.s32 $0xFFFFF000  }
0x446: {  	[spmem:s2] =	stream.indirect.scatter.add.f32 [tilespmem:s11], [sflag:$0x12], $0x80, s20, s26, $0xb8;
	[tilespmem:$0x1CC00] =	vst v63  }
0x447: {  	_ =	swait.ge [sflag:s19], $0x1000  }
0x448: {  	p0 =	seq.s32 s23, $0x1200;
	[sflag:s19] =	ssyncset.done $0x0  }
0x449: {  	s3 =	simm.s32 @p0 $0xB;
	[sflag:s19] =	ssyncadd.s32 $0xFFFFF000  }
0x44a: {  	_ =	swait.ge @p0 [sflag:s3], $0x1000  }
0x44b: {  	s22 =	simm.s32 @p0 $0x20;
	s28 =	simm.s32 @p0 $0xD40;
	[sflag:s3] =	ssyncset.done @p0 $0x0  }
0x44c: {  	s5 =	simm.s32 @p0 $0x3000;
	[sflag:s3] =	ssyncadd.s32 @p0 $0xFFFFF000;
	s3 =	simm.s32 @p0 $0x12  }
0x44d: {  	[spmem:s2] =	stream.indirect.scatter.add.f32 @p0 [tilespmem:s5], [sflag:$0x13], $0x80, s28, s22, $0xb8;
	[tilespmem:$0x1CC00] =	vst v63  }
0x44e: {  	_ =	swait.ge @p0 [sflag:s3], $0x1000  }
0x44f: {  	[sflag:s3] =	ssyncset.done @p0 $0x0  }
0x450: {  	s5 =	simm.s32 @!p0 $0x1;
	[sflag:s3] =	ssyncadd.s32 @p0 $0xFFFFF000  }
0x451: {  	_ =	swait.ge @!p0 [sflag:s5], $0x180  }
0x452: {  	s29 =	sld [smem:$0x7EF]  }
0x453: {  	s28 =	simm.s32 @!p0 $0x1000;
	[sflag:s5] =	ssyncset.done @!p0 $0x0  }
0x454: {  	s3 =	simm.s32 @!p0 $0x20;
	[sflag:s5] =	ssyncadd.s32 @!p0 $0xFFFFFE80;
	s5 =	simm.s32 @!p0 $0xB  }
0x455: {  	[tilespmem:s28], [sflag:$0x9] =	stream.indirect.gather @!p0 [hbm4b:s17+s3], $0x80, s29, s3, $0xb8;
	[tilespmem:$0x1CC00] =	vst v63  }
0x456: {  	_ =	swait.ge @!p0 [sflag:s5], $0x1000  }
0x457: {  	[sflag:s5] =	ssyncset.done @!p0 $0x0  }
0x458: {  	s28 =	simm.s32 @!p0 $0xD40;
	[sflag:s5] =	ssyncadd.s32 @!p0 $0xFFFFF000;
	s5 =	simm.s32 @!p0 $0x3000  }
0x459: {  	[spmem:s2] =	stream.indirect.scatter.add.f32 @!p0 [tilespmem:s5], [sflag:$0x13], $0x80, s28, s3, $0xb8;
	[tilespmem:$0x1CC00] =	vst v63  }
0x45a: {  	s28 =	simm.s32 @!p0 $0x12  }
0x45b: {  	_ =	swait.ge @!p0 [sflag:s28], $0x1000  }
0x45c: {  	s29 =	sld [smem:$0x7E7]  }
0x45d: {  	[sflag:s28] =	ssyncset.done @!p0 $0x0  }
0x45e: {  	[sflag:s28] =	ssyncadd.s32 @!p0 $0xFFFFF000;
	s28 =	simm.s32 @!p0 $0x2000  }
0x45f: {  	[tilespmem:s28], [sflag:$0xA] =	stream.indirect.gather @!p0 [hbm4b:s17+s3], $0x80, s29, s3, $0xb8;
	[tilespmem:$0x1CC00] =	vst v63  }
0x460: {  	_ =	swait.ge [sflag:s9], $0x1000  }
0x461: {  	s21 =	sld [smem:$0x7F9]  }
0x462: {  	[sflag:s9] =	ssyncset.done $0x0  }
0x463: {  	[sflag:s9] =	ssyncadd.s32 $0xFFFFF000  }
0x464: {  	[spmem:s2] =	stream.indirect.scatter.add.f32 [tilespmem:s8], [sflag:$0x14], $0x80, s21, s26, $0xb8;
	[tilespmem:$0x1CC00] =	vst v63  }
0x465: {  	_ =	swait.ge [sflag:s25], $0x1000  }
0x466: {  	s11 =	sld [smem:$0x7E9]  }
0x467: {  	p1 =	sgt.u32 s4, $0x12F;
	[sflag:s25] =	ssyncset.done $0x0  }
0x468: {  	s4 =	sadd.s32 @!p1 s23, s24;
	[sflag:s25] =	ssyncadd.s32 $0xFFFFF000  }
0x469: {  	[tilespmem:s5], [sflag:$0xB] =	stream.indirect.gather @!p0 [hbm4b:s17+s3], $0x80, s11, s3, $0xb8;
	[tilespmem:$0x1CC00] =	vst v63  }
0x46a: {  	s4 =	sadd.s32 @!p1 $0x2C0, s4;
	s5 =	simm.s32 @!p1 $0x600;
	s11 =	simm.s32 @!p1 $0x0  }
0x46b: {  	[tilespmem:s5], [sflag:$0x4] =	stream.linear.gather @!p1 [hbm4b:s4+s11], $0x180, $0x38;
	[tilespmem:$0x1CC00] =	vst v63  }
0x46c: {  	_ =	swait.ge [sflag:s0], $0x1000  }
0x46d: {  	s23 =	sld [smem:$0x7FA]  }
0x46e: {  	[sflag:s0] =	ssyncset.done $0x0  }
0x46f: {  	s15 =	simm.s32 $0x5000;
	[sflag:s0] =	ssyncadd.s32 $0xFFFFF000  }
0x470: {  	[spmem:s2] =	stream.indirect.scatter.add.f32 [tilespmem:s15], [sflag:$0x15], $0x80, s23, s26, $0xb8;
	[tilespmem:$0x1CC00] =	vst v63  }
0x471: {  	_ =	swait.ge [sflag:s13], $0x1000  }
0x472: {  	[sflag:s13] =	ssyncset.done $0x0  }
0x473: {  	s4 =	simm.s32 @p0 $0xE;
	[sflag:s13] =	ssyncadd.s32 $0xFFFFF000  }
0x474: {  	_ =	swait.ge @p0 [sflag:s4], $0x1000  }
0x475: {  	[sflag:s4] =	ssyncset.done @p0 $0x0  }
0x476: {  	s5 =	simm.s32 @p0 $0xF20;
	[sflag:s4] =	ssyncadd.s32 @p0 $0xFFFFF000;
	s4 =	simm.s32 @p0 $0x6000  }
0x477: {  	[spmem:s2] =	stream.indirect.scatter.add.f32 @p0 [tilespmem:s4], [sflag:$0x16], $0x80, s5, s22, $0xb8;
	[tilespmem:$0x1CC00] =	vst v63  }
0x478: {  	s4 =	simm.s32 @p0 $0x15  }
0x479: {  	_ =	swait.ge @p0 [sflag:s4], $0x1000  }
0x47a: {  	s11 =	sld [smem:$0x7EB]  }
0x47b: {  	[sflag:s4] =	ssyncset.done @p0 $0x0  }
0x47c: {  	s5 =	simm.s32 @!p0 $0x4000;
	[sflag:s4] =	ssyncadd.s32 @p0 $0xFFFFF000;
	s4 =	simm.s32 @!p0 $0xE  }
0x47d: {  	[tilespmem:s5], [sflag:$0xC] =	stream.indirect.gather @!p0 [hbm4b:s17+s3], $0x80, s11, s3, $0xb8;
	[tilespmem:$0x1CC00] =	vst v63  }
0x47e: {  	_ =	swait.ge @!p0 [sflag:s4], $0x1000  }
0x47f: {  	[sflag:s4] =	ssyncset.done @!p0 $0x0  }
0x480: {  	s5 =	simm.s32 @!p0 $0xF20;
	[sflag:s4] =	ssyncadd.s32 @!p0 $0xFFFFF000;
	s4 =	simm.s32 @!p0 $0x6000  }
0x481: {  	[spmem:s2] =	stream.indirect.scatter.add.f32 @!p0 [tilespmem:s4], [sflag:$0x16], $0x80, s5, s3, $0xb8;
	[tilespmem:$0x1CC00] =	vst v63  }
0x482: {  	s5 =	simm.s32 @!p0 $0x15  }
0x483: {  	_ =	swait.ge @!p0 [sflag:s5], $0x1000  }
0x484: {  	[sflag:s5] =	ssyncset.done @!p0 $0x0  }
0x485: {  	[sflag:s5] =	ssyncadd.s32 @!p0 $0xFFFFF000;
	s5 =	simm.s32 @!p0 $0x2  }
0x486: {  	_ =	swait.ge @!p0 [sflag:s5], $0x180  }
0x487: {  	s11 =	sld [smem:$0x7ED]  }
0x488: {  	[sflag:s5] =	ssyncset.done @!p0 $0x0  }
0x489: {  	[sflag:s5] =	ssyncadd.s32 @!p0 $0xFFFFFE80;
	s5 =	simm.s32 @!p0 $0x5000  }
0x48a: {  	[tilespmem:s5], [sflag:$0xD] =	stream.indirect.gather @!p0 [hbm4b:s17+s3], $0x80, s11, s3, $0xb8;
	[tilespmem:$0x1CC00] =	vst v63  }
0x48b: {  	_ =	swait.ge [sflag:s30], $0x1000  }
0x48c: {  	s24 =	sld [smem:$0x7FB]  }
0x48d: {  	[sflag:s30] =	ssyncset.done $0x0  }
0x48e: {  	s12 =	simm.s32 $0x7000;
	[sflag:s30] =	ssyncadd.s32 $0xFFFFF000  }
0x48f: {  	[spmem:s2] =	stream.indirect.scatter.add.f32 [tilespmem:s12], [sflag:$0x17], $0x80, s24, s26, $0xb8;
	[tilespmem:$0x1CC00] =	vst v63  }
0x490: {  	_ =	swait.ge [sflag:s16], $0x1000  }
0x491: {  	s5 =	sld [smem:$0x7F0]  }
0x492: {  	[sflag:s16] =	ssyncset.done $0x0  }
0x493: {  	[sflag:s16] =	ssyncadd.s32 $0xFFFFF000  }
0x494: {  	[tilespmem:s4], [sflag:$0xE] =	stream.indirect.gather @!p0 [hbm4b:s17+s3], $0x80, s5, s3, $0xb8;
	[tilespmem:$0x1CC00] =	vst v63  }
0x495: {  	_ =	swait.ge [sflag:s18], $0x1000  }
0x496: {  	s25 =	sld [smem:$0x7FC]  }
0x497: {  	[sflag:s18] =	ssyncset.done $0x0  }
0x498: {  	s14 =	simm.s32 $0x8000;
	[sflag:s18] =	ssyncadd.s32 $0xFFFFF000  }
0x499: {  	[spmem:s2] =	stream.indirect.scatter.add.f32 [tilespmem:s14], [sflag:$0x18], $0x80, s25, s26, $0xb8;
	[tilespmem:$0x1CC00] =	vst v63  }
0x49a: {  	_ =	swait.ge [sflag:s31], $0x1000  }
0x49b: {  	[sflag:s31] =	ssyncset.done $0x0  }
0x49c: {  	[sflag:s31] =	ssyncadd.s32 $0xFFFFF000  }
0x49d: {  	_ =	swait.ge [sflag:s6], $0x1000  }
0x49e: {  	[sflag:s6] =	ssyncset.done $0x0  }
0x49f: {  	[sflag:s6] =	ssyncadd.s32 $0xFFFFF000  }
0x4a0: {  	[bflag:$0x0] =	sbarrier.arrive $0xFFFF  }
0x4a1: {  	s11 =	sld [smem:$0x7FD]  }
0x4a2: {  	s28 =	sld [smem:$0x7F2]  }
0x4a3: {  	s29 =	sld [smem:$0x7CC];
	_ =	sdelay $0x1  }
0x4a4: {  	s4 =	simm.s32 $0x19  }
0x4a5: {  	[hbm:s28], [sflag:s11] =	dma.local [spmem:s29], $0x2780  }
0x4a6: {  	_ =	swait.ge [sflag:s4], $0x2780  }
0x4a7: {  	s30 =	sld [smem:$0x7CB]  }
0x4a8: {  	s31 =	sld [smem:$0x7F5];
	_ =	sdelay $0x1  }
0x4a9: {  	s0 =	sadd.s32 $0x1, s30  }
0x4aa: {  	p0 =	sne.s32 s0, s31  }
.Ltmp1:
0x4ab: {  	_ = 	snop;
	(pc) =	sbr.rel @p0 .LBB2_1-.Ltmp1, $3  }
0x4ac: {  	_ =	sdelay $0x1  }
0x4ad: {  	[sflag:s4] =	ssyncset.done $0x0  }
0x4ae: {  	[sflag:s4] =	ssyncadd.s32 $0xFFFFD880  }
0x4af: {  	_ =	sfence.sel $0x180000  }
0x4b0: {  	[bflag:$0x0] =	sbarrier.arrive $0xFFFF  }
0x4b1: {  	_ =	strace $0x9000004A  }
0x4b2: {  	s0 =	stileid.u32;
	[bflag:$0x2] =	sbarrier.arrive $0xFFFF  }
0x4b3: {  	p0 =	sne.s32 s0, $0x0;
	s0 =	rddreg [dreg:$0x3]  }
0x4b4: {  	s0 =	sadd.s32 @!p0 $0x100000, s0  }
0x4b5: {  	[sflag:s0] =	ssyncadd.tile.s32 @!p0 $0x1;
	_ =	shalt  }
.Lfunc_end2:
_tile_overlayer_lowered:
.L_overlay_start_2:
0x4b6: {  	(tag) =	ssettag $0x2  }
0x4b7: {  	s0 =	rddreg [dreg:$0x0];
	s2 =	stileid.u32  }
0x4b8: {  	s1 =	rddreg [dreg:$0x1];
	p0 =	sne.s32 s2, $0x0  }
0x4b9: {  	s3 =	rddreg [dreg:$0x2];
	[bflag:$0x3] =	sbarrier.arrive $0xFFFF;
	s2 =	simm.s32 @!p0 $0x1C19  }
0x4ba: {  	[timem:s3], [sflag:s2] =	dma.local @!p0 [hbm:s0], s1  }
0x4bb: {  	s0 =	simm.s32 @!p0 $0x19  }
0x4bc: {  	_ =	swait.ge @!p0 [sflag:s0], s1  }
0x4bd: {  	s1 =	ssub.s32 @!p0 $0x0, s1;
	[sflag:s0] =	ssyncset.done @!p0 $0x0  }
0x4be: {  	[sflag:s0] =	ssyncadd.s32 @!p0 s1  }
0x4bf: {  	[bflag:$0x3] =	sbarrier.arrive $0xFFFF  }
0x4c0: {  	_ =	shalt  }

// kernel: kernel.7.cloned.1.call-start
scs
__scs_entry_jumppad:
0x0: {  	(pc) =	sbr.rel $0x88, $3  }
0x1: {  	(tag) =	ssettag $0x0;
	lr =	simm.s32 $0x1  }
0x2: {  	[smem:$0x3F9B] =	sst lr;
	_ =	strace $0xD0000000  }
0x3: {  	_ = 	snop  }
0x4: {  	_ = 	snop  }
0x5: {  	_ = 	snop  }
0x6: {  	_ = 	snop  }
0x7: {  	_ = 	snop  }
__scs_overlays_trampoline_lowered:
0x8: {  	[smem:$0x3FAA] =	sst s0  }
0x9: {  	[smem:$0x3FAB] =	sst s1  }
0xa: {  	[smem:$0x3FAC] =	sst s2  }
0xb: {  	[smem:$0x3FAD] =	sst s3  }
0xc: {  	[smem:$0x3FAE] =	sst s4  }
0xd: {  	[smem:$0x3FAF] =	sst s5  }
0xe: {  	[smem:$0x3FB0] =	sst s6  }
0xf: {  	[smem:$0x3FB1] =	sst s7  }
0x10: {  	[smem:$0x3FB2] =	sst s8  }
0x11: {  	[smem:$0x3FB3] =	sst s9;
	s0 =	simm.s32 @!p0 $0x0  }
0x12: {  	s1 =	sld [smem:$0x3F99];
	s0 =	simm.s32 @p0 $0x1  }
0x13: {  	[smem:$0x3FB4] =	sst s0;
	s0 =	simm.s32 @!p1 $0x0  }
0x14: {  	s2 =	sld [smem:$0x3F98];
	s0 =	simm.s32 @p1 $0x1  }
0x15: {  	[smem:$0x3FB5] =	sst s0;
	s0 =	simm.s32 @!p2 $0x0  }
0x16: {  	s3 =	sld [smem:$0x3FDB];
	s0 =	simm.s32 @p2 $0x1  }
0x17: {  	s4 =	simm.s32 $0x1BF5;
	[smem:$0x3FB7] =	sst s0  }
0x18: {  	s0 =	sld [smem:$0x3F9A];
	_ =	swait.ge [sflag:s4], $0x0  }
0x19: {  	s7 =	sld [smem:$0x3F9B]  }
0x1a: {  	s8 =	sadd.s32 $0xFFFFE003, lr  }
0x1b: {  	s9 =	sadd.s32 $0xFFFFFEF7, lr;
	s5 =	simm.s32 $0xFFFFFFFF;
	p2 =	slt.u32 s8, $0xFFFFF086  }
0x1c: {  	p1 =	slt.u32 s9, $0xF7A;
	s5 =	simm.s32 @!p2 $0x0  }
0x1d: {  	s5 =	simm.s32 @p1 $0x1;
	p0 =	seq.s32 s7, s2  }
0x1e: {  	s7 =	smul.u32 @!p0 $0xF7A, s2;
	p2 =	seq.s32 @!p0 s5, $0x0  }
0x1f: {  	s9 =	smul.u32 $0xF7A, s1;
	s8 =	simm.s32 @!p0 $0x1BF5;
	p2 =	por !p2, p0  }
0x20: {  	[sflag:s8] =	ssyncset.s32 @!p0 $0xFFFFF086;
	s6 =	sadd.s32 @!p0 s3, s7;
	s7 =	simm.s32 @!p0 $0x108  }
0x21: {  	s3 =	sadd.s32 s3, s9;
	s6 =	sadd.s32 @!p0 $0x88, s6;
	s7 =	simm.s32 @p2 $0x1082  }
0x22: {  	[simem:s7], [sflag:s8] =	dma.local @!p0 [hbm:s6], $0xF7A  }
0x23: {  	s9 =	sor.u32 $0xD0000000, s2;
	s6 =	simm.s32 $0x108;
	_ =	swait.ge @!p0 [sflag:s8], $0x0  }
0x24: {  	s3 =	sadd.s32 $0x88, s3;
	s6 =	simm.s32 @!p1 $0x1082;
	[sflag:s4] =	ssyncset.s32 $0xFFFFF086  }
0x25: {  	[simem:s6], [sflag:s4] =	dma.local [hbm:s3], $0xF7A  }
0x26: {  	[smem:$0x3F9B] =	sst s1;
	(tag) =	ssettag s2;
	_ =	strace s9  }
0x27: {  	s1 =	sld [smem:$0x3FAB]  }
0x28: {  	s2 =	sld [smem:$0x3FAC]  }
0x29: {  	s4 =	sld [smem:$0x3FAE]  }
0x2a: {  	p0 =	seq.s32 s5, $0x0;
	s5 =	sld [smem:$0x3FAF]  }
0x2b: {  	s6 =	sld [smem:$0x3FB0]  }
0x2c: {  	s7 =	sld [smem:$0x3FB1]  }
0x2d: {  	s3 =	simm.s32 $0x108;
	s8 =	sld [smem:$0x3FB2]  }
0x2e: {  	s3 =	simm.s32 @!p0 $0x1082;
	s9 =	sld [smem:$0x3FB3]  }
0x2f: {  	lr =	sadd.s32 s0, s3;
	s0 =	sld [smem:$0x3FAA]  }
0x30: {  	s3 =	sld [smem:$0x3FAD]  }
0x31: {  	[smem:$0x3FB6] =	sst s10  }
0x32: {  	s10 =	sld [smem:$0x3FB4];
	_ =	sdelay $0x3  }
0x33: {  	p0 =	seq.s32 s10, $0x1;
	s10 =	sld [smem:$0x3FB6];
	_ =	sdelay $0x3  }
0x34: {  	[smem:$0x3FB6] =	sst s10  }
0x35: {  	s10 =	sld [smem:$0x3FB5];
	_ =	sdelay $0x3  }
0x36: {  	p1 =	seq.s32 s10, $0x1;
	s10 =	sld [smem:$0x3FB6];
	_ =	sdelay $0x3  }
0x37: {  	[smem:$0x3FB6] =	sst s10  }
0x38: {  	s10 =	sld [smem:$0x3FB7]  }
0x39: {  	_ = 	snop;
	(pc) =	sbr.ind lr, $3  }
0x3a: {  	_ = 	snop  }
0x3b: {  	_ = 	snop  }
0x3c: {  	p2 =	seq.s32 s10, $0x1;
	s10 =	sld [smem:$0x3FB6]  }
0x3d: {  	_ =	shalt  }
0x3e: {  	_ =	shalt  }
0x3f: {  	_ =	shalt  }
0x40: {  	_ =	shalt  }
0x41: {  	_ =	shalt  }
0x42: {  	_ =	shalt  }
0x43: {  	_ =	shalt  }
0x44: {  	_ =	shalt  }
0x45: {  	_ =	shalt  }
0x46: {  	_ =	shalt  }
0x47: {  	_ =	shalt  }
0x48: {  	_ =	shalt  }
0x49: {  	_ =	shalt  }
0x4a: {  	_ =	shalt  }
0x4b: {  	_ =	shalt  }
0x4c: {  	_ =	shalt  }
0x4d: {  	_ =	shalt  }
0x4e: {  	_ =	shalt  }
0x4f: {  	_ =	shalt  }
0x50: {  	_ =	shalt  }
0x51: {  	_ =	shalt  }
0x52: {  	_ =	shalt  }
0x53: {  	_ =	shalt  }
0x54: {  	_ =	shalt  }
0x55: {  	_ =	shalt  }
0x56: {  	_ =	shalt  }
0x57: {  	_ =	shalt  }
0x58: {  	_ =	shalt  }
0x59: {  	_ =	shalt  }
0x5a: {  	_ =	shalt  }
0x5b: {  	_ =	shalt  }
0x5c: {  	_ =	shalt  }
0x5d: {  	_ =	shalt  }
0x5e: {  	_ =	shalt  }
0x5f: {  	_ =	shalt  }
0x60: {  	_ =	shalt  }
0x61: {  	_ =	shalt  }
0x62: {  	_ =	shalt  }
0x63: {  	_ =	shalt  }
0x64: {  	_ =	shalt  }
0x65: {  	_ =	shalt  }
0x66: {  	_ =	shalt  }
0x67: {  	_ =	shalt  }
0x68: {  	_ =	shalt  }
0x69: {  	_ =	shalt  }
0x6a: {  	_ =	shalt  }
0x6b: {  	_ =	shalt  }
0x6c: {  	_ =	shalt  }
0x6d: {  	_ =	shalt  }
0x6e: {  	_ =	shalt  }
0x6f: {  	_ =	shalt  }
0x70: {  	_ =	shalt  }
0x71: {  	_ =	shalt  }
0x72: {  	_ =	shalt  }
0x73: {  	_ =	shalt  }
0x74: {  	_ =	shalt  }
0x75: {  	_ =	shalt  }
0x76: {  	_ =	shalt  }
0x77: {  	_ =	shalt  }
0x78: {  	_ =	shalt  }
0x79: {  	_ =	shalt  }
0x7a: {  	_ =	shalt  }
0x7b: {  	_ =	shalt  }
0x7c: {  	_ =	shalt  }
0x7d: {  	_ =	shalt  }
0x7e: {  	_ =	shalt  }
0x7f: {  	_ =	shalt  }
0x80: {  	_ =	shalt  }
0x81: {  	_ =	shalt  }
0x82: {  	_ =	shalt  }
0x83: {  	_ =	shalt  }
0x84: {  	_ =	shalt  }
0x85: {  	_ =	shalt  }
0x86: {  	_ =	shalt  }
0x87: {  	_ =	shalt  }
.Lfunc_end0:
.L_simem_size_0:
called_computation_lowered:
.L_overlay_start_0:
0x88: {  	s2 =	sld [smem:$0x3FD9]  }
0x89: {  	s3 =	sld [smem:$0x3FFE];
	_ =	sdelay $0x1  }
0x8a: {  	s1 =	srdreg.scid  }
0x8b: {  	s0 =	sand.u32 $0x1, s1  }
0x8c: {  	s16 =	sshll.u32 s0, $0xA;
	s2 =	sadd.s32 s3, s2  }
0x8d: {  	s2 =	sadd.s32 s2, s16  }
0x8e: {  	[smem:$0x3FC2] =	sst s2  }
0x8f: {  	_ = 	snop  }
0x90: {  	(tm) =	ssettm $0x1  }
0x91: {  	s17 =	sld [smem:$0x3FFB];
	_ =	sdelay $0x3  }
0x92: {  	_ =	strace s17  }
0x93: {  	s2 =	sld [smem:$0x3FFC];
	_ =	sdelay $0x3  }
0x94: {  	_ =	strace s2  }
0x95: {  	s2 =	sld [smem:$0x3FFD];
	_ =	sdelay $0x3  }
0x96: {  	_ =	strace s2  }
0x97: {  	_ =	strace $0x8FFFFFFF  }
0x98: {  	s18 =	sld [smem:$0x3FDB];
	_ =	sdelay $0x1  }
0x99: {  	s19 =	simm.s32 $_scs_section_size  }
0x9a: {  	s4 =	simm.s32 $_size__tile_overlayer_lowered;
	s5 =	simm.s32 $_tile_overlayer_lowered  }
0x9b: {  	s22 =	simm.s32 $0x1BFF;
	s21 =	sshll.u32 s5, $0x1;
	s2 =	sadd.s32 s19, s18  }
0x9c: {  	s6 =	simm.s32 $0x0;
	s20 =	sshll.u32 s4, $0x1;
	s4 =	sadd.s32 s21, s2  }
0x9d: {  	[timem:s6], [sflag:s22] =	dma.local [hbm:s4], s20  }
0x9e: {  	_ =	swait.ge [sflag:s22], s20  }
0x9f: {  	s3 =	ssub.s32 $0x0, s20;
	[sflag:s22] =	ssyncset.done $0x0  }
0xa0: {  	[sflag:s22] =	ssyncadd.s32 s3;
	_ =	sdelay $0x1  }
0xa1: {  	s23 =	simm.s32 $0x1B8B  }
0xa2: {  	_ =	swait.ge [sflag:s23], $0x1  }
0xa3: {  	[sflag:s23] =	ssyncset.done $0x0  }
0xa4: {  	s25 =	simm.s32 $0x1B8E;
	s24 =	sld [smem:$0x3FFE];
	[sflag:s23] =	ssyncadd.s32 $0xFFFFFFFF  }
0xa5: {  	s26 =	simm.s32 $execute0_lowered;
	[smem:$0x3FD2] =	sst s25  }
0xa6: {  	s4 =	sshll.u32 s26, $0x1;
	_ =	strace $0x80000046;
	[dreg:$0x1] =	wrdreg $0xFFFFFFFF  }
0xa7: {  	s28 =	simm.s32 $_size_execute0_lowered;
	s2 =	sadd.s32 s2, s4;
	[dreg:$0x0] =	wrdreg $0x0  }
0xa8: {  	s4 =	sshll.u32 s28, $0x1;
	[dreg:$0x2] =	wrdreg s2  }
0xa9: {  	[dreg:$0x3] =	wrdreg s4  }
0xaa: {  	[dreg:$0x4] =	wrdreg $0xC0  }
0xab: {  	_ =	task [dreg:s6], $0x5FFFF  }
0xac: {  	[dreg:$0x1] =	wrdreg $0xFFFFFFFF  }
0xad: {  	[dreg:$0x0] =	wrdreg $0x60  }
0xae: {  	[dreg:$0x2] =	wrdreg s24  }
0xaf: {  	[dreg:$0x3] =	wrdreg $0x44000  }
0xb0: {  	[dreg:$0x4] =	wrdreg $0x9  }
0xb1: {  	_ =	task.clear_ibuf [dreg:s6], $0x5FFFF;
	_ =	strace $0x90000046  }
0xb2: {  	s29 =	simm.s32 $0x9;
	_ =	strace $0x80000048  }
0xb3: {  	_ =	swait.ge [sflag:s29], $0x1  }
0xb4: {  	[sflag:s29] =	ssyncadd.s32 $0xFFFFFFFF  }
0xb5: {  	_ =	strace $0x90000048  }
0xb6: {  	_ =	sfence  }
0xb7: {  	s30 =	sld [smem:$0x0];
	_ =	sdelay $0x2  }
0xb8: {  	s31 =	sshll.u32 s1, $0xD;
	s1 =	sshrl.u32 s1, $0x2  }
0xb9: {  	s3 =	sand.u32 $0x4000, s31;
	s1 =	sadd.s32 s1, s30  }
0xba: {  	s0 =	sor.u32 s3, s0;
	s1 =	sshll.u32 s1, $0x11  }
0xbb: {  	s0 =	sor.u32 s1, s0  }
0xbc: {  	s0 =	sadd.s32 $0x8F2B, s0  }
0xbd: {  	[sflag:s0] =	ssyncadd.remote.s32 $0x1  }
0xbe: {  	_ =	sfence.sel $0xFFFF  }
0xbf: {  	[dreg:$0x0] =	wrdreg $0xFFFFFFFF;
	(pc) =	sbr.abs _section_cstart, $3  }
0xc0: {  	[dreg:$0x1] =	wrdreg $0xFFFFFFFF  }
0xc1: {  	_ =	task.clear_ibuf [dreg:s6], $0x2FFFF;
	_ =	strace $0x9FFFFFFF  }
0xc2: {  	(tm) =	ssettm $0x7FFFFFFF  }
0xc3: {  	_ =	shalt  }
tec
execute0_lowered:
.L_overlay_start_1:
0x0: {  	(tag) =	ssettag $0x1  }
0x1: {  	s0 =	rddreg [dreg:$0x0]  }
0x2: {  	s1 =	rddreg [dreg:$0x1];
	s2 =	srdreg.scid;
	s3 =	simm.s32 $0x0  }
0x3: {  	s12 =	stileid.u32;
	s24 =	simm.s32 $0x200;
	s25 =	simm.s32 $0x300  }
0x4: {  	s26 =	simm.s32 $0x280;
	s28 =	simm.s32 $0x4;
	s29 =	simm.s32 $0x9  }
0x5: {  	s30 =	simm.s32 $0x6;
	s31 =	simm.s32 $0xB;
	s2 =	sand.u32 $0x1, s2  }
0x6: {  	[smem:$0x7FF] =	sst s3;
	s6 =	smul.u32 $0x13C00, s12;
	s4 =	sadd.s32 $0x2600, s0  }
0x7: {  	s7 =	sadd.s32 $0x7600, s0;
	s14 =	sshll.u32 s12, $0x1;
	s8 =	smul.u32 $0x4F000, s12  }
0x8: {  	s16 =	sshll.u32 s12, $0x6;
	_ =	strace $0x80000047;
	[dreg:$0x6] =	wrdreg s7  }
0x9: {  	s13 =	smul.u32 $0x2800, s12;
	s12 =	sadd.s32 $0x2630, s0;
	[dreg:$0x3] =	wrdreg s24  }
0xa: {  	s5 =	smul.u32 $0x13C000, s2;
	s15 =	ssub.s32 $0x2, s2;
	[dreg:$0x4] =	wrdreg s25  }
0xb: {  	s24 =	simm.s32 $0x400;
	[dreg:$0x5] =	wrdreg s26;
	s25 =	simm.s32 $0x3  }
0xc: {  	s26 =	simm.s32 $0x380;
	s9 =	sshrl.u32 s15, $0x1;
	s8 =	sshrl.u32 s8, $0x2  }
0xd: {  	s5 =	sadd.s32 s6, s5;
	s6 =	sor.u32 s2, s14;
	s7 =	ssub.s32 s15, s9  }
0xe: {  	s10 =	sadd.s32 s8, s1;
	s8 =	sadd.s32 $0x2610, s0;
	s2 =	smul.u32 $0x1400, s2  }
0xf: {  	s5 =	sshrl.u32 s5, $0x3;
	s6 =	smul.u32 $0x1400, s6;
	s22 =	smax.u32 s7, $0x1  }
0x10: {  	s7 =	sshrl.u32 s10, $0x3;
	s5 =	sadd.s32 s5, s0;
	[dreg:$0xd] =	wrdreg s22  }
0x11: {  	s21 =	sadd.s32 s2, s13;
	[dreg:$0xf] =	wrdreg s7;
	s20 =	sadd.s32 $0x9E00, s5  }
0x12: {  	s9 =	sadd.s32 $0x2620, s0;
	s23 =	sadd.s32 $0x400, s21;
	[dreg:$0xc] =	wrdreg s20  }
0x13: {  	s11 =	sshrl.u32 s6, $0x3;
	s6 =	sor.u32 $0x1C0D, s16;
	[dreg:$0xe] =	wrdreg s23  }
0x14: {  	s10 =	simm.s32 $0xD;
	s17 =	sadd.s32 s4, s11;
	[dreg:$0x7] =	wrdreg s6  }
0x15: {  	s22 =	simm.s32 $0x180;
	s18 =	sadd.s32 s11, s8;
	[dreg:$0x8] =	wrdreg s17  }
0x16: {  	s5 =	simm.s32 $0x0;
	s19 =	sadd.s32 s11, s9;
	[dreg:$0x9] =	wrdreg s18  }
0x17: {  	s0 =	sadd.s32 s11, s12;
	s20 =	simm.s32 $0x80;
	[dreg:$0xa] =	wrdreg s19  }
0x18: {  	s23 =	simm.s32 $0x1;
	[dreg:$0xb] =	wrdreg s0;
	s0 =	sshrl.u32 s21, $0x3  }
0x19: {  	v0 =	vimm.f32 $1.000000000e+00;
	s18 =	simm.s32 $0x100;
	s17 =	sadd.s32 s0, s4;
	s0 =	simm.s32 $0x8  }
.LBB2_1:
0x1a: {  	[dreg:$0x10] =	wrdreg s5;
	s2 =	simm.s32 $0x200;
	s5 =	simm.s32 $0x0  }
.LBB2_2:
0x1b: {  	p0 =	sne.s32 s2, $0xFE00;
	[tilespmem:s5+$0x400] =	vst v0;
	s5 =	smov.u32 s2;
	s2 =	sadd.s32 $0x200, s2  }
.Ltmp0:
0x1c: {  	(pc) =	sbr.rel @p0 .LBB2_2-.Ltmp0, $2  }
0x1d: {  	_ =	sdelay $0x2  }
0x1e: {  	s5 =	sshra.s32 s5, $0x2  }
0x1f: {  	[tilespmem:s5+$0x400] =	vst v0;
	s2 =	rddreg [dreg:$0x6]  }
0x20: {  	[spmem:s7], [sflag:s6] =	dma.local [hbm:s2], $0x2780  }
0x21: {  	_ =	swait.ge [sflag:s10], $0x2780  }
0x22: {  	[sflag:s10] =	ssyncset.done $0x0  }
0x23: {  	[sflag:s10] =	ssyncadd.s32 $0xFFFFD880  }
0x24: {  	[bflag:$0x0] =	sbarrier.arrive $0xFFFF  }
0x25: {  	s14 =	simm.s32 $0x0;
	s15 =	rddreg [dreg:$0x8]  }
0x26: {  	[tilespmem:s14], [sflag:$0x1] =	stream.linear.gather [hbm4b:s15+s14], $0x80, $0x38;
	[tilespmem:$0x6B80] =	vst v63  }
0x27: {  	s16 =	rddreg [dreg:$0x9]  }
0x28: {  	[tilespmem:s20], [sflag:$0x2] =	stream.linear.gather [hbm4b:s16+s14], $0x80, $0x38;
	[tilespmem:$0x6B80] =	vst v63  }
0x29: {  	p0 =	por $0x1, $0x1;
	s19 =	rddreg [dreg:$0xa]  }
0x2a: {  	[tilespmem:s18], [sflag:$0x3] =	stream.linear.gather [hbm4b:s19+s14], $0x80, $0x38;
	[tilespmem:$0x6B80] =	vst v63  }
0x2b: {  	s2 =	simm.s32 @!p0 $0x9;
	s21 =	rddreg [dreg:$0xb]  }
0x2c: {  	[tilespmem:s22], [sflag:$0x4] =	stream.linear.gather [hbm4b:s21+s14], $0x80, $0x38;
	[tilespmem:$0x6B80] =	vst v63  }
0x2d: {  	_ =	swait.ge @!p0 [sflag:s2], $0x800  }
0x2e: {  	s7 =	sadd.s32 $0x0, s17;
	[sflag:s2] =	ssyncset.done @!p0 $0x0  }
0x2f: {  	s14 =	sadd.s32 $0x40, s7;
	s6 =	rddreg [dreg:$0x3];
	[sflag:s2] =	ssyncadd.s32 @!p0 $0xFFFFF800  }
0x30: {  	[tilespmem:s6], [sflag:$0x5] =	stream.linear.gather [hbm4b:s14+s3], $0x80, $0x38;
	[tilespmem:$0x6B80] =	vst v63  }
0x31: {  	_ =	swait.ge [sflag:s23], $0x80  }
0x32: {  	[sflag:s23] =	ssyncset.done $0x0  }
0x33: {  	s5 =	simm.s32 @p0 $0x2;
	s2 =	sadd.s32 @p0 $0x0, s17;
	[sflag:s23] =	ssyncadd.s32 $0xFFFFFF80  }
0x34: {  	[spmem:s1] =	stream.indirect.scatter.add.f32 [tilespmem:s24], [sflag:$0x9], $0x10, s3, s20, $0xb8;
	[tilespmem:$0x6B80] =	vst v63  }
0x35: {  	s11 =	simm.s32 @p0 $0x0;
	s13 =	simm.s32 @p0 $0x280;
	s2 =	sadd.s32 @p0 $0x50, s2  }
0x36: {  	[tilespmem:s13], [sflag:$0x6] =	stream.linear.gather @p0 [hbm4b:s2+s11], $0x80, $0x38;
	[tilespmem:$0x6B80] =	vst v63  }
0x37: {  	_ =	swait.ge @p0 [sflag:s5], $0x80  }
0x38: {  	s2 =	simm.s32 @!p0 $0xA;
	[sflag:s5] =	ssyncset.done @p0 $0x0  }
0x39: {  	s11 =	simm.s32 @p0 $0x400;
	[sflag:s5] =	ssyncadd.s32 @p0 $0xFFFFFF80;
	s5 =	simm.s32 @p0 $0x80  }
0x3a: {  	[spmem:s1] =	stream.indirect.scatter.add.f32 @p0 [tilespmem:s11], [sflag:$0xA], $0x10, s5, s5, $0xb8;
	[tilespmem:$0x6B80] =	vst v63  }
0x3b: {  	s13 =	simm.s32 @!p0 $0x280;
	_ =	swait.ge @!p0 [sflag:s2], $0x800  }
0x3c: {  	s5 =	simm.s32 @!p0 $0x2;
	s11 =	sadd.s32 @!p0 $0x0, s17;
	[sflag:s2] =	ssyncset.done @!p0 $0x0  }
0x3d: {  	[sflag:s2] =	ssyncadd.s32 @!p0 $0xFFFFF800;
	s2 =	sadd.s32 @!p0 $0x50, s11;
	s11 =	simm.s32 @!p0 $0x0  }
0x3e: {  	[tilespmem:s13], [sflag:$0x6] =	stream.linear.gather @!p0 [hbm4b:s2+s11], $0x80, $0x38;
	[tilespmem:$0x6B80] =	vst v63  }
0x3f: {  	_ =	swait.ge @!p0 [sflag:s5], $0x80  }
0x40: {  	s2 =	simm.s32 @!p0 $0xB;
	[sflag:s5] =	ssyncset.done @!p0 $0x0  }
0x41: {  	s11 =	simm.s32 @!p0 $0x400;
	[sflag:s5] =	ssyncadd.s32 @!p0 $0xFFFFFF80;
	s5 =	simm.s32 @!p0 $0x80  }
0x42: {  	[spmem:s1] =	stream.indirect.scatter.add.f32 @!p0 [tilespmem:s11], [sflag:$0xA], $0x10, s5, s5, $0xb8;
	[tilespmem:$0x6B80] =	vst v63  }
0x43: {  	_ =	swait.ge @!p0 [sflag:s2], $0x800  }
0x44: {  	[sflag:s2] =	ssyncset.done @!p0 $0x0  }
0x45: {  	s16 =	sadd.s32 $0x60, s7;
	s15 =	rddreg [dreg:$0x4];
	[sflag:s2] =	ssyncadd.s32 @!p0 $0xFFFFF800  }
0x46: {  	[tilespmem:s15], [sflag:$0x7] =	stream.linear.gather [hbm4b:s16+s3], $0x80, $0x38;
	[tilespmem:$0x6B80] =	vst v63  }
0x47: {  	_ =	swait.ge [sflag:s25], $0x80  }
0x48: {  	[sflag:s25] =	ssyncset.done $0x0  }
0x49: {  	s2 =	simm.s32 @!p0 $0xC;
	[sflag:s25] =	ssyncadd.s32 $0xFFFFFF80  }
0x4a: {  	[spmem:s1] =	stream.indirect.scatter.add.f32 [tilespmem:s24], [sflag:$0xB], $0x10, s18, s20, $0xb8;
	[tilespmem:$0x6B80] =	vst v63  }
0x4b: {  	_ =	swait.ge @!p0 [sflag:s2], $0x800  }
0x4c: {  	[sflag:s2] =	ssyncset.done @!p0 $0x0  }
0x4d: {  	s19 =	sadd.s32 $0x70, s7;
	[sflag:s2] =	ssyncadd.s32 @!p0 $0xFFFFF800  }
0x4e: {  	[tilespmem:s26], [sflag:$0x8] =	stream.linear.gather [hbm4b:s19+s3], $0x80, $0x38;
	[tilespmem:$0x6B80] =	vst v63  }
0x4f: {  	_ =	swait.ge [sflag:s28], $0x80  }
0x50: {  	[sflag:s28] =	ssyncset.done $0x0  }
0x51: {  	[sflag:s28] =	ssyncadd.s32 $0xFFFFFF80  }
0x52: {  	[spmem:s1] =	stream.indirect.scatter.add.f32 [tilespmem:s24], [sflag:$0xC], $0x10, s22, s20, $0xb8;
	[tilespmem:$0x6B80] =	vst v63  }
0x53: {  	_ =	swait.ge [sflag:s29], $0x800  }
0x54: {  	p0 =	por $0x0, $0x0;
	[sflag:s29] =	ssyncset.done $0x0  }
0x55: {  	s2 =	simm.s32 @p0 $0x5;
	[sflag:s29] =	ssyncadd.s32 $0xFFFFF800  }
0x56: {  	_ =	swait.ge @p0 [sflag:s2], $0x80  }
0x57: {  	s5 =	simm.s32 @p0 $0x400;
	s10 =	simm.s32 @p0 $0xA;
	[sflag:s2] =	ssyncset.done @p0 $0x0  }
0x58: {  	s11 =	simm.s32 @p0 $0x200;
	[sflag:s2] =	ssyncadd.s32 @p0 $0xFFFFFF80;
	s2 =	simm.s32 @p0 $0x80  }
0x59: {  	[spmem:s1] =	stream.indirect.scatter.add.f32 @p0 [tilespmem:s5], [sflag:$0x9], $0x10, s11, s2, $0xb8;
	[tilespmem:$0x6B80] =	vst v63  }
0x5a: {  	s6 =	rddreg [dreg:$0xe];
	_ =	swait.ge @p0 [sflag:s10], $0x800  }
0x5b: {  	s14 =	simm.s32 @!p0 $0x5;
	s11 =	sshrl.u32 @!p0 s6, $0x3;
	[sflag:s10] =	ssyncset.done @p0 $0x0  }
0x5c: {  	s13 =	sadd.s32 @!p0 s4, s11;
	[sflag:s10] =	ssyncadd.s32 @p0 $0xFFFFF800;
	s10 =	simm.s32 @!p0 $0x0  }
0x5d: {  	[tilespmem:s10], [sflag:$0x1] =	stream.linear.gather @!p0 [hbm4b:s13+s10], $0x80, $0x38;
	[tilespmem:$0x6B80] =	vst v63  }
0x5e: {  	_ =	swait.ge @!p0 [sflag:s14], $0x80  }
0x5f: {  	s15 =	simm.s32 @!p0 $0x200;
	[sflag:s14] =	ssyncset.done @!p0 $0x0  }
0x60: {  	s13 =	simm.s32 @!p0 $0x400;
	[sflag:s14] =	ssyncadd.s32 @!p0 $0xFFFFFF80;
	s14 =	simm.s32 @!p0 $0x80  }
0x61: {  	[spmem:s1] =	stream.indirect.scatter.add.f32 @!p0 [tilespmem:s13], [sflag:$0x9], $0x10, s15, s14, $0xb8;
	[tilespmem:$0x6B80] =	vst v63  }
0x62: {  	s15 =	simm.s32 @!p0 $0xA  }
0x63: {  	_ =	swait.ge @!p0 [sflag:s15], $0x800  }
0x64: {  	[sflag:s15] =	ssyncset.done @!p0 $0x0  }
0x65: {  	[sflag:s15] =	ssyncadd.s32 @!p0 $0xFFFFF800;
	s15 =	sadd.s32 @!p0 s11, s8  }
0x66: {  	[tilespmem:s14], [sflag:$0x2] =	stream.linear.gather @!p0 [hbm4b:s15+s10], $0x80, $0x38;
	[tilespmem:$0x6B80] =	vst v63  }
0x67: {  	_ =	swait.ge [sflag:s30], $0x80  }
0x68: {  	[sflag:s30] =	ssyncset.done $0x0  }
0x69: {  	s21 =	rddreg [dreg:$0x5];
	[sflag:s30] =	ssyncadd.s32 $0xFFFFFF80  }
0x6a: {  	[spmem:s1] =	stream.indirect.scatter.add.f32 [tilespmem:s24], [sflag:$0xA], $0x10, s21, s20, $0xb8;
	[tilespmem:$0x6B80] =	vst v63  }
0x6b: {  	_ =	swait.ge [sflag:s31], $0x800  }
0x6c: {  	[sflag:s31] =	ssyncset.done $0x0  }
0x6d: {  	s15 =	simm.s32 @p0 $0x7;
	[sflag:s31] =	ssyncadd.s32 $0xFFFFF800  }
0x6e: {  	_ =	swait.ge @p0 [sflag:s15], $0x80  }
0x6f: {  	[sflag:s15] =	ssyncset.done @p0 $0x0  }
0x70: {  	[sflag:s15] =	ssyncadd.s32 @p0 $0xFFFFFF80;
	s15 =	simm.s32 @p0 $0x300  }
0x71: {  	[spmem:s1] =	stream.indirect.scatter.add.f32 @p0 [tilespmem:s5], [sflag:$0xB], $0x10, s15, s2, $0xb8;
	[tilespmem:$0x6B80] =	vst v63  }
0x72: {  	s2 =	simm.s32 @p0 $0xC  }
0x73: {  	_ =	swait.ge @p0 [sflag:s2], $0x800  }
0x74: {  	[sflag:s2] =	ssyncset.done @p0 $0x0  }
0x75: {  	s5 =	sadd.s32 @!p0 s11, s9;
	[sflag:s2] =	ssyncadd.s32 @p0 $0xFFFFF800;
	s2 =	simm.s32 @!p0 $0x100  }
0x76: {  	[tilespmem:s2], [sflag:$0x3] =	stream.linear.gather @!p0 [hbm4b:s5+s10], $0x80, $0x38;
	[tilespmem:$0x6B80] =	vst v63  }
0x77: {  	s2 =	simm.s32 @!p0 $0x7  }
0x78: {  	_ =	swait.ge @!p0 [sflag:s2], $0x80  }
0x79: {  	[sflag:s2] =	ssyncset.done @!p0 $0x0  }
0x7a: {  	[sflag:s2] =	ssyncadd.s32 @!p0 $0xFFFFFF80;
	s2 =	simm.s32 @!p0 $0x300  }
0x7b: {  	[spmem:s1] =	stream.indirect.scatter.add.f32 @!p0 [tilespmem:s13], [sflag:$0xB], $0x10, s2, s14, $0xb8;
	[tilespmem:$0x6B80] =	vst v63  }
0x7c: {  	s2 =	simm.s32 @!p0 $0xC  }
0x7d: {  	_ =	swait.ge @!p0 [sflag:s2], $0x800  }
0x7e: {  	[sflag:s2] =	ssyncset.done @!p0 $0x0  }
0x7f: {  	s5 =	sadd.s32 @!p0 s11, s12;
	[sflag:s2] =	ssyncadd.s32 @!p0 $0xFFFFF800;
	s2 =	simm.s32 @!p0 $0x180  }
0x80: {  	[tilespmem:s2], [sflag:$0x4] =	stream.linear.gather @!p0 [hbm4b:s5+s10], $0x80, $0x38;
	[tilespmem:$0x6B80] =	vst v63  }
0x81: {  	p1 =	por $0x0, $0x0;
	s11 =	simm.s32 $0x80;
	_ =	swait.ge [sflag:s0], $0x80  }
0x82: {  	s13 =	simm.s32 $0x100;
	s10 =	sadd.s32 $0x400, s6;
	[sflag:s0] =	ssyncset.done $0x0  }
.LBB2_4:
0x83: {  	s2 =	simm.s32 @!p1 $0x9;
	[sflag:s0] =	ssyncadd.s32 $0xFFFFFF80  }
0x84: {  	[spmem:s1] =	stream.indirect.scatter.add.f32 [tilespmem:s24], [sflag:$0xC], $0x10, s26, s20, $0xb8;
	[tilespmem:$0x6B80] =	vst v63  }
0x85: {  	_ =	swait.ge @!p1 [sflag:s2], $0x800  }
0x86: {  	s15 =	sadd.s32 s11, s17;
	[sflag:s2] =	ssyncset.done @!p1 $0x0  }
0x87: {  	s6 =	sadd.s32 $0x40, s15;
	s5 =	rddreg [dreg:$0x3];
	[sflag:s2] =	ssyncadd.s32 @!p1 $0xFFFFF800  }
0x88: {  	[tilespmem:s5], [sflag:$0x5] =	stream.linear.gather [hbm4b:s6+s3], $0x80, $0x38;
	[tilespmem:$0x6B80] =	vst v63  }
0x89: {  	_ =	swait.ge [sflag:s23], $0x80  }
0x8a: {  	[sflag:s23] =	ssyncset.done $0x0  }
0x8b: {  	s16 =	simm.s32 @p1 $0x280;
	s2 =	sadd.s32 @p1 s11, s17;
	[sflag:s23] =	ssyncadd.s32 $0xFFFFFF80  }
0x8c: {  	[spmem:s1] =	stream.indirect.scatter.add.f32 [tilespmem:s24], [sflag:$0x9], $0x10, s3, s20, $0xb8;
	[tilespmem:$0x6B80] =	vst v63  }
0x8d: {  	s5 =	simm.s32 @p1 $0x2;
	s2 =	sadd.s32 @p1 $0x50, s2;
	s6 =	simm.s32 @p1 $0x0  }
0x8e: {  	[tilespmem:s16], [sflag:$0x6] =	stream.linear.gather @p1 [hbm4b:s2+s6], $0x80, $0x38;
	[tilespmem:$0x6B80] =	vst v63  }
0x8f: {  	_ =	swait.ge @p1 [sflag:s5], $0x80  }
0x90: {  	s2 =	simm.s32 @!p1 $0xA;
	[sflag:s5] =	ssyncset.done @p1 $0x0  }
0x91: {  	s6 =	simm.s32 @p1 $0x400;
	[sflag:s5] =	ssyncadd.s32 @p1 $0xFFFFFF80;
	s5 =	simm.s32 @p1 $0x80  }
0x92: {  	[spmem:s1] =	stream.indirect.scatter.add.f32 @p1 [tilespmem:s6], [sflag:$0xA], $0x10, s5, s5, $0xb8;
	[tilespmem:$0x6B80] =	vst v63  }
0x93: {  	s16 =	simm.s32 @!p1 $0x280;
	_ =	swait.ge @!p1 [sflag:s2], $0x800  }
0x94: {  	s5 =	simm.s32 @!p1 $0x2;
	s6 =	sadd.s32 @!p1 s11, s17;
	[sflag:s2] =	ssyncset.done @!p1 $0x0  }
0x95: {  	[sflag:s2] =	ssyncadd.s32 @!p1 $0xFFFFF800;
	s2 =	sadd.s32 @!p1 $0x50, s6;
	s6 =	simm.s32 @!p1 $0x0  }
0x96: {  	[tilespmem:s16], [sflag:$0x6] =	stream.linear.gather @!p1 [hbm4b:s2+s6], $0x80, $0x38;
	[tilespmem:$0x6B80] =	vst v63  }
0x97: {  	_ =	swait.ge @!p1 [sflag:s5], $0x80  }
0x98: {  	s2 =	simm.s32 @!p1 $0xB;
	[sflag:s5] =	ssyncset.done @!p1 $0x0  }
0x99: {  	s6 =	simm.s32 @!p1 $0x400;
	[sflag:s5] =	ssyncadd.s32 @!p1 $0xFFFFFF80;
	s5 =	simm.s32 @!p1 $0x80  }
0x9a: {  	[spmem:s1] =	stream.indirect.scatter.add.f32 @!p1 [tilespmem:s6], [sflag:$0xA], $0x10, s5, s5, $0xb8;
	[tilespmem:$0x6B80] =	vst v63  }
0x9b: {  	_ =	swait.ge @!p1 [sflag:s2], $0x800  }
0x9c: {  	[sflag:s2] =	ssyncset.done @!p1 $0x0  }
0x9d: {  	s16 =	sadd.s32 $0x60, s15;
	s7 =	rddreg [dreg:$0x4];
	[sflag:s2] =	ssyncadd.s32 @!p1 $0xFFFFF800  }
0x9e: {  	[tilespmem:s7], [sflag:$0x7] =	stream.linear.gather [hbm4b:s16+s3], $0x80, $0x38;
	[tilespmem:$0x6B80] =	vst v63  }
0x9f: {  	_ =	swait.ge [sflag:s25], $0x80  }
0xa0: {  	[sflag:s25] =	ssyncset.done $0x0  }
0xa1: {  	s2 =	simm.s32 @!p1 $0xC;
	[sflag:s25] =	ssyncadd.s32 $0xFFFFFF80  }
0xa2: {  	[spmem:s1] =	stream.indirect.scatter.add.f32 [tilespmem:s24], [sflag:$0xB], $0x10, s18, s20, $0xb8;
	[tilespmem:$0x6B80] =	vst v63  }
0xa3: {  	_ =	swait.ge @!p1 [sflag:s2], $0x800  }
0xa4: {  	[sflag:s2] =	ssyncset.done @!p1 $0x0  }
0xa5: {  	s19 =	sadd.s32 $0x70, s15;
	[sflag:s2] =	ssyncadd.s32 @!p1 $0xFFFFF800  }
0xa6: {  	[tilespmem:s26], [sflag:$0x8] =	stream.linear.gather [hbm4b:s19+s3], $0x80, $0x38;
	[tilespmem:$0x6B80] =	vst v63  }
0xa7: {  	_ =	swait.ge [sflag:s28], $0x80  }
0xa8: {  	[sflag:s28] =	ssyncset.done $0x0  }
0xa9: {  	[sflag:s28] =	ssyncadd.s32 $0xFFFFFF80  }
0xaa: {  	[spmem:s1] =	stream.indirect.scatter.add.f32 [tilespmem:s24], [sflag:$0xC], $0x10, s22, s20, $0xb8;
	[tilespmem:$0x6B80] =	vst v63  }
0xab: {  	_ =	swait.ge [sflag:s29], $0x800  }
0xac: {  	p1 =	seq.s32 s11, $0x200;
	[sflag:s29] =	ssyncset.done $0x0  }
0xad: {  	s14 =	smov.u32 s13;
	s5 =	simm.s32 @p1 $0x5;
	[sflag:s29] =	ssyncadd.s32 $0xFFFFF800  }
0xae: {  	s11 =	smov.u32 s14;
	s6 =	sshrl.u32 @!p1 s10, $0x3;
	_ =	swait.ge @p1 [sflag:s5], $0x80  }
0xaf: {  	s2 =	simm.s32 @p1 $0x400;
	s15 =	simm.s32 @p1 $0xA;
	[sflag:s5] =	ssyncset.done @p1 $0x0  }
0xb0: {  	s19 =	simm.s32 @p1 $0x80;
	[sflag:s5] =	ssyncadd.s32 @p1 $0xFFFFFF80;
	s5 =	simm.s32 @p1 $0x200  }
0xb1: {  	[spmem:s1] =	stream.indirect.scatter.add.f32 @p1 [tilespmem:s2], [sflag:$0x9], $0x10, s5, s19, $0xb8;
	[tilespmem:$0x6B80] =	vst v63  }
0xb2: {  	s16 =	sadd.s32 @!p1 s4, s6;
	s18 =	sadd.s32 @!p1 s6, s8;
	_ =	swait.ge @p1 [sflag:s15], $0x800  }
0xb3: {  	s14 =	sadd.s32 @!p1 s6, s12;
	s5 =	sadd.s32 @!p1 s6, s9;
	[sflag:s15] =	ssyncset.done @p1 $0x0  }
0xb4: {  	s6 =	simm.s32 @!p1 $0x5;
	[sflag:s15] =	ssyncadd.s32 @p1 $0xFFFFF800;
	s15 =	simm.s32 @!p1 $0x0  }
0xb5: {  	[tilespmem:s15], [sflag:$0x1] =	stream.linear.gather @!p1 [hbm4b:s16+s15], $0x80, $0x38;
	[tilespmem:$0x6B80] =	vst v63  }
0xb6: {  	_ =	swait.ge @!p1 [sflag:s6], $0x80  }
0xb7: {  	s7 =	simm.s32 @!p1 $0xA;
	s21 =	simm.s32 @!p1 $0x200;
	[sflag:s6] =	ssyncset.done @!p1 $0x0  }
0xb8: {  	s16 =	simm.s32 @!p1 $0x400;
	[sflag:s6] =	ssyncadd.s32 @!p1 $0xFFFFFF80;
	s6 =	simm.s32 @!p1 $0x80  }
0xb9: {  	[spmem:s1] =	stream.indirect.scatter.add.f32 @!p1 [tilespmem:s16], [sflag:$0x9], $0x10, s21, s6, $0xb8;
	[tilespmem:$0x6B80] =	vst v63  }
0xba: {  	_ =	swait.ge @!p1 [sflag:s7], $0x800  }
0xbb: {  	[sflag:s7] =	ssyncset.done @!p1 $0x0  }
0xbc: {  	[sflag:s7] =	ssyncadd.s32 @!p1 $0xFFFFF800  }
0xbd: {  	[tilespmem:s6], [sflag:$0x2] =	stream.linear.gather @!p1 [hbm4b:s18+s15], $0x80, $0x38;
	[tilespmem:$0x6B80] =	vst v63  }
0xbe: {  	_ =	swait.ge [sflag:s30], $0x80  }
0xbf: {  	[sflag:s30] =	ssyncset.done $0x0  }
0xc0: {  	s21 =	rddreg [dreg:$0x5];
	[sflag:s30] =	ssyncadd.s32 $0xFFFFFF80  }
0xc1: {  	[spmem:s1] =	stream.indirect.scatter.add.f32 [tilespmem:s24], [sflag:$0xA], $0x10, s21, s20, $0xb8;
	[tilespmem:$0x6B80] =	vst v63  }
0xc2: {  	_ =	swait.ge [sflag:s31], $0x800  }
0xc3: {  	[sflag:s31] =	ssyncset.done $0x0  }
0xc4: {  	s7 =	simm.s32 @p1 $0x7;
	[sflag:s31] =	ssyncadd.s32 $0xFFFFF800  }
0xc5: {  	_ =	swait.ge @p1 [sflag:s7], $0x80  }
0xc6: {  	[sflag:s7] =	ssyncset.done @p1 $0x0  }
0xc7: {  	s18 =	simm.s32 @p1 $0xC;
	[sflag:s7] =	ssyncadd.s32 @p1 $0xFFFFFF80;
	s7 =	simm.s32 @p1 $0x300  }
0xc8: {  	[spmem:s1] =	stream.indirect.scatter.add.f32 @p1 [tilespmem:s2], [sflag:$0xB], $0x10, s7, s19, $0xb8;
	[tilespmem:$0x6B80] =	vst v63  }
0xc9: {  	_ =	swait.ge @p1 [sflag:s18], $0x800  }
0xca: {  	[sflag:s18] =	ssyncset.done @p1 $0x0  }
0xcb: {  	s2 =	simm.s32 @!p1 $0x100;
	s7 =	simm.s32 @!p1 $0x7;
	[sflag:s18] =	ssyncadd.s32 @p1 $0xFFFFF800  }
0xcc: {  	[tilespmem:s2], [sflag:$0x3] =	stream.linear.gather @!p1 [hbm4b:s5+s15], $0x80, $0x38;
	[tilespmem:$0x6B80] =	vst v63  }
0xcd: {  	_ =	swait.ge @!p1 [sflag:s7], $0x80  }
0xce: {  	s13 =	sadd.s32 $0x80, s13;
	[sflag:s7] =	ssyncset.done @!p1 $0x0  }
0xcf: {  	s2 =	simm.s32 @!p1 $0x300;
	s5 =	simm.s32 @!p1 $0xC;
	[sflag:s7] =	ssyncadd.s32 @!p1 $0xFFFFFF80  }
0xd0: {  	[spmem:s1] =	stream.indirect.scatter.add.f32 @!p1 [tilespmem:s16], [sflag:$0xB], $0x10, s2, s6, $0xb8;
	[tilespmem:$0x6B80] =	vst v63  }
0xd1: {  	p0 =	sne.s32 s13, $0x280;
	_ =	swait.ge @!p1 [sflag:s5], $0x800  }
.Ltmp1:
0xd2: {  	[sflag:s5] =	ssyncset.done @!p1 $0x0;
	(pc) =	sbr.rel @p0 .LBB2_4-.Ltmp1, $4  }
0xd3: {  	s2 =	simm.s32 @!p1 $0x180;
	[sflag:s5] =	ssyncadd.s32 @!p1 $0xFFFFF800  }
0xd4: {  	[tilespmem:s2], [sflag:$0x4] =	stream.linear.gather @!p1 [hbm4b:s14+s15], $0x80, $0x38;
	[tilespmem:$0x6B80] =	vst v63  }
0xd5: {  	s10 =	sadd.s32 $0x400, s10;
	_ =	swait.ge [sflag:s0], $0x80  }
0xd6: {  	s18 =	simm.s32 $0x100;
	p1 =	seq.s32 s11, $0x0;
	[sflag:s0] =	ssyncset.done $0x0  }
0xd7: {  	s2 =	simm.s32 @!p1 $0x9;
	[sflag:s0] =	ssyncadd.s32 $0xFFFFFF80  }
0xd8: {  	[spmem:s1] =	stream.indirect.scatter.add.f32 [tilespmem:s24], [sflag:$0xC], $0x10, s26, s20, $0xb8;
	[tilespmem:$0x6B80] =	vst v63  }
0xd9: {  	_ =	swait.ge @!p1 [sflag:s2], $0x800  }
0xda: {  	s6 =	sadd.s32 s11, s17;
	[sflag:s2] =	ssyncset.done @!p1 $0x0  }
0xdb: {  	s14 =	sadd.s32 $0x40, s6;
	s5 =	rddreg [dreg:$0x3];
	[sflag:s2] =	ssyncadd.s32 @!p1 $0xFFFFF800  }
0xdc: {  	[tilespmem:s5], [sflag:$0x5] =	stream.linear.gather [hbm4b:s14+s3], $0x80, $0x38;
	[tilespmem:$0x6B80] =	vst v63  }
0xdd: {  	_ =	swait.ge [sflag:s23], $0x80  }
0xde: {  	[sflag:s23] =	ssyncset.done $0x0  }
0xdf: {  	s7 =	simm.s32 @p1 $0x0;
	s2 =	sadd.s32 @p1 s11, s17;
	[sflag:s23] =	ssyncadd.s32 $0xFFFFFF80  }
0xe0: {  	[spmem:s1] =	stream.indirect.scatter.add.f32 [tilespmem:s24], [sflag:$0x9], $0x10, s3, s20, $0xb8;
	[tilespmem:$0x6B80] =	vst v63  }
0xe1: {  	s13 =	simm.s32 @p1 $0x280;
	s5 =	simm.s32 @p1 $0x2;
	s2 =	sadd.s32 @p1 $0x50, s2  }
0xe2: {  	[tilespmem:s13], [sflag:$0x6] =	stream.linear.gather @p1 [hbm4b:s2+s7], $0x80, $0x38;
	[tilespmem:$0x6B80] =	vst v63  }
0xe3: {  	_ =	swait.ge @p1 [sflag:s5], $0x80  }
0xe4: {  	s2 =	simm.s32 @!p1 $0xA;
	[sflag:s5] =	ssyncset.done @p1 $0x0  }
0xe5: {  	s7 =	simm.s32 @p1 $0x400;
	[sflag:s5] =	ssyncadd.s32 @p1 $0xFFFFFF80;
	s5 =	simm.s32 @p1 $0x80  }
0xe6: {  	[spmem:s1] =	stream.indirect.scatter.add.f32 @p1 [tilespmem:s7], [sflag:$0xA], $0x10, s5, s5, $0xb8;
	[tilespmem:$0x6B80] =	vst v63  }
0xe7: {  	s13 =	simm.s32 @!p1 $0x280;
	_ =	swait.ge @!p1 [sflag:s2], $0x800  }
0xe8: {  	s5 =	simm.s32 @!p1 $0x2;
	s7 =	sadd.s32 @!p1 s11, s17;
	[sflag:s2] =	ssyncset.done @!p1 $0x0  }
0xe9: {  	[sflag:s2] =	ssyncadd.s32 @!p1 $0xFFFFF800;
	s2 =	sadd.s32 @!p1 $0x50, s7;
	s7 =	simm.s32 @!p1 $0x0  }
0xea: {  	[tilespmem:s13], [sflag:$0x6] =	stream.linear.gather @!p1 [hbm4b:s2+s7], $0x80, $0x38;
	[tilespmem:$0x6B80] =	vst v63  }
0xeb: {  	_ =	swait.ge @!p1 [sflag:s5], $0x80  }
0xec: {  	s2 =	simm.s32 @!p1 $0xB;
	[sflag:s5] =	ssyncset.done @!p1 $0x0  }
0xed: {  	s7 =	simm.s32 @!p1 $0x400;
	[sflag:s5] =	ssyncadd.s32 @!p1 $0xFFFFFF80;
	s5 =	simm.s32 @!p1 $0x80  }
0xee: {  	[spmem:s1] =	stream.indirect.scatter.add.f32 @!p1 [tilespmem:s7], [sflag:$0xA], $0x10, s5, s5, $0xb8;
	[tilespmem:$0x6B80] =	vst v63  }
0xef: {  	_ =	swait.ge @!p1 [sflag:s2], $0x800  }
0xf0: {  	[sflag:s2] =	ssyncset.done @!p1 $0x0  }
0xf1: {  	s16 =	sadd.s32 $0x60, s6;
	s15 =	rddreg [dreg:$0x4];
	[sflag:s2] =	ssyncadd.s32 @!p1 $0xFFFFF800  }
0xf2: {  	[tilespmem:s15], [sflag:$0x7] =	stream.linear.gather [hbm4b:s16+s3], $0x80, $0x38;
	[tilespmem:$0x6B80] =	vst v63  }
0xf3: {  	_ =	swait.ge [sflag:s25], $0x80  }
0xf4: {  	[sflag:s25] =	ssyncset.done $0x0  }
0xf5: {  	s2 =	simm.s32 @!p1 $0xC;
	[sflag:s25] =	ssyncadd.s32 $0xFFFFFF80  }
0xf6: {  	[spmem:s1] =	stream.indirect.scatter.add.f32 [tilespmem:s24], [sflag:$0xB], $0x10, s18, s20, $0xb8;
	[tilespmem:$0x6B80] =	vst v63  }
0xf7: {  	_ =	swait.ge @!p1 [sflag:s2], $0x800  }
0xf8: {  	[sflag:s2] =	ssyncset.done @!p1 $0x0  }
0xf9: {  	s19 =	sadd.s32 $0x70, s6;
	[sflag:s2] =	ssyncadd.s32 @!p1 $0xFFFFF800  }
0xfa: {  	[tilespmem:s26], [sflag:$0x8] =	stream.linear.gather [hbm4b:s19+s3], $0x80, $0x38;
	[tilespmem:$0x6B80] =	vst v63  }
0xfb: {  	_ =	swait.ge [sflag:s28], $0x80  }
0xfc: {  	[sflag:s28] =	ssyncset.done $0x0  }
0xfd: {  	[sflag:s28] =	ssyncadd.s32 $0xFFFFFF80  }
0xfe: {  	[spmem:s1] =	stream.indirect.scatter.add.f32 [tilespmem:s24], [sflag:$0xC], $0x10, s22, s20, $0xb8;
	[tilespmem:$0x6B80] =	vst v63  }
0xff: {  	_ =	swait.ge [sflag:s29], $0x800  }
0x100: {  	p0 =	seq.s32 s11, $0x200;
	[sflag:s29] =	ssyncset.done $0x0  }
0x101: {  	s2 =	simm.s32 @p0 $0x5;
	[sflag:s29] =	ssyncadd.s32 $0xFFFFF800  }
0x102: {  	_ =	swait.ge @p0 [sflag:s2], $0x80  }
0x103: {  	s6 =	simm.s32 @p0 $0xA;
	s5 =	simm.s32 @p0 $0x400;
	[sflag:s2] =	ssyncset.done @p0 $0x0  }
0x104: {  	s7 =	simm.s32 @p0 $0x200;
	[sflag:s2] =	ssyncadd.s32 @p0 $0xFFFFFF80;
	s2 =	simm.s32 @p0 $0x80  }
0x105: {  	[spmem:s1] =	stream.indirect.scatter.add.f32 @p0 [tilespmem:s5], [sflag:$0x9], $0x10, s7, s2, $0xb8;
	[tilespmem:$0x6B80] =	vst v63  }
0x106: {  	_ =	swait.ge @p0 [sflag:s6], $0x800  }
0x107: {  	s11 =	simm.s32 @!p0 $0x5;
	s7 =	sshrl.u32 @!p0 s10, $0x3;
	[sflag:s6] =	ssyncset.done @p0 $0x0  }
0x108: {  	s10 =	sadd.s32 @!p0 s4, s7;
	[sflag:s6] =	ssyncadd.s32 @p0 $0xFFFFF800;
	s6 =	simm.s32 @!p0 $0x0  }
0x109: {  	[tilespmem:s6], [sflag:$0x1] =	stream.linear.gather @!p0 [hbm4b:s10+s6], $0x80, $0x38;
	[tilespmem:$0x6B80] =	vst v63  }
0x10a: {  	_ =	swait.ge @!p0 [sflag:s11], $0x80  }
0x10b: {  	s13 =	simm.s32 @!p0 $0x200;
	[sflag:s11] =	ssyncset.done @!p0 $0x0  }
0x10c: {  	s10 =	simm.s32 @!p0 $0x400;
	[sflag:s11] =	ssyncadd.s32 @!p0 $0xFFFFFF80;
	s11 =	simm.s32 @!p0 $0x80  }
0x10d: {  	[spmem:s1] =	stream.indirect.scatter.add.f32 @!p0 [tilespmem:s10], [sflag:$0x9], $0x10, s13, s11, $0xb8;
	[tilespmem:$0x6B80] =	vst v63  }
0x10e: {  	s13 =	simm.s32 @!p0 $0xA  }
0x10f: {  	_ =	swait.ge @!p0 [sflag:s13], $0x800  }
0x110: {  	[sflag:s13] =	ssyncset.done @!p0 $0x0  }
0x111: {  	[sflag:s13] =	ssyncadd.s32 @!p0 $0xFFFFF800;
	s13 =	sadd.s32 @!p0 s7, s8  }
0x112: {  	[tilespmem:s11], [sflag:$0x2] =	stream.linear.gather @!p0 [hbm4b:s13+s6], $0x80, $0x38;
	[tilespmem:$0x6B80] =	vst v63  }
0x113: {  	_ =	swait.ge [sflag:s30], $0x80  }
0x114: {  	[sflag:s30] =	ssyncset.done $0x0  }
0x115: {  	s21 =	rddreg [dreg:$0x5];
	[sflag:s30] =	ssyncadd.s32 $0xFFFFFF80  }
0x116: {  	[spmem:s1] =	stream.indirect.scatter.add.f32 [tilespmem:s24], [sflag:$0xA], $0x10, s21, s20, $0xb8;
	[tilespmem:$0x6B80] =	vst v63  }
0x117: {  	_ =	swait.ge [sflag:s31], $0x800  }
0x118: {  	[sflag:s31] =	ssyncset.done $0x0  }
0x119: {  	s13 =	simm.s32 @p0 $0x7;
	[sflag:s31] =	ssyncadd.s32 $0xFFFFF800  }
0x11a: {  	_ =	swait.ge @p0 [sflag:s13], $0x80  }
0x11b: {  	[sflag:s13] =	ssyncset.done @p0 $0x0  }
0x11c: {  	[sflag:s13] =	ssyncadd.s32 @p0 $0xFFFFFF80;
	s13 =	simm.s32 @p0 $0x300  }
0x11d: {  	[spmem:s1] =	stream.indirect.scatter.add.f32 @p0 [tilespmem:s5], [sflag:$0xB], $0x10, s13, s2, $0xb8;
	[tilespmem:$0x6B80] =	vst v63  }
0x11e: {  	s2 =	simm.s32 @p0 $0xC  }
0x11f: {  	_ =	swait.ge @p0 [sflag:s2], $0x800  }
0x120: {  	[sflag:s2] =	ssyncset.done @p0 $0x0  }
0x121: {  	s5 =	sadd.s32 @!p0 s7, s9;
	[sflag:s2] =	ssyncadd.s32 @p0 $0xFFFFF800;
	s2 =	simm.s32 @!p0 $0x100  }
0x122: {  	[tilespmem:s2], [sflag:$0x3] =	stream.linear.gather @!p0 [hbm4b:s5+s6], $0x80, $0x38;
	[tilespmem:$0x6B80] =	vst v63  }
0x123: {  	s2 =	simm.s32 @!p0 $0x7  }
0x124: {  	_ =	swait.ge @!p0 [sflag:s2], $0x80  }
0x125: {  	[sflag:s2] =	ssyncset.done @!p0 $0x0  }
0x126: {  	[sflag:s2] =	ssyncadd.s32 @!p0 $0xFFFFFF80;
	s2 =	simm.s32 @!p0 $0x300  }
0x127: {  	[spmem:s1] =	stream.indirect.scatter.add.f32 @!p0 [tilespmem:s10], [sflag:$0xB], $0x10, s2, s11, $0xb8;
	[tilespmem:$0x6B80] =	vst v63  }
0x128: {  	s2 =	simm.s32 @!p0 $0xC  }
0x129: {  	_ =	swait.ge @!p0 [sflag:s2], $0x800  }
0x12a: {  	[sflag:s2] =	ssyncset.done @!p0 $0x0  }
0x12b: {  	s5 =	sadd.s32 @!p0 s7, s12;
	[sflag:s2] =	ssyncadd.s32 @!p0 $0xFFFFF800;
	s2 =	simm.s32 @!p0 $0x180  }
0x12c: {  	[tilespmem:s2], [sflag:$0x4] =	stream.linear.gather @!p0 [hbm4b:s5+s6], $0x80, $0x38;
	[tilespmem:$0x6B80] =	vst v63  }
0x12d: {  	_ =	swait.ge [sflag:s0], $0x80  }
0x12e: {  	[sflag:s0] =	ssyncset.done $0x0  }
0x12f: {  	[sflag:s0] =	ssyncadd.s32 $0xFFFFFF80  }
0x130: {  	[spmem:s1] =	stream.indirect.scatter.add.f32 [tilespmem:s24], [sflag:$0xC], $0x10, s26, s20, $0xb8;
	[tilespmem:$0x6B80] =	vst v63  }
0x131: {  	_ =	swait.ge [sflag:s29], $0x800  }
0x132: {  	[sflag:s29] =	ssyncset.done $0x0  }
0x133: {  	s14 =	simm.s32 $0xA;
	[sflag:s29] =	ssyncadd.s32 $0xFFFFF800  }
0x134: {  	_ =	swait.ge [sflag:s14], $0x800  }
0x135: {  	[sflag:s14] =	ssyncset.done $0x0  }
0x136: {  	[sflag:s14] =	ssyncadd.s32 $0xFFFFF800  }
0x137: {  	_ =	swait.ge [sflag:s31], $0x800  }
0x138: {  	[sflag:s31] =	ssyncset.done $0x0  }
0x139: {  	s15 =	simm.s32 $0xC;
	[sflag:s31] =	ssyncadd.s32 $0xFFFFF800  }
0x13a: {  	_ =	swait.ge [sflag:s15], $0x800  }
0x13b: {  	[sflag:s15] =	ssyncset.done $0x0  }
0x13c: {  	[sflag:s15] =	ssyncadd.s32 $0xFFFFF800  }
0x13d: {  	[bflag:$0x0] =	sbarrier.arrive $0xFFFF  }
0x13e: {  	s6 =	rddreg [dreg:$0x7]  }
0x13f: {  	s16 =	rddreg [dreg:$0xc]  }
0x140: {  	s10 =	simm.s32 $0xD;
	s7 =	rddreg [dreg:$0xf]  }
0x141: {  	[hbm:s16], [sflag:s6] =	dma.local [spmem:s7], $0x2780  }
0x142: {  	_ =	swait.ge [sflag:s10], $0x2780  }
0x143: {  	s19 =	rddreg [dreg:$0x10]  }
0x144: {  	s21 =	rddreg [dreg:$0xd];
	s5 =	sadd.s32 $0x1, s19  }
0x145: {  	p0 =	sne.s32 s5, s21  }
.Ltmp2:
0x146: {  	_ = 	snop;
	(pc) =	sbr.rel @p0 .LBB2_1-.Ltmp2, $3  }
0x147: {  	_ =	sdelay $0x1  }
0x148: {  	[sflag:s10] =	ssyncset.done $0x0  }
0x149: {  	[sflag:s10] =	ssyncadd.s32 $0xFFFFD880  }
0x14a: {  	_ =	sfence.sel $0x180000  }
0x14b: {  	[bflag:$0x0] =	sbarrier.arrive $0xFFFF  }
0x14c: {  	_ =	strace $0x90000047  }
0x14d: {  	s0 =	stileid.u32;
	[bflag:$0x2] =	sbarrier.arrive $0xFFFF  }
0x14e: {  	p0 =	sne.s32 s0, $0x0;
	s0 =	rddreg [dreg:$0x2]  }
0x14f: {  	s0 =	sadd.s32 @!p0 $0x100000, s0  }
0x150: {  	[sflag:s0] =	ssyncadd.tile.s32 @!p0 $0x1;
	_ =	shalt  }
.Lfunc_end2:
_tile_overlayer_lowered:
.L_overlay_start_2:
0x151: {  	(tag) =	ssettag $0x2  }
0x152: {  	s0 =	rddreg [dreg:$0x0];
	s2 =	stileid.u32  }
0x153: {  	s1 =	rddreg [dreg:$0x1];
	p0 =	sne.s32 s2, $0x0  }
0x154: {  	s3 =	rddreg [dreg:$0x2];
	[bflag:$0x3] =	sbarrier.arrive $0xFFFF;
	s2 =	simm.s32 @!p0 $0x1C0D  }
0x155: {  	[timem:s3], [sflag:s2] =	dma.local @!p0 [hbm:s0], s1  }
0x156: {  	s0 =	simm.s32 @!p0 $0xD  }
0x157: {  	_ =	swait.ge @!p0 [sflag:s0], s1  }
0x158: {  	s1 =	ssub.s32 @!p0 $0x0, s1;
	[sflag:s0] =	ssyncset.done @!p0 $0x0  }
0x159: {  	[sflag:s0] =	ssyncadd.s32 @!p0 s1  }
0x15a: {  	[bflag:$0x3] =	sbarrier.arrive $0xFFFF  }
0x15b: {  	_ =	shalt  }

</sc_bundles>
